<compile_context>
chip_gen: v7x
topology: tpu7x:2x2x1
jax: 0.10.2.dev20260603
libtpu: 0.0.44.dev20260713+nightly
codegen_flags: <defaults>
</compile_context>

<pallas_src>
import functools

import jax
import jax.numpy as jnp
from jax import lax
from jax.experimental import pallas as pl
from jax.experimental.pallas import tpu as pltpu
from jax.experimental.pallas import tpu_sc as plsc

BATCH = 16384
EMBED_DIM = 64

_info = plsc.get_sparse_core_info()
_NC = _info.num_cores
_NS = _info.num_subcores
_NW = _NC * _NS
_BPW = BATCH // _NW
_NB = 6

_mesh = plsc.VectorSubcoreMesh(core_axis_name="c", subcore_axis_name="s")


def _extract(vec16, lane):
    lanes = lax.iota(jnp.int32, 16)
    return jnp.max(jnp.where(lanes == jnp.full((16,), lane), vec16, -1))


def _extract_arr(ref, pos):
    base = (pos // 16) * 16
    v = ref[pl.ds(base, 16)]
    return _extract(v, pos - base)


@functools.partial(
    pl.kernel,
    mesh=_mesh,
    out_type=jax.ShapeDtypeStruct((BATCH, 128), jnp.float32),
    scratch_types=[
        pltpu.VMEM((_BPW,), jnp.int32),
        pltpu.VMEM((_BPW // 128, 128), jnp.int32),
        pltpu.VMEM((_BPW + 16,), jnp.int32),
        pltpu.VMEM((_BPW + 16,), jnp.int32),
        [pltpu.VMEM((EMBED_DIM, 128), jnp.float32) for _ in range(_NB)],
        pltpu.VMEM((_BPW, 128), jnp.float32),
        [pltpu.SemaphoreType.DMA for _ in range(_NB)],
        pltpu.SemaphoreType.DMA,
    ],
    compiler_params=pltpu.CompilerParams(needs_layout_passes=False),
)
def _sorted_gather(wt_hbm, xs_hbm, ord_hbm, out_hbm,
                   xs_v, ord_v, rs_v, rc_v, blocks, rows_v, bsems, sem_o):
    wid = lax.axis_index("s") * _NC + lax.axis_index("c")
    base = wid * _BPW
    pltpu.sync_copy(xs_hbm.at[pl.ds(base, _BPW)], xs_v)
    pltpu.sync_copy(ord_hbm.at[pl.ds(wid * (_BPW // 128), _BPW // 128)], ord_v)

    lanes = lax.iota(jnp.int32, 16)

    def detect(g, n):
        k0 = g * 16
        cur = lax.shift_right_logical(xs_v[pl.ds(k0, 16)], 7)
        prev_base = jnp.maximum(k0 - 1, 0)
        prev = lax.shift_right_logical(xs_v[pl.ds(prev_base, 16)], 7)
        rot = lax.gather(
            cur, ((lanes + 15) & 15)[:, None],
            lax.GatherDimensionNumbers(
                offset_dims=(), collapsed_slice_dims=(0,),
                start_index_map=(0,)),
            (1,), mode=lax.GatherScatterMode.PROMISE_IN_BOUNDS)
        first = jnp.full((16,), k0) == 0
        prev = jnp.where(first, rot, prev)
        m = (cur != prev) | ((lanes == 0) & first)
        plsc.store_compressed(rs_v.at[pl.ds(n, 16)], k0 + lanes, mask=m)
        plsc.store_compressed(rc_v.at[pl.ds(n, 16)], cur, mask=m)
        return n + jnp.max(plsc.all_reduce_population_count(m))

    nruns = lax.fori_loop(0, _BPW // 16, detect, jnp.int32(0))

    def issue(r, buf, bsem):
        c = _extract_arr(rc_v, r)
        off = pl.multiple_of(c * 128, 128)
        return pltpu.make_async_copy(
            wt_hbm.at[:, pl.ds(off, 128)], buf, bsem)

    for b in range(_NB):
        @pl.when(b < nruns)
        def _():
            issue(jnp.int32(b), blocks[b], bsems[b]).start()

    def process(r, buf, bsem):
        issue(r, buf, bsem).wait_recv()
        start = _extract_arr(rs_v, r)
        end = jnp.where(r + 1 < nruns, _extract_arr(rs_v, r + 1), _BPW)

        def elem(e, _):
            ce = _extract_arr(xs_v, e) & 127
            cev = jnp.full((16,), ce)
            for k in range(EMBED_DIM // 16):
                v = plsc.load_gather(buf, [k * 16 + lanes, cev])
                rows_v[e, pl.ds(k * 16, 16)] = v
            return 0

        lax.fori_loop(start, end, elem, 0)
        nxt = r + _NB
        @pl.when(nxt < nruns)
        def _():
            issue(nxt, buf, bsem).start()

    def loop(r, _):
        for b in range(_NB):
            @pl.when((r % _NB == b) & (r < nruns))
            def _():
                process(r, blocks[b], bsems[b])
        return 0

    lax.fori_loop(0, nruns, loop, 0)

    hs = [
        pltpu.async_copy(
            rows_v.at[pl.ds(j * 128, 128)],
            out_hbm.at[ord_v.at[j]],
            sem_o,
        )
        for j in range(_BPW // 128)
    ]
    for h in hs:
        h.wait()


def kernel(x, weight):
    xi = x.astype(jnp.int32)
    iota = lax.iota(jnp.int32, BATCH)
    xs, ordr = lax.sort((xi, iota), num_keys=1)
    out_pad = _sorted_gather(
        weight.T, xs, ordr.reshape(BATCH // 128, 128))
    return out_pad[:, :EMBED_DIM]

# --- scband reference (transcript-rebuilt; emitter-appended) ---
"""Pipeline reference for scband-vocab-parallel-embedding-with-packed-1168231104931 (READ-ONLY COPY).

The authoritative reference and input builder live on the scoring server;
editing this copy changes nothing except your own understanding.
"""

import jax, jax.numpy as jnp
import numpy as np

VOCAB = 1000000
EMBED_DIM = 64
BATCH = 16384
# single-rank view: tp_size=1, vocab_start_index=0, vocab_end_index=VOCAB
VOCAB_START = 0
VOCAB_END = VOCAB
TP_SIZE = 1


def setup_inputs(seed: int = 0) -> dict:
    key = jax.random.key(seed)
    k_x, k_w = jax.random.split(key)
    x = jax.random.randint(k_x, (BATCH,), 0, VOCAB, dtype=jnp.int64 if jax.config.jax_enable_x64 else jnp.int32)
    weight = jax.random.normal(k_w, (VOCAB, EMBED_DIM), dtype=jnp.float32) * 0.02
    return {"x": x, "weight": weight}


def reference(x, weight):
    # Faithful to VocabParallelEmbeddingWithPacked.forward:
    # if tp_size > 1: mask ids outside this rank's vocab shard, shift by vocab_start_index
    # else: masked_input = x
    if TP_SIZE > 1:
        input_mask = (x < VOCAB_START) | (x >= VOCAB_END)
        masked_input = jnp.where(input_mask, 0, x - VOCAB_START)
    else:
        input_mask = None
        masked_input = x
    # base_layer embedding lookup (SparseCore gather)
    output = jnp.take(weight, masked_input, axis=0)
    if TP_SIZE > 1:
        output = jnp.where(input_mask[:, None], 0.0, output)
    return output

if __name__ == "__main__":
    import jax
    _d = setup_inputs()
    print(jax.jit(kernel)(*tuple(_d.values())))

</pallas_src>

<mosaic_0001>
#map = affine_map<(d0, d1) -> (0, 0)>
#map1 = affine_map<(d0, d1) -> (0)>
module attributes {stable_mosaic.version = 14 : i64} {
  func.func @_sorted_gather(%arg0: i32, %arg1: i32, %arg2: memref<64x1000000xf32, #tpu.memory_space<hbm>>, %arg3: memref<16384xi32, #tpu.memory_space<hbm>>, %arg4: memref<128x128xi32, #tpu.memory_space<hbm>>, %arg5: memref<16384x128xf32, #tpu.memory_space<hbm>>, %arg6: memref<512xi32, #tpu.memory_space<vmem>>, %arg7: memref<4x128xi32, #tpu.memory_space<vmem>>, %arg8: memref<528xi32, #tpu.memory_space<vmem>>, %arg9: memref<528xi32, #tpu.memory_space<vmem>>, %arg10: memref<64x128xf32, #tpu.memory_space<vmem>>, %arg11: memref<64x128xf32, #tpu.memory_space<vmem>>, %arg12: memref<64x128xf32, #tpu.memory_space<vmem>>, %arg13: memref<64x128xf32, #tpu.memory_space<vmem>>, %arg14: memref<64x128xf32, #tpu.memory_space<vmem>>, %arg15: memref<64x128xf32, #tpu.memory_space<vmem>>, %arg16: memref<512x128xf32, #tpu.memory_space<vmem>>, %arg17: memref<!tpu.dma_semaphore, #tpu.memory_space<semaphore_mem>>, %arg18: memref<!tpu.dma_semaphore, #tpu.memory_space<semaphore_mem>>, %arg19: memref<!tpu.dma_semaphore, #tpu.memory_space<semaphore_mem>>, %arg20: memref<!tpu.dma_semaphore, #tpu.memory_space<semaphore_mem>>, %arg21: memref<!tpu.dma_semaphore, #tpu.memory_space<semaphore_mem>>, %arg22: memref<!tpu.dma_semaphore, #tpu.memory_space<semaphore_mem>>, %arg23: memref<!tpu.dma_semaphore, #tpu.memory_space<semaphore_mem>>) attributes {dimension_semantics = [#tpu.dimension_semantics<core_parallel>, #tpu.dimension_semantics<subcore_parallel>], iteration_bounds = array<i64: 2, 16>, scalar_prefetch = 0 : i64, scratch_operands = 18 : i64, tpu.core_type = #tpu.core_type<sc_vector_subcore>, window_params = [{transform_indices = #map}, {transform_indices = #map1}, {transform_indices = #map}, {transform_indices = #map}]} {
    %mul3A = arith.constant 2 : i32
    %mul3A_0 = arith.muli %arg1, %mul3A : i32
    %add3A = arith.addi %mul3A_0, %arg0 : i32
    %mul3A_1 = arith.constant 512 : i32
    %mul3A_2 = arith.muli %add3A, %mul3A_1 : i32
    "tpu.region"() ({
      %run_scoped3A = tpu.sem_alloc : memref<!tpu.dma_semaphore, #tpu.memory_space<semaphore_mem>>
      %dma_start3A_127 = tpu.memref_slice %arg3[%mul3A_2] : memref<16384xi32, #tpu.memory_space<hbm>> -> memref<512xi32, #tpu.memory_space<hbm>>
      %dma_start3A_128 = tpu.memref_slice %arg3[%mul3A_2] : memref<16384xi32, #tpu.memory_space<hbm>> -> memref<512xi32, #tpu.memory_space<hbm>>
      tpu.enqueue_dma source(%dma_start3A_128 : memref<512xi32, #tpu.memory_space<hbm>>) target(%arg6 : memref<512xi32, #tpu.memory_space<vmem>>) target_semaphore(%run_scoped3A : memref<!tpu.dma_semaphore, #tpu.memory_space<semaphore_mem>>)
      %dma_wait3A_129 = tpu.memref_slice %arg3[%mul3A_2] : memref<16384xi32, #tpu.memory_space<hbm>> -> memref<512xi32, #tpu.memory_space<hbm>>
      %dma_wait3A_130 = tpu.memref_slice %arg3[%mul3A_2] : memref<16384xi32, #tpu.memory_space<hbm>> -> memref<512xi32, #tpu.memory_space<hbm>>
      tpu.wait_dma2 semaphore(%run_scoped3A : memref<!tpu.dma_semaphore, #tpu.memory_space<semaphore_mem>>) src(%dma_wait3A_130 : memref<512xi32, #tpu.memory_space<hbm>>) dst(%arg6 : memref<512xi32, #tpu.memory_space<vmem>>)
      tpu.yield
    }) : () -> ()
    %mul3A_3 = arith.constant 4 : i32
    %mul3A_4 = arith.muli %add3A, %mul3A_3 : i32
    "tpu.region"() ({
      %run_scoped3A = tpu.sem_alloc : memref<!tpu.dma_semaphore, #tpu.memory_space<semaphore_mem>>
      %dma_start3A_127 = arith.constant 0 : i32
      %dma_start3A_128 = tpu.memref_slice %arg4[%mul3A_4, %dma_start3A_127] : memref<128x128xi32, #tpu.memory_space<hbm>> -> memref<4x128xi32, #tpu.memory_space<hbm>>
      %dma_start3A_129 = arith.constant 0 : i32
      %dma_start3A_130 = tpu.memref_slice %arg4[%mul3A_4, %dma_start3A_129] : memref<128x128xi32, #tpu.memory_space<hbm>> -> memref<4x128xi32, #tpu.memory_space<hbm>>
      tpu.enqueue_dma source(%dma_start3A_130 : memref<4x128xi32, #tpu.memory_space<hbm>>) target(%arg7 : memref<4x128xi32, #tpu.memory_space<vmem>>) target_semaphore(%run_scoped3A : memref<!tpu.dma_semaphore, #tpu.memory_space<semaphore_mem>>)
      %dma_wait3A_131 = arith.constant 0 : i32
      %dma_wait3A_132 = tpu.memref_slice %arg4[%mul3A_4, %dma_wait3A_131] : memref<128x128xi32, #tpu.memory_space<hbm>> -> memref<4x128xi32, #tpu.memory_space<hbm>>
      %dma_wait3A_133 = arith.constant 0 : i32
      %dma_wait3A_134 = tpu.memref_slice %arg4[%mul3A_4, %dma_wait3A_133] : memref<128x128xi32, #tpu.memory_space<hbm>> -> memref<4x128xi32, #tpu.memory_space<hbm>>
      tpu.wait_dma2 semaphore(%run_scoped3A : memref<!tpu.dma_semaphore, #tpu.memory_space<semaphore_mem>>) src(%dma_wait3A_134 : memref<4x128xi32, #tpu.memory_space<hbm>>) dst(%arg7 : memref<4x128xi32, #tpu.memory_space<vmem>>)
      tpu.yield
    }) : () -> ()
    %iota3A = tpu.iota {dimensions = array<i32: 0>} : vector<16xi32>
    %scan3A = arith.constant 0 : i32
    %scan3A_5 = arith.constant 0 : i32
    %scan3A_6 = arith.constant 32 : i32
    %scan3A_7 = arith.addi %scan3A_5, %scan3A_6 : i32
    %scan3A_8 = arith.constant 1 : i32
    %scan3A_9 = scf.for %scan3A_127 = %scan3A_5 to %scan3A_7 step %scan3A_8 iter_args(%scan3A_128 = %scan3A) -> (i32)  : i32 {
      %mul3A_129 = arith.constant 16 : i32
      %mul3A_130 = arith.muli %scan3A_127, %mul3A_129 : i32
      %get3A = arith.index_cast %mul3A_130 : i32 to index
      %get3A_131 = tpu.vector_load %arg6[%get3A] {strides = array<i32>} : memref<512xi32, #tpu.memory_space<vmem>>, vector<16xi32>,
      %shift_right_logical3A = arith.constant 7 : i32
      %shift_right_logical3A_132 = vector.broadcast %shift_right_logical3A : i32 to vector<16xi32>
      %shift_right_logical3A_133 = arith.shrui %get3A_131, %shift_right_logical3A_132 : vector<16xi32>
      %sub3A = arith.constant 1 : i32
      %sub3A_134 = arith.subi %mul3A_130, %sub3A : i32
      %max3A = arith.constant 0 : i32
      %max3A_135 = arith.maxsi %sub3A_134, %max3A : i32
      %get3A_136 = arith.index_cast %max3A_135 : i32 to index
      %get3A_137 = tpu.vector_load %arg6[%get3A_136] {strides = array<i32>} : memref<512xi32, #tpu.memory_space<vmem>>, vector<16xi32>,
      %shift_right_logical3A_138 = arith.constant 7 : i32
      %shift_right_logical3A_139 = vector.broadcast %shift_right_logical3A_138 : i32 to vector<16xi32>
      %shift_right_logical3A_140 = arith.shrui %get3A_137, %shift_right_logical3A_139 : vector<16xi32>
      %add3A_141 = arith.constant 15 : i32
      %add3A_142 = vector.broadcast %add3A_141 : i32 to vector<16xi32>
      %add3A_143 = arith.addi %iota3A, %add3A_142 : vector<16xi32>
      %and3A = arith.constant 15 : i32
      %and3A_144 = vector.broadcast %and3A : i32 to vector<16xi32>
      %and3A_145 = arith.andi %add3A_143, %and3A_144 : vector<16xi32>
      %broadcast_in_dim3A = vector.shape_cast %and3A_145 : vector<16xi32> to vector<16x1xi32>
      %gather3A = vector.shape_cast %broadcast_in_dim3A : vector<16x1xi32> to vector<16xi32>
      %gather3A_146 = tpu.dynamic_gather %shift_right_logical3A_133[%gather3A] in [0] : vector<16xi32>, vector<16xi32> -> vector<16xi32>
      %broadcast_in_dim3A_147 = vector.broadcast %mul3A_130 : i32 to vector<16xi32>
      %eq3A = arith.constant 0 : i32
      %eq3A_148 = vector.broadcast %eq3A : i32 to vector<16xi32>
      %eq3A_149 = arith.cmpi eq, %broadcast_in_dim3A_147, %eq3A_148 : vector<16xi32>
      %select_n3A = arith.select %eq3A_149, %gather3A_146, %shift_right_logical3A_140 : vector<16xi1>, vector<16xi32>
      %ne3A = arith.cmpi ne, %shift_right_logical3A_133, %select_n3A : vector<16xi32>
      %eq3A_150 = arith.constant 0 : i32
      %eq3A_151 = vector.broadcast %eq3A_150 : i32 to vector<16xi32>
      %eq3A_152 = arith.cmpi eq, %iota3A, %eq3A_151 : vector<16xi32>
      %and3A_153 = arith.andi %eq3A_152, %eq3A_149 : vector<16xi1>
      %or3A = arith.ori %ne3A, %and3A_153 : vector<16xi1>
      %add3A_154 = vector.broadcast %mul3A_130 : i32 to vector<16xi32>
      %add3A_155 = arith.addi %add3A_154, %iota3A : vector<16xi32>
      %swap3A = arith.index_cast %scan3A_128 : i32 to index
      %swap3A_156 = tpu.vector_load %arg8[%swap3A] masked %or3A {strides = array<i32>} : memref<528xi32, #tpu.memory_space<vmem>>, vector<16xi32>, vector<16xi1>
      tpu.vector_store %arg8[%swap3A], %add3A_155 masked %or3A {strides = array<i32>} : memref<528xi32, #tpu.memory_space<vmem>>, vector<16xi32>, vector<16xi1>
      %swap3A_157 = arith.index_cast %scan3A_128 : i32 to index
      %swap3A_158 = tpu.vector_load %arg9[%swap3A_157] masked %or3A {strides = array<i32>} : memref<528xi32, #tpu.memory_space<vmem>>, vector<16xi32>, vector<16xi1>
      tpu.vector_store %arg9[%swap3A_157], %shift_right_logical3A_133 masked %or3A {strides = array<i32>} : memref<528xi32, #tpu.memory_space<vmem>>, vector<16xi32>, vector<16xi1>
      %all_reduce_population_count3A = tpu.all_reduce %or3A {dim = 0 : i64, kind = #tpu.reduction_kind<sum>} : vector<16xi1> -> vector<16xi32>
      %reduce_max3A = arith.constant true
      %reduce_max3A_159 = vector.broadcast %reduce_max3A : i1 to vector<16xi1>
      %reduce_max3A_160 = arith.constant -2147483648 : i32
      %reduce_max3A_161 = vector.broadcast %reduce_max3A_160 : i32 to vector<16xi32>
      %reduce_max3A_162 = arith.xori %all_reduce_population_count3A, %reduce_max3A_161 : vector<16xi32>
      %reduce_max3A_163 = tpu.scan <max>, %reduce_max3A_162 masked %reduce_max3A_159 : vector<16xi32>, vector<16xi1> -> vector<16xi32>
      %reduce_max3A_164 = arith.xori %reduce_max3A_163, %reduce_max3A_161 : vector<16xi32>
      %reduce_max3A_165 = vector.extract %reduce_max3A_164[15] : i32 from vector<16xi32>
      %add3A_166 = arith.addi %scan3A_128, %reduce_max3A_165 : i32
      scf.yield %add3A_166 : i32
    }
    %scan3A_10 = arith.constant 32 : i32
    %gt3A = arith.constant 0 : i32
    %gt3A_11 = arith.cmpi sgt, %scan3A_9, %gt3A : i32
    %convert_element_type3A = arith.extui %gt3A_11 : i1 to i32
    %cond3A = arith.constant 0 : i32
    %cond3A_12 = arith.cmpi ne, %convert_element_type3A, %cond3A : i32
    scf.if %cond3A_12 {
      %jit3A = arith.constant 0 : i32
      %jit3A_127 = arith.constant 16 : i32
      %div3A = arith.divsi %jit3A, %jit3A_127 : i32
      %sign3A = arith.constant 0 : i32
      %sign3A_128 = arith.cmpi sgt, %jit3A, %sign3A : i32
      %sign3A_129 = arith.extui %sign3A_128 : i1 to i32
      %sign3A_130 = arith.constant 0 : i32
      %sign3A_131 = arith.cmpi slt, %jit3A, %sign3A_130 : i32
      %sign3A_132 = arith.extui %sign3A_131 : i1 to i32
      %sign3A_133 = arith.subi %sign3A_129, %sign3A_132 : i32
      %sign3A_134 = arith.constant 0 : i32
      %sign3A_135 = arith.cmpi sgt, %jit3A_127, %sign3A_134 : i32
      %sign3A_136 = arith.extui %sign3A_135 : i1 to i32
      %sign3A_137 = arith.constant 0 : i32
      %sign3A_138 = arith.cmpi slt, %jit3A_127, %sign3A_137 : i32
      %sign3A_139 = arith.extui %sign3A_138 : i1 to i32
      %sign3A_140 = arith.subi %sign3A_136, %sign3A_139 : i32
      %ne3A = arith.cmpi ne, %sign3A_133, %sign3A_140 : i32
      %rem3A = arith.remsi %jit3A, %jit3A_127 : i32
      %ne3A_141 = arith.constant 0 : i32
      %ne3A_142 = arith.cmpi ne, %rem3A, %ne3A_141 : i32
      %and3A = arith.andi %ne3A, %ne3A_142 : i1
      %sub3A = arith.constant 1 : i32
      %sub3A_143 = arith.subi %div3A, %sub3A : i32
      %select_n3A = arith.select %and3A, %sub3A_143, %div3A : i32
      %mul3A_144 = arith.constant 16 : i32
      %mul3A_145 = arith.muli %select_n3A, %mul3A_144 : i32
      %get3A = arith.index_cast %mul3A_145 : i32 to index
      %get3A_146 = tpu.vector_load %arg9[%get3A] {strides = array<i32>} : memref<528xi32, #tpu.memory_space<vmem>>, vector<16xi32>,
      %sub3A_147 = arith.constant 0 : i32
      %sub3A_148 = arith.subi %sub3A_147, %mul3A_145 : i32
      %iota3A_149 = tpu.iota {dimensions = array<i32: 0>} : vector<16xi32>
      %broadcast_in_dim3A = vector.broadcast %sub3A_148 : i32 to vector<16xi32>
      %eq3A = arith.cmpi eq, %iota3A_149, %broadcast_in_dim3A : vector<16xi32>
      %jit3A_150 = arith.constant -1 : i32
      %broadcast_in_dim3A_151 = vector.broadcast %jit3A_150 : i32 to vector<16xi32>
      %select_n3A_152 = arith.select %eq3A, %get3A_146, %broadcast_in_dim3A_151 : vector<16xi1>, vector<16xi32>
      %reduce_max3A = arith.constant true
      %reduce_max3A_153 = vector.broadcast %reduce_max3A : i1 to vector<16xi1>
      %reduce_max3A_154 = arith.constant -2147483648 : i32
      %reduce_max3A_155 = vector.broadcast %reduce_max3A_154 : i32 to vector<16xi32>
      %reduce_max3A_156 = arith.xori %select_n3A_152, %reduce_max3A_155 : vector<16xi32>
      %reduce_max3A_157 = tpu.scan <max>, %reduce_max3A_156 masked %reduce_max3A_153 : vector<16xi32>, vector<16xi1> -> vector<16xi32>
      %reduce_max3A_158 = arith.xori %reduce_max3A_157, %reduce_max3A_155 : vector<16xi32>
      %reduce_max3A_159 = vector.extract %reduce_max3A_158[15] : i32 from vector<16xi32>
      %mul3A_160 = arith.constant 128 : i32
      %mul3A_161 = arith.muli %reduce_max3A_159, %mul3A_160 : i32
      %multiple_of3A = tpu.assume_multiple %mul3A_161, 128 : i32
      %dma_start3A_162 = arith.constant 0 : i32
      %dma_start3A_163 = tpu.memref_slice %arg2[%dma_start3A_162, %multiple_of3A] : memref<64x1000000xf32, #tpu.memory_space<hbm>> -> memref<64x128xf32, #tpu.memory_space<hbm>>
      %dma_start3A_164 = arith.constant 0 : i32
      %dma_start3A_165 = tpu.memref_slice %arg2[%dma_start3A_164, %multiple_of3A] : memref<64x1000000xf32, #tpu.memory_space<hbm>> -> memref<64x128xf32, #tpu.memory_space<hbm>>
      tpu.enqueue_dma source(%dma_start3A_165 : memref<64x128xf32, #tpu.memory_space<hbm>>) target(%arg10 : memref<64x128xf32, #tpu.memory_space<vmem>>) target_semaphore(%arg17 : memref<!tpu.dma_semaphore, #tpu.memory_space<semaphore_mem>>)
    } else {
    }
    %gt3A_13 = arith.constant 1 : i32
    %gt3A_14 = arith.cmpi sgt, %scan3A_9, %gt3A_13 : i32
    %convert_element_type3A_15 = arith.extui %gt3A_14 : i1 to i32
    %cond3A_16 = arith.constant 0 : i32
    %cond3A_17 = arith.cmpi ne, %convert_element_type3A_15, %cond3A_16 : i32
    scf.if %cond3A_17 {
      %jit3A = arith.constant 1 : i32
      %jit3A_127 = arith.constant 16 : i32
      %div3A = arith.divsi %jit3A, %jit3A_127 : i32
      %sign3A = arith.constant 0 : i32
      %sign3A_128 = arith.cmpi sgt, %jit3A, %sign3A : i32
      %sign3A_129 = arith.extui %sign3A_128 : i1 to i32
      %sign3A_130 = arith.constant 0 : i32
      %sign3A_131 = arith.cmpi slt, %jit3A, %sign3A_130 : i32
      %sign3A_132 = arith.extui %sign3A_131 : i1 to i32
      %sign3A_133 = arith.subi %sign3A_129, %sign3A_132 : i32
      %sign3A_134 = arith.constant 0 : i32
      %sign3A_135 = arith.cmpi sgt, %jit3A_127, %sign3A_134 : i32
      %sign3A_136 = arith.extui %sign3A_135 : i1 to i32
      %sign3A_137 = arith.constant 0 : i32
      %sign3A_138 = arith.cmpi slt, %jit3A_127, %sign3A_137 : i32
      %sign3A_139 = arith.extui %sign3A_138 : i1 to i32
      %sign3A_140 = arith.subi %sign3A_136, %sign3A_139 : i32
      %ne3A = arith.cmpi ne, %sign3A_133, %sign3A_140 : i32
      %rem3A = arith.remsi %jit3A, %jit3A_127 : i32
      %ne3A_141 = arith.constant 0 : i32
      %ne3A_142 = arith.cmpi ne, %rem3A, %ne3A_141 : i32
      %and3A = arith.andi %ne3A, %ne3A_142 : i1
      %sub3A = arith.constant 1 : i32
      %sub3A_143 = arith.subi %div3A, %sub3A : i32
      %select_n3A = arith.select %and3A, %sub3A_143, %div3A : i32
      %mul3A_144 = arith.constant 16 : i32
      %mul3A_145 = arith.muli %select_n3A, %mul3A_144 : i32
      %get3A = arith.index_cast %mul3A_145 : i32 to index
      %get3A_146 = tpu.vector_load %arg9[%get3A] {strides = array<i32>} : memref<528xi32, #tpu.memory_space<vmem>>, vector<16xi32>,
      %sub3A_147 = arith.constant 1 : i32
      %sub3A_148 = arith.subi %sub3A_147, %mul3A_145 : i32
      %iota3A_149 = tpu.iota {dimensions = array<i32: 0>} : vector<16xi32>
      %broadcast_in_dim3A = vector.broadcast %sub3A_148 : i32 to vector<16xi32>
      %eq3A = arith.cmpi eq, %iota3A_149, %broadcast_in_dim3A : vector<16xi32>
      %jit3A_150 = arith.constant -1 : i32
      %broadcast_in_dim3A_151 = vector.broadcast %jit3A_150 : i32 to vector<16xi32>
      %select_n3A_152 = arith.select %eq3A, %get3A_146, %broadcast_in_dim3A_151 : vector<16xi1>, vector<16xi32>
      %reduce_max3A = arith.constant true
      %reduce_max3A_153 = vector.broadcast %reduce_max3A : i1 to vector<16xi1>
      %reduce_max3A_154 = arith.constant -2147483648 : i32
      %reduce_max3A_155 = vector.broadcast %reduce_max3A_154 : i32 to vector<16xi32>
      %reduce_max3A_156 = arith.xori %select_n3A_152, %reduce_max3A_155 : vector<16xi32>
      %reduce_max3A_157 = tpu.scan <max>, %reduce_max3A_156 masked %reduce_max3A_153 : vector<16xi32>, vector<16xi1> -> vector<16xi32>
      %reduce_max3A_158 = arith.xori %reduce_max3A_157, %reduce_max3A_155 : vector<16xi32>
      %reduce_max3A_159 = vector.extract %reduce_max3A_158[15] : i32 from vector<16xi32>
      %mul3A_160 = arith.constant 128 : i32
      %mul3A_161 = arith.muli %reduce_max3A_159, %mul3A_160 : i32
      %multiple_of3A = tpu.assume_multiple %mul3A_161, 128 : i32
      %dma_start3A_162 = arith.constant 0 : i32
      %dma_start3A_163 = tpu.memref_slice %arg2[%dma_start3A_162, %multiple_of3A] : memref<64x1000000xf32, #tpu.memory_space<hbm>> -> memref<64x128xf32, #tpu.memory_space<hbm>>
      %dma_start3A_164 = arith.constant 0 : i32
      %dma_start3A_165 = tpu.memref_slice %arg2[%dma_start3A_164, %multiple_of3A] : memref<64x1000000xf32, #tpu.memory_space<hbm>> -> memref<64x128xf32, #tpu.memory_space<hbm>>
      tpu.enqueue_dma source(%dma_start3A_165 : memref<64x128xf32, #tpu.memory_space<hbm>>) target(%arg11 : memref<64x128xf32, #tpu.memory_space<vmem>>) target_semaphore(%arg18 : memref<!tpu.dma_semaphore, #tpu.memory_space<semaphore_mem>>)
    } else {
    }
    %gt3A_18 = arith.constant 2 : i32
    %gt3A_19 = arith.cmpi sgt, %scan3A_9, %gt3A_18 : i32
    %convert_element_type3A_20 = arith.extui %gt3A_19 : i1 to i32
    %cond3A_21 = arith.constant 0 : i32
    %cond3A_22 = arith.cmpi ne, %convert_element_type3A_20, %cond3A_21 : i32
    scf.if %cond3A_22 {
      %jit3A = arith.constant 2 : i32
      %jit3A_127 = arith.constant 16 : i32
      %div3A = arith.divsi %jit3A, %jit3A_127 : i32
      %sign3A = arith.constant 0 : i32
      %sign3A_128 = arith.cmpi sgt, %jit3A, %sign3A : i32
      %sign3A_129 = arith.extui %sign3A_128 : i1 to i32
      %sign3A_130 = arith.constant 0 : i32
      %sign3A_131 = arith.cmpi slt, %jit3A, %sign3A_130 : i32
      %sign3A_132 = arith.extui %sign3A_131 : i1 to i32
      %sign3A_133 = arith.subi %sign3A_129, %sign3A_132 : i32
      %sign3A_134 = arith.constant 0 : i32
      %sign3A_135 = arith.cmpi sgt, %jit3A_127, %sign3A_134 : i32
      %sign3A_136 = arith.extui %sign3A_135 : i1 to i32
      %sign3A_137 = arith.constant 0 : i32
      %sign3A_138 = arith.cmpi slt, %jit3A_127, %sign3A_137 : i32
      %sign3A_139 = arith.extui %sign3A_138 : i1 to i32
      %sign3A_140 = arith.subi %sign3A_136, %sign3A_139 : i32
      %ne3A = arith.cmpi ne, %sign3A_133, %sign3A_140 : i32
      %rem3A = arith.remsi %jit3A, %jit3A_127 : i32
      %ne3A_141 = arith.constant 0 : i32
      %ne3A_142 = arith.cmpi ne, %rem3A, %ne3A_141 : i32
      %and3A = arith.andi %ne3A, %ne3A_142 : i1
      %sub3A = arith.constant 1 : i32
      %sub3A_143 = arith.subi %div3A, %sub3A : i32
      %select_n3A = arith.select %and3A, %sub3A_143, %div3A : i32
      %mul3A_144 = arith.constant 16 : i32
      %mul3A_145 = arith.muli %select_n3A, %mul3A_144 : i32
      %get3A = arith.index_cast %mul3A_145 : i32 to index
      %get3A_146 = tpu.vector_load %arg9[%get3A] {strides = array<i32>} : memref<528xi32, #tpu.memory_space<vmem>>, vector<16xi32>,
      %sub3A_147 = arith.constant 2 : i32
      %sub3A_148 = arith.subi %sub3A_147, %mul3A_145 : i32
      %iota3A_149 = tpu.iota {dimensions = array<i32: 0>} : vector<16xi32>
      %broadcast_in_dim3A = vector.broadcast %sub3A_148 : i32 to vector<16xi32>
      %eq3A = arith.cmpi eq, %iota3A_149, %broadcast_in_dim3A : vector<16xi32>
      %jit3A_150 = arith.constant -1 : i32
      %broadcast_in_dim3A_151 = vector.broadcast %jit3A_150 : i32 to vector<16xi32>
      %select_n3A_152 = arith.select %eq3A, %get3A_146, %broadcast_in_dim3A_151 : vector<16xi1>, vector<16xi32>
      %reduce_max3A = arith.constant true
      %reduce_max3A_153 = vector.broadcast %reduce_max3A : i1 to vector<16xi1>
      %reduce_max3A_154 = arith.constant -2147483648 : i32
      %reduce_max3A_155 = vector.broadcast %reduce_max3A_154 : i32 to vector<16xi32>
      %reduce_max3A_156 = arith.xori %select_n3A_152, %reduce_max3A_155 : vector<16xi32>
      %reduce_max3A_157 = tpu.scan <max>, %reduce_max3A_156 masked %reduce_max3A_153 : vector<16xi32>, vector<16xi1> -> vector<16xi32>
      %reduce_max3A_158 = arith.xori %reduce_max3A_157, %reduce_max3A_155 : vector<16xi32>
      %reduce_max3A_159 = vector.extract %reduce_max3A_158[15] : i32 from vector<16xi32>
      %mul3A_160 = arith.constant 128 : i32
      %mul3A_161 = arith.muli %reduce_max3A_159, %mul3A_160 : i32
      %multiple_of3A = tpu.assume_multiple %mul3A_161, 128 : i32
      %dma_start3A_162 = arith.constant 0 : i32
      %dma_start3A_163 = tpu.memref_slice %arg2[%dma_start3A_162, %multiple_of3A] : memref<64x1000000xf32, #tpu.memory_space<hbm>> -> memref<64x128xf32, #tpu.memory_space<hbm>>
      %dma_start3A_164 = arith.constant 0 : i32
      %dma_start3A_165 = tpu.memref_slice %arg2[%dma_start3A_164, %multiple_of3A] : memref<64x1000000xf32, #tpu.memory_space<hbm>> -> memref<64x128xf32, #tpu.memory_space<hbm>>
      tpu.enqueue_dma source(%dma_start3A_165 : memref<64x128xf32, #tpu.memory_space<hbm>>) target(%arg12 : memref<64x128xf32, #tpu.memory_space<vmem>>) target_semaphore(%arg19 : memref<!tpu.dma_semaphore, #tpu.memory_space<semaphore_mem>>)
    } else {
    }
    %gt3A_23 = arith.constant 3 : i32
    %gt3A_24 = arith.cmpi sgt, %scan3A_9, %gt3A_23 : i32
    %convert_element_type3A_25 = arith.extui %gt3A_24 : i1 to i32
    %cond3A_26 = arith.constant 0 : i32
    %cond3A_27 = arith.cmpi ne, %convert_element_type3A_25, %cond3A_26 : i32
    scf.if %cond3A_27 {
      %jit3A = arith.constant 3 : i32
      %jit3A_127 = arith.constant 16 : i32
      %div3A = arith.divsi %jit3A, %jit3A_127 : i32
      %sign3A = arith.constant 0 : i32
      %sign3A_128 = arith.cmpi sgt, %jit3A, %sign3A : i32
      %sign3A_129 = arith.extui %sign3A_128 : i1 to i32
      %sign3A_130 = arith.constant 0 : i32
      %sign3A_131 = arith.cmpi slt, %jit3A, %sign3A_130 : i32
      %sign3A_132 = arith.extui %sign3A_131 : i1 to i32
      %sign3A_133 = arith.subi %sign3A_129, %sign3A_132 : i32
      %sign3A_134 = arith.constant 0 : i32
      %sign3A_135 = arith.cmpi sgt, %jit3A_127, %sign3A_134 : i32
      %sign3A_136 = arith.extui %sign3A_135 : i1 to i32
      %sign3A_137 = arith.constant 0 : i32
      %sign3A_138 = arith.cmpi slt, %jit3A_127, %sign3A_137 : i32
      %sign3A_139 = arith.extui %sign3A_138 : i1 to i32
      %sign3A_140 = arith.subi %sign3A_136, %sign3A_139 : i32
      %ne3A = arith.cmpi ne, %sign3A_133, %sign3A_140 : i32
      %rem3A = arith.remsi %jit3A, %jit3A_127 : i32
      %ne3A_141 = arith.constant 0 : i32
      %ne3A_142 = arith.cmpi ne, %rem3A, %ne3A_141 : i32
      %and3A = arith.andi %ne3A, %ne3A_142 : i1
      %sub3A = arith.constant 1 : i32
      %sub3A_143 = arith.subi %div3A, %sub3A : i32
      %select_n3A = arith.select %and3A, %sub3A_143, %div3A : i32
      %mul3A_144 = arith.constant 16 : i32
      %mul3A_145 = arith.muli %select_n3A, %mul3A_144 : i32
      %get3A = arith.index_cast %mul3A_145 : i32 to index
      %get3A_146 = tpu.vector_load %arg9[%get3A] {strides = array<i32>} : memref<528xi32, #tpu.memory_space<vmem>>, vector<16xi32>,
      %sub3A_147 = arith.constant 3 : i32
      %sub3A_148 = arith.subi %sub3A_147, %mul3A_145 : i32
      %iota3A_149 = tpu.iota {dimensions = array<i32: 0>} : vector<16xi32>
      %broadcast_in_dim3A = vector.broadcast %sub3A_148 : i32 to vector<16xi32>
      %eq3A = arith.cmpi eq, %iota3A_149, %broadcast_in_dim3A : vector<16xi32>
      %jit3A_150 = arith.constant -1 : i32
      %broadcast_in_dim3A_151 = vector.broadcast %jit3A_150 : i32 to vector<16xi32>
      %select_n3A_152 = arith.select %eq3A, %get3A_146, %broadcast_in_dim3A_151 : vector<16xi1>, vector<16xi32>
      %reduce_max3A = arith.constant true
      %reduce_max3A_153 = vector.broadcast %reduce_max3A : i1 to vector<16xi1>
      %reduce_max3A_154 = arith.constant -2147483648 : i32
      %reduce_max3A_155 = vector.broadcast %reduce_max3A_154 : i32 to vector<16xi32>
      %reduce_max3A_156 = arith.xori %select_n3A_152, %reduce_max3A_155 : vector<16xi32>
      %reduce_max3A_157 = tpu.scan <max>, %reduce_max3A_156 masked %reduce_max3A_153 : vector<16xi32>, vector<16xi1> -> vector<16xi32>
      %reduce_max3A_158 = arith.xori %reduce_max3A_157, %reduce_max3A_155 : vector<16xi32>
      %reduce_max3A_159 = vector.extract %reduce_max3A_158[15] : i32 from vector<16xi32>
      %mul3A_160 = arith.constant 128 : i32
      %mul3A_161 = arith.muli %reduce_max3A_159, %mul3A_160 : i32
      %multiple_of3A = tpu.assume_multiple %mul3A_161, 128 : i32
      %dma_start3A_162 = arith.constant 0 : i32
      %dma_start3A_163 = tpu.memref_slice %arg2[%dma_start3A_162, %multiple_of3A] : memref<64x1000000xf32, #tpu.memory_space<hbm>> -> memref<64x128xf32, #tpu.memory_space<hbm>>
      %dma_start3A_164 = arith.constant 0 : i32
      %dma_start3A_165 = tpu.memref_slice %arg2[%dma_start3A_164, %multiple_of3A] : memref<64x1000000xf32, #tpu.memory_space<hbm>> -> memref<64x128xf32, #tpu.memory_space<hbm>>
      tpu.enqueue_dma source(%dma_start3A_165 : memref<64x128xf32, #tpu.memory_space<hbm>>) target(%arg13 : memref<64x128xf32, #tpu.memory_space<vmem>>) target_semaphore(%arg20 : memref<!tpu.dma_semaphore, #tpu.memory_space<semaphore_mem>>)
    } else {
    }
    %gt3A_28 = arith.constant 4 : i32
    %gt3A_29 = arith.cmpi sgt, %scan3A_9, %gt3A_28 : i32
    %convert_element_type3A_30 = arith.extui %gt3A_29 : i1 to i32
    %cond3A_31 = arith.constant 0 : i32
    %cond3A_32 = arith.cmpi ne, %convert_element_type3A_30, %cond3A_31 : i32
    scf.if %cond3A_32 {
      %jit3A = arith.constant 4 : i32
      %jit3A_127 = arith.constant 16 : i32
      %div3A = arith.divsi %jit3A, %jit3A_127 : i32
      %sign3A = arith.constant 0 : i32
      %sign3A_128 = arith.cmpi sgt, %jit3A, %sign3A : i32
      %sign3A_129 = arith.extui %sign3A_128 : i1 to i32
      %sign3A_130 = arith.constant 0 : i32
      %sign3A_131 = arith.cmpi slt, %jit3A, %sign3A_130 : i32
      %sign3A_132 = arith.extui %sign3A_131 : i1 to i32
      %sign3A_133 = arith.subi %sign3A_129, %sign3A_132 : i32
      %sign3A_134 = arith.constant 0 : i32
      %sign3A_135 = arith.cmpi sgt, %jit3A_127, %sign3A_134 : i32
      %sign3A_136 = arith.extui %sign3A_135 : i1 to i32
      %sign3A_137 = arith.constant 0 : i32
      %sign3A_138 = arith.cmpi slt, %jit3A_127, %sign3A_137 : i32
      %sign3A_139 = arith.extui %sign3A_138 : i1 to i32
      %sign3A_140 = arith.subi %sign3A_136, %sign3A_139 : i32
      %ne3A = arith.cmpi ne, %sign3A_133, %sign3A_140 : i32
      %rem3A = arith.remsi %jit3A, %jit3A_127 : i32
      %ne3A_141 = arith.constant 0 : i32
      %ne3A_142 = arith.cmpi ne, %rem3A, %ne3A_141 : i32
      %and3A = arith.andi %ne3A, %ne3A_142 : i1
      %sub3A = arith.constant 1 : i32
      %sub3A_143 = arith.subi %div3A, %sub3A : i32
      %select_n3A = arith.select %and3A, %sub3A_143, %div3A : i32
      %mul3A_144 = arith.constant 16 : i32
      %mul3A_145 = arith.muli %select_n3A, %mul3A_144 : i32
      %get3A = arith.index_cast %mul3A_145 : i32 to index
      %get3A_146 = tpu.vector_load %arg9[%get3A] {strides = array<i32>} : memref<528xi32, #tpu.memory_space<vmem>>, vector<16xi32>,
      %sub3A_147 = arith.constant 4 : i32
      %sub3A_148 = arith.subi %sub3A_147, %mul3A_145 : i32
      %iota3A_149 = tpu.iota {dimensions = array<i32: 0>} : vector<16xi32>
      %broadcast_in_dim3A = vector.broadcast %sub3A_148 : i32 to vector<16xi32>
      %eq3A = arith.cmpi eq, %iota3A_149, %broadcast_in_dim3A : vector<16xi32>
      %jit3A_150 = arith.constant -1 : i32
      %broadcast_in_dim3A_151 = vector.broadcast %jit3A_150 : i32 to vector<16xi32>
      %select_n3A_152 = arith.select %eq3A, %get3A_146, %broadcast_in_dim3A_151 : vector<16xi1>, vector<16xi32>
      %reduce_max3A = arith.constant true
      %reduce_max3A_153 = vector.broadcast %reduce_max3A : i1 to vector<16xi1>
      %reduce_max3A_154 = arith.constant -2147483648 : i32
      %reduce_max3A_155 = vector.broadcast %reduce_max3A_154 : i32 to vector<16xi32>
      %reduce_max3A_156 = arith.xori %select_n3A_152, %reduce_max3A_155 : vector<16xi32>
      %reduce_max3A_157 = tpu.scan <max>, %reduce_max3A_156 masked %reduce_max3A_153 : vector<16xi32>, vector<16xi1> -> vector<16xi32>
      %reduce_max3A_158 = arith.xori %reduce_max3A_157, %reduce_max3A_155 : vector<16xi32>
      %reduce_max3A_159 = vector.extract %reduce_max3A_158[15] : i32 from vector<16xi32>
      %mul3A_160 = arith.constant 128 : i32
      %mul3A_161 = arith.muli %reduce_max3A_159, %mul3A_160 : i32
      %multiple_of3A = tpu.assume_multiple %mul3A_161, 128 : i32
      %dma_start3A_162 = arith.constant 0 : i32
      %dma_start3A_163 = tpu.memref_slice %arg2[%dma_start3A_162, %multiple_of3A] : memref<64x1000000xf32, #tpu.memory_space<hbm>> -> memref<64x128xf32, #tpu.memory_space<hbm>>
      %dma_start3A_164 = arith.constant 0 : i32
      %dma_start3A_165 = tpu.memref_slice %arg2[%dma_start3A_164, %multiple_of3A] : memref<64x1000000xf32, #tpu.memory_space<hbm>> -> memref<64x128xf32, #tpu.memory_space<hbm>>
      tpu.enqueue_dma source(%dma_start3A_165 : memref<64x128xf32, #tpu.memory_space<hbm>>) target(%arg14 : memref<64x128xf32, #tpu.memory_space<vmem>>) target_semaphore(%arg21 : memref<!tpu.dma_semaphore, #tpu.memory_space<semaphore_mem>>)
    } else {
    }
    %gt3A_33 = arith.constant 5 : i32
    %gt3A_34 = arith.cmpi sgt, %scan3A_9, %gt3A_33 : i32
    %convert_element_type3A_35 = arith.extui %gt3A_34 : i1 to i32
    %cond3A_36 = arith.constant 0 : i32
    %cond3A_37 = arith.cmpi ne, %convert_element_type3A_35, %cond3A_36 : i32
    scf.if %cond3A_37 {
      %jit3A = arith.constant 5 : i32
      %jit3A_127 = arith.constant 16 : i32
      %div3A = arith.divsi %jit3A, %jit3A_127 : i32
      %sign3A = arith.constant 0 : i32
      %sign3A_128 = arith.cmpi sgt, %jit3A, %sign3A : i32
      %sign3A_129 = arith.extui %sign3A_128 : i1 to i32
      %sign3A_130 = arith.constant 0 : i32
      %sign3A_131 = arith.cmpi slt, %jit3A, %sign3A_130 : i32
      %sign3A_132 = arith.extui %sign3A_131 : i1 to i32
      %sign3A_133 = arith.subi %sign3A_129, %sign3A_132 : i32
      %sign3A_134 = arith.constant 0 : i32
      %sign3A_135 = arith.cmpi sgt, %jit3A_127, %sign3A_134 : i32
      %sign3A_136 = arith.extui %sign3A_135 : i1 to i32
      %sign3A_137 = arith.constant 0 : i32
      %sign3A_138 = arith.cmpi slt, %jit3A_127, %sign3A_137 : i32
      %sign3A_139 = arith.extui %sign3A_138 : i1 to i32
      %sign3A_140 = arith.subi %sign3A_136, %sign3A_139 : i32
      %ne3A = arith.cmpi ne, %sign3A_133, %sign3A_140 : i32
      %rem3A = arith.remsi %jit3A, %jit3A_127 : i32
      %ne3A_141 = arith.constant 0 : i32
      %ne3A_142 = arith.cmpi ne, %rem3A, %ne3A_141 : i32
      %and3A = arith.andi %ne3A, %ne3A_142 : i1
      %sub3A = arith.constant 1 : i32
      %sub3A_143 = arith.subi %div3A, %sub3A : i32
      %select_n3A = arith.select %and3A, %sub3A_143, %div3A : i32
      %mul3A_144 = arith.constant 16 : i32
      %mul3A_145 = arith.muli %select_n3A, %mul3A_144 : i32
      %get3A = arith.index_cast %mul3A_145 : i32 to index
      %get3A_146 = tpu.vector_load %arg9[%get3A] {strides = array<i32>} : memref<528xi32, #tpu.memory_space<vmem>>, vector<16xi32>,
      %sub3A_147 = arith.constant 5 : i32
      %sub3A_148 = arith.subi %sub3A_147, %mul3A_145 : i32
      %iota3A_149 = tpu.iota {dimensions = array<i32: 0>} : vector<16xi32>
      %broadcast_in_dim3A = vector.broadcast %sub3A_148 : i32 to vector<16xi32>
      %eq3A = arith.cmpi eq, %iota3A_149, %broadcast_in_dim3A : vector<16xi32>
      %jit3A_150 = arith.constant -1 : i32
      %broadcast_in_dim3A_151 = vector.broadcast %jit3A_150 : i32 to vector<16xi32>
      %select_n3A_152 = arith.select %eq3A, %get3A_146, %broadcast_in_dim3A_151 : vector<16xi1>, vector<16xi32>
      %reduce_max3A = arith.constant true
      %reduce_max3A_153 = vector.broadcast %reduce_max3A : i1 to vector<16xi1>
      %reduce_max3A_154 = arith.constant -2147483648 : i32
      %reduce_max3A_155 = vector.broadcast %reduce_max3A_154 : i32 to vector<16xi32>
      %reduce_max3A_156 = arith.xori %select_n3A_152, %reduce_max3A_155 : vector<16xi32>
      %reduce_max3A_157 = tpu.scan <max>, %reduce_max3A_156 masked %reduce_max3A_153 : vector<16xi32>, vector<16xi1> -> vector<16xi32>
      %reduce_max3A_158 = arith.xori %reduce_max3A_157, %reduce_max3A_155 : vector<16xi32>
      %reduce_max3A_159 = vector.extract %reduce_max3A_158[15] : i32 from vector<16xi32>
      %mul3A_160 = arith.constant 128 : i32
      %mul3A_161 = arith.muli %reduce_max3A_159, %mul3A_160 : i32
      %multiple_of3A = tpu.assume_multiple %mul3A_161, 128 : i32
      %dma_start3A_162 = arith.constant 0 : i32
      %dma_start3A_163 = tpu.memref_slice %arg2[%dma_start3A_162, %multiple_of3A] : memref<64x1000000xf32, #tpu.memory_space<hbm>> -> memref<64x128xf32, #tpu.memory_space<hbm>>
      %dma_start3A_164 = arith.constant 0 : i32
      %dma_start3A_165 = tpu.memref_slice %arg2[%dma_start3A_164, %multiple_of3A] : memref<64x1000000xf32, #tpu.memory_space<hbm>> -> memref<64x128xf32, #tpu.memory_space<hbm>>
      tpu.enqueue_dma source(%dma_start3A_165 : memref<64x128xf32, #tpu.memory_space<hbm>>) target(%arg15 : memref<64x128xf32, #tpu.memory_space<vmem>>) target_semaphore(%arg22 : memref<!tpu.dma_semaphore, #tpu.memory_space<semaphore_mem>>)
    } else {
    }
    %while3A = arith.constant 0 : i32
    %while3A_38 = arith.constant 0 : i32
    %while3A_39 = arith.subi %scan3A_9, %while3A : i32
    %while3A_40 = arith.addi %while3A, %while3A_39 : i32
    %while3A_41 = arith.constant 1 : i32
    %while3A_42 = arith.divsi %while3A_39, %while3A_41 : i32
    %while3A_43 = arith.muli %while3A_42, %while3A_41 : i32
    %while3A_44 = arith.addi %while3A, %while3A_43 : i32
    %while3A_45 = arith.constant 1 : i32
    %while3A_46 = scf.for %while3A_127 = %while3A to %while3A_44 step %while3A_45 iter_args(%while3A_128 = %while3A_38) -> (i32)  : i32 {
      %jit3A = arith.constant 6 : i32
      %eq3A = arith.constant 0 : i32
      %eq3A_129 = arith.cmpi eq, %jit3A, %eq3A : i32
      %jit3A_130 = arith.constant 1 : i32
      %select_n3A = arith.select %eq3A_129, %jit3A_130, %jit3A : i32
      %rem3A = arith.remsi %while3A_127, %select_n3A : i32
      %ne3A = arith.constant 0 : i32
      %ne3A_131 = arith.cmpi ne, %rem3A, %ne3A : i32
      %lt3A = arith.constant 0 : i32
      %lt3A_132 = arith.cmpi slt, %rem3A, %lt3A : i32
      %lt3A_133 = arith.constant 0 : i32
      %lt3A_134 = arith.cmpi slt, %select_n3A, %lt3A_133 : i32
      %ne3A_135 = arith.xori %lt3A_132, %lt3A_134 : i1
      %and3A = arith.andi %ne3A_135, %ne3A_131 : i1
      %add3A_136 = arith.addi %rem3A, %select_n3A : i32
      %select_n3A_137 = arith.select %and3A, %add3A_136, %rem3A : i32
      %eq3A_138 = arith.constant 0 : i32
      %eq3A_139 = arith.cmpi eq, %select_n3A_137, %eq3A_138 : i32
      %lt3A_140 = arith.cmpi slt, %while3A_127, %scan3A_9 : i32
      %and3A_141 = arith.andi %eq3A_139, %lt3A_140 : i1
      %convert_element_type3A_142 = arith.extui %and3A_141 : i1 to i32
      %cond3A_143 = arith.constant 0 : i32
      %cond3A_144 = arith.cmpi ne, %convert_element_type3A_142, %cond3A_143 : i32
      scf.if %cond3A_144 {
        %jit3A_261 = arith.constant 16 : i32
        %div3A = arith.divsi %while3A_127, %jit3A_261 : i32
        %sign3A = arith.constant 0 : i32
        %sign3A_262 = arith.cmpi sgt, %while3A_127, %sign3A : i32
        %sign3A_263 = arith.extui %sign3A_262 : i1 to i32
        %sign3A_264 = arith.constant 0 : i32
        %sign3A_265 = arith.cmpi slt, %while3A_127, %sign3A_264 : i32
        %sign3A_266 = arith.extui %sign3A_265 : i1 to i32
        %sign3A_267 = arith.subi %sign3A_263, %sign3A_266 : i32
        %sign3A_268 = arith.constant 0 : i32
        %sign3A_269 = arith.cmpi sgt, %jit3A_261, %sign3A_268 : i32
        %sign3A_270 = arith.extui %sign3A_269 : i1 to i32
        %sign3A_271 = arith.constant 0 : i32
        %sign3A_272 = arith.cmpi slt, %jit3A_261, %sign3A_271 : i32
        %sign3A_273 = arith.extui %sign3A_272 : i1 to i32
        %sign3A_274 = arith.subi %sign3A_270, %sign3A_273 : i32
        %ne3A_275 = arith.cmpi ne, %sign3A_267, %sign3A_274 : i32
        %rem3A_276 = arith.remsi %while3A_127, %jit3A_261 : i32
        %ne3A_277 = arith.constant 0 : i32
        %ne3A_278 = arith.cmpi ne, %rem3A_276, %ne3A_277 : i32
        %and3A_279 = arith.andi %ne3A_275, %ne3A_278 : i1
        %sub3A = arith.constant 1 : i32
        %sub3A_280 = arith.subi %div3A, %sub3A : i32
        %select_n3A_281 = arith.select %and3A_279, %sub3A_280, %div3A : i32
        %mul3A_282 = arith.constant 16 : i32
        %mul3A_283 = arith.muli %select_n3A_281, %mul3A_282 : i32
        %get3A = arith.index_cast %mul3A_283 : i32 to index
        %get3A_284 = tpu.vector_load %arg9[%get3A] {strides = array<i32>} : memref<528xi32, #tpu.memory_space<vmem>>, vector<16xi32>,
        %sub3A_285 = arith.subi %while3A_127, %mul3A_283 : i32
        %iota3A_286 = tpu.iota {dimensions = array<i32: 0>} : vector<16xi32>
        %broadcast_in_dim3A = vector.broadcast %sub3A_285 : i32 to vector<16xi32>
        %eq3A_287 = arith.cmpi eq, %iota3A_286, %broadcast_in_dim3A : vector<16xi32>
        %jit3A_288 = arith.constant -1 : i32
        %broadcast_in_dim3A_289 = vector.broadcast %jit3A_288 : i32 to vector<16xi32>
        %select_n3A_290 = arith.select %eq3A_287, %get3A_284, %broadcast_in_dim3A_289 : vector<16xi1>, vector<16xi32>
        %reduce_max3A = arith.constant true
        %reduce_max3A_291 = vector.broadcast %reduce_max3A : i1 to vector<16xi1>
        %reduce_max3A_292 = arith.constant -2147483648 : i32
        %reduce_max3A_293 = vector.broadcast %reduce_max3A_292 : i32 to vector<16xi32>
        %reduce_max3A_294 = arith.xori %select_n3A_290, %reduce_max3A_293 : vector<16xi32>
        %reduce_max3A_295 = tpu.scan <max>, %reduce_max3A_294 masked %reduce_max3A_291 : vector<16xi32>, vector<16xi1> -> vector<16xi32>
        %reduce_max3A_296 = arith.xori %reduce_max3A_295, %reduce_max3A_293 : vector<16xi32>
        %reduce_max3A_297 = vector.extract %reduce_max3A_296[15] : i32 from vector<16xi32>
        %mul3A_298 = arith.constant 128 : i32
        %mul3A_299 = arith.muli %reduce_max3A_297, %mul3A_298 : i32
        %multiple_of3A = tpu.assume_multiple %mul3A_299, 128 : i32
        %dma_wait3A_300 = arith.constant 0 : i32
        %dma_wait3A_301 = tpu.memref_slice %arg2[%dma_wait3A_300, %multiple_of3A] : memref<64x1000000xf32, #tpu.memory_space<hbm>> -> memref<64x128xf32, #tpu.memory_space<hbm>>
        %dma_wait3A_302 = arith.constant 0 : i32
        %dma_wait3A_303 = tpu.memref_slice %arg2[%dma_wait3A_302, %multiple_of3A] : memref<64x1000000xf32, #tpu.memory_space<hbm>> -> memref<64x128xf32, #tpu.memory_space<hbm>>
        tpu.wait_dma2 semaphore(%arg17 : memref<!tpu.dma_semaphore, #tpu.memory_space<semaphore_mem>>) src(%dma_wait3A_303 : memref<64x128xf32, #tpu.memory_space<hbm>>) dst(%arg10 : memref<64x128xf32, #tpu.memory_space<vmem>>)
        %jit3A_304 = arith.constant 16 : i32
        %div3A_305 = arith.divsi %while3A_127, %jit3A_304 : i32
        %sign3A_306 = arith.constant 0 : i32
        %sign3A_307 = arith.cmpi sgt, %while3A_127, %sign3A_306 : i32
        %sign3A_308 = arith.extui %sign3A_307 : i1 to i32
        %sign3A_309 = arith.constant 0 : i32
        %sign3A_310 = arith.cmpi slt, %while3A_127, %sign3A_309 : i32
        %sign3A_311 = arith.extui %sign3A_310 : i1 to i32
        %sign3A_312 = arith.subi %sign3A_308, %sign3A_311 : i32
        %sign3A_313 = arith.constant 0 : i32
        %sign3A_314 = arith.cmpi sgt, %jit3A_304, %sign3A_313 : i32
        %sign3A_315 = arith.extui %sign3A_314 : i1 to i32
        %sign3A_316 = arith.constant 0 : i32
        %sign3A_317 = arith.cmpi slt, %jit3A_304, %sign3A_316 : i32
        %sign3A_318 = arith.extui %sign3A_317 : i1 to i32
        %sign3A_319 = arith.subi %sign3A_315, %sign3A_318 : i32
        %ne3A_320 = arith.cmpi ne, %sign3A_312, %sign3A_319 : i32
        %rem3A_321 = arith.remsi %while3A_127, %jit3A_304 : i32
        %ne3A_322 = arith.constant 0 : i32
        %ne3A_323 = arith.cmpi ne, %rem3A_321, %ne3A_322 : i32
        %and3A_324 = arith.andi %ne3A_320, %ne3A_323 : i1
        %sub3A_325 = arith.constant 1 : i32
        %sub3A_326 = arith.subi %div3A_305, %sub3A_325 : i32
        %select_n3A_327 = arith.select %and3A_324, %sub3A_326, %div3A_305 : i32
        %mul3A_328 = arith.constant 16 : i32
        %mul3A_329 = arith.muli %select_n3A_327, %mul3A_328 : i32
        %get3A_330 = arith.index_cast %mul3A_329 : i32 to index
        %get3A_331 = tpu.vector_load %arg8[%get3A_330] {strides = array<i32>} : memref<528xi32, #tpu.memory_space<vmem>>, vector<16xi32>,
        %sub3A_332 = arith.subi %while3A_127, %mul3A_329 : i32
        %iota3A_333 = tpu.iota {dimensions = array<i32: 0>} : vector<16xi32>
        %broadcast_in_dim3A_334 = vector.broadcast %sub3A_332 : i32 to vector<16xi32>
        %eq3A_335 = arith.cmpi eq, %iota3A_333, %broadcast_in_dim3A_334 : vector<16xi32>
        %jit3A_336 = arith.constant -1 : i32
        %broadcast_in_dim3A_337 = vector.broadcast %jit3A_336 : i32 to vector<16xi32>
        %select_n3A_338 = arith.select %eq3A_335, %get3A_331, %broadcast_in_dim3A_337 : vector<16xi1>, vector<16xi32>
        %reduce_max3A_339 = arith.constant true
        %reduce_max3A_340 = vector.broadcast %reduce_max3A_339 : i1 to vector<16xi1>
        %reduce_max3A_341 = arith.constant -2147483648 : i32
        %reduce_max3A_342 = vector.broadcast %reduce_max3A_341 : i32 to vector<16xi32>
        %reduce_max3A_343 = arith.xori %select_n3A_338, %reduce_max3A_342 : vector<16xi32>
        %reduce_max3A_344 = tpu.scan <max>, %reduce_max3A_343 masked %reduce_max3A_340 : vector<16xi32>, vector<16xi1> -> vector<16xi32>
        %reduce_max3A_345 = arith.xori %reduce_max3A_344, %reduce_max3A_342 : vector<16xi32>
        %reduce_max3A_346 = vector.extract %reduce_max3A_345[15] : i32 from vector<16xi32>
        %add3A_347 = arith.constant 1 : i32
        %add3A_348 = arith.addi %while3A_127, %add3A_347 : i32
        %lt3A_349 = arith.cmpi slt, %add3A_348, %scan3A_9 : i32
        %add3A_350 = arith.constant 1 : i32
        %add3A_351 = arith.addi %while3A_127, %add3A_350 : i32
        %jit3A_352 = arith.constant 16 : i32
        %div3A_353 = arith.divsi %add3A_351, %jit3A_352 : i32
        %sign3A_354 = arith.constant 0 : i32
        %sign3A_355 = arith.cmpi sgt, %add3A_351, %sign3A_354 : i32
        %sign3A_356 = arith.extui %sign3A_355 : i1 to i32
        %sign3A_357 = arith.constant 0 : i32
        %sign3A_358 = arith.cmpi slt, %add3A_351, %sign3A_357 : i32
        %sign3A_359 = arith.extui %sign3A_358 : i1 to i32
        %sign3A_360 = arith.subi %sign3A_356, %sign3A_359 : i32
        %sign3A_361 = arith.constant 0 : i32
        %sign3A_362 = arith.cmpi sgt, %jit3A_352, %sign3A_361 : i32
        %sign3A_363 = arith.extui %sign3A_362 : i1 to i32
        %sign3A_364 = arith.constant 0 : i32
        %sign3A_365 = arith.cmpi slt, %jit3A_352, %sign3A_364 : i32
        %sign3A_366 = arith.extui %sign3A_365 : i1 to i32
        %sign3A_367 = arith.subi %sign3A_363, %sign3A_366 : i32
        %ne3A_368 = arith.cmpi ne, %sign3A_360, %sign3A_367 : i32
        %rem3A_369 = arith.remsi %add3A_351, %jit3A_352 : i32
        %ne3A_370 = arith.constant 0 : i32
        %ne3A_371 = arith.cmpi ne, %rem3A_369, %ne3A_370 : i32
        %and3A_372 = arith.andi %ne3A_368, %ne3A_371 : i1
        %sub3A_373 = arith.constant 1 : i32
        %sub3A_374 = arith.subi %div3A_353, %sub3A_373 : i32
        %select_n3A_375 = arith.select %and3A_372, %sub3A_374, %div3A_353 : i32
        %mul3A_376 = arith.constant 16 : i32
        %mul3A_377 = arith.muli %select_n3A_375, %mul3A_376 : i32
        %get3A_378 = arith.index_cast %mul3A_377 : i32 to index
        %get3A_379 = tpu.vector_load %arg8[%get3A_378] {strides = array<i32>} : memref<528xi32, #tpu.memory_space<vmem>>, vector<16xi32>,
        %sub3A_380 = arith.subi %add3A_351, %mul3A_377 : i32
        %iota3A_381 = tpu.iota {dimensions = array<i32: 0>} : vector<16xi32>
        %broadcast_in_dim3A_382 = vector.broadcast %sub3A_380 : i32 to vector<16xi32>
        %eq3A_383 = arith.cmpi eq, %iota3A_381, %broadcast_in_dim3A_382 : vector<16xi32>
        %jit3A_384 = arith.constant -1 : i32
        %broadcast_in_dim3A_385 = vector.broadcast %jit3A_384 : i32 to vector<16xi32>
        %select_n3A_386 = arith.select %eq3A_383, %get3A_379, %broadcast_in_dim3A_385 : vector<16xi1>, vector<16xi32>
        %reduce_max3A_387 = arith.constant true
        %reduce_max3A_388 = vector.broadcast %reduce_max3A_387 : i1 to vector<16xi1>
        %reduce_max3A_389 = arith.constant -2147483648 : i32
        %reduce_max3A_390 = vector.broadcast %reduce_max3A_389 : i32 to vector<16xi32>
        %reduce_max3A_391 = arith.xori %select_n3A_386, %reduce_max3A_390 : vector<16xi32>
        %reduce_max3A_392 = tpu.scan <max>, %reduce_max3A_391 masked %reduce_max3A_388 : vector<16xi32>, vector<16xi1> -> vector<16xi32>
        %reduce_max3A_393 = arith.xori %reduce_max3A_392, %reduce_max3A_390 : vector<16xi32>
        %reduce_max3A_394 = vector.extract %reduce_max3A_393[15] : i32 from vector<16xi32>
        %jit3A_395 = arith.constant 512 : i32
        %select_n3A_396 = arith.select %lt3A_349, %reduce_max3A_394, %jit3A_395 : i32
        %while3A_397 = arith.constant 0 : i32
        %while3A_398 = arith.subi %select_n3A_396, %reduce_max3A_346 : i32
        %while3A_399 = arith.addi %reduce_max3A_346, %while3A_398 : i32
        %while3A_400 = arith.constant 1 : i32
        %while3A_401 = arith.divsi %while3A_398, %while3A_400 : i32
        %while3A_402 = arith.muli %while3A_401, %while3A_400 : i32
        %while3A_403 = arith.addi %reduce_max3A_346, %while3A_402 : i32
        %while3A_404 = arith.constant 1 : i32
        %while3A_405 = scf.for %while3A_414 = %reduce_max3A_346 to %while3A_403 step %while3A_404 iter_args(%while3A_415 = %while3A_397) -> (i32)  : i32 {
          %jit3A_416 = arith.constant 16 : i32
          %div3A_417 = arith.divsi %while3A_414, %jit3A_416 : i32
          %sign3A_418 = arith.constant 0 : i32
          %sign3A_419 = arith.cmpi sgt, %while3A_414, %sign3A_418 : i32
          %sign3A_420 = arith.extui %sign3A_419 : i1 to i32
          %sign3A_421 = arith.constant 0 : i32
          %sign3A_422 = arith.cmpi slt, %while3A_414, %sign3A_421 : i32
          %sign3A_423 = arith.extui %sign3A_422 : i1 to i32
          %sign3A_424 = arith.subi %sign3A_420, %sign3A_423 : i32
          %sign3A_425 = arith.constant 0 : i32
          %sign3A_426 = arith.cmpi sgt, %jit3A_416, %sign3A_425 : i32
          %sign3A_427 = arith.extui %sign3A_426 : i1 to i32
          %sign3A_428 = arith.constant 0 : i32
          %sign3A_429 = arith.cmpi slt, %jit3A_416, %sign3A_428 : i32
          %sign3A_430 = arith.extui %sign3A_429 : i1 to i32
          %sign3A_431 = arith.subi %sign3A_427, %sign3A_430 : i32
          %ne3A_432 = arith.cmpi ne, %sign3A_424, %sign3A_431 : i32
          %rem3A_433 = arith.remsi %while3A_414, %jit3A_416 : i32
          %ne3A_434 = arith.constant 0 : i32
          %ne3A_435 = arith.cmpi ne, %rem3A_433, %ne3A_434 : i32
          %and3A_436 = arith.andi %ne3A_432, %ne3A_435 : i1
          %sub3A_437 = arith.constant 1 : i32
          %sub3A_438 = arith.subi %div3A_417, %sub3A_437 : i32
          %select_n3A_439 = arith.select %and3A_436, %sub3A_438, %div3A_417 : i32
          %mul3A_440 = arith.constant 16 : i32
          %mul3A_441 = arith.muli %select_n3A_439, %mul3A_440 : i32
          %get3A_442 = arith.index_cast %mul3A_441 : i32 to index
          %get3A_443 = tpu.vector_load %arg6[%get3A_442] {strides = array<i32>} : memref<512xi32, #tpu.memory_space<vmem>>, vector<16xi32>,
          %sub3A_444 = arith.subi %while3A_414, %mul3A_441 : i32
          %iota3A_445 = tpu.iota {dimensions = array<i32: 0>} : vector<16xi32>
          %broadcast_in_dim3A_446 = vector.broadcast %sub3A_444 : i32 to vector<16xi32>
          %eq3A_447 = arith.cmpi eq, %iota3A_445, %broadcast_in_dim3A_446 : vector<16xi32>
          %jit3A_448 = arith.constant -1 : i32
          %broadcast_in_dim3A_449 = vector.broadcast %jit3A_448 : i32 to vector<16xi32>
          %select_n3A_450 = arith.select %eq3A_447, %get3A_443, %broadcast_in_dim3A_449 : vector<16xi1>, vector<16xi32>
          %reduce_max3A_451 = arith.constant true
          %reduce_max3A_452 = vector.broadcast %reduce_max3A_451 : i1 to vector<16xi1>
          %reduce_max3A_453 = arith.constant -2147483648 : i32
          %reduce_max3A_454 = vector.broadcast %reduce_max3A_453 : i32 to vector<16xi32>
          %reduce_max3A_455 = arith.xori %select_n3A_450, %reduce_max3A_454 : vector<16xi32>
          %reduce_max3A_456 = tpu.scan <max>, %reduce_max3A_455 masked %reduce_max3A_452 : vector<16xi32>, vector<16xi1> -> vector<16xi32>
          %reduce_max3A_457 = arith.xori %reduce_max3A_456, %reduce_max3A_454 : vector<16xi32>
          %reduce_max3A_458 = vector.extract %reduce_max3A_457[15] : i32 from vector<16xi32>
          %and3A_459 = arith.constant 127 : i32
          %and3A_460 = arith.andi %reduce_max3A_458, %and3A_459 : i32
          %broadcast_in_dim3A_461 = vector.broadcast %and3A_460 : i32 to vector<16xi32>
          %add3A_462 = arith.constant 0 : i32
          %add3A_463 = vector.broadcast %add3A_462 : i32 to vector<16xi32>
          %add3A_464 = arith.addi %add3A_463, %iota3A : vector<16xi32>
          %gather3A = tpu.vector_load_idx %arg10[%add3A_464, %broadcast_in_dim3A_461] : memref<64x128xf32, #tpu.memory_space<vmem>>[vector<16xi32>, vector<16xi32>], vector<16xf32>,
          %swap3A = arith.index_cast %while3A_414 : i32 to index
          %swap3A_465 = arith.constant 0 : index
          %swap3A_466 = tpu.vector_load %arg16[%swap3A, %swap3A_465] {strides = array<i32>} : memref<512x128xf32, #tpu.memory_space<vmem>>, vector<16xf32>,
          tpu.vector_store %arg16[%swap3A, %swap3A_465], %gather3A {strides = array<i32>} : memref<512x128xf32, #tpu.memory_space<vmem>>, vector<16xf32>,
          %add3A_467 = arith.constant 16 : i32
          %add3A_468 = vector.broadcast %add3A_467 : i32 to vector<16xi32>
          %add3A_469 = arith.addi %add3A_468, %iota3A : vector<16xi32>
          %gather3A_470 = tpu.vector_load_idx %arg10[%add3A_469, %broadcast_in_dim3A_461] : memref<64x128xf32, #tpu.memory_space<vmem>>[vector<16xi32>, vector<16xi32>], vector<16xf32>,
          %swap3A_471 = arith.index_cast %while3A_414 : i32 to index
          %swap3A_472 = arith.constant 16 : index
          %swap3A_473 = tpu.vector_load %arg16[%swap3A_471, %swap3A_472] {strides = array<i32>} : memref<512x128xf32, #tpu.memory_space<vmem>>, vector<16xf32>,
          tpu.vector_store %arg16[%swap3A_471, %swap3A_472], %gather3A_470 {strides = array<i32>} : memref<512x128xf32, #tpu.memory_space<vmem>>, vector<16xf32>,
          %add3A_474 = arith.constant 32 : i32
          %add3A_475 = vector.broadcast %add3A_474 : i32 to vector<16xi32>
          %add3A_476 = arith.addi %add3A_475, %iota3A : vector<16xi32>
          %gather3A_477 = tpu.vector_load_idx %arg10[%add3A_476, %broadcast_in_dim3A_461] : memref<64x128xf32, #tpu.memory_space<vmem>>[vector<16xi32>, vector<16xi32>], vector<16xf32>,
          %swap3A_478 = arith.index_cast %while3A_414 : i32 to index
          %swap3A_479 = arith.constant 32 : index
          %swap3A_480 = tpu.vector_load %arg16[%swap3A_478, %swap3A_479] {strides = array<i32>} : memref<512x128xf32, #tpu.memory_space<vmem>>, vector<16xf32>,
          tpu.vector_store %arg16[%swap3A_478, %swap3A_479], %gather3A_477 {strides = array<i32>} : memref<512x128xf32, #tpu.memory_space<vmem>>, vector<16xf32>,
          %add3A_481 = arith.constant 48 : i32
          %add3A_482 = vector.broadcast %add3A_481 : i32 to vector<16xi32>
          %add3A_483 = arith.addi %add3A_482, %iota3A : vector<16xi32>
          %gather3A_484 = tpu.vector_load_idx %arg10[%add3A_483, %broadcast_in_dim3A_461] : memref<64x128xf32, #tpu.memory_space<vmem>>[vector<16xi32>, vector<16xi32>], vector<16xf32>,
          %swap3A_485 = arith.index_cast %while3A_414 : i32 to index
          %swap3A_486 = arith.constant 48 : index
          %swap3A_487 = tpu.vector_load %arg16[%swap3A_485, %swap3A_486] {strides = array<i32>} : memref<512x128xf32, #tpu.memory_space<vmem>>, vector<16xf32>,
          tpu.vector_store %arg16[%swap3A_485, %swap3A_486], %gather3A_484 {strides = array<i32>} : memref<512x128xf32, #tpu.memory_space<vmem>>, vector<16xf32>,
          %while3A_488 = arith.constant 0 : i32
          scf.yield %while3A_488 : i32
        }
        %while3A_406 = arith.constant 1 : i32
        %while3A_407 = scf.for %while3A_414 = %while3A_403 to %while3A_399 step %while3A_406 iter_args(%while3A_415 = %while3A_405) -> (i32)  : i32 {
          %jit3A_416 = arith.constant 16 : i32
          %div3A_417 = arith.divsi %while3A_414, %jit3A_416 : i32
          %sign3A_418 = arith.constant 0 : i32
          %sign3A_419 = arith.cmpi sgt, %while3A_414, %sign3A_418 : i32
          %sign3A_420 = arith.extui %sign3A_419 : i1 to i32
          %sign3A_421 = arith.constant 0 : i32
          %sign3A_422 = arith.cmpi slt, %while3A_414, %sign3A_421 : i32
          %sign3A_423 = arith.extui %sign3A_422 : i1 to i32
          %sign3A_424 = arith.subi %sign3A_420, %sign3A_423 : i32
          %sign3A_425 = arith.constant 0 : i32
          %sign3A_426 = arith.cmpi sgt, %jit3A_416, %sign3A_425 : i32
          %sign3A_427 = arith.extui %sign3A_426 : i1 to i32
          %sign3A_428 = arith.constant 0 : i32
          %sign3A_429 = arith.cmpi slt, %jit3A_416, %sign3A_428 : i32
          %sign3A_430 = arith.extui %sign3A_429 : i1 to i32
          %sign3A_431 = arith.subi %sign3A_427, %sign3A_430 : i32
          %ne3A_432 = arith.cmpi ne, %sign3A_424, %sign3A_431 : i32
          %rem3A_433 = arith.remsi %while3A_414, %jit3A_416 : i32
          %ne3A_434 = arith.constant 0 : i32
          %ne3A_435 = arith.cmpi ne, %rem3A_433, %ne3A_434 : i32
          %and3A_436 = arith.andi %ne3A_432, %ne3A_435 : i1
          %sub3A_437 = arith.constant 1 : i32
          %sub3A_438 = arith.subi %div3A_417, %sub3A_437 : i32
          %select_n3A_439 = arith.select %and3A_436, %sub3A_438, %div3A_417 : i32
          %mul3A_440 = arith.constant 16 : i32
          %mul3A_441 = arith.muli %select_n3A_439, %mul3A_440 : i32
          %get3A_442 = arith.index_cast %mul3A_441 : i32 to index
          %get3A_443 = tpu.vector_load %arg6[%get3A_442] {strides = array<i32>} : memref<512xi32, #tpu.memory_space<vmem>>, vector<16xi32>,
          %sub3A_444 = arith.subi %while3A_414, %mul3A_441 : i32
          %iota3A_445 = tpu.iota {dimensions = array<i32: 0>} : vector<16xi32>
          %broadcast_in_dim3A_446 = vector.broadcast %sub3A_444 : i32 to vector<16xi32>
          %eq3A_447 = arith.cmpi eq, %iota3A_445, %broadcast_in_dim3A_446 : vector<16xi32>
          %jit3A_448 = arith.constant -1 : i32
          %broadcast_in_dim3A_449 = vector.broadcast %jit3A_448 : i32 to vector<16xi32>
          %select_n3A_450 = arith.select %eq3A_447, %get3A_443, %broadcast_in_dim3A_449 : vector<16xi1>, vector<16xi32>
          %reduce_max3A_451 = arith.constant true
          %reduce_max3A_452 = vector.broadcast %reduce_max3A_451 : i1 to vector<16xi1>
          %reduce_max3A_453 = arith.constant -2147483648 : i32
          %reduce_max3A_454 = vector.broadcast %reduce_max3A_453 : i32 to vector<16xi32>
          %reduce_max3A_455 = arith.xori %select_n3A_450, %reduce_max3A_454 : vector<16xi32>
          %reduce_max3A_456 = tpu.scan <max>, %reduce_max3A_455 masked %reduce_max3A_452 : vector<16xi32>, vector<16xi1> -> vector<16xi32>
          %reduce_max3A_457 = arith.xori %reduce_max3A_456, %reduce_max3A_454 : vector<16xi32>
          %reduce_max3A_458 = vector.extract %reduce_max3A_457[15] : i32 from vector<16xi32>
          %and3A_459 = arith.constant 127 : i32
          %and3A_460 = arith.andi %reduce_max3A_458, %and3A_459 : i32
          %broadcast_in_dim3A_461 = vector.broadcast %and3A_460 : i32 to vector<16xi32>
          %add3A_462 = arith.constant 0 : i32
          %add3A_463 = vector.broadcast %add3A_462 : i32 to vector<16xi32>
          %add3A_464 = arith.addi %add3A_463, %iota3A : vector<16xi32>
          %gather3A = tpu.vector_load_idx %arg10[%add3A_464, %broadcast_in_dim3A_461] : memref<64x128xf32, #tpu.memory_space<vmem>>[vector<16xi32>, vector<16xi32>], vector<16xf32>,
          %swap3A = arith.index_cast %while3A_414 : i32 to index
          %swap3A_465 = arith.constant 0 : index
          %swap3A_466 = tpu.vector_load %arg16[%swap3A, %swap3A_465] {strides = array<i32>} : memref<512x128xf32, #tpu.memory_space<vmem>>, vector<16xf32>,
          tpu.vector_store %arg16[%swap3A, %swap3A_465], %gather3A {strides = array<i32>} : memref<512x128xf32, #tpu.memory_space<vmem>>, vector<16xf32>,
          %add3A_467 = arith.constant 16 : i32
          %add3A_468 = vector.broadcast %add3A_467 : i32 to vector<16xi32>
          %add3A_469 = arith.addi %add3A_468, %iota3A : vector<16xi32>
          %gather3A_470 = tpu.vector_load_idx %arg10[%add3A_469, %broadcast_in_dim3A_461] : memref<64x128xf32, #tpu.memory_space<vmem>>[vector<16xi32>, vector<16xi32>], vector<16xf32>,
          %swap3A_471 = arith.index_cast %while3A_414 : i32 to index
          %swap3A_472 = arith.constant 16 : index
          %swap3A_473 = tpu.vector_load %arg16[%swap3A_471, %swap3A_472] {strides = array<i32>} : memref<512x128xf32, #tpu.memory_space<vmem>>, vector<16xf32>,
          tpu.vector_store %arg16[%swap3A_471, %swap3A_472], %gather3A_470 {strides = array<i32>} : memref<512x128xf32, #tpu.memory_space<vmem>>, vector<16xf32>,
          %add3A_474 = arith.constant 32 : i32
          %add3A_475 = vector.broadcast %add3A_474 : i32 to vector<16xi32>
          %add3A_476 = arith.addi %add3A_475, %iota3A : vector<16xi32>
          %gather3A_477 = tpu.vector_load_idx %arg10[%add3A_476, %broadcast_in_dim3A_461] : memref<64x128xf32, #tpu.memory_space<vmem>>[vector<16xi32>, vector<16xi32>], vector<16xf32>,
          %swap3A_478 = arith.index_cast %while3A_414 : i32 to index
          %swap3A_479 = arith.constant 32 : index
          %swap3A_480 = tpu.vector_load %arg16[%swap3A_478, %swap3A_479] {strides = array<i32>} : memref<512x128xf32, #tpu.memory_space<vmem>>, vector<16xf32>,
          tpu.vector_store %arg16[%swap3A_478, %swap3A_479], %gather3A_477 {strides = array<i32>} : memref<512x128xf32, #tpu.memory_space<vmem>>, vector<16xf32>,
          %add3A_481 = arith.constant 48 : i32
          %add3A_482 = vector.broadcast %add3A_481 : i32 to vector<16xi32>
          %add3A_483 = arith.addi %add3A_482, %iota3A : vector<16xi32>
          %gather3A_484 = tpu.vector_load_idx %arg10[%add3A_483, %broadcast_in_dim3A_461] : memref<64x128xf32, #tpu.memory_space<vmem>>[vector<16xi32>, vector<16xi32>], vector<16xf32>,
          %swap3A_485 = arith.index_cast %while3A_414 : i32 to index
          %swap3A_486 = arith.constant 48 : index
          %swap3A_487 = tpu.vector_load %arg16[%swap3A_485, %swap3A_486] {strides = array<i32>} : memref<512x128xf32, #tpu.memory_space<vmem>>, vector<16xf32>,
          tpu.vector_store %arg16[%swap3A_485, %swap3A_486], %gather3A_484 {strides = array<i32>} : memref<512x128xf32, #tpu.memory_space<vmem>>, vector<16xf32>,
          %while3A_488 = arith.constant 0 : i32
          scf.yield %while3A_488 : i32
        }
        %add3A_408 = arith.constant 6 : i32
        %add3A_409 = arith.addi %while3A_127, %add3A_408 : i32
        %lt3A_410 = arith.cmpi slt, %add3A_409, %scan3A_9 : i32
        %convert_element_type3A_411 = arith.extui %lt3A_410 : i1 to i32
        %cond3A_412 = arith.constant 0 : i32
        %cond3A_413 = arith.cmpi ne, %convert_element_type3A_411, %cond3A_412 : i32
        scf.if %cond3A_413 {
          %jit3A_414 = arith.constant 16 : i32
          %div3A_415 = arith.divsi %add3A_409, %jit3A_414 : i32
          %sign3A_416 = arith.constant 0 : i32
          %sign3A_417 = arith.cmpi sgt, %add3A_409, %sign3A_416 : i32
          %sign3A_418 = arith.extui %sign3A_417 : i1 to i32
          %sign3A_419 = arith.constant 0 : i32
          %sign3A_420 = arith.cmpi slt, %add3A_409, %sign3A_419 : i32
          %sign3A_421 = arith.extui %sign3A_420 : i1 to i32
          %sign3A_422 = arith.subi %sign3A_418, %sign3A_421 : i32
          %sign3A_423 = arith.constant 0 : i32
          %sign3A_424 = arith.cmpi sgt, %jit3A_414, %sign3A_423 : i32
          %sign3A_425 = arith.extui %sign3A_424 : i1 to i32
          %sign3A_426 = arith.constant 0 : i32
          %sign3A_427 = arith.cmpi slt, %jit3A_414, %sign3A_426 : i32
          %sign3A_428 = arith.extui %sign3A_427 : i1 to i32
          %sign3A_429 = arith.subi %sign3A_425, %sign3A_428 : i32
          %ne3A_430 = arith.cmpi ne, %sign3A_422, %sign3A_429 : i32
          %rem3A_431 = arith.remsi %add3A_409, %jit3A_414 : i32
          %ne3A_432 = arith.constant 0 : i32
          %ne3A_433 = arith.cmpi ne, %rem3A_431, %ne3A_432 : i32
          %and3A_434 = arith.andi %ne3A_430, %ne3A_433 : i1
          %sub3A_435 = arith.constant 1 : i32
          %sub3A_436 = arith.subi %div3A_415, %sub3A_435 : i32
          %select_n3A_437 = arith.select %and3A_434, %sub3A_436, %div3A_415 : i32
          %mul3A_438 = arith.constant 16 : i32
          %mul3A_439 = arith.muli %select_n3A_437, %mul3A_438 : i32
          %get3A_440 = arith.index_cast %mul3A_439 : i32 to index
          %get3A_441 = tpu.vector_load %arg9[%get3A_440] {strides = array<i32>} : memref<528xi32, #tpu.memory_space<vmem>>, vector<16xi32>,
          %sub3A_442 = arith.subi %add3A_409, %mul3A_439 : i32
          %iota3A_443 = tpu.iota {dimensions = array<i32: 0>} : vector<16xi32>
          %broadcast_in_dim3A_444 = vector.broadcast %sub3A_442 : i32 to vector<16xi32>
          %eq3A_445 = arith.cmpi eq, %iota3A_443, %broadcast_in_dim3A_444 : vector<16xi32>
          %jit3A_446 = arith.constant -1 : i32
          %broadcast_in_dim3A_447 = vector.broadcast %jit3A_446 : i32 to vector<16xi32>
          %select_n3A_448 = arith.select %eq3A_445, %get3A_441, %broadcast_in_dim3A_447 : vector<16xi1>, vector<16xi32>
          %reduce_max3A_449 = arith.constant true
          %reduce_max3A_450 = vector.broadcast %reduce_max3A_449 : i1 to vector<16xi1>
          %reduce_max3A_451 = arith.constant -2147483648 : i32
          %reduce_max3A_452 = vector.broadcast %reduce_max3A_451 : i32 to vector<16xi32>
          %reduce_max3A_453 = arith.xori %select_n3A_448, %reduce_max3A_452 : vector<16xi32>
          %reduce_max3A_454 = tpu.scan <max>, %reduce_max3A_453 masked %reduce_max3A_450 : vector<16xi32>, vector<16xi1> -> vector<16xi32>
          %reduce_max3A_455 = arith.xori %reduce_max3A_454, %reduce_max3A_452 : vector<16xi32>
          %reduce_max3A_456 = vector.extract %reduce_max3A_455[15] : i32 from vector<16xi32>
          %mul3A_457 = arith.constant 128 : i32
          %mul3A_458 = arith.muli %reduce_max3A_456, %mul3A_457 : i32
          %multiple_of3A_459 = tpu.assume_multiple %mul3A_458, 128 : i32
          %dma_start3A_460 = arith.constant 0 : i32
          %dma_start3A_461 = tpu.memref_slice %arg2[%dma_start3A_460, %multiple_of3A_459] : memref<64x1000000xf32, #tpu.memory_space<hbm>> -> memref<64x128xf32, #tpu.memory_space<hbm>>
          %dma_start3A_462 = arith.constant 0 : i32
          %dma_start3A_463 = tpu.memref_slice %arg2[%dma_start3A_462, %multiple_of3A_459] : memref<64x1000000xf32, #tpu.memory_space<hbm>> -> memref<64x128xf32, #tpu.memory_space<hbm>>
          tpu.enqueue_dma source(%dma_start3A_463 : memref<64x128xf32, #tpu.memory_space<hbm>>) target(%arg10 : memref<64x128xf32, #tpu.memory_space<vmem>>) target_semaphore(%arg17 : memref<!tpu.dma_semaphore, #tpu.memory_space<semaphore_mem>>)
        } else {
        }
      } else {
      }
      %jit3A_145 = arith.constant 6 : i32
      %eq3A_146 = arith.constant 0 : i32
      %eq3A_147 = arith.cmpi eq, %jit3A_145, %eq3A_146 : i32
      %jit3A_148 = arith.constant 1 : i32
      %select_n3A_149 = arith.select %eq3A_147, %jit3A_148, %jit3A_145 : i32
      %rem3A_150 = arith.remsi %while3A_127, %select_n3A_149 : i32
      %ne3A_151 = arith.constant 0 : i32
      %ne3A_152 = arith.cmpi ne, %rem3A_150, %ne3A_151 : i32
      %lt3A_153 = arith.constant 0 : i32
      %lt3A_154 = arith.cmpi slt, %rem3A_150, %lt3A_153 : i32
      %lt3A_155 = arith.constant 0 : i32
      %lt3A_156 = arith.cmpi slt, %select_n3A_149, %lt3A_155 : i32
      %ne3A_157 = arith.xori %lt3A_154, %lt3A_156 : i1
      %and3A_158 = arith.andi %ne3A_157, %ne3A_152 : i1
      %add3A_159 = arith.addi %rem3A_150, %select_n3A_149 : i32
      %select_n3A_160 = arith.select %and3A_158, %add3A_159, %rem3A_150 : i32
      %eq3A_161 = arith.constant 1 : i32
      %eq3A_162 = arith.cmpi eq, %select_n3A_160, %eq3A_161 : i32
      %lt3A_163 = arith.cmpi slt, %while3A_127, %scan3A_9 : i32
      %and3A_164 = arith.andi %eq3A_162, %lt3A_163 : i1
      %convert_element_type3A_165 = arith.extui %and3A_164 : i1 to i32
      %cond3A_166 = arith.constant 0 : i32
      %cond3A_167 = arith.cmpi ne, %convert_element_type3A_165, %cond3A_166 : i32
      scf.if %cond3A_167 {
        %jit3A_261 = arith.constant 16 : i32
        %div3A = arith.divsi %while3A_127, %jit3A_261 : i32
        %sign3A = arith.constant 0 : i32
        %sign3A_262 = arith.cmpi sgt, %while3A_127, %sign3A : i32
        %sign3A_263 = arith.extui %sign3A_262 : i1 to i32
        %sign3A_264 = arith.constant 0 : i32
        %sign3A_265 = arith.cmpi slt, %while3A_127, %sign3A_264 : i32
        %sign3A_266 = arith.extui %sign3A_265 : i1 to i32
        %sign3A_267 = arith.subi %sign3A_263, %sign3A_266 : i32
        %sign3A_268 = arith.constant 0 : i32
        %sign3A_269 = arith.cmpi sgt, %jit3A_261, %sign3A_268 : i32
        %sign3A_270 = arith.extui %sign3A_269 : i1 to i32
        %sign3A_271 = arith.constant 0 : i32
        %sign3A_272 = arith.cmpi slt, %jit3A_261, %sign3A_271 : i32
        %sign3A_273 = arith.extui %sign3A_272 : i1 to i32
        %sign3A_274 = arith.subi %sign3A_270, %sign3A_273 : i32
        %ne3A_275 = arith.cmpi ne, %sign3A_267, %sign3A_274 : i32
        %rem3A_276 = arith.remsi %while3A_127, %jit3A_261 : i32
        %ne3A_277 = arith.constant 0 : i32
        %ne3A_278 = arith.cmpi ne, %rem3A_276, %ne3A_277 : i32
        %and3A_279 = arith.andi %ne3A_275, %ne3A_278 : i1
        %sub3A = arith.constant 1 : i32
        %sub3A_280 = arith.subi %div3A, %sub3A : i32
        %select_n3A_281 = arith.select %and3A_279, %sub3A_280, %div3A : i32
        %mul3A_282 = arith.constant 16 : i32
        %mul3A_283 = arith.muli %select_n3A_281, %mul3A_282 : i32
        %get3A = arith.index_cast %mul3A_283 : i32 to index
        %get3A_284 = tpu.vector_load %arg9[%get3A] {strides = array<i32>} : memref<528xi32, #tpu.memory_space<vmem>>, vector<16xi32>,
        %sub3A_285 = arith.subi %while3A_127, %mul3A_283 : i32
        %iota3A_286 = tpu.iota {dimensions = array<i32: 0>} : vector<16xi32>
        %broadcast_in_dim3A = vector.broadcast %sub3A_285 : i32 to vector<16xi32>
        %eq3A_287 = arith.cmpi eq, %iota3A_286, %broadcast_in_dim3A : vector<16xi32>
        %jit3A_288 = arith.constant -1 : i32
        %broadcast_in_dim3A_289 = vector.broadcast %jit3A_288 : i32 to vector<16xi32>
        %select_n3A_290 = arith.select %eq3A_287, %get3A_284, %broadcast_in_dim3A_289 : vector<16xi1>, vector<16xi32>
        %reduce_max3A = arith.constant true
        %reduce_max3A_291 = vector.broadcast %reduce_max3A : i1 to vector<16xi1>
        %reduce_max3A_292 = arith.constant -2147483648 : i32
        %reduce_max3A_293 = vector.broadcast %reduce_max3A_292 : i32 to vector<16xi32>
        %reduce_max3A_294 = arith.xori %select_n3A_290, %reduce_max3A_293 : vector<16xi32>
        %reduce_max3A_295 = tpu.scan <max>, %reduce_max3A_294 masked %reduce_max3A_291 : vector<16xi32>, vector<16xi1> -> vector<16xi32>
        %reduce_max3A_296 = arith.xori %reduce_max3A_295, %reduce_max3A_293 : vector<16xi32>
        %reduce_max3A_297 = vector.extract %reduce_max3A_296[15] : i32 from vector<16xi32>
        %mul3A_298 = arith.constant 128 : i32
        %mul3A_299 = arith.muli %reduce_max3A_297, %mul3A_298 : i32
        %multiple_of3A = tpu.assume_multiple %mul3A_299, 128 : i32
        %dma_wait3A_300 = arith.constant 0 : i32
        %dma_wait3A_301 = tpu.memref_slice %arg2[%dma_wait3A_300, %multiple_of3A] : memref<64x1000000xf32, #tpu.memory_space<hbm>> -> memref<64x128xf32, #tpu.memory_space<hbm>>
        %dma_wait3A_302 = arith.constant 0 : i32
        %dma_wait3A_303 = tpu.memref_slice %arg2[%dma_wait3A_302, %multiple_of3A] : memref<64x1000000xf32, #tpu.memory_space<hbm>> -> memref<64x128xf32, #tpu.memory_space<hbm>>
        tpu.wait_dma2 semaphore(%arg18 : memref<!tpu.dma_semaphore, #tpu.memory_space<semaphore_mem>>) src(%dma_wait3A_303 : memref<64x128xf32, #tpu.memory_space<hbm>>) dst(%arg11 : memref<64x128xf32, #tpu.memory_space<vmem>>)
        %jit3A_304 = arith.constant 16 : i32
        %div3A_305 = arith.divsi %while3A_127, %jit3A_304 : i32
        %sign3A_306 = arith.constant 0 : i32
        %sign3A_307 = arith.cmpi sgt, %while3A_127, %sign3A_306 : i32
        %sign3A_308 = arith.extui %sign3A_307 : i1 to i32
        %sign3A_309 = arith.constant 0 : i32
        %sign3A_310 = arith.cmpi slt, %while3A_127, %sign3A_309 : i32
        %sign3A_311 = arith.extui %sign3A_310 : i1 to i32
        %sign3A_312 = arith.subi %sign3A_308, %sign3A_311 : i32
        %sign3A_313 = arith.constant 0 : i32
        %sign3A_314 = arith.cmpi sgt, %jit3A_304, %sign3A_313 : i32
        %sign3A_315 = arith.extui %sign3A_314 : i1 to i32
        %sign3A_316 = arith.constant 0 : i32
        %sign3A_317 = arith.cmpi slt, %jit3A_304, %sign3A_316 : i32
        %sign3A_318 = arith.extui %sign3A_317 : i1 to i32
        %sign3A_319 = arith.subi %sign3A_315, %sign3A_318 : i32
        %ne3A_320 = arith.cmpi ne, %sign3A_312, %sign3A_319 : i32
        %rem3A_321 = arith.remsi %while3A_127, %jit3A_304 : i32
        %ne3A_322 = arith.constant 0 : i32
        %ne3A_323 = arith.cmpi ne, %rem3A_321, %ne3A_322 : i32
        %and3A_324 = arith.andi %ne3A_320, %ne3A_323 : i1
        %sub3A_325 = arith.constant 1 : i32
        %sub3A_326 = arith.subi %div3A_305, %sub3A_325 : i32
        %select_n3A_327 = arith.select %and3A_324, %sub3A_326, %div3A_305 : i32
        %mul3A_328 = arith.constant 16 : i32
        %mul3A_329 = arith.muli %select_n3A_327, %mul3A_328 : i32
        %get3A_330 = arith.index_cast %mul3A_329 : i32 to index
        %get3A_331 = tpu.vector_load %arg8[%get3A_330] {strides = array<i32>} : memref<528xi32, #tpu.memory_space<vmem>>, vector<16xi32>,
        %sub3A_332 = arith.subi %while3A_127, %mul3A_329 : i32
        %iota3A_333 = tpu.iota {dimensions = array<i32: 0>} : vector<16xi32>
        %broadcast_in_dim3A_334 = vector.broadcast %sub3A_332 : i32 to vector<16xi32>
        %eq3A_335 = arith.cmpi eq, %iota3A_333, %broadcast_in_dim3A_334 : vector<16xi32>
        %jit3A_336 = arith.constant -1 : i32
        %broadcast_in_dim3A_337 = vector.broadcast %jit3A_336 : i32 to vector<16xi32>
        %select_n3A_338 = arith.select %eq3A_335, %get3A_331, %broadcast_in_dim3A_337 : vector<16xi1>, vector<16xi32>
        %reduce_max3A_339 = arith.constant true
        %reduce_max3A_340 = vector.broadcast %reduce_max3A_339 : i1 to vector<16xi1>
        %reduce_max3A_341 = arith.constant -2147483648 : i32
        %reduce_max3A_342 = vector.broadcast %reduce_max3A_341 : i32 to vector<16xi32>
        %reduce_max3A_343 = arith.xori %select_n3A_338, %reduce_max3A_342 : vector<16xi32>
        %reduce_max3A_344 = tpu.scan <max>, %reduce_max3A_343 masked %reduce_max3A_340 : vector<16xi32>, vector<16xi1> -> vector<16xi32>
        %reduce_max3A_345 = arith.xori %reduce_max3A_344, %reduce_max3A_342 : vector<16xi32>
        %reduce_max3A_346 = vector.extract %reduce_max3A_345[15] : i32 from vector<16xi32>
        %add3A_347 = arith.constant 1 : i32
        %add3A_348 = arith.addi %while3A_127, %add3A_347 : i32
        %lt3A_349 = arith.cmpi slt, %add3A_348, %scan3A_9 : i32
        %add3A_350 = arith.constant 1 : i32
        %add3A_351 = arith.addi %while3A_127, %add3A_350 : i32
        %jit3A_352 = arith.constant 16 : i32
        %div3A_353 = arith.divsi %add3A_351, %jit3A_352 : i32
        %sign3A_354 = arith.constant 0 : i32
        %sign3A_355 = arith.cmpi sgt, %add3A_351, %sign3A_354 : i32
        %sign3A_356 = arith.extui %sign3A_355 : i1 to i32
        %sign3A_357 = arith.constant 0 : i32
        %sign3A_358 = arith.cmpi slt, %add3A_351, %sign3A_357 : i32
        %sign3A_359 = arith.extui %sign3A_358 : i1 to i32
        %sign3A_360 = arith.subi %sign3A_356, %sign3A_359 : i32
        %sign3A_361 = arith.constant 0 : i32
        %sign3A_362 = arith.cmpi sgt, %jit3A_352, %sign3A_361 : i32
        %sign3A_363 = arith.extui %sign3A_362 : i1 to i32
        %sign3A_364 = arith.constant 0 : i32
        %sign3A_365 = arith.cmpi slt, %jit3A_352, %sign3A_364 : i32
        %sign3A_366 = arith.extui %sign3A_365 : i1 to i32
        %sign3A_367 = arith.subi %sign3A_363, %sign3A_366 : i32
        %ne3A_368 = arith.cmpi ne, %sign3A_360, %sign3A_367 : i32
        %rem3A_369 = arith.remsi %add3A_351, %jit3A_352 : i32
        %ne3A_370 = arith.constant 0 : i32
        %ne3A_371 = arith.cmpi ne, %rem3A_369, %ne3A_370 : i32
        %and3A_372 = arith.andi %ne3A_368, %ne3A_371 : i1
        %sub3A_373 = arith.constant 1 : i32
        %sub3A_374 = arith.subi %div3A_353, %sub3A_373 : i32
        %select_n3A_375 = arith.select %and3A_372, %sub3A_374, %div3A_353 : i32
        %mul3A_376 = arith.constant 16 : i32
        %mul3A_377 = arith.muli %select_n3A_375, %mul3A_376 : i32
        %get3A_378 = arith.index_cast %mul3A_377 : i32 to index
        %get3A_379 = tpu.vector_load %arg8[%get3A_378] {strides = array<i32>} : memref<528xi32, #tpu.memory_space<vmem>>, vector<16xi32>,
        %sub3A_380 = arith.subi %add3A_351, %mul3A_377 : i32
        %iota3A_381 = tpu.iota {dimensions = array<i32: 0>} : vector<16xi32>
        %broadcast_in_dim3A_382 = vector.broadcast %sub3A_380 : i32 to vector<16xi32>
        %eq3A_383 = arith.cmpi eq, %iota3A_381, %broadcast_in_dim3A_382 : vector<16xi32>
        %jit3A_384 = arith.constant -1 : i32
        %broadcast_in_dim3A_385 = vector.broadcast %jit3A_384 : i32 to vector<16xi32>
        %select_n3A_386 = arith.select %eq3A_383, %get3A_379, %broadcast_in_dim3A_385 : vector<16xi1>, vector<16xi32>
        %reduce_max3A_387 = arith.constant true
        %reduce_max3A_388 = vector.broadcast %reduce_max3A_387 : i1 to vector<16xi1>
        %reduce_max3A_389 = arith.constant -2147483648 : i32
        %reduce_max3A_390 = vector.broadcast %reduce_max3A_389 : i32 to vector<16xi32>
        %reduce_max3A_391 = arith.xori %select_n3A_386, %reduce_max3A_390 : vector<16xi32>
        %reduce_max3A_392 = tpu.scan <max>, %reduce_max3A_391 masked %reduce_max3A_388 : vector<16xi32>, vector<16xi1> -> vector<16xi32>
        %reduce_max3A_393 = arith.xori %reduce_max3A_392, %reduce_max3A_390 : vector<16xi32>
        %reduce_max3A_394 = vector.extract %reduce_max3A_393[15] : i32 from vector<16xi32>
        %jit3A_395 = arith.constant 512 : i32
        %select_n3A_396 = arith.select %lt3A_349, %reduce_max3A_394, %jit3A_395 : i32
        %while3A_397 = arith.constant 0 : i32
        %while3A_398 = arith.subi %select_n3A_396, %reduce_max3A_346 : i32
        %while3A_399 = arith.addi %reduce_max3A_346, %while3A_398 : i32
        %while3A_400 = arith.constant 1 : i32
        %while3A_401 = arith.divsi %while3A_398, %while3A_400 : i32
        %while3A_402 = arith.muli %while3A_401, %while3A_400 : i32
        %while3A_403 = arith.addi %reduce_max3A_346, %while3A_402 : i32
        %while3A_404 = arith.constant 1 : i32
        %while3A_405 = scf.for %while3A_414 = %reduce_max3A_346 to %while3A_403 step %while3A_404 iter_args(%while3A_415 = %while3A_397) -> (i32)  : i32 {
          %jit3A_416 = arith.constant 16 : i32
          %div3A_417 = arith.divsi %while3A_414, %jit3A_416 : i32
          %sign3A_418 = arith.constant 0 : i32
          %sign3A_419 = arith.cmpi sgt, %while3A_414, %sign3A_418 : i32
          %sign3A_420 = arith.extui %sign3A_419 : i1 to i32
          %sign3A_421 = arith.constant 0 : i32
          %sign3A_422 = arith.cmpi slt, %while3A_414, %sign3A_421 : i32
          %sign3A_423 = arith.extui %sign3A_422 : i1 to i32
          %sign3A_424 = arith.subi %sign3A_420, %sign3A_423 : i32
          %sign3A_425 = arith.constant 0 : i32
          %sign3A_426 = arith.cmpi sgt, %jit3A_416, %sign3A_425 : i32
          %sign3A_427 = arith.extui %sign3A_426 : i1 to i32
          %sign3A_428 = arith.constant 0 : i32
          %sign3A_429 = arith.cmpi slt, %jit3A_416, %sign3A_428 : i32
          %sign3A_430 = arith.extui %sign3A_429 : i1 to i32
          %sign3A_431 = arith.subi %sign3A_427, %sign3A_430 : i32
          %ne3A_432 = arith.cmpi ne, %sign3A_424, %sign3A_431 : i32
          %rem3A_433 = arith.remsi %while3A_414, %jit3A_416 : i32
          %ne3A_434 = arith.constant 0 : i32
          %ne3A_435 = arith.cmpi ne, %rem3A_433, %ne3A_434 : i32
          %and3A_436 = arith.andi %ne3A_432, %ne3A_435 : i1
          %sub3A_437 = arith.constant 1 : i32
          %sub3A_438 = arith.subi %div3A_417, %sub3A_437 : i32
          %select_n3A_439 = arith.select %and3A_436, %sub3A_438, %div3A_417 : i32
          %mul3A_440 = arith.constant 16 : i32
          %mul3A_441 = arith.muli %select_n3A_439, %mul3A_440 : i32
          %get3A_442 = arith.index_cast %mul3A_441 : i32 to index
          %get3A_443 = tpu.vector_load %arg6[%get3A_442] {strides = array<i32>} : memref<512xi32, #tpu.memory_space<vmem>>, vector<16xi32>,
          %sub3A_444 = arith.subi %while3A_414, %mul3A_441 : i32
          %iota3A_445 = tpu.iota {dimensions = array<i32: 0>} : vector<16xi32>
          %broadcast_in_dim3A_446 = vector.broadcast %sub3A_444 : i32 to vector<16xi32>
          %eq3A_447 = arith.cmpi eq, %iota3A_445, %broadcast_in_dim3A_446 : vector<16xi32>
          %jit3A_448 = arith.constant -1 : i32
          %broadcast_in_dim3A_449 = vector.broadcast %jit3A_448 : i32 to vector<16xi32>
          %select_n3A_450 = arith.select %eq3A_447, %get3A_443, %broadcast_in_dim3A_449 : vector<16xi1>, vector<16xi32>
          %reduce_max3A_451 = arith.constant true
          %reduce_max3A_452 = vector.broadcast %reduce_max3A_451 : i1 to vector<16xi1>
          %reduce_max3A_453 = arith.constant -2147483648 : i32
          %reduce_max3A_454 = vector.broadcast %reduce_max3A_453 : i32 to vector<16xi32>
          %reduce_max3A_455 = arith.xori %select_n3A_450, %reduce_max3A_454 : vector<16xi32>
          %reduce_max3A_456 = tpu.scan <max>, %reduce_max3A_455 masked %reduce_max3A_452 : vector<16xi32>, vector<16xi1> -> vector<16xi32>
          %reduce_max3A_457 = arith.xori %reduce_max3A_456, %reduce_max3A_454 : vector<16xi32>
          %reduce_max3A_458 = vector.extract %reduce_max3A_457[15] : i32 from vector<16xi32>
          %and3A_459 = arith.constant 127 : i32
          %and3A_460 = arith.andi %reduce_max3A_458, %and3A_459 : i32
          %broadcast_in_dim3A_461 = vector.broadcast %and3A_460 : i32 to vector<16xi32>
          %add3A_462 = arith.constant 0 : i32
          %add3A_463 = vector.broadcast %add3A_462 : i32 to vector<16xi32>
          %add3A_464 = arith.addi %add3A_463, %iota3A : vector<16xi32>
          %gather3A = tpu.vector_load_idx %arg11[%add3A_464, %broadcast_in_dim3A_461] : memref<64x128xf32, #tpu.memory_space<vmem>>[vector<16xi32>, vector<16xi32>], vector<16xf32>,
          %swap3A = arith.index_cast %while3A_414 : i32 to index
          %swap3A_465 = arith.constant 0 : index
          %swap3A_466 = tpu.vector_load %arg16[%swap3A, %swap3A_465] {strides = array<i32>} : memref<512x128xf32, #tpu.memory_space<vmem>>, vector<16xf32>,
          tpu.vector_store %arg16[%swap3A, %swap3A_465], %gather3A {strides = array<i32>} : memref<512x128xf32, #tpu.memory_space<vmem>>, vector<16xf32>,
          %add3A_467 = arith.constant 16 : i32
          %add3A_468 = vector.broadcast %add3A_467 : i32 to vector<16xi32>
          %add3A_469 = arith.addi %add3A_468, %iota3A : vector<16xi32>
          %gather3A_470 = tpu.vector_load_idx %arg11[%add3A_469, %broadcast_in_dim3A_461] : memref<64x128xf32, #tpu.memory_space<vmem>>[vector<16xi32>, vector<16xi32>], vector<16xf32>,
          %swap3A_471 = arith.index_cast %while3A_414 : i32 to index
          %swap3A_472 = arith.constant 16 : index
          %swap3A_473 = tpu.vector_load %arg16[%swap3A_471, %swap3A_472] {strides = array<i32>} : memref<512x128xf32, #tpu.memory_space<vmem>>, vector<16xf32>,
          tpu.vector_store %arg16[%swap3A_471, %swap3A_472], %gather3A_470 {strides = array<i32>} : memref<512x128xf32, #tpu.memory_space<vmem>>, vector<16xf32>,
          %add3A_474 = arith.constant 32 : i32
          %add3A_475 = vector.broadcast %add3A_474 : i32 to vector<16xi32>
          %add3A_476 = arith.addi %add3A_475, %iota3A : vector<16xi32>
          %gather3A_477 = tpu.vector_load_idx %arg11[%add3A_476, %broadcast_in_dim3A_461] : memref<64x128xf32, #tpu.memory_space<vmem>>[vector<16xi32>, vector<16xi32>], vector<16xf32>,
          %swap3A_478 = arith.index_cast %while3A_414 : i32 to index
          %swap3A_479 = arith.constant 32 : index
          %swap3A_480 = tpu.vector_load %arg16[%swap3A_478, %swap3A_479] {strides = array<i32>} : memref<512x128xf32, #tpu.memory_space<vmem>>, vector<16xf32>,
          tpu.vector_store %arg16[%swap3A_478, %swap3A_479], %gather3A_477 {strides = array<i32>} : memref<512x128xf32, #tpu.memory_space<vmem>>, vector<16xf32>,
          %add3A_481 = arith.constant 48 : i32
          %add3A_482 = vector.broadcast %add3A_481 : i32 to vector<16xi32>
          %add3A_483 = arith.addi %add3A_482, %iota3A : vector<16xi32>
          %gather3A_484 = tpu.vector_load_idx %arg11[%add3A_483, %broadcast_in_dim3A_461] : memref<64x128xf32, #tpu.memory_space<vmem>>[vector<16xi32>, vector<16xi32>], vector<16xf32>,
          %swap3A_485 = arith.index_cast %while3A_414 : i32 to index
          %swap3A_486 = arith.constant 48 : index
          %swap3A_487 = tpu.vector_load %arg16[%swap3A_485, %swap3A_486] {strides = array<i32>} : memref<512x128xf32, #tpu.memory_space<vmem>>, vector<16xf32>,
          tpu.vector_store %arg16[%swap3A_485, %swap3A_486], %gather3A_484 {strides = array<i32>} : memref<512x128xf32, #tpu.memory_space<vmem>>, vector<16xf32>,
          %while3A_488 = arith.constant 0 : i32
          scf.yield %while3A_488 : i32
        }
        %while3A_406 = arith.constant 1 : i32
        %while3A_407 = scf.for %while3A_414 = %while3A_403 to %while3A_399 step %while3A_406 iter_args(%while3A_415 = %while3A_405) -> (i32)  : i32 {
          %jit3A_416 = arith.constant 16 : i32
          %div3A_417 = arith.divsi %while3A_414, %jit3A_416 : i32
          %sign3A_418 = arith.constant 0 : i32
          %sign3A_419 = arith.cmpi sgt, %while3A_414, %sign3A_418 : i32
          %sign3A_420 = arith.extui %sign3A_419 : i1 to i32
          %sign3A_421 = arith.constant 0 : i32
          %sign3A_422 = arith.cmpi slt, %while3A_414, %sign3A_421 : i32
          %sign3A_423 = arith.extui %sign3A_422 : i1 to i32
          %sign3A_424 = arith.subi %sign3A_420, %sign3A_423 : i32
          %sign3A_425 = arith.constant 0 : i32
          %sign3A_426 = arith.cmpi sgt, %jit3A_416, %sign3A_425 : i32
          %sign3A_427 = arith.extui %sign3A_426 : i1 to i32
          %sign3A_428 = arith.constant 0 : i32
          %sign3A_429 = arith.cmpi slt, %jit3A_416, %sign3A_428 : i32
          %sign3A_430 = arith.extui %sign3A_429 : i1 to i32
          %sign3A_431 = arith.subi %sign3A_427, %sign3A_430 : i32
          %ne3A_432 = arith.cmpi ne, %sign3A_424, %sign3A_431 : i32
          %rem3A_433 = arith.remsi %while3A_414, %jit3A_416 : i32
          %ne3A_434 = arith.constant 0 : i32
          %ne3A_435 = arith.cmpi ne, %rem3A_433, %ne3A_434 : i32
          %and3A_436 = arith.andi %ne3A_432, %ne3A_435 : i1
          %sub3A_437 = arith.constant 1 : i32
          %sub3A_438 = arith.subi %div3A_417, %sub3A_437 : i32
          %select_n3A_439 = arith.select %and3A_436, %sub3A_438, %div3A_417 : i32
          %mul3A_440 = arith.constant 16 : i32
          %mul3A_441 = arith.muli %select_n3A_439, %mul3A_440 : i32
          %get3A_442 = arith.index_cast %mul3A_441 : i32 to index
          %get3A_443 = tpu.vector_load %arg6[%get3A_442] {strides = array<i32>} : memref<512xi32, #tpu.memory_space<vmem>>, vector<16xi32>,
          %sub3A_444 = arith.subi %while3A_414, %mul3A_441 : i32
          %iota3A_445 = tpu.iota {dimensions = array<i32: 0>} : vector<16xi32>
          %broadcast_in_dim3A_446 = vector.broadcast %sub3A_444 : i32 to vector<16xi32>
          %eq3A_447 = arith.cmpi eq, %iota3A_445, %broadcast_in_dim3A_446 : vector<16xi32>
          %jit3A_448 = arith.constant -1 : i32
          %broadcast_in_dim3A_449 = vector.broadcast %jit3A_448 : i32 to vector<16xi32>
          %select_n3A_450 = arith.select %eq3A_447, %get3A_443, %broadcast_in_dim3A_449 : vector<16xi1>, vector<16xi32>
          %reduce_max3A_451 = arith.constant true
          %reduce_max3A_452 = vector.broadcast %reduce_max3A_451 : i1 to vector<16xi1>
          %reduce_max3A_453 = arith.constant -2147483648 : i32
          %reduce_max3A_454 = vector.broadcast %reduce_max3A_453 : i32 to vector<16xi32>
          %reduce_max3A_455 = arith.xori %select_n3A_450, %reduce_max3A_454 : vector<16xi32>
          %reduce_max3A_456 = tpu.scan <max>, %reduce_max3A_455 masked %reduce_max3A_452 : vector<16xi32>, vector<16xi1> -> vector<16xi32>
          %reduce_max3A_457 = arith.xori %reduce_max3A_456, %reduce_max3A_454 : vector<16xi32>
          %reduce_max3A_458 = vector.extract %reduce_max3A_457[15] : i32 from vector<16xi32>
          %and3A_459 = arith.constant 127 : i32
          %and3A_460 = arith.andi %reduce_max3A_458, %and3A_459 : i32
          %broadcast_in_dim3A_461 = vector.broadcast %and3A_460 : i32 to vector<16xi32>
          %add3A_462 = arith.constant 0 : i32
          %add3A_463 = vector.broadcast %add3A_462 : i32 to vector<16xi32>
          %add3A_464 = arith.addi %add3A_463, %iota3A : vector<16xi32>
          %gather3A = tpu.vector_load_idx %arg11[%add3A_464, %broadcast_in_dim3A_461] : memref<64x128xf32, #tpu.memory_space<vmem>>[vector<16xi32>, vector<16xi32>], vector<16xf32>,
          %swap3A = arith.index_cast %while3A_414 : i32 to index
          %swap3A_465 = arith.constant 0 : index
          %swap3A_466 = tpu.vector_load %arg16[%swap3A, %swap3A_465] {strides = array<i32>} : memref<512x128xf32, #tpu.memory_space<vmem>>, vector<16xf32>,
          tpu.vector_store %arg16[%swap3A, %swap3A_465], %gather3A {strides = array<i32>} : memref<512x128xf32, #tpu.memory_space<vmem>>, vector<16xf32>,
          %add3A_467 = arith.constant 16 : i32
          %add3A_468 = vector.broadcast %add3A_467 : i32 to vector<16xi32>
          %add3A_469 = arith.addi %add3A_468, %iota3A : vector<16xi32>
          %gather3A_470 = tpu.vector_load_idx %arg11[%add3A_469, %broadcast_in_dim3A_461] : memref<64x128xf32, #tpu.memory_space<vmem>>[vector<16xi32>, vector<16xi32>], vector<16xf32>,
          %swap3A_471 = arith.index_cast %while3A_414 : i32 to index
          %swap3A_472 = arith.constant 16 : index
          %swap3A_473 = tpu.vector_load %arg16[%swap3A_471, %swap3A_472] {strides = array<i32>} : memref<512x128xf32, #tpu.memory_space<vmem>>, vector<16xf32>,
          tpu.vector_store %arg16[%swap3A_471, %swap3A_472], %gather3A_470 {strides = array<i32>} : memref<512x128xf32, #tpu.memory_space<vmem>>, vector<16xf32>,
          %add3A_474 = arith.constant 32 : i32
          %add3A_475 = vector.broadcast %add3A_474 : i32 to vector<16xi32>
          %add3A_476 = arith.addi %add3A_475, %iota3A : vector<16xi32>
          %gather3A_477 = tpu.vector_load_idx %arg11[%add3A_476, %broadcast_in_dim3A_461] : memref<64x128xf32, #tpu.memory_space<vmem>>[vector<16xi32>, vector<16xi32>], vector<16xf32>,
          %swap3A_478 = arith.index_cast %while3A_414 : i32 to index
          %swap3A_479 = arith.constant 32 : index
          %swap3A_480 = tpu.vector_load %arg16[%swap3A_478, %swap3A_479] {strides = array<i32>} : memref<512x128xf32, #tpu.memory_space<vmem>>, vector<16xf32>,
          tpu.vector_store %arg16[%swap3A_478, %swap3A_479], %gather3A_477 {strides = array<i32>} : memref<512x128xf32, #tpu.memory_space<vmem>>, vector<16xf32>,
          %add3A_481 = arith.constant 48 : i32
          %add3A_482 = vector.broadcast %add3A_481 : i32 to vector<16xi32>
          %add3A_483 = arith.addi %add3A_482, %iota3A : vector<16xi32>
          %gather3A_484 = tpu.vector_load_idx %arg11[%add3A_483, %broadcast_in_dim3A_461] : memref<64x128xf32, #tpu.memory_space<vmem>>[vector<16xi32>, vector<16xi32>], vector<16xf32>,
          %swap3A_485 = arith.index_cast %while3A_414 : i32 to index
          %swap3A_486 = arith.constant 48 : index
          %swap3A_487 = tpu.vector_load %arg16[%swap3A_485, %swap3A_486] {strides = array<i32>} : memref<512x128xf32, #tpu.memory_space<vmem>>, vector<16xf32>,
          tpu.vector_store %arg16[%swap3A_485, %swap3A_486], %gather3A_484 {strides = array<i32>} : memref<512x128xf32, #tpu.memory_space<vmem>>, vector<16xf32>,
          %while3A_488 = arith.constant 0 : i32
          scf.yield %while3A_488 : i32
        }
        %add3A_408 = arith.constant 6 : i32
        %add3A_409 = arith.addi %while3A_127, %add3A_408 : i32
        %lt3A_410 = arith.cmpi slt, %add3A_409, %scan3A_9 : i32
        %convert_element_type3A_411 = arith.extui %lt3A_410 : i1 to i32
        %cond3A_412 = arith.constant 0 : i32
        %cond3A_413 = arith.cmpi ne, %convert_element_type3A_411, %cond3A_412 : i32
        scf.if %cond3A_413 {
          %jit3A_414 = arith.constant 16 : i32
          %div3A_415 = arith.divsi %add3A_409, %jit3A_414 : i32
          %sign3A_416 = arith.constant 0 : i32
          %sign3A_417 = arith.cmpi sgt, %add3A_409, %sign3A_416 : i32
          %sign3A_418 = arith.extui %sign3A_417 : i1 to i32
          %sign3A_419 = arith.constant 0 : i32
          %sign3A_420 = arith.cmpi slt, %add3A_409, %sign3A_419 : i32
          %sign3A_421 = arith.extui %sign3A_420 : i1 to i32
          %sign3A_422 = arith.subi %sign3A_418, %sign3A_421 : i32
          %sign3A_423 = arith.constant 0 : i32
          %sign3A_424 = arith.cmpi sgt, %jit3A_414, %sign3A_423 : i32
          %sign3A_425 = arith.extui %sign3A_424 : i1 to i32
          %sign3A_426 = arith.constant 0 : i32
          %sign3A_427 = arith.cmpi slt, %jit3A_414, %sign3A_426 : i32
          %sign3A_428 = arith.extui %sign3A_427 : i1 to i32
          %sign3A_429 = arith.subi %sign3A_425, %sign3A_428 : i32
          %ne3A_430 = arith.cmpi ne, %sign3A_422, %sign3A_429 : i32
          %rem3A_431 = arith.remsi %add3A_409, %jit3A_414 : i32
          %ne3A_432 = arith.constant 0 : i32
          %ne3A_433 = arith.cmpi ne, %rem3A_431, %ne3A_432 : i32
          %and3A_434 = arith.andi %ne3A_430, %ne3A_433 : i1
          %sub3A_435 = arith.constant 1 : i32
          %sub3A_436 = arith.subi %div3A_415, %sub3A_435 : i32
          %select_n3A_437 = arith.select %and3A_434, %sub3A_436, %div3A_415 : i32
          %mul3A_438 = arith.constant 16 : i32
          %mul3A_439 = arith.muli %select_n3A_437, %mul3A_438 : i32
          %get3A_440 = arith.index_cast %mul3A_439 : i32 to index
          %get3A_441 = tpu.vector_load %arg9[%get3A_440] {strides = array<i32>} : memref<528xi32, #tpu.memory_space<vmem>>, vector<16xi32>,
          %sub3A_442 = arith.subi %add3A_409, %mul3A_439 : i32
          %iota3A_443 = tpu.iota {dimensions = array<i32: 0>} : vector<16xi32>
          %broadcast_in_dim3A_444 = vector.broadcast %sub3A_442 : i32 to vector<16xi32>
          %eq3A_445 = arith.cmpi eq, %iota3A_443, %broadcast_in_dim3A_444 : vector<16xi32>
          %jit3A_446 = arith.constant -1 : i32
          %broadcast_in_dim3A_447 = vector.broadcast %jit3A_446 : i32 to vector<16xi32>
          %select_n3A_448 = arith.select %eq3A_445, %get3A_441, %broadcast_in_dim3A_447 : vector<16xi1>, vector<16xi32>
          %reduce_max3A_449 = arith.constant true
          %reduce_max3A_450 = vector.broadcast %reduce_max3A_449 : i1 to vector<16xi1>
          %reduce_max3A_451 = arith.constant -2147483648 : i32
          %reduce_max3A_452 = vector.broadcast %reduce_max3A_451 : i32 to vector<16xi32>
          %reduce_max3A_453 = arith.xori %select_n3A_448, %reduce_max3A_452 : vector<16xi32>
          %reduce_max3A_454 = tpu.scan <max>, %reduce_max3A_453 masked %reduce_max3A_450 : vector<16xi32>, vector<16xi1> -> vector<16xi32>
          %reduce_max3A_455 = arith.xori %reduce_max3A_454, %reduce_max3A_452 : vector<16xi32>
          %reduce_max3A_456 = vector.extract %reduce_max3A_455[15] : i32 from vector<16xi32>
          %mul3A_457 = arith.constant 128 : i32
          %mul3A_458 = arith.muli %reduce_max3A_456, %mul3A_457 : i32
          %multiple_of3A_459 = tpu.assume_multiple %mul3A_458, 128 : i32
          %dma_start3A_460 = arith.constant 0 : i32
          %dma_start3A_461 = tpu.memref_slice %arg2[%dma_start3A_460, %multiple_of3A_459] : memref<64x1000000xf32, #tpu.memory_space<hbm>> -> memref<64x128xf32, #tpu.memory_space<hbm>>
          %dma_start3A_462 = arith.constant 0 : i32
          %dma_start3A_463 = tpu.memref_slice %arg2[%dma_start3A_462, %multiple_of3A_459] : memref<64x1000000xf32, #tpu.memory_space<hbm>> -> memref<64x128xf32, #tpu.memory_space<hbm>>
          tpu.enqueue_dma source(%dma_start3A_463 : memref<64x128xf32, #tpu.memory_space<hbm>>) target(%arg11 : memref<64x128xf32, #tpu.memory_space<vmem>>) target_semaphore(%arg18 : memref<!tpu.dma_semaphore, #tpu.memory_space<semaphore_mem>>)
        } else {
        }
      } else {
      }
      %jit3A_168 = arith.constant 6 : i32
      %eq3A_169 = arith.constant 0 : i32
      %eq3A_170 = arith.cmpi eq, %jit3A_168, %eq3A_169 : i32
      %jit3A_171 = arith.constant 1 : i32
      %select_n3A_172 = arith.select %eq3A_170, %jit3A_171, %jit3A_168 : i32
      %rem3A_173 = arith.remsi %while3A_127, %select_n3A_172 : i32
      %ne3A_174 = arith.constant 0 : i32
      %ne3A_175 = arith.cmpi ne, %rem3A_173, %ne3A_174 : i32
      %lt3A_176 = arith.constant 0 : i32
      %lt3A_177 = arith.cmpi slt, %rem3A_173, %lt3A_176 : i32
      %lt3A_178 = arith.constant 0 : i32
      %lt3A_179 = arith.cmpi slt, %select_n3A_172, %lt3A_178 : i32
      %ne3A_180 = arith.xori %lt3A_177, %lt3A_179 : i1
      %and3A_181 = arith.andi %ne3A_180, %ne3A_175 : i1
      %add3A_182 = arith.addi %rem3A_173, %select_n3A_172 : i32
      %select_n3A_183 = arith.select %and3A_181, %add3A_182, %rem3A_173 : i32
      %eq3A_184 = arith.constant 2 : i32
      %eq3A_185 = arith.cmpi eq, %select_n3A_183, %eq3A_184 : i32
      %lt3A_186 = arith.cmpi slt, %while3A_127, %scan3A_9 : i32
      %and3A_187 = arith.andi %eq3A_185, %lt3A_186 : i1
      %convert_element_type3A_188 = arith.extui %and3A_187 : i1 to i32
      %cond3A_189 = arith.constant 0 : i32
      %cond3A_190 = arith.cmpi ne, %convert_element_type3A_188, %cond3A_189 : i32
      scf.if %cond3A_190 {
        %jit3A_261 = arith.constant 16 : i32
        %div3A = arith.divsi %while3A_127, %jit3A_261 : i32
        %sign3A = arith.constant 0 : i32
        %sign3A_262 = arith.cmpi sgt, %while3A_127, %sign3A : i32
        %sign3A_263 = arith.extui %sign3A_262 : i1 to i32
        %sign3A_264 = arith.constant 0 : i32
        %sign3A_265 = arith.cmpi slt, %while3A_127, %sign3A_264 : i32
        %sign3A_266 = arith.extui %sign3A_265 : i1 to i32
        %sign3A_267 = arith.subi %sign3A_263, %sign3A_266 : i32
        %sign3A_268 = arith.constant 0 : i32
        %sign3A_269 = arith.cmpi sgt, %jit3A_261, %sign3A_268 : i32
        %sign3A_270 = arith.extui %sign3A_269 : i1 to i32
        %sign3A_271 = arith.constant 0 : i32
        %sign3A_272 = arith.cmpi slt, %jit3A_261, %sign3A_271 : i32
        %sign3A_273 = arith.extui %sign3A_272 : i1 to i32
        %sign3A_274 = arith.subi %sign3A_270, %sign3A_273 : i32
        %ne3A_275 = arith.cmpi ne, %sign3A_267, %sign3A_274 : i32
        %rem3A_276 = arith.remsi %while3A_127, %jit3A_261 : i32
        %ne3A_277 = arith.constant 0 : i32
        %ne3A_278 = arith.cmpi ne, %rem3A_276, %ne3A_277 : i32
        %and3A_279 = arith.andi %ne3A_275, %ne3A_278 : i1
        %sub3A = arith.constant 1 : i32
        %sub3A_280 = arith.subi %div3A, %sub3A : i32
        %select_n3A_281 = arith.select %and3A_279, %sub3A_280, %div3A : i32
        %mul3A_282 = arith.constant 16 : i32
        %mul3A_283 = arith.muli %select_n3A_281, %mul3A_282 : i32
        %get3A = arith.index_cast %mul3A_283 : i32 to index
        %get3A_284 = tpu.vector_load %arg9[%get3A] {strides = array<i32>} : memref<528xi32, #tpu.memory_space<vmem>>, vector<16xi32>,
        %sub3A_285 = arith.subi %while3A_127, %mul3A_283 : i32
        %iota3A_286 = tpu.iota {dimensions = array<i32: 0>} : vector<16xi32>
        %broadcast_in_dim3A = vector.broadcast %sub3A_285 : i32 to vector<16xi32>
        %eq3A_287 = arith.cmpi eq, %iota3A_286, %broadcast_in_dim3A : vector<16xi32>
        %jit3A_288 = arith.constant -1 : i32
        %broadcast_in_dim3A_289 = vector.broadcast %jit3A_288 : i32 to vector<16xi32>
        %select_n3A_290 = arith.select %eq3A_287, %get3A_284, %broadcast_in_dim3A_289 : vector<16xi1>, vector<16xi32>
        %reduce_max3A = arith.constant true
        %reduce_max3A_291 = vector.broadcast %reduce_max3A : i1 to vector<16xi1>
        %reduce_max3A_292 = arith.constant -2147483648 : i32
        %reduce_max3A_293 = vector.broadcast %reduce_max3A_292 : i32 to vector<16xi32>
        %reduce_max3A_294 = arith.xori %select_n3A_290, %reduce_max3A_293 : vector<16xi32>
        %reduce_max3A_295 = tpu.scan <max>, %reduce_max3A_294 masked %reduce_max3A_291 : vector<16xi32>, vector<16xi1> -> vector<16xi32>
        %reduce_max3A_296 = arith.xori %reduce_max3A_295, %reduce_max3A_293 : vector<16xi32>
        %reduce_max3A_297 = vector.extract %reduce_max3A_296[15] : i32 from vector<16xi32>
        %mul3A_298 = arith.constant 128 : i32
        %mul3A_299 = arith.muli %reduce_max3A_297, %mul3A_298 : i32
        %multiple_of3A = tpu.assume_multiple %mul3A_299, 128 : i32
        %dma_wait3A_300 = arith.constant 0 : i32
        %dma_wait3A_301 = tpu.memref_slice %arg2[%dma_wait3A_300, %multiple_of3A] : memref<64x1000000xf32, #tpu.memory_space<hbm>> -> memref<64x128xf32, #tpu.memory_space<hbm>>
        %dma_wait3A_302 = arith.constant 0 : i32
        %dma_wait3A_303 = tpu.memref_slice %arg2[%dma_wait3A_302, %multiple_of3A] : memref<64x1000000xf32, #tpu.memory_space<hbm>> -> memref<64x128xf32, #tpu.memory_space<hbm>>
        tpu.wait_dma2 semaphore(%arg19 : memref<!tpu.dma_semaphore, #tpu.memory_space<semaphore_mem>>) src(%dma_wait3A_303 : memref<64x128xf32, #tpu.memory_space<hbm>>) dst(%arg12 : memref<64x128xf32, #tpu.memory_space<vmem>>)
        %jit3A_304 = arith.constant 16 : i32
        %div3A_305 = arith.divsi %while3A_127, %jit3A_304 : i32
        %sign3A_306 = arith.constant 0 : i32
        %sign3A_307 = arith.cmpi sgt, %while3A_127, %sign3A_306 : i32
        %sign3A_308 = arith.extui %sign3A_307 : i1 to i32
        %sign3A_309 = arith.constant 0 : i32
        %sign3A_310 = arith.cmpi slt, %while3A_127, %sign3A_309 : i32
        %sign3A_311 = arith.extui %sign3A_310 : i1 to i32
        %sign3A_312 = arith.subi %sign3A_308, %sign3A_311 : i32
        %sign3A_313 = arith.constant 0 : i32
        %sign3A_314 = arith.cmpi sgt, %jit3A_304, %sign3A_313 : i32
        %sign3A_315 = arith.extui %sign3A_314 : i1 to i32
        %sign3A_316 = arith.constant 0 : i32
        %sign3A_317 = arith.cmpi slt, %jit3A_304, %sign3A_316 : i32
        %sign3A_318 = arith.extui %sign3A_317 : i1 to i32
        %sign3A_319 = arith.subi %sign3A_315, %sign3A_318 : i32
        %ne3A_320 = arith.cmpi ne, %sign3A_312, %sign3A_319 : i32
        %rem3A_321 = arith.remsi %while3A_127, %jit3A_304 : i32
        %ne3A_322 = arith.constant 0 : i32
        %ne3A_323 = arith.cmpi ne, %rem3A_321, %ne3A_322 : i32
        %and3A_324 = arith.andi %ne3A_320, %ne3A_323 : i1
        %sub3A_325 = arith.constant 1 : i32
        %sub3A_326 = arith.subi %div3A_305, %sub3A_325 : i32
        %select_n3A_327 = arith.select %and3A_324, %sub3A_326, %div3A_305 : i32
        %mul3A_328 = arith.constant 16 : i32
        %mul3A_329 = arith.muli %select_n3A_327, %mul3A_328 : i32
        %get3A_330 = arith.index_cast %mul3A_329 : i32 to index
        %get3A_331 = tpu.vector_load %arg8[%get3A_330] {strides = array<i32>} : memref<528xi32, #tpu.memory_space<vmem>>, vector<16xi32>,
        %sub3A_332 = arith.subi %while3A_127, %mul3A_329 : i32
        %iota3A_333 = tpu.iota {dimensions = array<i32: 0>} : vector<16xi32>
        %broadcast_in_dim3A_334 = vector.broadcast %sub3A_332 : i32 to vector<16xi32>
        %eq3A_335 = arith.cmpi eq, %iota3A_333, %broadcast_in_dim3A_334 : vector<16xi32>
        %jit3A_336 = arith.constant -1 : i32
        %broadcast_in_dim3A_337 = vector.broadcast %jit3A_336 : i32 to vector<16xi32>
        %select_n3A_338 = arith.select %eq3A_335, %get3A_331, %broadcast_in_dim3A_337 : vector<16xi1>, vector<16xi32>
        %reduce_max3A_339 = arith.constant true
        %reduce_max3A_340 = vector.broadcast %reduce_max3A_339 : i1 to vector<16xi1>
        %reduce_max3A_341 = arith.constant -2147483648 : i32
        %reduce_max3A_342 = vector.broadcast %reduce_max3A_341 : i32 to vector<16xi32>
        %reduce_max3A_343 = arith.xori %select_n3A_338, %reduce_max3A_342 : vector<16xi32>
        %reduce_max3A_344 = tpu.scan <max>, %reduce_max3A_343 masked %reduce_max3A_340 : vector<16xi32>, vector<16xi1> -> vector<16xi32>
        %reduce_max3A_345 = arith.xori %reduce_max3A_344, %reduce_max3A_342 : vector<16xi32>
        %reduce_max3A_346 = vector.extract %reduce_max3A_345[15] : i32 from vector<16xi32>
        %add3A_347 = arith.constant 1 : i32
        %add3A_348 = arith.addi %while3A_127, %add3A_347 : i32
        %lt3A_349 = arith.cmpi slt, %add3A_348, %scan3A_9 : i32
        %add3A_350 = arith.constant 1 : i32
        %add3A_351 = arith.addi %while3A_127, %add3A_350 : i32
        %jit3A_352 = arith.constant 16 : i32
        %div3A_353 = arith.divsi %add3A_351, %jit3A_352 : i32
        %sign3A_354 = arith.constant 0 : i32
        %sign3A_355 = arith.cmpi sgt, %add3A_351, %sign3A_354 : i32
        %sign3A_356 = arith.extui %sign3A_355 : i1 to i32
        %sign3A_357 = arith.constant 0 : i32
        %sign3A_358 = arith.cmpi slt, %add3A_351, %sign3A_357 : i32
        %sign3A_359 = arith.extui %sign3A_358 : i1 to i32
        %sign3A_360 = arith.subi %sign3A_356, %sign3A_359 : i32
        %sign3A_361 = arith.constant 0 : i32
        %sign3A_362 = arith.cmpi sgt, %jit3A_352, %sign3A_361 : i32
        %sign3A_363 = arith.extui %sign3A_362 : i1 to i32
        %sign3A_364 = arith.constant 0 : i32
        %sign3A_365 = arith.cmpi slt, %jit3A_352, %sign3A_364 : i32
        %sign3A_366 = arith.extui %sign3A_365 : i1 to i32
        %sign3A_367 = arith.subi %sign3A_363, %sign3A_366 : i32
        %ne3A_368 = arith.cmpi ne, %sign3A_360, %sign3A_367 : i32
        %rem3A_369 = arith.remsi %add3A_351, %jit3A_352 : i32
        %ne3A_370 = arith.constant 0 : i32
        %ne3A_371 = arith.cmpi ne, %rem3A_369, %ne3A_370 : i32
        %and3A_372 = arith.andi %ne3A_368, %ne3A_371 : i1
        %sub3A_373 = arith.constant 1 : i32
        %sub3A_374 = arith.subi %div3A_353, %sub3A_373 : i32
        %select_n3A_375 = arith.select %and3A_372, %sub3A_374, %div3A_353 : i32
        %mul3A_376 = arith.constant 16 : i32
        %mul3A_377 = arith.muli %select_n3A_375, %mul3A_376 : i32
        %get3A_378 = arith.index_cast %mul3A_377 : i32 to index
        %get3A_379 = tpu.vector_load %arg8[%get3A_378] {strides = array<i32>} : memref<528xi32, #tpu.memory_space<vmem>>, vector<16xi32>,
        %sub3A_380 = arith.subi %add3A_351, %mul3A_377 : i32
        %iota3A_381 = tpu.iota {dimensions = array<i32: 0>} : vector<16xi32>
        %broadcast_in_dim3A_382 = vector.broadcast %sub3A_380 : i32 to vector<16xi32>
        %eq3A_383 = arith.cmpi eq, %iota3A_381, %broadcast_in_dim3A_382 : vector<16xi32>
        %jit3A_384 = arith.constant -1 : i32
        %broadcast_in_dim3A_385 = vector.broadcast %jit3A_384 : i32 to vector<16xi32>
        %select_n3A_386 = arith.select %eq3A_383, %get3A_379, %broadcast_in_dim3A_385 : vector<16xi1>, vector<16xi32>
        %reduce_max3A_387 = arith.constant true
        %reduce_max3A_388 = vector.broadcast %reduce_max3A_387 : i1 to vector<16xi1>
        %reduce_max3A_389 = arith.constant -2147483648 : i32
        %reduce_max3A_390 = vector.broadcast %reduce_max3A_389 : i32 to vector<16xi32>
        %reduce_max3A_391 = arith.xori %select_n3A_386, %reduce_max3A_390 : vector<16xi32>
        %reduce_max3A_392 = tpu.scan <max>, %reduce_max3A_391 masked %reduce_max3A_388 : vector<16xi32>, vector<16xi1> -> vector<16xi32>
        %reduce_max3A_393 = arith.xori %reduce_max3A_392, %reduce_max3A_390 : vector<16xi32>
        %reduce_max3A_394 = vector.extract %reduce_max3A_393[15] : i32 from vector<16xi32>
        %jit3A_395 = arith.constant 512 : i32
        %select_n3A_396 = arith.select %lt3A_349, %reduce_max3A_394, %jit3A_395 : i32
        %while3A_397 = arith.constant 0 : i32
        %while3A_398 = arith.subi %select_n3A_396, %reduce_max3A_346 : i32
        %while3A_399 = arith.addi %reduce_max3A_346, %while3A_398 : i32
        %while3A_400 = arith.constant 1 : i32
        %while3A_401 = arith.divsi %while3A_398, %while3A_400 : i32
        %while3A_402 = arith.muli %while3A_401, %while3A_400 : i32
        %while3A_403 = arith.addi %reduce_max3A_346, %while3A_402 : i32
        %while3A_404 = arith.constant 1 : i32
        %while3A_405 = scf.for %while3A_414 = %reduce_max3A_346 to %while3A_403 step %while3A_404 iter_args(%while3A_415 = %while3A_397) -> (i32)  : i32 {
          %jit3A_416 = arith.constant 16 : i32
          %div3A_417 = arith.divsi %while3A_414, %jit3A_416 : i32
          %sign3A_418 = arith.constant 0 : i32
          %sign3A_419 = arith.cmpi sgt, %while3A_414, %sign3A_418 : i32
          %sign3A_420 = arith.extui %sign3A_419 : i1 to i32
          %sign3A_421 = arith.constant 0 : i32
          %sign3A_422 = arith.cmpi slt, %while3A_414, %sign3A_421 : i32
          %sign3A_423 = arith.extui %sign3A_422 : i1 to i32
          %sign3A_424 = arith.subi %sign3A_420, %sign3A_423 : i32
          %sign3A_425 = arith.constant 0 : i32
          %sign3A_426 = arith.cmpi sgt, %jit3A_416, %sign3A_425 : i32
          %sign3A_427 = arith.extui %sign3A_426 : i1 to i32
          %sign3A_428 = arith.constant 0 : i32
          %sign3A_429 = arith.cmpi slt, %jit3A_416, %sign3A_428 : i32
          %sign3A_430 = arith.extui %sign3A_429 : i1 to i32
          %sign3A_431 = arith.subi %sign3A_427, %sign3A_430 : i32
          %ne3A_432 = arith.cmpi ne, %sign3A_424, %sign3A_431 : i32
          %rem3A_433 = arith.remsi %while3A_414, %jit3A_416 : i32
          %ne3A_434 = arith.constant 0 : i32
          %ne3A_435 = arith.cmpi ne, %rem3A_433, %ne3A_434 : i32
          %and3A_436 = arith.andi %ne3A_432, %ne3A_435 : i1
          %sub3A_437 = arith.constant 1 : i32
          %sub3A_438 = arith.subi %div3A_417, %sub3A_437 : i32
          %select_n3A_439 = arith.select %and3A_436, %sub3A_438, %div3A_417 : i32
          %mul3A_440 = arith.constant 16 : i32
          %mul3A_441 = arith.muli %select_n3A_439, %mul3A_440 : i32
          %get3A_442 = arith.index_cast %mul3A_441 : i32 to index
          %get3A_443 = tpu.vector_load %arg6[%get3A_442] {strides = array<i32>} : memref<512xi32, #tpu.memory_space<vmem>>, vector<16xi32>,
          %sub3A_444 = arith.subi %while3A_414, %mul3A_441 : i32
          %iota3A_445 = tpu.iota {dimensions = array<i32: 0>} : vector<16xi32>
          %broadcast_in_dim3A_446 = vector.broadcast %sub3A_444 : i32 to vector<16xi32>
          %eq3A_447 = arith.cmpi eq, %iota3A_445, %broadcast_in_dim3A_446 : vector<16xi32>
          %jit3A_448 = arith.constant -1 : i32
          %broadcast_in_dim3A_449 = vector.broadcast %jit3A_448 : i32 to vector<16xi32>
          %select_n3A_450 = arith.select %eq3A_447, %get3A_443, %broadcast_in_dim3A_449 : vector<16xi1>, vector<16xi32>
          %reduce_max3A_451 = arith.constant true
          %reduce_max3A_452 = vector.broadcast %reduce_max3A_451 : i1 to vector<16xi1>
          %reduce_max3A_453 = arith.constant -2147483648 : i32
          %reduce_max3A_454 = vector.broadcast %reduce_max3A_453 : i32 to vector<16xi32>
          %reduce_max3A_455 = arith.xori %select_n3A_450, %reduce_max3A_454 : vector<16xi32>
          %reduce_max3A_456 = tpu.scan <max>, %reduce_max3A_455 masked %reduce_max3A_452 : vector<16xi32>, vector<16xi1> -> vector<16xi32>
          %reduce_max3A_457 = arith.xori %reduce_max3A_456, %reduce_max3A_454 : vector<16xi32>
          %reduce_max3A_458 = vector.extract %reduce_max3A_457[15] : i32 from vector<16xi32>
          %and3A_459 = arith.constant 127 : i32
          %and3A_460 = arith.andi %reduce_max3A_458, %and3A_459 : i32
          %broadcast_in_dim3A_461 = vector.broadcast %and3A_460 : i32 to vector<16xi32>
          %add3A_462 = arith.constant 0 : i32
          %add3A_463 = vector.broadcast %add3A_462 : i32 to vector<16xi32>
          %add3A_464 = arith.addi %add3A_463, %iota3A : vector<16xi32>
          %gather3A = tpu.vector_load_idx %arg12[%add3A_464, %broadcast_in_dim3A_461] : memref<64x128xf32, #tpu.memory_space<vmem>>[vector<16xi32>, vector<16xi32>], vector<16xf32>,
          %swap3A = arith.index_cast %while3A_414 : i32 to index
          %swap3A_465 = arith.constant 0 : index
          %swap3A_466 = tpu.vector_load %arg16[%swap3A, %swap3A_465] {strides = array<i32>} : memref<512x128xf32, #tpu.memory_space<vmem>>, vector<16xf32>,
          tpu.vector_store %arg16[%swap3A, %swap3A_465], %gather3A {strides = array<i32>} : memref<512x128xf32, #tpu.memory_space<vmem>>, vector<16xf32>,
          %add3A_467 = arith.constant 16 : i32
          %add3A_468 = vector.broadcast %add3A_467 : i32 to vector<16xi32>
          %add3A_469 = arith.addi %add3A_468, %iota3A : vector<16xi32>
          %gather3A_470 = tpu.vector_load_idx %arg12[%add3A_469, %broadcast_in_dim3A_461] : memref<64x128xf32, #tpu.memory_space<vmem>>[vector<16xi32>, vector<16xi32>], vector<16xf32>,
          %swap3A_471 = arith.index_cast %while3A_414 : i32 to index
          %swap3A_472 = arith.constant 16 : index
          %swap3A_473 = tpu.vector_load %arg16[%swap3A_471, %swap3A_472] {strides = array<i32>} : memref<512x128xf32, #tpu.memory_space<vmem>>, vector<16xf32>,
          tpu.vector_store %arg16[%swap3A_471, %swap3A_472], %gather3A_470 {strides = array<i32>} : memref<512x128xf32, #tpu.memory_space<vmem>>, vector<16xf32>,
          %add3A_474 = arith.constant 32 : i32
          %add3A_475 = vector.broadcast %add3A_474 : i32 to vector<16xi32>
          %add3A_476 = arith.addi %add3A_475, %iota3A : vector<16xi32>
          %gather3A_477 = tpu.vector_load_idx %arg12[%add3A_476, %broadcast_in_dim3A_461] : memref<64x128xf32, #tpu.memory_space<vmem>>[vector<16xi32>, vector<16xi32>], vector<16xf32>,
          %swap3A_478 = arith.index_cast %while3A_414 : i32 to index
          %swap3A_479 = arith.constant 32 : index
          %swap3A_480 = tpu.vector_load %arg16[%swap3A_478, %swap3A_479] {strides = array<i32>} : memref<512x128xf32, #tpu.memory_space<vmem>>, vector<16xf32>,
          tpu.vector_store %arg16[%swap3A_478, %swap3A_479], %gather3A_477 {strides = array<i32>} : memref<512x128xf32, #tpu.memory_space<vmem>>, vector<16xf32>,
          %add3A_481 = arith.constant 48 : i32
          %add3A_482 = vector.broadcast %add3A_481 : i32 to vector<16xi32>
          %add3A_483 = arith.addi %add3A_482, %iota3A : vector<16xi32>
          %gather3A_484 = tpu.vector_load_idx %arg12[%add3A_483, %broadcast_in_dim3A_461] : memref<64x128xf32, #tpu.memory_space<vmem>>[vector<16xi32>, vector<16xi32>], vector<16xf32>,
          %swap3A_485 = arith.index_cast %while3A_414 : i32 to index
          %swap3A_486 = arith.constant 48 : index
          %swap3A_487 = tpu.vector_load %arg16[%swap3A_485, %swap3A_486] {strides = array<i32>} : memref<512x128xf32, #tpu.memory_space<vmem>>, vector<16xf32>,
          tpu.vector_store %arg16[%swap3A_485, %swap3A_486], %gather3A_484 {strides = array<i32>} : memref<512x128xf32, #tpu.memory_space<vmem>>, vector<16xf32>,
          %while3A_488 = arith.constant 0 : i32
          scf.yield %while3A_488 : i32
        }
        %while3A_406 = arith.constant 1 : i32
        %while3A_407 = scf.for %while3A_414 = %while3A_403 to %while3A_399 step %while3A_406 iter_args(%while3A_415 = %while3A_405) -> (i32)  : i32 {
          %jit3A_416 = arith.constant 16 : i32
          %div3A_417 = arith.divsi %while3A_414, %jit3A_416 : i32
          %sign3A_418 = arith.constant 0 : i32
          %sign3A_419 = arith.cmpi sgt, %while3A_414, %sign3A_418 : i32
          %sign3A_420 = arith.extui %sign3A_419 : i1 to i32
          %sign3A_421 = arith.constant 0 : i32
          %sign3A_422 = arith.cmpi slt, %while3A_414, %sign3A_421 : i32
          %sign3A_423 = arith.extui %sign3A_422 : i1 to i32
          %sign3A_424 = arith.subi %sign3A_420, %sign3A_423 : i32
          %sign3A_425 = arith.constant 0 : i32
          %sign3A_426 = arith.cmpi sgt, %jit3A_416, %sign3A_425 : i32
          %sign3A_427 = arith.extui %sign3A_426 : i1 to i32
          %sign3A_428 = arith.constant 0 : i32
          %sign3A_429 = arith.cmpi slt, %jit3A_416, %sign3A_428 : i32
          %sign3A_430 = arith.extui %sign3A_429 : i1 to i32
          %sign3A_431 = arith.subi %sign3A_427, %sign3A_430 : i32
          %ne3A_432 = arith.cmpi ne, %sign3A_424, %sign3A_431 : i32
          %rem3A_433 = arith.remsi %while3A_414, %jit3A_416 : i32
          %ne3A_434 = arith.constant 0 : i32
          %ne3A_435 = arith.cmpi ne, %rem3A_433, %ne3A_434 : i32
          %and3A_436 = arith.andi %ne3A_432, %ne3A_435 : i1
          %sub3A_437 = arith.constant 1 : i32
          %sub3A_438 = arith.subi %div3A_417, %sub3A_437 : i32
          %select_n3A_439 = arith.select %and3A_436, %sub3A_438, %div3A_417 : i32
          %mul3A_440 = arith.constant 16 : i32
          %mul3A_441 = arith.muli %select_n3A_439, %mul3A_440 : i32
          %get3A_442 = arith.index_cast %mul3A_441 : i32 to index
          %get3A_443 = tpu.vector_load %arg6[%get3A_442] {strides = array<i32>} : memref<512xi32, #tpu.memory_space<vmem>>, vector<16xi32>,
          %sub3A_444 = arith.subi %while3A_414, %mul3A_441 : i32
          %iota3A_445 = tpu.iota {dimensions = array<i32: 0>} : vector<16xi32>
          %broadcast_in_dim3A_446 = vector.broadcast %sub3A_444 : i32 to vector<16xi32>
          %eq3A_447 = arith.cmpi eq, %iota3A_445, %broadcast_in_dim3A_446 : vector<16xi32>
          %jit3A_448 = arith.constant -1 : i32
          %broadcast_in_dim3A_449 = vector.broadcast %jit3A_448 : i32 to vector<16xi32>
          %select_n3A_450 = arith.select %eq3A_447, %get3A_443, %broadcast_in_dim3A_449 : vector<16xi1>, vector<16xi32>
          %reduce_max3A_451 = arith.constant true
          %reduce_max3A_452 = vector.broadcast %reduce_max3A_451 : i1 to vector<16xi1>
          %reduce_max3A_453 = arith.constant -2147483648 : i32
          %reduce_max3A_454 = vector.broadcast %reduce_max3A_453 : i32 to vector<16xi32>
          %reduce_max3A_455 = arith.xori %select_n3A_450, %reduce_max3A_454 : vector<16xi32>
          %reduce_max3A_456 = tpu.scan <max>, %reduce_max3A_455 masked %reduce_max3A_452 : vector<16xi32>, vector<16xi1> -> vector<16xi32>
          %reduce_max3A_457 = arith.xori %reduce_max3A_456, %reduce_max3A_454 : vector<16xi32>
          %reduce_max3A_458 = vector.extract %reduce_max3A_457[15] : i32 from vector<16xi32>
          %and3A_459 = arith.constant 127 : i32
          %and3A_460 = arith.andi %reduce_max3A_458, %and3A_459 : i32
          %broadcast_in_dim3A_461 = vector.broadcast %and3A_460 : i32 to vector<16xi32>
          %add3A_462 = arith.constant 0 : i32
          %add3A_463 = vector.broadcast %add3A_462 : i32 to vector<16xi32>
          %add3A_464 = arith.addi %add3A_463, %iota3A : vector<16xi32>
          %gather3A = tpu.vector_load_idx %arg12[%add3A_464, %broadcast_in_dim3A_461] : memref<64x128xf32, #tpu.memory_space<vmem>>[vector<16xi32>, vector<16xi32>], vector<16xf32>,
          %swap3A = arith.index_cast %while3A_414 : i32 to index
          %swap3A_465 = arith.constant 0 : index
          %swap3A_466 = tpu.vector_load %arg16[%swap3A, %swap3A_465] {strides = array<i32>} : memref<512x128xf32, #tpu.memory_space<vmem>>, vector<16xf32>,
          tpu.vector_store %arg16[%swap3A, %swap3A_465], %gather3A {strides = array<i32>} : memref<512x128xf32, #tpu.memory_space<vmem>>, vector<16xf32>,
          %add3A_467 = arith.constant 16 : i32
          %add3A_468 = vector.broadcast %add3A_467 : i32 to vector<16xi32>
          %add3A_469 = arith.addi %add3A_468, %iota3A : vector<16xi32>
          %gather3A_470 = tpu.vector_load_idx %arg12[%add3A_469, %broadcast_in_dim3A_461] : memref<64x128xf32, #tpu.memory_space<vmem>>[vector<16xi32>, vector<16xi32>], vector<16xf32>,
          %swap3A_471 = arith.index_cast %while3A_414 : i32 to index
          %swap3A_472 = arith.constant 16 : index
          %swap3A_473 = tpu.vector_load %arg16[%swap3A_471, %swap3A_472] {strides = array<i32>} : memref<512x128xf32, #tpu.memory_space<vmem>>, vector<16xf32>,
          tpu.vector_store %arg16[%swap3A_471, %swap3A_472], %gather3A_470 {strides = array<i32>} : memref<512x128xf32, #tpu.memory_space<vmem>>, vector<16xf32>,
          %add3A_474 = arith.constant 32 : i32
          %add3A_475 = vector.broadcast %add3A_474 : i32 to vector<16xi32>
          %add3A_476 = arith.addi %add3A_475, %iota3A : vector<16xi32>
          %gather3A_477 = tpu.vector_load_idx %arg12[%add3A_476, %broadcast_in_dim3A_461] : memref<64x128xf32, #tpu.memory_space<vmem>>[vector<16xi32>, vector<16xi32>], vector<16xf32>,
          %swap3A_478 = arith.index_cast %while3A_414 : i32 to index
          %swap3A_479 = arith.constant 32 : index
          %swap3A_480 = tpu.vector_load %arg16[%swap3A_478, %swap3A_479] {strides = array<i32>} : memref<512x128xf32, #tpu.memory_space<vmem>>, vector<16xf32>,
          tpu.vector_store %arg16[%swap3A_478, %swap3A_479], %gather3A_477 {strides = array<i32>} : memref<512x128xf32, #tpu.memory_space<vmem>>, vector<16xf32>,
          %add3A_481 = arith.constant 48 : i32
          %add3A_482 = vector.broadcast %add3A_481 : i32 to vector<16xi32>
          %add3A_483 = arith.addi %add3A_482, %iota3A : vector<16xi32>
          %gather3A_484 = tpu.vector_load_idx %arg12[%add3A_483, %broadcast_in_dim3A_461] : memref<64x128xf32, #tpu.memory_space<vmem>>[vector<16xi32>, vector<16xi32>], vector<16xf32>,
          %swap3A_485 = arith.index_cast %while3A_414 : i32 to index
          %swap3A_486 = arith.constant 48 : index
          %swap3A_487 = tpu.vector_load %arg16[%swap3A_485, %swap3A_486] {strides = array<i32>} : memref<512x128xf32, #tpu.memory_space<vmem>>, vector<16xf32>,
          tpu.vector_store %arg16[%swap3A_485, %swap3A_486], %gather3A_484 {strides = array<i32>} : memref<512x128xf32, #tpu.memory_space<vmem>>, vector<16xf32>,
          %while3A_488 = arith.constant 0 : i32
          scf.yield %while3A_488 : i32
        }
        %add3A_408 = arith.constant 6 : i32
        %add3A_409 = arith.addi %while3A_127, %add3A_408 : i32
        %lt3A_410 = arith.cmpi slt, %add3A_409, %scan3A_9 : i32
        %convert_element_type3A_411 = arith.extui %lt3A_410 : i1 to i32
        %cond3A_412 = arith.constant 0 : i32
        %cond3A_413 = arith.cmpi ne, %convert_element_type3A_411, %cond3A_412 : i32
        scf.if %cond3A_413 {
          %jit3A_414 = arith.constant 16 : i32
          %div3A_415 = arith.divsi %add3A_409, %jit3A_414 : i32
          %sign3A_416 = arith.constant 0 : i32
          %sign3A_417 = arith.cmpi sgt, %add3A_409, %sign3A_416 : i32
          %sign3A_418 = arith.extui %sign3A_417 : i1 to i32
          %sign3A_419 = arith.constant 0 : i32
          %sign3A_420 = arith.cmpi slt, %add3A_409, %sign3A_419 : i32
          %sign3A_421 = arith.extui %sign3A_420 : i1 to i32
          %sign3A_422 = arith.subi %sign3A_418, %sign3A_421 : i32
          %sign3A_423 = arith.constant 0 : i32
          %sign3A_424 = arith.cmpi sgt, %jit3A_414, %sign3A_423 : i32
          %sign3A_425 = arith.extui %sign3A_424 : i1 to i32
          %sign3A_426 = arith.constant 0 : i32
          %sign3A_427 = arith.cmpi slt, %jit3A_414, %sign3A_426 : i32
          %sign3A_428 = arith.extui %sign3A_427 : i1 to i32
          %sign3A_429 = arith.subi %sign3A_425, %sign3A_428 : i32
          %ne3A_430 = arith.cmpi ne, %sign3A_422, %sign3A_429 : i32
          %rem3A_431 = arith.remsi %add3A_409, %jit3A_414 : i32
          %ne3A_432 = arith.constant 0 : i32
          %ne3A_433 = arith.cmpi ne, %rem3A_431, %ne3A_432 : i32
          %and3A_434 = arith.andi %ne3A_430, %ne3A_433 : i1
          %sub3A_435 = arith.constant 1 : i32
          %sub3A_436 = arith.subi %div3A_415, %sub3A_435 : i32
          %select_n3A_437 = arith.select %and3A_434, %sub3A_436, %div3A_415 : i32
          %mul3A_438 = arith.constant 16 : i32
          %mul3A_439 = arith.muli %select_n3A_437, %mul3A_438 : i32
          %get3A_440 = arith.index_cast %mul3A_439 : i32 to index
          %get3A_441 = tpu.vector_load %arg9[%get3A_440] {strides = array<i32>} : memref<528xi32, #tpu.memory_space<vmem>>, vector<16xi32>,
          %sub3A_442 = arith.subi %add3A_409, %mul3A_439 : i32
          %iota3A_443 = tpu.iota {dimensions = array<i32: 0>} : vector<16xi32>
          %broadcast_in_dim3A_444 = vector.broadcast %sub3A_442 : i32 to vector<16xi32>
          %eq3A_445 = arith.cmpi eq, %iota3A_443, %broadcast_in_dim3A_444 : vector<16xi32>
          %jit3A_446 = arith.constant -1 : i32
          %broadcast_in_dim3A_447 = vector.broadcast %jit3A_446 : i32 to vector<16xi32>
          %select_n3A_448 = arith.select %eq3A_445, %get3A_441, %broadcast_in_dim3A_447 : vector<16xi1>, vector<16xi32>
          %reduce_max3A_449 = arith.constant true
          %reduce_max3A_450 = vector.broadcast %reduce_max3A_449 : i1 to vector<16xi1>
          %reduce_max3A_451 = arith.constant -2147483648 : i32
          %reduce_max3A_452 = vector.broadcast %reduce_max3A_451 : i32 to vector<16xi32>
          %reduce_max3A_453 = arith.xori %select_n3A_448, %reduce_max3A_452 : vector<16xi32>
          %reduce_max3A_454 = tpu.scan <max>, %reduce_max3A_453 masked %reduce_max3A_450 : vector<16xi32>, vector<16xi1> -> vector<16xi32>
          %reduce_max3A_455 = arith.xori %reduce_max3A_454, %reduce_max3A_452 : vector<16xi32>
          %reduce_max3A_456 = vector.extract %reduce_max3A_455[15] : i32 from vector<16xi32>
          %mul3A_457 = arith.constant 128 : i32
          %mul3A_458 = arith.muli %reduce_max3A_456, %mul3A_457 : i32
          %multiple_of3A_459 = tpu.assume_multiple %mul3A_458, 128 : i32
          %dma_start3A_460 = arith.constant 0 : i32
          %dma_start3A_461 = tpu.memref_slice %arg2[%dma_start3A_460, %multiple_of3A_459] : memref<64x1000000xf32, #tpu.memory_space<hbm>> -> memref<64x128xf32, #tpu.memory_space<hbm>>
          %dma_start3A_462 = arith.constant 0 : i32
          %dma_start3A_463 = tpu.memref_slice %arg2[%dma_start3A_462, %multiple_of3A_459] : memref<64x1000000xf32, #tpu.memory_space<hbm>> -> memref<64x128xf32, #tpu.memory_space<hbm>>
          tpu.enqueue_dma source(%dma_start3A_463 : memref<64x128xf32, #tpu.memory_space<hbm>>) target(%arg12 : memref<64x128xf32, #tpu.memory_space<vmem>>) target_semaphore(%arg19 : memref<!tpu.dma_semaphore, #tpu.memory_space<semaphore_mem>>)
        } else {
        }
      } else {
      }
      %jit3A_191 = arith.constant 6 : i32
      %eq3A_192 = arith.constant 0 : i32
      %eq3A_193 = arith.cmpi eq, %jit3A_191, %eq3A_192 : i32
      %jit3A_194 = arith.constant 1 : i32
      %select_n3A_195 = arith.select %eq3A_193, %jit3A_194, %jit3A_191 : i32
      %rem3A_196 = arith.remsi %while3A_127, %select_n3A_195 : i32
      %ne3A_197 = arith.constant 0 : i32
      %ne3A_198 = arith.cmpi ne, %rem3A_196, %ne3A_197 : i32
      %lt3A_199 = arith.constant 0 : i32
      %lt3A_200 = arith.cmpi slt, %rem3A_196, %lt3A_199 : i32
      %lt3A_201 = arith.constant 0 : i32
      %lt3A_202 = arith.cmpi slt, %select_n3A_195, %lt3A_201 : i32
      %ne3A_203 = arith.xori %lt3A_200, %lt3A_202 : i1
      %and3A_204 = arith.andi %ne3A_203, %ne3A_198 : i1
      %add3A_205 = arith.addi %rem3A_196, %select_n3A_195 : i32
      %select_n3A_206 = arith.select %and3A_204, %add3A_205, %rem3A_196 : i32
      %eq3A_207 = arith.constant 3 : i32
      %eq3A_208 = arith.cmpi eq, %select_n3A_206, %eq3A_207 : i32
      %lt3A_209 = arith.cmpi slt, %while3A_127, %scan3A_9 : i32
      %and3A_210 = arith.andi %eq3A_208, %lt3A_209 : i1
      %convert_element_type3A_211 = arith.extui %and3A_210 : i1 to i32
      %cond3A_212 = arith.constant 0 : i32
      %cond3A_213 = arith.cmpi ne, %convert_element_type3A_211, %cond3A_212 : i32
      scf.if %cond3A_213 {
        %jit3A_261 = arith.constant 16 : i32
        %div3A = arith.divsi %while3A_127, %jit3A_261 : i32
        %sign3A = arith.constant 0 : i32
        %sign3A_262 = arith.cmpi sgt, %while3A_127, %sign3A : i32
        %sign3A_263 = arith.extui %sign3A_262 : i1 to i32
        %sign3A_264 = arith.constant 0 : i32
        %sign3A_265 = arith.cmpi slt, %while3A_127, %sign3A_264 : i32
        %sign3A_266 = arith.extui %sign3A_265 : i1 to i32
        %sign3A_267 = arith.subi %sign3A_263, %sign3A_266 : i32
        %sign3A_268 = arith.constant 0 : i32
        %sign3A_269 = arith.cmpi sgt, %jit3A_261, %sign3A_268 : i32
        %sign3A_270 = arith.extui %sign3A_269 : i1 to i32
        %sign3A_271 = arith.constant 0 : i32
        %sign3A_272 = arith.cmpi slt, %jit3A_261, %sign3A_271 : i32
        %sign3A_273 = arith.extui %sign3A_272 : i1 to i32
        %sign3A_274 = arith.subi %sign3A_270, %sign3A_273 : i32
        %ne3A_275 = arith.cmpi ne, %sign3A_267, %sign3A_274 : i32
        %rem3A_276 = arith.remsi %while3A_127, %jit3A_261 : i32
        %ne3A_277 = arith.constant 0 : i32
        %ne3A_278 = arith.cmpi ne, %rem3A_276, %ne3A_277 : i32
        %and3A_279 = arith.andi %ne3A_275, %ne3A_278 : i1
        %sub3A = arith.constant 1 : i32
        %sub3A_280 = arith.subi %div3A, %sub3A : i32
        %select_n3A_281 = arith.select %and3A_279, %sub3A_280, %div3A : i32
        %mul3A_282 = arith.constant 16 : i32
        %mul3A_283 = arith.muli %select_n3A_281, %mul3A_282 : i32
        %get3A = arith.index_cast %mul3A_283 : i32 to index
        %get3A_284 = tpu.vector_load %arg9[%get3A] {strides = array<i32>} : memref<528xi32, #tpu.memory_space<vmem>>, vector<16xi32>,
        %sub3A_285 = arith.subi %while3A_127, %mul3A_283 : i32
        %iota3A_286 = tpu.iota {dimensions = array<i32: 0>} : vector<16xi32>
        %broadcast_in_dim3A = vector.broadcast %sub3A_285 : i32 to vector<16xi32>
        %eq3A_287 = arith.cmpi eq, %iota3A_286, %broadcast_in_dim3A : vector<16xi32>
        %jit3A_288 = arith.constant -1 : i32
        %broadcast_in_dim3A_289 = vector.broadcast %jit3A_288 : i32 to vector<16xi32>
        %select_n3A_290 = arith.select %eq3A_287, %get3A_284, %broadcast_in_dim3A_289 : vector<16xi1>, vector<16xi32>
        %reduce_max3A = arith.constant true
        %reduce_max3A_291 = vector.broadcast %reduce_max3A : i1 to vector<16xi1>
        %reduce_max3A_292 = arith.constant -2147483648 : i32
        %reduce_max3A_293 = vector.broadcast %reduce_max3A_292 : i32 to vector<16xi32>
        %reduce_max3A_294 = arith.xori %select_n3A_290, %reduce_max3A_293 : vector<16xi32>
        %reduce_max3A_295 = tpu.scan <max>, %reduce_max3A_294 masked %reduce_max3A_291 : vector<16xi32>, vector<16xi1> -> vector<16xi32>
        %reduce_max3A_296 = arith.xori %reduce_max3A_295, %reduce_max3A_293 : vector<16xi32>
        %reduce_max3A_297 = vector.extract %reduce_max3A_296[15] : i32 from vector<16xi32>
        %mul3A_298 = arith.constant 128 : i32
        %mul3A_299 = arith.muli %reduce_max3A_297, %mul3A_298 : i32
        %multiple_of3A = tpu.assume_multiple %mul3A_299, 128 : i32
        %dma_wait3A_300 = arith.constant 0 : i32
        %dma_wait3A_301 = tpu.memref_slice %arg2[%dma_wait3A_300, %multiple_of3A] : memref<64x1000000xf32, #tpu.memory_space<hbm>> -> memref<64x128xf32, #tpu.memory_space<hbm>>
        %dma_wait3A_302 = arith.constant 0 : i32
        %dma_wait3A_303 = tpu.memref_slice %arg2[%dma_wait3A_302, %multiple_of3A] : memref<64x1000000xf32, #tpu.memory_space<hbm>> -> memref<64x128xf32, #tpu.memory_space<hbm>>
        tpu.wait_dma2 semaphore(%arg20 : memref<!tpu.dma_semaphore, #tpu.memory_space<semaphore_mem>>) src(%dma_wait3A_303 : memref<64x128xf32, #tpu.memory_space<hbm>>) dst(%arg13 : memref<64x128xf32, #tpu.memory_space<vmem>>)
        %jit3A_304 = arith.constant 16 : i32
        %div3A_305 = arith.divsi %while3A_127, %jit3A_304 : i32
        %sign3A_306 = arith.constant 0 : i32
        %sign3A_307 = arith.cmpi sgt, %while3A_127, %sign3A_306 : i32
        %sign3A_308 = arith.extui %sign3A_307 : i1 to i32
        %sign3A_309 = arith.constant 0 : i32
        %sign3A_310 = arith.cmpi slt, %while3A_127, %sign3A_309 : i32
        %sign3A_311 = arith.extui %sign3A_310 : i1 to i32
        %sign3A_312 = arith.subi %sign3A_308, %sign3A_311 : i32
        %sign3A_313 = arith.constant 0 : i32
        %sign3A_314 = arith.cmpi sgt, %jit3A_304, %sign3A_313 : i32
        %sign3A_315 = arith.extui %sign3A_314 : i1 to i32
        %sign3A_316 = arith.constant 0 : i32
        %sign3A_317 = arith.cmpi slt, %jit3A_304, %sign3A_316 : i32
        %sign3A_318 = arith.extui %sign3A_317 : i1 to i32
        %sign3A_319 = arith.subi %sign3A_315, %sign3A_318 : i32
        %ne3A_320 = arith.cmpi ne, %sign3A_312, %sign3A_319 : i32
        %rem3A_321 = arith.remsi %while3A_127, %jit3A_304 : i32
        %ne3A_322 = arith.constant 0 : i32
        %ne3A_323 = arith.cmpi ne, %rem3A_321, %ne3A_322 : i32
        %and3A_324 = arith.andi %ne3A_320, %ne3A_323 : i1
        %sub3A_325 = arith.constant 1 : i32
        %sub3A_326 = arith.subi %div3A_305, %sub3A_325 : i32
        %select_n3A_327 = arith.select %and3A_324, %sub3A_326, %div3A_305 : i32
        %mul3A_328 = arith.constant 16 : i32
        %mul3A_329 = arith.muli %select_n3A_327, %mul3A_328 : i32
        %get3A_330 = arith.index_cast %mul3A_329 : i32 to index
        %get3A_331 = tpu.vector_load %arg8[%get3A_330] {strides = array<i32>} : memref<528xi32, #tpu.memory_space<vmem>>, vector<16xi32>,
        %sub3A_332 = arith.subi %while3A_127, %mul3A_329 : i32
        %iota3A_333 = tpu.iota {dimensions = array<i32: 0>} : vector<16xi32>
        %broadcast_in_dim3A_334 = vector.broadcast %sub3A_332 : i32 to vector<16xi32>
        %eq3A_335 = arith.cmpi eq, %iota3A_333, %broadcast_in_dim3A_334 : vector<16xi32>
        %jit3A_336 = arith.constant -1 : i32
        %broadcast_in_dim3A_337 = vector.broadcast %jit3A_336 : i32 to vector<16xi32>
        %select_n3A_338 = arith.select %eq3A_335, %get3A_331, %broadcast_in_dim3A_337 : vector<16xi1>, vector<16xi32>
        %reduce_max3A_339 = arith.constant true
        %reduce_max3A_340 = vector.broadcast %reduce_max3A_339 : i1 to vector<16xi1>
        %reduce_max3A_341 = arith.constant -2147483648 : i32
        %reduce_max3A_342 = vector.broadcast %reduce_max3A_341 : i32 to vector<16xi32>
        %reduce_max3A_343 = arith.xori %select_n3A_338, %reduce_max3A_342 : vector<16xi32>
        %reduce_max3A_344 = tpu.scan <max>, %reduce_max3A_343 masked %reduce_max3A_340 : vector<16xi32>, vector<16xi1> -> vector<16xi32>
        %reduce_max3A_345 = arith.xori %reduce_max3A_344, %reduce_max3A_342 : vector<16xi32>
        %reduce_max3A_346 = vector.extract %reduce_max3A_345[15] : i32 from vector<16xi32>
        %add3A_347 = arith.constant 1 : i32
        %add3A_348 = arith.addi %while3A_127, %add3A_347 : i32
        %lt3A_349 = arith.cmpi slt, %add3A_348, %scan3A_9 : i32
        %add3A_350 = arith.constant 1 : i32
        %add3A_351 = arith.addi %while3A_127, %add3A_350 : i32
        %jit3A_352 = arith.constant 16 : i32
        %div3A_353 = arith.divsi %add3A_351, %jit3A_352 : i32
        %sign3A_354 = arith.constant 0 : i32
        %sign3A_355 = arith.cmpi sgt, %add3A_351, %sign3A_354 : i32
        %sign3A_356 = arith.extui %sign3A_355 : i1 to i32
        %sign3A_357 = arith.constant 0 : i32
        %sign3A_358 = arith.cmpi slt, %add3A_351, %sign3A_357 : i32
        %sign3A_359 = arith.extui %sign3A_358 : i1 to i32
        %sign3A_360 = arith.subi %sign3A_356, %sign3A_359 : i32
        %sign3A_361 = arith.constant 0 : i32
        %sign3A_362 = arith.cmpi sgt, %jit3A_352, %sign3A_361 : i32
        %sign3A_363 = arith.extui %sign3A_362 : i1 to i32
        %sign3A_364 = arith.constant 0 : i32
        %sign3A_365 = arith.cmpi slt, %jit3A_352, %sign3A_364 : i32
        %sign3A_366 = arith.extui %sign3A_365 : i1 to i32
        %sign3A_367 = arith.subi %sign3A_363, %sign3A_366 : i32
        %ne3A_368 = arith.cmpi ne, %sign3A_360, %sign3A_367 : i32
        %rem3A_369 = arith.remsi %add3A_351, %jit3A_352 : i32
        %ne3A_370 = arith.constant 0 : i32
        %ne3A_371 = arith.cmpi ne, %rem3A_369, %ne3A_370 : i32
        %and3A_372 = arith.andi %ne3A_368, %ne3A_371 : i1
        %sub3A_373 = arith.constant 1 : i32
        %sub3A_374 = arith.subi %div3A_353, %sub3A_373 : i32
        %select_n3A_375 = arith.select %and3A_372, %sub3A_374, %div3A_353 : i32
        %mul3A_376 = arith.constant 16 : i32
        %mul3A_377 = arith.muli %select_n3A_375, %mul3A_376 : i32
        %get3A_378 = arith.index_cast %mul3A_377 : i32 to index
        %get3A_379 = tpu.vector_load %arg8[%get3A_378] {strides = array<i32>} : memref<528xi32, #tpu.memory_space<vmem>>, vector<16xi32>,
        %sub3A_380 = arith.subi %add3A_351, %mul3A_377 : i32
        %iota3A_381 = tpu.iota {dimensions = array<i32: 0>} : vector<16xi32>
        %broadcast_in_dim3A_382 = vector.broadcast %sub3A_380 : i32 to vector<16xi32>
        %eq3A_383 = arith.cmpi eq, %iota3A_381, %broadcast_in_dim3A_382 : vector<16xi32>
        %jit3A_384 = arith.constant -1 : i32
        %broadcast_in_dim3A_385 = vector.broadcast %jit3A_384 : i32 to vector<16xi32>
        %select_n3A_386 = arith.select %eq3A_383, %get3A_379, %broadcast_in_dim3A_385 : vector<16xi1>, vector<16xi32>
        %reduce_max3A_387 = arith.constant true
        %reduce_max3A_388 = vector.broadcast %reduce_max3A_387 : i1 to vector<16xi1>
        %reduce_max3A_389 = arith.constant -2147483648 : i32
        %reduce_max3A_390 = vector.broadcast %reduce_max3A_389 : i32 to vector<16xi32>
        %reduce_max3A_391 = arith.xori %select_n3A_386, %reduce_max3A_390 : vector<16xi32>
        %reduce_max3A_392 = tpu.scan <max>, %reduce_max3A_391 masked %reduce_max3A_388 : vector<16xi32>, vector<16xi1> -> vector<16xi32>
        %reduce_max3A_393 = arith.xori %reduce_max3A_392, %reduce_max3A_390 : vector<16xi32>
        %reduce_max3A_394 = vector.extract %reduce_max3A_393[15] : i32 from vector<16xi32>
        %jit3A_395 = arith.constant 512 : i32
        %select_n3A_396 = arith.select %lt3A_349, %reduce_max3A_394, %jit3A_395 : i32
        %while3A_397 = arith.constant 0 : i32
        %while3A_398 = arith.subi %select_n3A_396, %reduce_max3A_346 : i32
        %while3A_399 = arith.addi %reduce_max3A_346, %while3A_398 : i32
        %while3A_400 = arith.constant 1 : i32
        %while3A_401 = arith.divsi %while3A_398, %while3A_400 : i32
        %while3A_402 = arith.muli %while3A_401, %while3A_400 : i32
        %while3A_403 = arith.addi %reduce_max3A_346, %while3A_402 : i32
        %while3A_404 = arith.constant 1 : i32
        %while3A_405 = scf.for %while3A_414 = %reduce_max3A_346 to %while3A_403 step %while3A_404 iter_args(%while3A_415 = %while3A_397) -> (i32)  : i32 {
          %jit3A_416 = arith.constant 16 : i32
          %div3A_417 = arith.divsi %while3A_414, %jit3A_416 : i32
          %sign3A_418 = arith.constant 0 : i32
          %sign3A_419 = arith.cmpi sgt, %while3A_414, %sign3A_418 : i32
          %sign3A_420 = arith.extui %sign3A_419 : i1 to i32
          %sign3A_421 = arith.constant 0 : i32
          %sign3A_422 = arith.cmpi slt, %while3A_414, %sign3A_421 : i32
          %sign3A_423 = arith.extui %sign3A_422 : i1 to i32
          %sign3A_424 = arith.subi %sign3A_420, %sign3A_423 : i32
          %sign3A_425 = arith.constant 0 : i32
          %sign3A_426 = arith.cmpi sgt, %jit3A_416, %sign3A_425 : i32
          %sign3A_427 = arith.extui %sign3A_426 : i1 to i32
          %sign3A_428 = arith.constant 0 : i32
          %sign3A_429 = arith.cmpi slt, %jit3A_416, %sign3A_428 : i32
          %sign3A_430 = arith.extui %sign3A_429 : i1 to i32
          %sign3A_431 = arith.subi %sign3A_427, %sign3A_430 : i32
          %ne3A_432 = arith.cmpi ne, %sign3A_424, %sign3A_431 : i32
          %rem3A_433 = arith.remsi %while3A_414, %jit3A_416 : i32
          %ne3A_434 = arith.constant 0 : i32
          %ne3A_435 = arith.cmpi ne, %rem3A_433, %ne3A_434 : i32
          %and3A_436 = arith.andi %ne3A_432, %ne3A_435 : i1
          %sub3A_437 = arith.constant 1 : i32
          %sub3A_438 = arith.subi %div3A_417, %sub3A_437 : i32
          %select_n3A_439 = arith.select %and3A_436, %sub3A_438, %div3A_417 : i32
          %mul3A_440 = arith.constant 16 : i32
          %mul3A_441 = arith.muli %select_n3A_439, %mul3A_440 : i32
          %get3A_442 = arith.index_cast %mul3A_441 : i32 to index
          %get3A_443 = tpu.vector_load %arg6[%get3A_442] {strides = array<i32>} : memref<512xi32, #tpu.memory_space<vmem>>, vector<16xi32>,
          %sub3A_444 = arith.subi %while3A_414, %mul3A_441 : i32
          %iota3A_445 = tpu.iota {dimensions = array<i32: 0>} : vector<16xi32>
          %broadcast_in_dim3A_446 = vector.broadcast %sub3A_444 : i32 to vector<16xi32>
          %eq3A_447 = arith.cmpi eq, %iota3A_445, %broadcast_in_dim3A_446 : vector<16xi32>
          %jit3A_448 = arith.constant -1 : i32
          %broadcast_in_dim3A_449 = vector.broadcast %jit3A_448 : i32 to vector<16xi32>
          %select_n3A_450 = arith.select %eq3A_447, %get3A_443, %broadcast_in_dim3A_449 : vector<16xi1>, vector<16xi32>
          %reduce_max3A_451 = arith.constant true
          %reduce_max3A_452 = vector.broadcast %reduce_max3A_451 : i1 to vector<16xi1>
          %reduce_max3A_453 = arith.constant -2147483648 : i32
          %reduce_max3A_454 = vector.broadcast %reduce_max3A_453 : i32 to vector<16xi32>
          %reduce_max3A_455 = arith.xori %select_n3A_450, %reduce_max3A_454 : vector<16xi32>
          %reduce_max3A_456 = tpu.scan <max>, %reduce_max3A_455 masked %reduce_max3A_452 : vector<16xi32>, vector<16xi1> -> vector<16xi32>
          %reduce_max3A_457 = arith.xori %reduce_max3A_456, %reduce_max3A_454 : vector<16xi32>
          %reduce_max3A_458 = vector.extract %reduce_max3A_457[15] : i32 from vector<16xi32>
          %and3A_459 = arith.constant 127 : i32
          %and3A_460 = arith.andi %reduce_max3A_458, %and3A_459 : i32
          %broadcast_in_dim3A_461 = vector.broadcast %and3A_460 : i32 to vector<16xi32>
          %add3A_462 = arith.constant 0 : i32
          %add3A_463 = vector.broadcast %add3A_462 : i32 to vector<16xi32>
          %add3A_464 = arith.addi %add3A_463, %iota3A : vector<16xi32>
          %gather3A = tpu.vector_load_idx %arg13[%add3A_464, %broadcast_in_dim3A_461] : memref<64x128xf32, #tpu.memory_space<vmem>>[vector<16xi32>, vector<16xi32>], vector<16xf32>,
          %swap3A = arith.index_cast %while3A_414 : i32 to index
          %swap3A_465 = arith.constant 0 : index
          %swap3A_466 = tpu.vector_load %arg16[%swap3A, %swap3A_465] {strides = array<i32>} : memref<512x128xf32, #tpu.memory_space<vmem>>, vector<16xf32>,
          tpu.vector_store %arg16[%swap3A, %swap3A_465], %gather3A {strides = array<i32>} : memref<512x128xf32, #tpu.memory_space<vmem>>, vector<16xf32>,
          %add3A_467 = arith.constant 16 : i32
          %add3A_468 = vector.broadcast %add3A_467 : i32 to vector<16xi32>
          %add3A_469 = arith.addi %add3A_468, %iota3A : vector<16xi32>
          %gather3A_470 = tpu.vector_load_idx %arg13[%add3A_469, %broadcast_in_dim3A_461] : memref<64x128xf32, #tpu.memory_space<vmem>>[vector<16xi32>, vector<16xi32>], vector<16xf32>,
          %swap3A_471 = arith.index_cast %while3A_414 : i32 to index
          %swap3A_472 = arith.constant 16 : index
          %swap3A_473 = tpu.vector_load %arg16[%swap3A_471, %swap3A_472] {strides = array<i32>} : memref<512x128xf32, #tpu.memory_space<vmem>>, vector<16xf32>,
          tpu.vector_store %arg16[%swap3A_471, %swap3A_472], %gather3A_470 {strides = array<i32>} : memref<512x128xf32, #tpu.memory_space<vmem>>, vector<16xf32>,
          %add3A_474 = arith.constant 32 : i32
          %add3A_475 = vector.broadcast %add3A_474 : i32 to vector<16xi32>
          %add3A_476 = arith.addi %add3A_475, %iota3A : vector<16xi32>
          %gather3A_477 = tpu.vector_load_idx %arg13[%add3A_476, %broadcast_in_dim3A_461] : memref<64x128xf32, #tpu.memory_space<vmem>>[vector<16xi32>, vector<16xi32>], vector<16xf32>,
          %swap3A_478 = arith.index_cast %while3A_414 : i32 to index
          %swap3A_479 = arith.constant 32 : index
          %swap3A_480 = tpu.vector_load %arg16[%swap3A_478, %swap3A_479] {strides = array<i32>} : memref<512x128xf32, #tpu.memory_space<vmem>>, vector<16xf32>,
          tpu.vector_store %arg16[%swap3A_478, %swap3A_479], %gather3A_477 {strides = array<i32>} : memref<512x128xf32, #tpu.memory_space<vmem>>, vector<16xf32>,
          %add3A_481 = arith.constant 48 : i32
          %add3A_482 = vector.broadcast %add3A_481 : i32 to vector<16xi32>
          %add3A_483 = arith.addi %add3A_482, %iota3A : vector<16xi32>
          %gather3A_484 = tpu.vector_load_idx %arg13[%add3A_483, %broadcast_in_dim3A_461] : memref<64x128xf32, #tpu.memory_space<vmem>>[vector<16xi32>, vector<16xi32>], vector<16xf32>,
          %swap3A_485 = arith.index_cast %while3A_414 : i32 to index
          %swap3A_486 = arith.constant 48 : index
          %swap3A_487 = tpu.vector_load %arg16[%swap3A_485, %swap3A_486] {strides = array<i32>} : memref<512x128xf32, #tpu.memory_space<vmem>>, vector<16xf32>,
          tpu.vector_store %arg16[%swap3A_485, %swap3A_486], %gather3A_484 {strides = array<i32>} : memref<512x128xf32, #tpu.memory_space<vmem>>, vector<16xf32>,
          %while3A_488 = arith.constant 0 : i32
          scf.yield %while3A_488 : i32
        }
        %while3A_406 = arith.constant 1 : i32
        %while3A_407 = scf.for %while3A_414 = %while3A_403 to %while3A_399 step %while3A_406 iter_args(%while3A_415 = %while3A_405) -> (i32)  : i32 {
          %jit3A_416 = arith.constant 16 : i32
          %div3A_417 = arith.divsi %while3A_414, %jit3A_416 : i32
          %sign3A_418 = arith.constant 0 : i32
          %sign3A_419 = arith.cmpi sgt, %while3A_414, %sign3A_418 : i32
          %sign3A_420 = arith.extui %sign3A_419 : i1 to i32
          %sign3A_421 = arith.constant 0 : i32
          %sign3A_422 = arith.cmpi slt, %while3A_414, %sign3A_421 : i32
          %sign3A_423 = arith.extui %sign3A_422 : i1 to i32
          %sign3A_424 = arith.subi %sign3A_420, %sign3A_423 : i32
          %sign3A_425 = arith.constant 0 : i32
          %sign3A_426 = arith.cmpi sgt, %jit3A_416, %sign3A_425 : i32
          %sign3A_427 = arith.extui %sign3A_426 : i1 to i32
          %sign3A_428 = arith.constant 0 : i32
          %sign3A_429 = arith.cmpi slt, %jit3A_416, %sign3A_428 : i32
          %sign3A_430 = arith.extui %sign3A_429 : i1 to i32
          %sign3A_431 = arith.subi %sign3A_427, %sign3A_430 : i32
          %ne3A_432 = arith.cmpi ne, %sign3A_424, %sign3A_431 : i32
          %rem3A_433 = arith.remsi %while3A_414, %jit3A_416 : i32
          %ne3A_434 = arith.constant 0 : i32
          %ne3A_435 = arith.cmpi ne, %rem3A_433, %ne3A_434 : i32
          %and3A_436 = arith.andi %ne3A_432, %ne3A_435 : i1
          %sub3A_437 = arith.constant 1 : i32
          %sub3A_438 = arith.subi %div3A_417, %sub3A_437 : i32
          %select_n3A_439 = arith.select %and3A_436, %sub3A_438, %div3A_417 : i32
          %mul3A_440 = arith.constant 16 : i32
          %mul3A_441 = arith.muli %select_n3A_439, %mul3A_440 : i32
          %get3A_442 = arith.index_cast %mul3A_441 : i32 to index
          %get3A_443 = tpu.vector_load %arg6[%get3A_442] {strides = array<i32>} : memref<512xi32, #tpu.memory_space<vmem>>, vector<16xi32>,
          %sub3A_444 = arith.subi %while3A_414, %mul3A_441 : i32
          %iota3A_445 = tpu.iota {dimensions = array<i32: 0>} : vector<16xi32>
          %broadcast_in_dim3A_446 = vector.broadcast %sub3A_444 : i32 to vector<16xi32>
          %eq3A_447 = arith.cmpi eq, %iota3A_445, %broadcast_in_dim3A_446 : vector<16xi32>
          %jit3A_448 = arith.constant -1 : i32
          %broadcast_in_dim3A_449 = vector.broadcast %jit3A_448 : i32 to vector<16xi32>
          %select_n3A_450 = arith.select %eq3A_447, %get3A_443, %broadcast_in_dim3A_449 : vector<16xi1>, vector<16xi32>
          %reduce_max3A_451 = arith.constant true
          %reduce_max3A_452 = vector.broadcast %reduce_max3A_451 : i1 to vector<16xi1>
          %reduce_max3A_453 = arith.constant -2147483648 : i32
          %reduce_max3A_454 = vector.broadcast %reduce_max3A_453 : i32 to vector<16xi32>
          %reduce_max3A_455 = arith.xori %select_n3A_450, %reduce_max3A_454 : vector<16xi32>
          %reduce_max3A_456 = tpu.scan <max>, %reduce_max3A_455 masked %reduce_max3A_452 : vector<16xi32>, vector<16xi1> -> vector<16xi32>
          %reduce_max3A_457 = arith.xori %reduce_max3A_456, %reduce_max3A_454 : vector<16xi32>
          %reduce_max3A_458 = vector.extract %reduce_max3A_457[15] : i32 from vector<16xi32>
          %and3A_459 = arith.constant 127 : i32
          %and3A_460 = arith.andi %reduce_max3A_458, %and3A_459 : i32
          %broadcast_in_dim3A_461 = vector.broadcast %and3A_460 : i32 to vector<16xi32>
          %add3A_462 = arith.constant 0 : i32
          %add3A_463 = vector.broadcast %add3A_462 : i32 to vector<16xi32>
          %add3A_464 = arith.addi %add3A_463, %iota3A : vector<16xi32>
          %gather3A = tpu.vector_load_idx %arg13[%add3A_464, %broadcast_in_dim3A_461] : memref<64x128xf32, #tpu.memory_space<vmem>>[vector<16xi32>, vector<16xi32>], vector<16xf32>,
          %swap3A = arith.index_cast %while3A_414 : i32 to index
          %swap3A_465 = arith.constant 0 : index
          %swap3A_466 = tpu.vector_load %arg16[%swap3A, %swap3A_465] {strides = array<i32>} : memref<512x128xf32, #tpu.memory_space<vmem>>, vector<16xf32>,
          tpu.vector_store %arg16[%swap3A, %swap3A_465], %gather3A {strides = array<i32>} : memref<512x128xf32, #tpu.memory_space<vmem>>, vector<16xf32>,
          %add3A_467 = arith.constant 16 : i32
          %add3A_468 = vector.broadcast %add3A_467 : i32 to vector<16xi32>
          %add3A_469 = arith.addi %add3A_468, %iota3A : vector<16xi32>
          %gather3A_470 = tpu.vector_load_idx %arg13[%add3A_469, %broadcast_in_dim3A_461] : memref<64x128xf32, #tpu.memory_space<vmem>>[vector<16xi32>, vector<16xi32>], vector<16xf32>,
          %swap3A_471 = arith.index_cast %while3A_414 : i32 to index
          %swap3A_472 = arith.constant 16 : index
          %swap3A_473 = tpu.vector_load %arg16[%swap3A_471, %swap3A_472] {strides = array<i32>} : memref<512x128xf32, #tpu.memory_space<vmem>>, vector<16xf32>,
          tpu.vector_store %arg16[%swap3A_471, %swap3A_472], %gather3A_470 {strides = array<i32>} : memref<512x128xf32, #tpu.memory_space<vmem>>, vector<16xf32>,
          %add3A_474 = arith.constant 32 : i32
          %add3A_475 = vector.broadcast %add3A_474 : i32 to vector<16xi32>
          %add3A_476 = arith.addi %add3A_475, %iota3A : vector<16xi32>
          %gather3A_477 = tpu.vector_load_idx %arg13[%add3A_476, %broadcast_in_dim3A_461] : memref<64x128xf32, #tpu.memory_space<vmem>>[vector<16xi32>, vector<16xi32>], vector<16xf32>,
          %swap3A_478 = arith.index_cast %while3A_414 : i32 to index
          %swap3A_479 = arith.constant 32 : index
          %swap3A_480 = tpu.vector_load %arg16[%swap3A_478, %swap3A_479] {strides = array<i32>} : memref<512x128xf32, #tpu.memory_space<vmem>>, vector<16xf32>,
          tpu.vector_store %arg16[%swap3A_478, %swap3A_479], %gather3A_477 {strides = array<i32>} : memref<512x128xf32, #tpu.memory_space<vmem>>, vector<16xf32>,
          %add3A_481 = arith.constant 48 : i32
          %add3A_482 = vector.broadcast %add3A_481 : i32 to vector<16xi32>
          %add3A_483 = arith.addi %add3A_482, %iota3A : vector<16xi32>
          %gather3A_484 = tpu.vector_load_idx %arg13[%add3A_483, %broadcast_in_dim3A_461] : memref<64x128xf32, #tpu.memory_space<vmem>>[vector<16xi32>, vector<16xi32>], vector<16xf32>,
          %swap3A_485 = arith.index_cast %while3A_414 : i32 to index
          %swap3A_486 = arith.constant 48 : index
          %swap3A_487 = tpu.vector_load %arg16[%swap3A_485, %swap3A_486] {strides = array<i32>} : memref<512x128xf32, #tpu.memory_space<vmem>>, vector<16xf32>,
          tpu.vector_store %arg16[%swap3A_485, %swap3A_486], %gather3A_484 {strides = array<i32>} : memref<512x128xf32, #tpu.memory_space<vmem>>, vector<16xf32>,
          %while3A_488 = arith.constant 0 : i32
          scf.yield %while3A_488 : i32
        }
        %add3A_408 = arith.constant 6 : i32
        %add3A_409 = arith.addi %while3A_127, %add3A_408 : i32
        %lt3A_410 = arith.cmpi slt, %add3A_409, %scan3A_9 : i32
        %convert_element_type3A_411 = arith.extui %lt3A_410 : i1 to i32
        %cond3A_412 = arith.constant 0 : i32
        %cond3A_413 = arith.cmpi ne, %convert_element_type3A_411, %cond3A_412 : i32
        scf.if %cond3A_413 {
          %jit3A_414 = arith.constant 16 : i32
          %div3A_415 = arith.divsi %add3A_409, %jit3A_414 : i32
          %sign3A_416 = arith.constant 0 : i32
          %sign3A_417 = arith.cmpi sgt, %add3A_409, %sign3A_416 : i32
          %sign3A_418 = arith.extui %sign3A_417 : i1 to i32
          %sign3A_419 = arith.constant 0 : i32
          %sign3A_420 = arith.cmpi slt, %add3A_409, %sign3A_419 : i32
          %sign3A_421 = arith.extui %sign3A_420 : i1 to i32
          %sign3A_422 = arith.subi %sign3A_418, %sign3A_421 : i32
          %sign3A_423 = arith.constant 0 : i32
          %sign3A_424 = arith.cmpi sgt, %jit3A_414, %sign3A_423 : i32
          %sign3A_425 = arith.extui %sign3A_424 : i1 to i32
          %sign3A_426 = arith.constant 0 : i32
          %sign3A_427 = arith.cmpi slt, %jit3A_414, %sign3A_426 : i32
          %sign3A_428 = arith.extui %sign3A_427 : i1 to i32
          %sign3A_429 = arith.subi %sign3A_425, %sign3A_428 : i32
          %ne3A_430 = arith.cmpi ne, %sign3A_422, %sign3A_429 : i32
          %rem3A_431 = arith.remsi %add3A_409, %jit3A_414 : i32
          %ne3A_432 = arith.constant 0 : i32
          %ne3A_433 = arith.cmpi ne, %rem3A_431, %ne3A_432 : i32
          %and3A_434 = arith.andi %ne3A_430, %ne3A_433 : i1
          %sub3A_435 = arith.constant 1 : i32
          %sub3A_436 = arith.subi %div3A_415, %sub3A_435 : i32
          %select_n3A_437 = arith.select %and3A_434, %sub3A_436, %div3A_415 : i32
          %mul3A_438 = arith.constant 16 : i32
          %mul3A_439 = arith.muli %select_n3A_437, %mul3A_438 : i32
          %get3A_440 = arith.index_cast %mul3A_439 : i32 to index
          %get3A_441 = tpu.vector_load %arg9[%get3A_440] {strides = array<i32>} : memref<528xi32, #tpu.memory_space<vmem>>, vector<16xi32>,
          %sub3A_442 = arith.subi %add3A_409, %mul3A_439 : i32
          %iota3A_443 = tpu.iota {dimensions = array<i32: 0>} : vector<16xi32>
          %broadcast_in_dim3A_444 = vector.broadcast %sub3A_442 : i32 to vector<16xi32>
          %eq3A_445 = arith.cmpi eq, %iota3A_443, %broadcast_in_dim3A_444 : vector<16xi32>
          %jit3A_446 = arith.constant -1 : i32
          %broadcast_in_dim3A_447 = vector.broadcast %jit3A_446 : i32 to vector<16xi32>
          %select_n3A_448 = arith.select %eq3A_445, %get3A_441, %broadcast_in_dim3A_447 : vector<16xi1>, vector<16xi32>
          %reduce_max3A_449 = arith.constant true
          %reduce_max3A_450 = vector.broadcast %reduce_max3A_449 : i1 to vector<16xi1>
          %reduce_max3A_451 = arith.constant -2147483648 : i32
          %reduce_max3A_452 = vector.broadcast %reduce_max3A_451 : i32 to vector<16xi32>
          %reduce_max3A_453 = arith.xori %select_n3A_448, %reduce_max3A_452 : vector<16xi32>
          %reduce_max3A_454 = tpu.scan <max>, %reduce_max3A_453 masked %reduce_max3A_450 : vector<16xi32>, vector<16xi1> -> vector<16xi32>
          %reduce_max3A_455 = arith.xori %reduce_max3A_454, %reduce_max3A_452 : vector<16xi32>
          %reduce_max3A_456 = vector.extract %reduce_max3A_455[15] : i32 from vector<16xi32>
          %mul3A_457 = arith.constant 128 : i32
          %mul3A_458 = arith.muli %reduce_max3A_456, %mul3A_457 : i32
          %multiple_of3A_459 = tpu.assume_multiple %mul3A_458, 128 : i32
          %dma_start3A_460 = arith.constant 0 : i32
          %dma_start3A_461 = tpu.memref_slice %arg2[%dma_start3A_460, %multiple_of3A_459] : memref<64x1000000xf32, #tpu.memory_space<hbm>> -> memref<64x128xf32, #tpu.memory_space<hbm>>
          %dma_start3A_462 = arith.constant 0 : i32
          %dma_start3A_463 = tpu.memref_slice %arg2[%dma_start3A_462, %multiple_of3A_459] : memref<64x1000000xf32, #tpu.memory_space<hbm>> -> memref<64x128xf32, #tpu.memory_space<hbm>>
          tpu.enqueue_dma source(%dma_start3A_463 : memref<64x128xf32, #tpu.memory_space<hbm>>) target(%arg13 : memref<64x128xf32, #tpu.memory_space<vmem>>) target_semaphore(%arg20 : memref<!tpu.dma_semaphore, #tpu.memory_space<semaphore_mem>>)
        } else {
        }
      } else {
      }
      %jit3A_214 = arith.constant 6 : i32
      %eq3A_215 = arith.constant 0 : i32
      %eq3A_216 = arith.cmpi eq, %jit3A_214, %eq3A_215 : i32
      %jit3A_217 = arith.constant 1 : i32
      %select_n3A_218 = arith.select %eq3A_216, %jit3A_217, %jit3A_214 : i32
      %rem3A_219 = arith.remsi %while3A_127, %select_n3A_218 : i32
      %ne3A_220 = arith.constant 0 : i32
      %ne3A_221 = arith.cmpi ne, %rem3A_219, %ne3A_220 : i32
      %lt3A_222 = arith.constant 0 : i32
      %lt3A_223 = arith.cmpi slt, %rem3A_219, %lt3A_222 : i32
      %lt3A_224 = arith.constant 0 : i32
      %lt3A_225 = arith.cmpi slt, %select_n3A_218, %lt3A_224 : i32
      %ne3A_226 = arith.xori %lt3A_223, %lt3A_225 : i1
      %and3A_227 = arith.andi %ne3A_226, %ne3A_221 : i1
      %add3A_228 = arith.addi %rem3A_219, %select_n3A_218 : i32
      %select_n3A_229 = arith.select %and3A_227, %add3A_228, %rem3A_219 : i32
      %eq3A_230 = arith.constant 4 : i32
      %eq3A_231 = arith.cmpi eq, %select_n3A_229, %eq3A_230 : i32
      %lt3A_232 = arith.cmpi slt, %while3A_127, %scan3A_9 : i32
      %and3A_233 = arith.andi %eq3A_231, %lt3A_232 : i1
      %convert_element_type3A_234 = arith.extui %and3A_233 : i1 to i32
      %cond3A_235 = arith.constant 0 : i32
      %cond3A_236 = arith.cmpi ne, %convert_element_type3A_234, %cond3A_235 : i32
      scf.if %cond3A_236 {
        %jit3A_261 = arith.constant 16 : i32
        %div3A = arith.divsi %while3A_127, %jit3A_261 : i32
        %sign3A = arith.constant 0 : i32
        %sign3A_262 = arith.cmpi sgt, %while3A_127, %sign3A : i32
        %sign3A_263 = arith.extui %sign3A_262 : i1 to i32
        %sign3A_264 = arith.constant 0 : i32
        %sign3A_265 = arith.cmpi slt, %while3A_127, %sign3A_264 : i32
        %sign3A_266 = arith.extui %sign3A_265 : i1 to i32
        %sign3A_267 = arith.subi %sign3A_263, %sign3A_266 : i32
        %sign3A_268 = arith.constant 0 : i32
        %sign3A_269 = arith.cmpi sgt, %jit3A_261, %sign3A_268 : i32
        %sign3A_270 = arith.extui %sign3A_269 : i1 to i32
        %sign3A_271 = arith.constant 0 : i32
        %sign3A_272 = arith.cmpi slt, %jit3A_261, %sign3A_271 : i32
        %sign3A_273 = arith.extui %sign3A_272 : i1 to i32
        %sign3A_274 = arith.subi %sign3A_270, %sign3A_273 : i32
        %ne3A_275 = arith.cmpi ne, %sign3A_267, %sign3A_274 : i32
        %rem3A_276 = arith.remsi %while3A_127, %jit3A_261 : i32
        %ne3A_277 = arith.constant 0 : i32
        %ne3A_278 = arith.cmpi ne, %rem3A_276, %ne3A_277 : i32
        %and3A_279 = arith.andi %ne3A_275, %ne3A_278 : i1
        %sub3A = arith.constant 1 : i32
        %sub3A_280 = arith.subi %div3A, %sub3A : i32
        %select_n3A_281 = arith.select %and3A_279, %sub3A_280, %div3A : i32
        %mul3A_282 = arith.constant 16 : i32
        %mul3A_283 = arith.muli %select_n3A_281, %mul3A_282 : i32
        %get3A = arith.index_cast %mul3A_283 : i32 to index
        %get3A_284 = tpu.vector_load %arg9[%get3A] {strides = array<i32>} : memref<528xi32, #tpu.memory_space<vmem>>, vector<16xi32>,
        %sub3A_285 = arith.subi %while3A_127, %mul3A_283 : i32
        %iota3A_286 = tpu.iota {dimensions = array<i32: 0>} : vector<16xi32>
        %broadcast_in_dim3A = vector.broadcast %sub3A_285 : i32 to vector<16xi32>
        %eq3A_287 = arith.cmpi eq, %iota3A_286, %broadcast_in_dim3A : vector<16xi32>
        %jit3A_288 = arith.constant -1 : i32
        %broadcast_in_dim3A_289 = vector.broadcast %jit3A_288 : i32 to vector<16xi32>
        %select_n3A_290 = arith.select %eq3A_287, %get3A_284, %broadcast_in_dim3A_289 : vector<16xi1>, vector<16xi32>
        %reduce_max3A = arith.constant true
        %reduce_max3A_291 = vector.broadcast %reduce_max3A : i1 to vector<16xi1>
        %reduce_max3A_292 = arith.constant -2147483648 : i32
        %reduce_max3A_293 = vector.broadcast %reduce_max3A_292 : i32 to vector<16xi32>
        %reduce_max3A_294 = arith.xori %select_n3A_290, %reduce_max3A_293 : vector<16xi32>
        %reduce_max3A_295 = tpu.scan <max>, %reduce_max3A_294 masked %reduce_max3A_291 : vector<16xi32>, vector<16xi1> -> vector<16xi32>
        %reduce_max3A_296 = arith.xori %reduce_max3A_295, %reduce_max3A_293 : vector<16xi32>
        %reduce_max3A_297 = vector.extract %reduce_max3A_296[15] : i32 from vector<16xi32>
        %mul3A_298 = arith.constant 128 : i32
        %mul3A_299 = arith.muli %reduce_max3A_297, %mul3A_298 : i32
        %multiple_of3A = tpu.assume_multiple %mul3A_299, 128 : i32
        %dma_wait3A_300 = arith.constant 0 : i32
        %dma_wait3A_301 = tpu.memref_slice %arg2[%dma_wait3A_300, %multiple_of3A] : memref<64x1000000xf32, #tpu.memory_space<hbm>> -> memref<64x128xf32, #tpu.memory_space<hbm>>
        %dma_wait3A_302 = arith.constant 0 : i32
        %dma_wait3A_303 = tpu.memref_slice %arg2[%dma_wait3A_302, %multiple_of3A] : memref<64x1000000xf32, #tpu.memory_space<hbm>> -> memref<64x128xf32, #tpu.memory_space<hbm>>
        tpu.wait_dma2 semaphore(%arg21 : memref<!tpu.dma_semaphore, #tpu.memory_space<semaphore_mem>>) src(%dma_wait3A_303 : memref<64x128xf32, #tpu.memory_space<hbm>>) dst(%arg14 : memref<64x128xf32, #tpu.memory_space<vmem>>)
        %jit3A_304 = arith.constant 16 : i32
        %div3A_305 = arith.divsi %while3A_127, %jit3A_304 : i32
        %sign3A_306 = arith.constant 0 : i32
        %sign3A_307 = arith.cmpi sgt, %while3A_127, %sign3A_306 : i32
        %sign3A_308 = arith.extui %sign3A_307 : i1 to i32
        %sign3A_309 = arith.constant 0 : i32
        %sign3A_310 = arith.cmpi slt, %while3A_127, %sign3A_309 : i32
        %sign3A_311 = arith.extui %sign3A_310 : i1 to i32
        %sign3A_312 = arith.subi %sign3A_308, %sign3A_311 : i32
        %sign3A_313 = arith.constant 0 : i32
        %sign3A_314 = arith.cmpi sgt, %jit3A_304, %sign3A_313 : i32
        %sign3A_315 = arith.extui %sign3A_314 : i1 to i32
        %sign3A_316 = arith.constant 0 : i32
        %sign3A_317 = arith.cmpi slt, %jit3A_304, %sign3A_316 : i32
        %sign3A_318 = arith.extui %sign3A_317 : i1 to i32
        %sign3A_319 = arith.subi %sign3A_315, %sign3A_318 : i32
        %ne3A_320 = arith.cmpi ne, %sign3A_312, %sign3A_319 : i32
        %rem3A_321 = arith.remsi %while3A_127, %jit3A_304 : i32
        %ne3A_322 = arith.constant 0 : i32
        %ne3A_323 = arith.cmpi ne, %rem3A_321, %ne3A_322 : i32
        %and3A_324 = arith.andi %ne3A_320, %ne3A_323 : i1
        %sub3A_325 = arith.constant 1 : i32
        %sub3A_326 = arith.subi %div3A_305, %sub3A_325 : i32
        %select_n3A_327 = arith.select %and3A_324, %sub3A_326, %div3A_305 : i32
        %mul3A_328 = arith.constant 16 : i32
        %mul3A_329 = arith.muli %select_n3A_327, %mul3A_328 : i32
        %get3A_330 = arith.index_cast %mul3A_329 : i32 to index
        %get3A_331 = tpu.vector_load %arg8[%get3A_330] {strides = array<i32>} : memref<528xi32, #tpu.memory_space<vmem>>, vector<16xi32>,
        %sub3A_332 = arith.subi %while3A_127, %mul3A_329 : i32
        %iota3A_333 = tpu.iota {dimensions = array<i32: 0>} : vector<16xi32>
        %broadcast_in_dim3A_334 = vector.broadcast %sub3A_332 : i32 to vector<16xi32>
        %eq3A_335 = arith.cmpi eq, %iota3A_333, %broadcast_in_dim3A_334 : vector<16xi32>
        %jit3A_336 = arith.constant -1 : i32
        %broadcast_in_dim3A_337 = vector.broadcast %jit3A_336 : i32 to vector<16xi32>
        %select_n3A_338 = arith.select %eq3A_335, %get3A_331, %broadcast_in_dim3A_337 : vector<16xi1>, vector<16xi32>
        %reduce_max3A_339 = arith.constant true
        %reduce_max3A_340 = vector.broadcast %reduce_max3A_339 : i1 to vector<16xi1>
        %reduce_max3A_341 = arith.constant -2147483648 : i32
        %reduce_max3A_342 = vector.broadcast %reduce_max3A_341 : i32 to vector<16xi32>
        %reduce_max3A_343 = arith.xori %select_n3A_338, %reduce_max3A_342 : vector<16xi32>
        %reduce_max3A_344 = tpu.scan <max>, %reduce_max3A_343 masked %reduce_max3A_340 : vector<16xi32>, vector<16xi1> -> vector<16xi32>
        %reduce_max3A_345 = arith.xori %reduce_max3A_344, %reduce_max3A_342 : vector<16xi32>
        %reduce_max3A_346 = vector.extract %reduce_max3A_345[15] : i32 from vector<16xi32>
        %add3A_347 = arith.constant 1 : i32
        %add3A_348 = arith.addi %while3A_127, %add3A_347 : i32
        %lt3A_349 = arith.cmpi slt, %add3A_348, %scan3A_9 : i32
        %add3A_350 = arith.constant 1 : i32
        %add3A_351 = arith.addi %while3A_127, %add3A_350 : i32
        %jit3A_352 = arith.constant 16 : i32
        %div3A_353 = arith.divsi %add3A_351, %jit3A_352 : i32
        %sign3A_354 = arith.constant 0 : i32
        %sign3A_355 = arith.cmpi sgt, %add3A_351, %sign3A_354 : i32
        %sign3A_356 = arith.extui %sign3A_355 : i1 to i32
        %sign3A_357 = arith.constant 0 : i32
        %sign3A_358 = arith.cmpi slt, %add3A_351, %sign3A_357 : i32
        %sign3A_359 = arith.extui %sign3A_358 : i1 to i32
        %sign3A_360 = arith.subi %sign3A_356, %sign3A_359 : i32
        %sign3A_361 = arith.constant 0 : i32
        %sign3A_362 = arith.cmpi sgt, %jit3A_352, %sign3A_361 : i32
        %sign3A_363 = arith.extui %sign3A_362 : i1 to i32
        %sign3A_364 = arith.constant 0 : i32
        %sign3A_365 = arith.cmpi slt, %jit3A_352, %sign3A_364 : i32
        %sign3A_366 = arith.extui %sign3A_365 : i1 to i32
        %sign3A_367 = arith.subi %sign3A_363, %sign3A_366 : i32
        %ne3A_368 = arith.cmpi ne, %sign3A_360, %sign3A_367 : i32
        %rem3A_369 = arith.remsi %add3A_351, %jit3A_352 : i32
        %ne3A_370 = arith.constant 0 : i32
        %ne3A_371 = arith.cmpi ne, %rem3A_369, %ne3A_370 : i32
        %and3A_372 = arith.andi %ne3A_368, %ne3A_371 : i1
        %sub3A_373 = arith.constant 1 : i32
        %sub3A_374 = arith.subi %div3A_353, %sub3A_373 : i32
        %select_n3A_375 = arith.select %and3A_372, %sub3A_374, %div3A_353 : i32
        %mul3A_376 = arith.constant 16 : i32
        %mul3A_377 = arith.muli %select_n3A_375, %mul3A_376 : i32
        %get3A_378 = arith.index_cast %mul3A_377 : i32 to index
        %get3A_379 = tpu.vector_load %arg8[%get3A_378] {strides = array<i32>} : memref<528xi32, #tpu.memory_space<vmem>>, vector<16xi32>,
        %sub3A_380 = arith.subi %add3A_351, %mul3A_377 : i32
        %iota3A_381 = tpu.iota {dimensions = array<i32: 0>} : vector<16xi32>
        %broadcast_in_dim3A_382 = vector.broadcast %sub3A_380 : i32 to vector<16xi32>
        %eq3A_383 = arith.cmpi eq, %iota3A_381, %broadcast_in_dim3A_382 : vector<16xi32>
        %jit3A_384 = arith.constant -1 : i32
        %broadcast_in_dim3A_385 = vector.broadcast %jit3A_384 : i32 to vector<16xi32>
        %select_n3A_386 = arith.select %eq3A_383, %get3A_379, %broadcast_in_dim3A_385 : vector<16xi1>, vector<16xi32>
        %reduce_max3A_387 = arith.constant true
        %reduce_max3A_388 = vector.broadcast %reduce_max3A_387 : i1 to vector<16xi1>
        %reduce_max3A_389 = arith.constant -2147483648 : i32
        %reduce_max3A_390 = vector.broadcast %reduce_max3A_389 : i32 to vector<16xi32>
        %reduce_max3A_391 = arith.xori %select_n3A_386, %reduce_max3A_390 : vector<16xi32>
        %reduce_max3A_392 = tpu.scan <max>, %reduce_max3A_391 masked %reduce_max3A_388 : vector<16xi32>, vector<16xi1> -> vector<16xi32>
        %reduce_max3A_393 = arith.xori %reduce_max3A_392, %reduce_max3A_390 : vector<16xi32>
        %reduce_max3A_394 = vector.extract %reduce_max3A_393[15] : i32 from vector<16xi32>
        %jit3A_395 = arith.constant 512 : i32
        %select_n3A_396 = arith.select %lt3A_349, %reduce_max3A_394, %jit3A_395 : i32
        %while3A_397 = arith.constant 0 : i32
        %while3A_398 = arith.subi %select_n3A_396, %reduce_max3A_346 : i32
        %while3A_399 = arith.addi %reduce_max3A_346, %while3A_398 : i32
        %while3A_400 = arith.constant 1 : i32
        %while3A_401 = arith.divsi %while3A_398, %while3A_400 : i32
        %while3A_402 = arith.muli %while3A_401, %while3A_400 : i32
        %while3A_403 = arith.addi %reduce_max3A_346, %while3A_402 : i32
        %while3A_404 = arith.constant 1 : i32
        %while3A_405 = scf.for %while3A_414 = %reduce_max3A_346 to %while3A_403 step %while3A_404 iter_args(%while3A_415 = %while3A_397) -> (i32)  : i32 {
          %jit3A_416 = arith.constant 16 : i32
          %div3A_417 = arith.divsi %while3A_414, %jit3A_416 : i32
          %sign3A_418 = arith.constant 0 : i32
          %sign3A_419 = arith.cmpi sgt, %while3A_414, %sign3A_418 : i32
          %sign3A_420 = arith.extui %sign3A_419 : i1 to i32
          %sign3A_421 = arith.constant 0 : i32
          %sign3A_422 = arith.cmpi slt, %while3A_414, %sign3A_421 : i32
          %sign3A_423 = arith.extui %sign3A_422 : i1 to i32
          %sign3A_424 = arith.subi %sign3A_420, %sign3A_423 : i32
          %sign3A_425 = arith.constant 0 : i32
          %sign3A_426 = arith.cmpi sgt, %jit3A_416, %sign3A_425 : i32
          %sign3A_427 = arith.extui %sign3A_426 : i1 to i32
          %sign3A_428 = arith.constant 0 : i32
          %sign3A_429 = arith.cmpi slt, %jit3A_416, %sign3A_428 : i32
          %sign3A_430 = arith.extui %sign3A_429 : i1 to i32
          %sign3A_431 = arith.subi %sign3A_427, %sign3A_430 : i32
          %ne3A_432 = arith.cmpi ne, %sign3A_424, %sign3A_431 : i32
          %rem3A_433 = arith.remsi %while3A_414, %jit3A_416 : i32
          %ne3A_434 = arith.constant 0 : i32
          %ne3A_435 = arith.cmpi ne, %rem3A_433, %ne3A_434 : i32
          %and3A_436 = arith.andi %ne3A_432, %ne3A_435 : i1
          %sub3A_437 = arith.constant 1 : i32
          %sub3A_438 = arith.subi %div3A_417, %sub3A_437 : i32
          %select_n3A_439 = arith.select %and3A_436, %sub3A_438, %div3A_417 : i32
          %mul3A_440 = arith.constant 16 : i32
          %mul3A_441 = arith.muli %select_n3A_439, %mul3A_440 : i32
          %get3A_442 = arith.index_cast %mul3A_441 : i32 to index
          %get3A_443 = tpu.vector_load %arg6[%get3A_442] {strides = array<i32>} : memref<512xi32, #tpu.memory_space<vmem>>, vector<16xi32>,
          %sub3A_444 = arith.subi %while3A_414, %mul3A_441 : i32
          %iota3A_445 = tpu.iota {dimensions = array<i32: 0>} : vector<16xi32>
          %broadcast_in_dim3A_446 = vector.broadcast %sub3A_444 : i32 to vector<16xi32>
          %eq3A_447 = arith.cmpi eq, %iota3A_445, %broadcast_in_dim3A_446 : vector<16xi32>
          %jit3A_448 = arith.constant -1 : i32
          %broadcast_in_dim3A_449 = vector.broadcast %jit3A_448 : i32 to vector<16xi32>
          %select_n3A_450 = arith.select %eq3A_447, %get3A_443, %broadcast_in_dim3A_449 : vector<16xi1>, vector<16xi32>
          %reduce_max3A_451 = arith.constant true
          %reduce_max3A_452 = vector.broadcast %reduce_max3A_451 : i1 to vector<16xi1>
          %reduce_max3A_453 = arith.constant -2147483648 : i32
          %reduce_max3A_454 = vector.broadcast %reduce_max3A_453 : i32 to vector<16xi32>
          %reduce_max3A_455 = arith.xori %select_n3A_450, %reduce_max3A_454 : vector<16xi32>
          %reduce_max3A_456 = tpu.scan <max>, %reduce_max3A_455 masked %reduce_max3A_452 : vector<16xi32>, vector<16xi1> -> vector<16xi32>
          %reduce_max3A_457 = arith.xori %reduce_max3A_456, %reduce_max3A_454 : vector<16xi32>
          %reduce_max3A_458 = vector.extract %reduce_max3A_457[15] : i32 from vector<16xi32>
          %and3A_459 = arith.constant 127 : i32
          %and3A_460 = arith.andi %reduce_max3A_458, %and3A_459 : i32
          %broadcast_in_dim3A_461 = vector.broadcast %and3A_460 : i32 to vector<16xi32>
          %add3A_462 = arith.constant 0 : i32
          %add3A_463 = vector.broadcast %add3A_462 : i32 to vector<16xi32>
          %add3A_464 = arith.addi %add3A_463, %iota3A : vector<16xi32>
          %gather3A = tpu.vector_load_idx %arg14[%add3A_464, %broadcast_in_dim3A_461] : memref<64x128xf32, #tpu.memory_space<vmem>>[vector<16xi32>, vector<16xi32>], vector<16xf32>,
          %swap3A = arith.index_cast %while3A_414 : i32 to index
          %swap3A_465 = arith.constant 0 : index
          %swap3A_466 = tpu.vector_load %arg16[%swap3A, %swap3A_465] {strides = array<i32>} : memref<512x128xf32, #tpu.memory_space<vmem>>, vector<16xf32>,
          tpu.vector_store %arg16[%swap3A, %swap3A_465], %gather3A {strides = array<i32>} : memref<512x128xf32, #tpu.memory_space<vmem>>, vector<16xf32>,
          %add3A_467 = arith.constant 16 : i32
          %add3A_468 = vector.broadcast %add3A_467 : i32 to vector<16xi32>
          %add3A_469 = arith.addi %add3A_468, %iota3A : vector<16xi32>
          %gather3A_470 = tpu.vector_load_idx %arg14[%add3A_469, %broadcast_in_dim3A_461] : memref<64x128xf32, #tpu.memory_space<vmem>>[vector<16xi32>, vector<16xi32>], vector<16xf32>,
          %swap3A_471 = arith.index_cast %while3A_414 : i32 to index
          %swap3A_472 = arith.constant 16 : index
          %swap3A_473 = tpu.vector_load %arg16[%swap3A_471, %swap3A_472] {strides = array<i32>} : memref<512x128xf32, #tpu.memory_space<vmem>>, vector<16xf32>,
          tpu.vector_store %arg16[%swap3A_471, %swap3A_472], %gather3A_470 {strides = array<i32>} : memref<512x128xf32, #tpu.memory_space<vmem>>, vector<16xf32>,
          %add3A_474 = arith.constant 32 : i32
          %add3A_475 = vector.broadcast %add3A_474 : i32 to vector<16xi32>
          %add3A_476 = arith.addi %add3A_475, %iota3A : vector<16xi32>
          %gather3A_477 = tpu.vector_load_idx %arg14[%add3A_476, %broadcast_in_dim3A_461] : memref<64x128xf32, #tpu.memory_space<vmem>>[vector<16xi32>, vector<16xi32>], vector<16xf32>,
          %swap3A_478 = arith.index_cast %while3A_414 : i32 to index
          %swap3A_479 = arith.constant 32 : index
          %swap3A_480 = tpu.vector_load %arg16[%swap3A_478, %swap3A_479] {strides = array<i32>} : memref<512x128xf32, #tpu.memory_space<vmem>>, vector<16xf32>,
          tpu.vector_store %arg16[%swap3A_478, %swap3A_479], %gather3A_477 {strides = array<i32>} : memref<512x128xf32, #tpu.memory_space<vmem>>, vector<16xf32>,
          %add3A_481 = arith.constant 48 : i32
          %add3A_482 = vector.broadcast %add3A_481 : i32 to vector<16xi32>
          %add3A_483 = arith.addi %add3A_482, %iota3A : vector<16xi32>
          %gather3A_484 = tpu.vector_load_idx %arg14[%add3A_483, %broadcast_in_dim3A_461] : memref<64x128xf32, #tpu.memory_space<vmem>>[vector<16xi32>, vector<16xi32>], vector<16xf32>,
          %swap3A_485 = arith.index_cast %while3A_414 : i32 to index
          %swap3A_486 = arith.constant 48 : index
          %swap3A_487 = tpu.vector_load %arg16[%swap3A_485, %swap3A_486] {strides = array<i32>} : memref<512x128xf32, #tpu.memory_space<vmem>>, vector<16xf32>,
          tpu.vector_store %arg16[%swap3A_485, %swap3A_486], %gather3A_484 {strides = array<i32>} : memref<512x128xf32, #tpu.memory_space<vmem>>, vector<16xf32>,
          %while3A_488 = arith.constant 0 : i32
          scf.yield %while3A_488 : i32
        }
        %while3A_406 = arith.constant 1 : i32
        %while3A_407 = scf.for %while3A_414 = %while3A_403 to %while3A_399 step %while3A_406 iter_args(%while3A_415 = %while3A_405) -> (i32)  : i32 {
          %jit3A_416 = arith.constant 16 : i32
          %div3A_417 = arith.divsi %while3A_414, %jit3A_416 : i32
          %sign3A_418 = arith.constant 0 : i32
          %sign3A_419 = arith.cmpi sgt, %while3A_414, %sign3A_418 : i32
          %sign3A_420 = arith.extui %sign3A_419 : i1 to i32
          %sign3A_421 = arith.constant 0 : i32
          %sign3A_422 = arith.cmpi slt, %while3A_414, %sign3A_421 : i32
          %sign3A_423 = arith.extui %sign3A_422 : i1 to i32
          %sign3A_424 = arith.subi %sign3A_420, %sign3A_423 : i32
          %sign3A_425 = arith.constant 0 : i32
          %sign3A_426 = arith.cmpi sgt, %jit3A_416, %sign3A_425 : i32
          %sign3A_427 = arith.extui %sign3A_426 : i1 to i32
          %sign3A_428 = arith.constant 0 : i32
          %sign3A_429 = arith.cmpi slt, %jit3A_416, %sign3A_428 : i32
          %sign3A_430 = arith.extui %sign3A_429 : i1 to i32
          %sign3A_431 = arith.subi %sign3A_427, %sign3A_430 : i32
          %ne3A_432 = arith.cmpi ne, %sign3A_424, %sign3A_431 : i32
          %rem3A_433 = arith.remsi %while3A_414, %jit3A_416 : i32
          %ne3A_434 = arith.constant 0 : i32
          %ne3A_435 = arith.cmpi ne, %rem3A_433, %ne3A_434 : i32
          %and3A_436 = arith.andi %ne3A_432, %ne3A_435 : i1
          %sub3A_437 = arith.constant 1 : i32
          %sub3A_438 = arith.subi %div3A_417, %sub3A_437 : i32
          %select_n3A_439 = arith.select %and3A_436, %sub3A_438, %div3A_417 : i32
          %mul3A_440 = arith.constant 16 : i32
          %mul3A_441 = arith.muli %select_n3A_439, %mul3A_440 : i32
          %get3A_442 = arith.index_cast %mul3A_441 : i32 to index
          %get3A_443 = tpu.vector_load %arg6[%get3A_442] {strides = array<i32>} : memref<512xi32, #tpu.memory_space<vmem>>, vector<16xi32>,
          %sub3A_444 = arith.subi %while3A_414, %mul3A_441 : i32
          %iota3A_445 = tpu.iota {dimensions = array<i32: 0>} : vector<16xi32>
          %broadcast_in_dim3A_446 = vector.broadcast %sub3A_444 : i32 to vector<16xi32>
          %eq3A_447 = arith.cmpi eq, %iota3A_445, %broadcast_in_dim3A_446 : vector<16xi32>
          %jit3A_448 = arith.constant -1 : i32
          %broadcast_in_dim3A_449 = vector.broadcast %jit3A_448 : i32 to vector<16xi32>
          %select_n3A_450 = arith.select %eq3A_447, %get3A_443, %broadcast_in_dim3A_449 : vector<16xi1>, vector<16xi32>
          %reduce_max3A_451 = arith.constant true
          %reduce_max3A_452 = vector.broadcast %reduce_max3A_451 : i1 to vector<16xi1>
          %reduce_max3A_453 = arith.constant -2147483648 : i32
          %reduce_max3A_454 = vector.broadcast %reduce_max3A_453 : i32 to vector<16xi32>
          %reduce_max3A_455 = arith.xori %select_n3A_450, %reduce_max3A_454 : vector<16xi32>
          %reduce_max3A_456 = tpu.scan <max>, %reduce_max3A_455 masked %reduce_max3A_452 : vector<16xi32>, vector<16xi1> -> vector<16xi32>
          %reduce_max3A_457 = arith.xori %reduce_max3A_456, %reduce_max3A_454 : vector<16xi32>
          %reduce_max3A_458 = vector.extract %reduce_max3A_457[15] : i32 from vector<16xi32>
          %and3A_459 = arith.constant 127 : i32
          %and3A_460 = arith.andi %reduce_max3A_458, %and3A_459 : i32
          %broadcast_in_dim3A_461 = vector.broadcast %and3A_460 : i32 to vector<16xi32>
          %add3A_462 = arith.constant 0 : i32
          %add3A_463 = vector.broadcast %add3A_462 : i32 to vector<16xi32>
          %add3A_464 = arith.addi %add3A_463, %iota3A : vector<16xi32>
          %gather3A = tpu.vector_load_idx %arg14[%add3A_464, %broadcast_in_dim3A_461] : memref<64x128xf32, #tpu.memory_space<vmem>>[vector<16xi32>, vector<16xi32>], vector<16xf32>,
          %swap3A = arith.index_cast %while3A_414 : i32 to index
          %swap3A_465 = arith.constant 0 : index
          %swap3A_466 = tpu.vector_load %arg16[%swap3A, %swap3A_465] {strides = array<i32>} : memref<512x128xf32, #tpu.memory_space<vmem>>, vector<16xf32>,
          tpu.vector_store %arg16[%swap3A, %swap3A_465], %gather3A {strides = array<i32>} : memref<512x128xf32, #tpu.memory_space<vmem>>, vector<16xf32>,
          %add3A_467 = arith.constant 16 : i32
          %add3A_468 = vector.broadcast %add3A_467 : i32 to vector<16xi32>
          %add3A_469 = arith.addi %add3A_468, %iota3A : vector<16xi32>
          %gather3A_470 = tpu.vector_load_idx %arg14[%add3A_469, %broadcast_in_dim3A_461] : memref<64x128xf32, #tpu.memory_space<vmem>>[vector<16xi32>, vector<16xi32>], vector<16xf32>,
          %swap3A_471 = arith.index_cast %while3A_414 : i32 to index
          %swap3A_472 = arith.constant 16 : index
          %swap3A_473 = tpu.vector_load %arg16[%swap3A_471, %swap3A_472] {strides = array<i32>} : memref<512x128xf32, #tpu.memory_space<vmem>>, vector<16xf32>,
          tpu.vector_store %arg16[%swap3A_471, %swap3A_472], %gather3A_470 {strides = array<i32>} : memref<512x128xf32, #tpu.memory_space<vmem>>, vector<16xf32>,
          %add3A_474 = arith.constant 32 : i32
          %add3A_475 = vector.broadcast %add3A_474 : i32 to vector<16xi32>
          %add3A_476 = arith.addi %add3A_475, %iota3A : vector<16xi32>
          %gather3A_477 = tpu.vector_load_idx %arg14[%add3A_476, %broadcast_in_dim3A_461] : memref<64x128xf32, #tpu.memory_space<vmem>>[vector<16xi32>, vector<16xi32>], vector<16xf32>,
          %swap3A_478 = arith.index_cast %while3A_414 : i32 to index
          %swap3A_479 = arith.constant 32 : index
          %swap3A_480 = tpu.vector_load %arg16[%swap3A_478, %swap3A_479] {strides = array<i32>} : memref<512x128xf32, #tpu.memory_space<vmem>>, vector<16xf32>,
          tpu.vector_store %arg16[%swap3A_478, %swap3A_479], %gather3A_477 {strides = array<i32>} : memref<512x128xf32, #tpu.memory_space<vmem>>, vector<16xf32>,
          %add3A_481 = arith.constant 48 : i32
          %add3A_482 = vector.broadcast %add3A_481 : i32 to vector<16xi32>
          %add3A_483 = arith.addi %add3A_482, %iota3A : vector<16xi32>
          %gather3A_484 = tpu.vector_load_idx %arg14[%add3A_483, %broadcast_in_dim3A_461] : memref<64x128xf32, #tpu.memory_space<vmem>>[vector<16xi32>, vector<16xi32>], vector<16xf32>,
          %swap3A_485 = arith.index_cast %while3A_414 : i32 to index
          %swap3A_486 = arith.constant 48 : index
          %swap3A_487 = tpu.vector_load %arg16[%swap3A_485, %swap3A_486] {strides = array<i32>} : memref<512x128xf32, #tpu.memory_space<vmem>>, vector<16xf32>,
          tpu.vector_store %arg16[%swap3A_485, %swap3A_486], %gather3A_484 {strides = array<i32>} : memref<512x128xf32, #tpu.memory_space<vmem>>, vector<16xf32>,
          %while3A_488 = arith.constant 0 : i32
          scf.yield %while3A_488 : i32
        }
        %add3A_408 = arith.constant 6 : i32
        %add3A_409 = arith.addi %while3A_127, %add3A_408 : i32
        %lt3A_410 = arith.cmpi slt, %add3A_409, %scan3A_9 : i32
        %convert_element_type3A_411 = arith.extui %lt3A_410 : i1 to i32
        %cond3A_412 = arith.constant 0 : i32
        %cond3A_413 = arith.cmpi ne, %convert_element_type3A_411, %cond3A_412 : i32
        scf.if %cond3A_413 {
          %jit3A_414 = arith.constant 16 : i32
          %div3A_415 = arith.divsi %add3A_409, %jit3A_414 : i32
          %sign3A_416 = arith.constant 0 : i32
          %sign3A_417 = arith.cmpi sgt, %add3A_409, %sign3A_416 : i32
          %sign3A_418 = arith.extui %sign3A_417 : i1 to i32
          %sign3A_419 = arith.constant 0 : i32
          %sign3A_420 = arith.cmpi slt, %add3A_409, %sign3A_419 : i32
          %sign3A_421 = arith.extui %sign3A_420 : i1 to i32
          %sign3A_422 = arith.subi %sign3A_418, %sign3A_421 : i32
          %sign3A_423 = arith.constant 0 : i32
          %sign3A_424 = arith.cmpi sgt, %jit3A_414, %sign3A_423 : i32
          %sign3A_425 = arith.extui %sign3A_424 : i1 to i32
          %sign3A_426 = arith.constant 0 : i32
          %sign3A_427 = arith.cmpi slt, %jit3A_414, %sign3A_426 : i32
          %sign3A_428 = arith.extui %sign3A_427 : i1 to i32
          %sign3A_429 = arith.subi %sign3A_425, %sign3A_428 : i32
          %ne3A_430 = arith.cmpi ne, %sign3A_422, %sign3A_429 : i32
          %rem3A_431 = arith.remsi %add3A_409, %jit3A_414 : i32
          %ne3A_432 = arith.constant 0 : i32
          %ne3A_433 = arith.cmpi ne, %rem3A_431, %ne3A_432 : i32
          %and3A_434 = arith.andi %ne3A_430, %ne3A_433 : i1
          %sub3A_435 = arith.constant 1 : i32
          %sub3A_436 = arith.subi %div3A_415, %sub3A_435 : i32
          %select_n3A_437 = arith.select %and3A_434, %sub3A_436, %div3A_415 : i32
          %mul3A_438 = arith.constant 16 : i32
          %mul3A_439 = arith.muli %select_n3A_437, %mul3A_438 : i32
          %get3A_440 = arith.index_cast %mul3A_439 : i32 to index
          %get3A_441 = tpu.vector_load %arg9[%get3A_440] {strides = array<i32>} : memref<528xi32, #tpu.memory_space<vmem>>, vector<16xi32>,
          %sub3A_442 = arith.subi %add3A_409, %mul3A_439 : i32
          %iota3A_443 = tpu.iota {dimensions = array<i32: 0>} : vector<16xi32>
          %broadcast_in_dim3A_444 = vector.broadcast %sub3A_442 : i32 to vector<16xi32>
          %eq3A_445 = arith.cmpi eq, %iota3A_443, %broadcast_in_dim3A_444 : vector<16xi32>
          %jit3A_446 = arith.constant -1 : i32
          %broadcast_in_dim3A_447 = vector.broadcast %jit3A_446 : i32 to vector<16xi32>
          %select_n3A_448 = arith.select %eq3A_445, %get3A_441, %broadcast_in_dim3A_447 : vector<16xi1>, vector<16xi32>
          %reduce_max3A_449 = arith.constant true
          %reduce_max3A_450 = vector.broadcast %reduce_max3A_449 : i1 to vector<16xi1>
          %reduce_max3A_451 = arith.constant -2147483648 : i32
          %reduce_max3A_452 = vector.broadcast %reduce_max3A_451 : i32 to vector<16xi32>
          %reduce_max3A_453 = arith.xori %select_n3A_448, %reduce_max3A_452 : vector<16xi32>
          %reduce_max3A_454 = tpu.scan <max>, %reduce_max3A_453 masked %reduce_max3A_450 : vector<16xi32>, vector<16xi1> -> vector<16xi32>
          %reduce_max3A_455 = arith.xori %reduce_max3A_454, %reduce_max3A_452 : vector<16xi32>
          %reduce_max3A_456 = vector.extract %reduce_max3A_455[15] : i32 from vector<16xi32>
          %mul3A_457 = arith.constant 128 : i32
          %mul3A_458 = arith.muli %reduce_max3A_456, %mul3A_457 : i32
          %multiple_of3A_459 = tpu.assume_multiple %mul3A_458, 128 : i32
          %dma_start3A_460 = arith.constant 0 : i32
          %dma_start3A_461 = tpu.memref_slice %arg2[%dma_start3A_460, %multiple_of3A_459] : memref<64x1000000xf32, #tpu.memory_space<hbm>> -> memref<64x128xf32, #tpu.memory_space<hbm>>
          %dma_start3A_462 = arith.constant 0 : i32
          %dma_start3A_463 = tpu.memref_slice %arg2[%dma_start3A_462, %multiple_of3A_459] : memref<64x1000000xf32, #tpu.memory_space<hbm>> -> memref<64x128xf32, #tpu.memory_space<hbm>>
          tpu.enqueue_dma source(%dma_start3A_463 : memref<64x128xf32, #tpu.memory_space<hbm>>) target(%arg14 : memref<64x128xf32, #tpu.memory_space<vmem>>) target_semaphore(%arg21 : memref<!tpu.dma_semaphore, #tpu.memory_space<semaphore_mem>>)
        } else {
        }
      } else {
      }
      %jit3A_237 = arith.constant 6 : i32
      %eq3A_238 = arith.constant 0 : i32
      %eq3A_239 = arith.cmpi eq, %jit3A_237, %eq3A_238 : i32
      %jit3A_240 = arith.constant 1 : i32
      %select_n3A_241 = arith.select %eq3A_239, %jit3A_240, %jit3A_237 : i32
      %rem3A_242 = arith.remsi %while3A_127, %select_n3A_241 : i32
      %ne3A_243 = arith.constant 0 : i32
      %ne3A_244 = arith.cmpi ne, %rem3A_242, %ne3A_243 : i32
      %lt3A_245 = arith.constant 0 : i32
      %lt3A_246 = arith.cmpi slt, %rem3A_242, %lt3A_245 : i32
      %lt3A_247 = arith.constant 0 : i32
      %lt3A_248 = arith.cmpi slt, %select_n3A_241, %lt3A_247 : i32
      %ne3A_249 = arith.xori %lt3A_246, %lt3A_248 : i1
      %and3A_250 = arith.andi %ne3A_249, %ne3A_244 : i1
      %add3A_251 = arith.addi %rem3A_242, %select_n3A_241 : i32
      %select_n3A_252 = arith.select %and3A_250, %add3A_251, %rem3A_242 : i32
      %eq3A_253 = arith.constant 5 : i32
      %eq3A_254 = arith.cmpi eq, %select_n3A_252, %eq3A_253 : i32
      %lt3A_255 = arith.cmpi slt, %while3A_127, %scan3A_9 : i32
      %and3A_256 = arith.andi %eq3A_254, %lt3A_255 : i1
      %convert_element_type3A_257 = arith.extui %and3A_256 : i1 to i32
      %cond3A_258 = arith.constant 0 : i32
      %cond3A_259 = arith.cmpi ne, %convert_element_type3A_257, %cond3A_258 : i32
      scf.if %cond3A_259 {
        %jit3A_261 = arith.constant 16 : i32
        %div3A = arith.divsi %while3A_127, %jit3A_261 : i32
        %sign3A = arith.constant 0 : i32
        %sign3A_262 = arith.cmpi sgt, %while3A_127, %sign3A : i32
        %sign3A_263 = arith.extui %sign3A_262 : i1 to i32
        %sign3A_264 = arith.constant 0 : i32
        %sign3A_265 = arith.cmpi slt, %while3A_127, %sign3A_264 : i32
        %sign3A_266 = arith.extui %sign3A_265 : i1 to i32
        %sign3A_267 = arith.subi %sign3A_263, %sign3A_266 : i32
        %sign3A_268 = arith.constant 0 : i32
        %sign3A_269 = arith.cmpi sgt, %jit3A_261, %sign3A_268 : i32
        %sign3A_270 = arith.extui %sign3A_269 : i1 to i32
        %sign3A_271 = arith.constant 0 : i32
        %sign3A_272 = arith.cmpi slt, %jit3A_261, %sign3A_271 : i32
        %sign3A_273 = arith.extui %sign3A_272 : i1 to i32
        %sign3A_274 = arith.subi %sign3A_270, %sign3A_273 : i32
        %ne3A_275 = arith.cmpi ne, %sign3A_267, %sign3A_274 : i32
        %rem3A_276 = arith.remsi %while3A_127, %jit3A_261 : i32
        %ne3A_277 = arith.constant 0 : i32
        %ne3A_278 = arith.cmpi ne, %rem3A_276, %ne3A_277 : i32
        %and3A_279 = arith.andi %ne3A_275, %ne3A_278 : i1
        %sub3A = arith.constant 1 : i32
        %sub3A_280 = arith.subi %div3A, %sub3A : i32
        %select_n3A_281 = arith.select %and3A_279, %sub3A_280, %div3A : i32
        %mul3A_282 = arith.constant 16 : i32
        %mul3A_283 = arith.muli %select_n3A_281, %mul3A_282 : i32
        %get3A = arith.index_cast %mul3A_283 : i32 to index
        %get3A_284 = tpu.vector_load %arg9[%get3A] {strides = array<i32>} : memref<528xi32, #tpu.memory_space<vmem>>, vector<16xi32>,
        %sub3A_285 = arith.subi %while3A_127, %mul3A_283 : i32
        %iota3A_286 = tpu.iota {dimensions = array<i32: 0>} : vector<16xi32>
        %broadcast_in_dim3A = vector.broadcast %sub3A_285 : i32 to vector<16xi32>
        %eq3A_287 = arith.cmpi eq, %iota3A_286, %broadcast_in_dim3A : vector<16xi32>
        %jit3A_288 = arith.constant -1 : i32
        %broadcast_in_dim3A_289 = vector.broadcast %jit3A_288 : i32 to vector<16xi32>
        %select_n3A_290 = arith.select %eq3A_287, %get3A_284, %broadcast_in_dim3A_289 : vector<16xi1>, vector<16xi32>
        %reduce_max3A = arith.constant true
        %reduce_max3A_291 = vector.broadcast %reduce_max3A : i1 to vector<16xi1>
        %reduce_max3A_292 = arith.constant -2147483648 : i32
        %reduce_max3A_293 = vector.broadcast %reduce_max3A_292 : i32 to vector<16xi32>
        %reduce_max3A_294 = arith.xori %select_n3A_290, %reduce_max3A_293 : vector<16xi32>
        %reduce_max3A_295 = tpu.scan <max>, %reduce_max3A_294 masked %reduce_max3A_291 : vector<16xi32>, vector<16xi1> -> vector<16xi32>
        %reduce_max3A_296 = arith.xori %reduce_max3A_295, %reduce_max3A_293 : vector<16xi32>
        %reduce_max3A_297 = vector.extract %reduce_max3A_296[15] : i32 from vector<16xi32>
        %mul3A_298 = arith.constant 128 : i32
        %mul3A_299 = arith.muli %reduce_max3A_297, %mul3A_298 : i32
        %multiple_of3A = tpu.assume_multiple %mul3A_299, 128 : i32
        %dma_wait3A_300 = arith.constant 0 : i32
        %dma_wait3A_301 = tpu.memref_slice %arg2[%dma_wait3A_300, %multiple_of3A] : memref<64x1000000xf32, #tpu.memory_space<hbm>> -> memref<64x128xf32, #tpu.memory_space<hbm>>
        %dma_wait3A_302 = arith.constant 0 : i32
        %dma_wait3A_303 = tpu.memref_slice %arg2[%dma_wait3A_302, %multiple_of3A] : memref<64x1000000xf32, #tpu.memory_space<hbm>> -> memref<64x128xf32, #tpu.memory_space<hbm>>
        tpu.wait_dma2 semaphore(%arg22 : memref<!tpu.dma_semaphore, #tpu.memory_space<semaphore_mem>>) src(%dma_wait3A_303 : memref<64x128xf32, #tpu.memory_space<hbm>>) dst(%arg15 : memref<64x128xf32, #tpu.memory_space<vmem>>)
        %jit3A_304 = arith.constant 16 : i32
        %div3A_305 = arith.divsi %while3A_127, %jit3A_304 : i32
        %sign3A_306 = arith.constant 0 : i32
        %sign3A_307 = arith.cmpi sgt, %while3A_127, %sign3A_306 : i32
        %sign3A_308 = arith.extui %sign3A_307 : i1 to i32
        %sign3A_309 = arith.constant 0 : i32
        %sign3A_310 = arith.cmpi slt, %while3A_127, %sign3A_309 : i32
        %sign3A_311 = arith.extui %sign3A_310 : i1 to i32
        %sign3A_312 = arith.subi %sign3A_308, %sign3A_311 : i32
        %sign3A_313 = arith.constant 0 : i32
        %sign3A_314 = arith.cmpi sgt, %jit3A_304, %sign3A_313 : i32
        %sign3A_315 = arith.extui %sign3A_314 : i1 to i32
        %sign3A_316 = arith.constant 0 : i32
        %sign3A_317 = arith.cmpi slt, %jit3A_304, %sign3A_316 : i32
        %sign3A_318 = arith.extui %sign3A_317 : i1 to i32
        %sign3A_319 = arith.subi %sign3A_315, %sign3A_318 : i32
        %ne3A_320 = arith.cmpi ne, %sign3A_312, %sign3A_319 : i32
        %rem3A_321 = arith.remsi %while3A_127, %jit3A_304 : i32
        %ne3A_322 = arith.constant 0 : i32
        %ne3A_323 = arith.cmpi ne, %rem3A_321, %ne3A_322 : i32
        %and3A_324 = arith.andi %ne3A_320, %ne3A_323 : i1
        %sub3A_325 = arith.constant 1 : i32
        %sub3A_326 = arith.subi %div3A_305, %sub3A_325 : i32
        %select_n3A_327 = arith.select %and3A_324, %sub3A_326, %div3A_305 : i32
        %mul3A_328 = arith.constant 16 : i32
        %mul3A_329 = arith.muli %select_n3A_327, %mul3A_328 : i32
        %get3A_330 = arith.index_cast %mul3A_329 : i32 to index
        %get3A_331 = tpu.vector_load %arg8[%get3A_330] {strides = array<i32>} : memref<528xi32, #tpu.memory_space<vmem>>, vector<16xi32>,
        %sub3A_332 = arith.subi %while3A_127, %mul3A_329 : i32
        %iota3A_333 = tpu.iota {dimensions = array<i32: 0>} : vector<16xi32>
        %broadcast_in_dim3A_334 = vector.broadcast %sub3A_332 : i32 to vector<16xi32>
        %eq3A_335 = arith.cmpi eq, %iota3A_333, %broadcast_in_dim3A_334 : vector<16xi32>
        %jit3A_336 = arith.constant -1 : i32
        %broadcast_in_dim3A_337 = vector.broadcast %jit3A_336 : i32 to vector<16xi32>
        %select_n3A_338 = arith.select %eq3A_335, %get3A_331, %broadcast_in_dim3A_337 : vector<16xi1>, vector<16xi32>
        %reduce_max3A_339 = arith.constant true
        %reduce_max3A_340 = vector.broadcast %reduce_max3A_339 : i1 to vector<16xi1>
        %reduce_max3A_341 = arith.constant -2147483648 : i32
        %reduce_max3A_342 = vector.broadcast %reduce_max3A_341 : i32 to vector<16xi32>
        %reduce_max3A_343 = arith.xori %select_n3A_338, %reduce_max3A_342 : vector<16xi32>
        %reduce_max3A_344 = tpu.scan <max>, %reduce_max3A_343 masked %reduce_max3A_340 : vector<16xi32>, vector<16xi1> -> vector<16xi32>
        %reduce_max3A_345 = arith.xori %reduce_max3A_344, %reduce_max3A_342 : vector<16xi32>
        %reduce_max3A_346 = vector.extract %reduce_max3A_345[15] : i32 from vector<16xi32>
        %add3A_347 = arith.constant 1 : i32
        %add3A_348 = arith.addi %while3A_127, %add3A_347 : i32
        %lt3A_349 = arith.cmpi slt, %add3A_348, %scan3A_9 : i32
        %add3A_350 = arith.constant 1 : i32
        %add3A_351 = arith.addi %while3A_127, %add3A_350 : i32
        %jit3A_352 = arith.constant 16 : i32
        %div3A_353 = arith.divsi %add3A_351, %jit3A_352 : i32
        %sign3A_354 = arith.constant 0 : i32
        %sign3A_355 = arith.cmpi sgt, %add3A_351, %sign3A_354 : i32
        %sign3A_356 = arith.extui %sign3A_355 : i1 to i32
        %sign3A_357 = arith.constant 0 : i32
        %sign3A_358 = arith.cmpi slt, %add3A_351, %sign3A_357 : i32
        %sign3A_359 = arith.extui %sign3A_358 : i1 to i32
        %sign3A_360 = arith.subi %sign3A_356, %sign3A_359 : i32
        %sign3A_361 = arith.constant 0 : i32
        %sign3A_362 = arith.cmpi sgt, %jit3A_352, %sign3A_361 : i32
        %sign3A_363 = arith.extui %sign3A_362 : i1 to i32
        %sign3A_364 = arith.constant 0 : i32
        %sign3A_365 = arith.cmpi slt, %jit3A_352, %sign3A_364 : i32
        %sign3A_366 = arith.extui %sign3A_365 : i1 to i32
        %sign3A_367 = arith.subi %sign3A_363, %sign3A_366 : i32
        %ne3A_368 = arith.cmpi ne, %sign3A_360, %sign3A_367 : i32
        %rem3A_369 = arith.remsi %add3A_351, %jit3A_352 : i32
        %ne3A_370 = arith.constant 0 : i32
        %ne3A_371 = arith.cmpi ne, %rem3A_369, %ne3A_370 : i32
        %and3A_372 = arith.andi %ne3A_368, %ne3A_371 : i1
        %sub3A_373 = arith.constant 1 : i32
        %sub3A_374 = arith.subi %div3A_353, %sub3A_373 : i32
        %select_n3A_375 = arith.select %and3A_372, %sub3A_374, %div3A_353 : i32
        %mul3A_376 = arith.constant 16 : i32
        %mul3A_377 = arith.muli %select_n3A_375, %mul3A_376 : i32
        %get3A_378 = arith.index_cast %mul3A_377 : i32 to index
        %get3A_379 = tpu.vector_load %arg8[%get3A_378] {strides = array<i32>} : memref<528xi32, #tpu.memory_space<vmem>>, vector<16xi32>,
        %sub3A_380 = arith.subi %add3A_351, %mul3A_377 : i32
        %iota3A_381 = tpu.iota {dimensions = array<i32: 0>} : vector<16xi32>
        %broadcast_in_dim3A_382 = vector.broadcast %sub3A_380 : i32 to vector<16xi32>
        %eq3A_383 = arith.cmpi eq, %iota3A_381, %broadcast_in_dim3A_382 : vector<16xi32>
        %jit3A_384 = arith.constant -1 : i32
        %broadcast_in_dim3A_385 = vector.broadcast %jit3A_384 : i32 to vector<16xi32>
        %select_n3A_386 = arith.select %eq3A_383, %get3A_379, %broadcast_in_dim3A_385 : vector<16xi1>, vector<16xi32>
        %reduce_max3A_387 = arith.constant true
        %reduce_max3A_388 = vector.broadcast %reduce_max3A_387 : i1 to vector<16xi1>
        %reduce_max3A_389 = arith.constant -2147483648 : i32
        %reduce_max3A_390 = vector.broadcast %reduce_max3A_389 : i32 to vector<16xi32>
        %reduce_max3A_391 = arith.xori %select_n3A_386, %reduce_max3A_390 : vector<16xi32>
        %reduce_max3A_392 = tpu.scan <max>, %reduce_max3A_391 masked %reduce_max3A_388 : vector<16xi32>, vector<16xi1> -> vector<16xi32>
        %reduce_max3A_393 = arith.xori %reduce_max3A_392, %reduce_max3A_390 : vector<16xi32>
        %reduce_max3A_394 = vector.extract %reduce_max3A_393[15] : i32 from vector<16xi32>
        %jit3A_395 = arith.constant 512 : i32
        %select_n3A_396 = arith.select %lt3A_349, %reduce_max3A_394, %jit3A_395 : i32
        %while3A_397 = arith.constant 0 : i32
        %while3A_398 = arith.subi %select_n3A_396, %reduce_max3A_346 : i32
        %while3A_399 = arith.addi %reduce_max3A_346, %while3A_398 : i32
        %while3A_400 = arith.constant 1 : i32
        %while3A_401 = arith.divsi %while3A_398, %while3A_400 : i32
        %while3A_402 = arith.muli %while3A_401, %while3A_400 : i32
        %while3A_403 = arith.addi %reduce_max3A_346, %while3A_402 : i32
        %while3A_404 = arith.constant 1 : i32
        %while3A_405 = scf.for %while3A_414 = %reduce_max3A_346 to %while3A_403 step %while3A_404 iter_args(%while3A_415 = %while3A_397) -> (i32)  : i32 {
          %jit3A_416 = arith.constant 16 : i32
          %div3A_417 = arith.divsi %while3A_414, %jit3A_416 : i32
          %sign3A_418 = arith.constant 0 : i32
          %sign3A_419 = arith.cmpi sgt, %while3A_414, %sign3A_418 : i32
          %sign3A_420 = arith.extui %sign3A_419 : i1 to i32
          %sign3A_421 = arith.constant 0 : i32
          %sign3A_422 = arith.cmpi slt, %while3A_414, %sign3A_421 : i32
          %sign3A_423 = arith.extui %sign3A_422 : i1 to i32
          %sign3A_424 = arith.subi %sign3A_420, %sign3A_423 : i32
          %sign3A_425 = arith.constant 0 : i32
          %sign3A_426 = arith.cmpi sgt, %jit3A_416, %sign3A_425 : i32
          %sign3A_427 = arith.extui %sign3A_426 : i1 to i32
          %sign3A_428 = arith.constant 0 : i32
          %sign3A_429 = arith.cmpi slt, %jit3A_416, %sign3A_428 : i32
          %sign3A_430 = arith.extui %sign3A_429 : i1 to i32
          %sign3A_431 = arith.subi %sign3A_427, %sign3A_430 : i32
          %ne3A_432 = arith.cmpi ne, %sign3A_424, %sign3A_431 : i32
          %rem3A_433 = arith.remsi %while3A_414, %jit3A_416 : i32
          %ne3A_434 = arith.constant 0 : i32
          %ne3A_435 = arith.cmpi ne, %rem3A_433, %ne3A_434 : i32
          %and3A_436 = arith.andi %ne3A_432, %ne3A_435 : i1
          %sub3A_437 = arith.constant 1 : i32
          %sub3A_438 = arith.subi %div3A_417, %sub3A_437 : i32
          %select_n3A_439 = arith.select %and3A_436, %sub3A_438, %div3A_417 : i32
          %mul3A_440 = arith.constant 16 : i32
          %mul3A_441 = arith.muli %select_n3A_439, %mul3A_440 : i32
          %get3A_442 = arith.index_cast %mul3A_441 : i32 to index
          %get3A_443 = tpu.vector_load %arg6[%get3A_442] {strides = array<i32>} : memref<512xi32, #tpu.memory_space<vmem>>, vector<16xi32>,
          %sub3A_444 = arith.subi %while3A_414, %mul3A_441 : i32
          %iota3A_445 = tpu.iota {dimensions = array<i32: 0>} : vector<16xi32>
          %broadcast_in_dim3A_446 = vector.broadcast %sub3A_444 : i32 to vector<16xi32>
          %eq3A_447 = arith.cmpi eq, %iota3A_445, %broadcast_in_dim3A_446 : vector<16xi32>
          %jit3A_448 = arith.constant -1 : i32
          %broadcast_in_dim3A_449 = vector.broadcast %jit3A_448 : i32 to vector<16xi32>
          %select_n3A_450 = arith.select %eq3A_447, %get3A_443, %broadcast_in_dim3A_449 : vector<16xi1>, vector<16xi32>
          %reduce_max3A_451 = arith.constant true
          %reduce_max3A_452 = vector.broadcast %reduce_max3A_451 : i1 to vector<16xi1>
          %reduce_max3A_453 = arith.constant -2147483648 : i32
          %reduce_max3A_454 = vector.broadcast %reduce_max3A_453 : i32 to vector<16xi32>
          %reduce_max3A_455 = arith.xori %select_n3A_450, %reduce_max3A_454 : vector<16xi32>
          %reduce_max3A_456 = tpu.scan <max>, %reduce_max3A_455 masked %reduce_max3A_452 : vector<16xi32>, vector<16xi1> -> vector<16xi32>
          %reduce_max3A_457 = arith.xori %reduce_max3A_456, %reduce_max3A_454 : vector<16xi32>
          %reduce_max3A_458 = vector.extract %reduce_max3A_457[15] : i32 from vector<16xi32>
          %and3A_459 = arith.constant 127 : i32
          %and3A_460 = arith.andi %reduce_max3A_458, %and3A_459 : i32
          %broadcast_in_dim3A_461 = vector.broadcast %and3A_460 : i32 to vector<16xi32>
          %add3A_462 = arith.constant 0 : i32
          %add3A_463 = vector.broadcast %add3A_462 : i32 to vector<16xi32>
          %add3A_464 = arith.addi %add3A_463, %iota3A : vector<16xi32>
          %gather3A = tpu.vector_load_idx %arg15[%add3A_464, %broadcast_in_dim3A_461] : memref<64x128xf32, #tpu.memory_space<vmem>>[vector<16xi32>, vector<16xi32>], vector<16xf32>,
          %swap3A = arith.index_cast %while3A_414 : i32 to index
          %swap3A_465 = arith.constant 0 : index
          %swap3A_466 = tpu.vector_load %arg16[%swap3A, %swap3A_465] {strides = array<i32>} : memref<512x128xf32, #tpu.memory_space<vmem>>, vector<16xf32>,
          tpu.vector_store %arg16[%swap3A, %swap3A_465], %gather3A {strides = array<i32>} : memref<512x128xf32, #tpu.memory_space<vmem>>, vector<16xf32>,
          %add3A_467 = arith.constant 16 : i32
          %add3A_468 = vector.broadcast %add3A_467 : i32 to vector<16xi32>
          %add3A_469 = arith.addi %add3A_468, %iota3A : vector<16xi32>
          %gather3A_470 = tpu.vector_load_idx %arg15[%add3A_469, %broadcast_in_dim3A_461] : memref<64x128xf32, #tpu.memory_space<vmem>>[vector<16xi32>, vector<16xi32>], vector<16xf32>,
          %swap3A_471 = arith.index_cast %while3A_414 : i32 to index
          %swap3A_472 = arith.constant 16 : index
          %swap3A_473 = tpu.vector_load %arg16[%swap3A_471, %swap3A_472] {strides = array<i32>} : memref<512x128xf32, #tpu.memory_space<vmem>>, vector<16xf32>,
          tpu.vector_store %arg16[%swap3A_471, %swap3A_472], %gather3A_470 {strides = array<i32>} : memref<512x128xf32, #tpu.memory_space<vmem>>, vector<16xf32>,
          %add3A_474 = arith.constant 32 : i32
          %add3A_475 = vector.broadcast %add3A_474 : i32 to vector<16xi32>
          %add3A_476 = arith.addi %add3A_475, %iota3A : vector<16xi32>
          %gather3A_477 = tpu.vector_load_idx %arg15[%add3A_476, %broadcast_in_dim3A_461] : memref<64x128xf32, #tpu.memory_space<vmem>>[vector<16xi32>, vector<16xi32>], vector<16xf32>,
          %swap3A_478 = arith.index_cast %while3A_414 : i32 to index
          %swap3A_479 = arith.constant 32 : index
          %swap3A_480 = tpu.vector_load %arg16[%swap3A_478, %swap3A_479] {strides = array<i32>} : memref<512x128xf32, #tpu.memory_space<vmem>>, vector<16xf32>,
          tpu.vector_store %arg16[%swap3A_478, %swap3A_479], %gather3A_477 {strides = array<i32>} : memref<512x128xf32, #tpu.memory_space<vmem>>, vector<16xf32>,
          %add3A_481 = arith.constant 48 : i32
          %add3A_482 = vector.broadcast %add3A_481 : i32 to vector<16xi32>
          %add3A_483 = arith.addi %add3A_482, %iota3A : vector<16xi32>
          %gather3A_484 = tpu.vector_load_idx %arg15[%add3A_483, %broadcast_in_dim3A_461] : memref<64x128xf32, #tpu.memory_space<vmem>>[vector<16xi32>, vector<16xi32>], vector<16xf32>,
          %swap3A_485 = arith.index_cast %while3A_414 : i32 to index
          %swap3A_486 = arith.constant 48 : index
          %swap3A_487 = tpu.vector_load %arg16[%swap3A_485, %swap3A_486] {strides = array<i32>} : memref<512x128xf32, #tpu.memory_space<vmem>>, vector<16xf32>,
          tpu.vector_store %arg16[%swap3A_485, %swap3A_486], %gather3A_484 {strides = array<i32>} : memref<512x128xf32, #tpu.memory_space<vmem>>, vector<16xf32>,
          %while3A_488 = arith.constant 0 : i32
          scf.yield %while3A_488 : i32
        }
        %while3A_406 = arith.constant 1 : i32
        %while3A_407 = scf.for %while3A_414 = %while3A_403 to %while3A_399 step %while3A_406 iter_args(%while3A_415 = %while3A_405) -> (i32)  : i32 {
          %jit3A_416 = arith.constant 16 : i32
          %div3A_417 = arith.divsi %while3A_414, %jit3A_416 : i32
          %sign3A_418 = arith.constant 0 : i32
          %sign3A_419 = arith.cmpi sgt, %while3A_414, %sign3A_418 : i32
          %sign3A_420 = arith.extui %sign3A_419 : i1 to i32
          %sign3A_421 = arith.constant 0 : i32
          %sign3A_422 = arith.cmpi slt, %while3A_414, %sign3A_421 : i32
          %sign3A_423 = arith.extui %sign3A_422 : i1 to i32
          %sign3A_424 = arith.subi %sign3A_420, %sign3A_423 : i32
          %sign3A_425 = arith.constant 0 : i32
          %sign3A_426 = arith.cmpi sgt, %jit3A_416, %sign3A_425 : i32
          %sign3A_427 = arith.extui %sign3A_426 : i1 to i32
          %sign3A_428 = arith.constant 0 : i32
          %sign3A_429 = arith.cmpi slt, %jit3A_416, %sign3A_428 : i32
          %sign3A_430 = arith.extui %sign3A_429 : i1 to i32
          %sign3A_431 = arith.subi %sign3A_427, %sign3A_430 : i32
          %ne3A_432 = arith.cmpi ne, %sign3A_424, %sign3A_431 : i32
          %rem3A_433 = arith.remsi %while3A_414, %jit3A_416 : i32
          %ne3A_434 = arith.constant 0 : i32
          %ne3A_435 = arith.cmpi ne, %rem3A_433, %ne3A_434 : i32
          %and3A_436 = arith.andi %ne3A_432, %ne3A_435 : i1
          %sub3A_437 = arith.constant 1 : i32
          %sub3A_438 = arith.subi %div3A_417, %sub3A_437 : i32
          %select_n3A_439 = arith.select %and3A_436, %sub3A_438, %div3A_417 : i32
          %mul3A_440 = arith.constant 16 : i32
          %mul3A_441 = arith.muli %select_n3A_439, %mul3A_440 : i32
          %get3A_442 = arith.index_cast %mul3A_441 : i32 to index
          %get3A_443 = tpu.vector_load %arg6[%get3A_442] {strides = array<i32>} : memref<512xi32, #tpu.memory_space<vmem>>, vector<16xi32>,
          %sub3A_444 = arith.subi %while3A_414, %mul3A_441 : i32
          %iota3A_445 = tpu.iota {dimensions = array<i32: 0>} : vector<16xi32>
          %broadcast_in_dim3A_446 = vector.broadcast %sub3A_444 : i32 to vector<16xi32>
          %eq3A_447 = arith.cmpi eq, %iota3A_445, %broadcast_in_dim3A_446 : vector<16xi32>
          %jit3A_448 = arith.constant -1 : i32
          %broadcast_in_dim3A_449 = vector.broadcast %jit3A_448 : i32 to vector<16xi32>
          %select_n3A_450 = arith.select %eq3A_447, %get3A_443, %broadcast_in_dim3A_449 : vector<16xi1>, vector<16xi32>
          %reduce_max3A_451 = arith.constant true
          %reduce_max3A_452 = vector.broadcast %reduce_max3A_451 : i1 to vector<16xi1>
          %reduce_max3A_453 = arith.constant -2147483648 : i32
          %reduce_max3A_454 = vector.broadcast %reduce_max3A_453 : i32 to vector<16xi32>
          %reduce_max3A_455 = arith.xori %select_n3A_450, %reduce_max3A_454 : vector<16xi32>
          %reduce_max3A_456 = tpu.scan <max>, %reduce_max3A_455 masked %reduce_max3A_452 : vector<16xi32>, vector<16xi1> -> vector<16xi32>
          %reduce_max3A_457 = arith.xori %reduce_max3A_456, %reduce_max3A_454 : vector<16xi32>
          %reduce_max3A_458 = vector.extract %reduce_max3A_457[15] : i32 from vector<16xi32>
          %and3A_459 = arith.constant 127 : i32
          %and3A_460 = arith.andi %reduce_max3A_458, %and3A_459 : i32
          %broadcast_in_dim3A_461 = vector.broadcast %and3A_460 : i32 to vector<16xi32>
          %add3A_462 = arith.constant 0 : i32
          %add3A_463 = vector.broadcast %add3A_462 : i32 to vector<16xi32>
          %add3A_464 = arith.addi %add3A_463, %iota3A : vector<16xi32>
          %gather3A = tpu.vector_load_idx %arg15[%add3A_464, %broadcast_in_dim3A_461] : memref<64x128xf32, #tpu.memory_space<vmem>>[vector<16xi32>, vector<16xi32>], vector<16xf32>,
          %swap3A = arith.index_cast %while3A_414 : i32 to index
          %swap3A_465 = arith.constant 0 : index
          %swap3A_466 = tpu.vector_load %arg16[%swap3A, %swap3A_465] {strides = array<i32>} : memref<512x128xf32, #tpu.memory_space<vmem>>, vector<16xf32>,
          tpu.vector_store %arg16[%swap3A, %swap3A_465], %gather3A {strides = array<i32>} : memref<512x128xf32, #tpu.memory_space<vmem>>, vector<16xf32>,
          %add3A_467 = arith.constant 16 : i32
          %add3A_468 = vector.broadcast %add3A_467 : i32 to vector<16xi32>
          %add3A_469 = arith.addi %add3A_468, %iota3A : vector<16xi32>
          %gather3A_470 = tpu.vector_load_idx %arg15[%add3A_469, %broadcast_in_dim3A_461] : memref<64x128xf32, #tpu.memory_space<vmem>>[vector<16xi32>, vector<16xi32>], vector<16xf32>,
          %swap3A_471 = arith.index_cast %while3A_414 : i32 to index
          %swap3A_472 = arith.constant 16 : index
          %swap3A_473 = tpu.vector_load %arg16[%swap3A_471, %swap3A_472] {strides = array<i32>} : memref<512x128xf32, #tpu.memory_space<vmem>>, vector<16xf32>,
          tpu.vector_store %arg16[%swap3A_471, %swap3A_472], %gather3A_470 {strides = array<i32>} : memref<512x128xf32, #tpu.memory_space<vmem>>, vector<16xf32>,
          %add3A_474 = arith.constant 32 : i32
          %add3A_475 = vector.broadcast %add3A_474 : i32 to vector<16xi32>
          %add3A_476 = arith.addi %add3A_475, %iota3A : vector<16xi32>
          %gather3A_477 = tpu.vector_load_idx %arg15[%add3A_476, %broadcast_in_dim3A_461] : memref<64x128xf32, #tpu.memory_space<vmem>>[vector<16xi32>, vector<16xi32>], vector<16xf32>,
          %swap3A_478 = arith.index_cast %while3A_414 : i32 to index
          %swap3A_479 = arith.constant 32 : index
          %swap3A_480 = tpu.vector_load %arg16[%swap3A_478, %swap3A_479] {strides = array<i32>} : memref<512x128xf32, #tpu.memory_space<vmem>>, vector<16xf32>,
          tpu.vector_store %arg16[%swap3A_478, %swap3A_479], %gather3A_477 {strides = array<i32>} : memref<512x128xf32, #tpu.memory_space<vmem>>, vector<16xf32>,
          %add3A_481 = arith.constant 48 : i32
          %add3A_482 = vector.broadcast %add3A_481 : i32 to vector<16xi32>
          %add3A_483 = arith.addi %add3A_482, %iota3A : vector<16xi32>
          %gather3A_484 = tpu.vector_load_idx %arg15[%add3A_483, %broadcast_in_dim3A_461] : memref<64x128xf32, #tpu.memory_space<vmem>>[vector<16xi32>, vector<16xi32>], vector<16xf32>,
          %swap3A_485 = arith.index_cast %while3A_414 : i32 to index
          %swap3A_486 = arith.constant 48 : index
          %swap3A_487 = tpu.vector_load %arg16[%swap3A_485, %swap3A_486] {strides = array<i32>} : memref<512x128xf32, #tpu.memory_space<vmem>>, vector<16xf32>,
          tpu.vector_store %arg16[%swap3A_485, %swap3A_486], %gather3A_484 {strides = array<i32>} : memref<512x128xf32, #tpu.memory_space<vmem>>, vector<16xf32>,
          %while3A_488 = arith.constant 0 : i32
          scf.yield %while3A_488 : i32
        }
        %add3A_408 = arith.constant 6 : i32
        %add3A_409 = arith.addi %while3A_127, %add3A_408 : i32
        %lt3A_410 = arith.cmpi slt, %add3A_409, %scan3A_9 : i32
        %convert_element_type3A_411 = arith.extui %lt3A_410 : i1 to i32
        %cond3A_412 = arith.constant 0 : i32
        %cond3A_413 = arith.cmpi ne, %convert_element_type3A_411, %cond3A_412 : i32
        scf.if %cond3A_413 {
          %jit3A_414 = arith.constant 16 : i32
          %div3A_415 = arith.divsi %add3A_409, %jit3A_414 : i32
          %sign3A_416 = arith.constant 0 : i32
          %sign3A_417 = arith.cmpi sgt, %add3A_409, %sign3A_416 : i32
          %sign3A_418 = arith.extui %sign3A_417 : i1 to i32
          %sign3A_419 = arith.constant 0 : i32
          %sign3A_420 = arith.cmpi slt, %add3A_409, %sign3A_419 : i32
          %sign3A_421 = arith.extui %sign3A_420 : i1 to i32
          %sign3A_422 = arith.subi %sign3A_418, %sign3A_421 : i32
          %sign3A_423 = arith.constant 0 : i32
          %sign3A_424 = arith.cmpi sgt, %jit3A_414, %sign3A_423 : i32
          %sign3A_425 = arith.extui %sign3A_424 : i1 to i32
          %sign3A_426 = arith.constant 0 : i32
          %sign3A_427 = arith.cmpi slt, %jit3A_414, %sign3A_426 : i32
          %sign3A_428 = arith.extui %sign3A_427 : i1 to i32
          %sign3A_429 = arith.subi %sign3A_425, %sign3A_428 : i32
          %ne3A_430 = arith.cmpi ne, %sign3A_422, %sign3A_429 : i32
          %rem3A_431 = arith.remsi %add3A_409, %jit3A_414 : i32
          %ne3A_432 = arith.constant 0 : i32
          %ne3A_433 = arith.cmpi ne, %rem3A_431, %ne3A_432 : i32
          %and3A_434 = arith.andi %ne3A_430, %ne3A_433 : i1
          %sub3A_435 = arith.constant 1 : i32
          %sub3A_436 = arith.subi %div3A_415, %sub3A_435 : i32
          %select_n3A_437 = arith.select %and3A_434, %sub3A_436, %div3A_415 : i32
          %mul3A_438 = arith.constant 16 : i32
          %mul3A_439 = arith.muli %select_n3A_437, %mul3A_438 : i32
          %get3A_440 = arith.index_cast %mul3A_439 : i32 to index
          %get3A_441 = tpu.vector_load %arg9[%get3A_440] {strides = array<i32>} : memref<528xi32, #tpu.memory_space<vmem>>, vector<16xi32>,
          %sub3A_442 = arith.subi %add3A_409, %mul3A_439 : i32
          %iota3A_443 = tpu.iota {dimensions = array<i32: 0>} : vector<16xi32>
          %broadcast_in_dim3A_444 = vector.broadcast %sub3A_442 : i32 to vector<16xi32>
          %eq3A_445 = arith.cmpi eq, %iota3A_443, %broadcast_in_dim3A_444 : vector<16xi32>
          %jit3A_446 = arith.constant -1 : i32
          %broadcast_in_dim3A_447 = vector.broadcast %jit3A_446 : i32 to vector<16xi32>
          %select_n3A_448 = arith.select %eq3A_445, %get3A_441, %broadcast_in_dim3A_447 : vector<16xi1>, vector<16xi32>
          %reduce_max3A_449 = arith.constant true
          %reduce_max3A_450 = vector.broadcast %reduce_max3A_449 : i1 to vector<16xi1>
          %reduce_max3A_451 = arith.constant -2147483648 : i32
          %reduce_max3A_452 = vector.broadcast %reduce_max3A_451 : i32 to vector<16xi32>
          %reduce_max3A_453 = arith.xori %select_n3A_448, %reduce_max3A_452 : vector<16xi32>
          %reduce_max3A_454 = tpu.scan <max>, %reduce_max3A_453 masked %reduce_max3A_450 : vector<16xi32>, vector<16xi1> -> vector<16xi32>
          %reduce_max3A_455 = arith.xori %reduce_max3A_454, %reduce_max3A_452 : vector<16xi32>
          %reduce_max3A_456 = vector.extract %reduce_max3A_455[15] : i32 from vector<16xi32>
          %mul3A_457 = arith.constant 128 : i32
          %mul3A_458 = arith.muli %reduce_max3A_456, %mul3A_457 : i32
          %multiple_of3A_459 = tpu.assume_multiple %mul3A_458, 128 : i32
          %dma_start3A_460 = arith.constant 0 : i32
          %dma_start3A_461 = tpu.memref_slice %arg2[%dma_start3A_460, %multiple_of3A_459] : memref<64x1000000xf32, #tpu.memory_space<hbm>> -> memref<64x128xf32, #tpu.memory_space<hbm>>
          %dma_start3A_462 = arith.constant 0 : i32
          %dma_start3A_463 = tpu.memref_slice %arg2[%dma_start3A_462, %multiple_of3A_459] : memref<64x1000000xf32, #tpu.memory_space<hbm>> -> memref<64x128xf32, #tpu.memory_space<hbm>>
          tpu.enqueue_dma source(%dma_start3A_463 : memref<64x128xf32, #tpu.memory_space<hbm>>) target(%arg15 : memref<64x128xf32, #tpu.memory_space<vmem>>) target_semaphore(%arg22 : memref<!tpu.dma_semaphore, #tpu.memory_space<semaphore_mem>>)
        } else {
        }
      } else {
      }
      %while3A_260 = arith.constant 0 : i32
      scf.yield %while3A_260 : i32
    }
    %while3A_47 = arith.constant 1 : i32
    %while3A_48 = scf.for %while3A_127 = %while3A_44 to %while3A_40 step %while3A_47 iter_args(%while3A_128 = %while3A_46) -> (i32)  : i32 {
      %jit3A = arith.constant 6 : i32
      %eq3A = arith.constant 0 : i32
      %eq3A_129 = arith.cmpi eq, %jit3A, %eq3A : i32
      %jit3A_130 = arith.constant 1 : i32
      %select_n3A = arith.select %eq3A_129, %jit3A_130, %jit3A : i32
      %rem3A = arith.remsi %while3A_127, %select_n3A : i32
      %ne3A = arith.constant 0 : i32
      %ne3A_131 = arith.cmpi ne, %rem3A, %ne3A : i32
      %lt3A = arith.constant 0 : i32
      %lt3A_132 = arith.cmpi slt, %rem3A, %lt3A : i32
      %lt3A_133 = arith.constant 0 : i32
      %lt3A_134 = arith.cmpi slt, %select_n3A, %lt3A_133 : i32
      %ne3A_135 = arith.xori %lt3A_132, %lt3A_134 : i1
      %and3A = arith.andi %ne3A_135, %ne3A_131 : i1
      %add3A_136 = arith.addi %rem3A, %select_n3A : i32
      %select_n3A_137 = arith.select %and3A, %add3A_136, %rem3A : i32
      %eq3A_138 = arith.constant 0 : i32
      %eq3A_139 = arith.cmpi eq, %select_n3A_137, %eq3A_138 : i32
      %lt3A_140 = arith.cmpi slt, %while3A_127, %scan3A_9 : i32
      %and3A_141 = arith.andi %eq3A_139, %lt3A_140 : i1
      %convert_element_type3A_142 = arith.extui %and3A_141 : i1 to i32
      %cond3A_143 = arith.constant 0 : i32
      %cond3A_144 = arith.cmpi ne, %convert_element_type3A_142, %cond3A_143 : i32
      scf.if %cond3A_144 {
        %jit3A_261 = arith.constant 16 : i32
        %div3A = arith.divsi %while3A_127, %jit3A_261 : i32
        %sign3A = arith.constant 0 : i32
        %sign3A_262 = arith.cmpi sgt, %while3A_127, %sign3A : i32
        %sign3A_263 = arith.extui %sign3A_262 : i1 to i32
        %sign3A_264 = arith.constant 0 : i32
        %sign3A_265 = arith.cmpi slt, %while3A_127, %sign3A_264 : i32
        %sign3A_266 = arith.extui %sign3A_265 : i1 to i32
        %sign3A_267 = arith.subi %sign3A_263, %sign3A_266 : i32
        %sign3A_268 = arith.constant 0 : i32
        %sign3A_269 = arith.cmpi sgt, %jit3A_261, %sign3A_268 : i32
        %sign3A_270 = arith.extui %sign3A_269 : i1 to i32
        %sign3A_271 = arith.constant 0 : i32
        %sign3A_272 = arith.cmpi slt, %jit3A_261, %sign3A_271 : i32
        %sign3A_273 = arith.extui %sign3A_272 : i1 to i32
        %sign3A_274 = arith.subi %sign3A_270, %sign3A_273 : i32
        %ne3A_275 = arith.cmpi ne, %sign3A_267, %sign3A_274 : i32
        %rem3A_276 = arith.remsi %while3A_127, %jit3A_261 : i32
        %ne3A_277 = arith.constant 0 : i32
        %ne3A_278 = arith.cmpi ne, %rem3A_276, %ne3A_277 : i32
        %and3A_279 = arith.andi %ne3A_275, %ne3A_278 : i1
        %sub3A = arith.constant 1 : i32
        %sub3A_280 = arith.subi %div3A, %sub3A : i32
        %select_n3A_281 = arith.select %and3A_279, %sub3A_280, %div3A : i32
        %mul3A_282 = arith.constant 16 : i32
        %mul3A_283 = arith.muli %select_n3A_281, %mul3A_282 : i32
        %get3A = arith.index_cast %mul3A_283 : i32 to index
        %get3A_284 = tpu.vector_load %arg9[%get3A] {strides = array<i32>} : memref<528xi32, #tpu.memory_space<vmem>>, vector<16xi32>,
        %sub3A_285 = arith.subi %while3A_127, %mul3A_283 : i32
        %iota3A_286 = tpu.iota {dimensions = array<i32: 0>} : vector<16xi32>
        %broadcast_in_dim3A = vector.broadcast %sub3A_285 : i32 to vector<16xi32>
        %eq3A_287 = arith.cmpi eq, %iota3A_286, %broadcast_in_dim3A : vector<16xi32>
        %jit3A_288 = arith.constant -1 : i32
        %broadcast_in_dim3A_289 = vector.broadcast %jit3A_288 : i32 to vector<16xi32>
        %select_n3A_290 = arith.select %eq3A_287, %get3A_284, %broadcast_in_dim3A_289 : vector<16xi1>, vector<16xi32>
        %reduce_max3A = arith.constant true
        %reduce_max3A_291 = vector.broadcast %reduce_max3A : i1 to vector<16xi1>
        %reduce_max3A_292 = arith.constant -2147483648 : i32
        %reduce_max3A_293 = vector.broadcast %reduce_max3A_292 : i32 to vector<16xi32>
        %reduce_max3A_294 = arith.xori %select_n3A_290, %reduce_max3A_293 : vector<16xi32>
        %reduce_max3A_295 = tpu.scan <max>, %reduce_max3A_294 masked %reduce_max3A_291 : vector<16xi32>, vector<16xi1> -> vector<16xi32>
        %reduce_max3A_296 = arith.xori %reduce_max3A_295, %reduce_max3A_293 : vector<16xi32>
        %reduce_max3A_297 = vector.extract %reduce_max3A_296[15] : i32 from vector<16xi32>
        %mul3A_298 = arith.constant 128 : i32
        %mul3A_299 = arith.muli %reduce_max3A_297, %mul3A_298 : i32
        %multiple_of3A = tpu.assume_multiple %mul3A_299, 128 : i32
        %dma_wait3A_300 = arith.constant 0 : i32
        %dma_wait3A_301 = tpu.memref_slice %arg2[%dma_wait3A_300, %multiple_of3A] : memref<64x1000000xf32, #tpu.memory_space<hbm>> -> memref<64x128xf32, #tpu.memory_space<hbm>>
        %dma_wait3A_302 = arith.constant 0 : i32
        %dma_wait3A_303 = tpu.memref_slice %arg2[%dma_wait3A_302, %multiple_of3A] : memref<64x1000000xf32, #tpu.memory_space<hbm>> -> memref<64x128xf32, #tpu.memory_space<hbm>>
        tpu.wait_dma2 semaphore(%arg17 : memref<!tpu.dma_semaphore, #tpu.memory_space<semaphore_mem>>) src(%dma_wait3A_303 : memref<64x128xf32, #tpu.memory_space<hbm>>) dst(%arg10 : memref<64x128xf32, #tpu.memory_space<vmem>>)
        %jit3A_304 = arith.constant 16 : i32
        %div3A_305 = arith.divsi %while3A_127, %jit3A_304 : i32
        %sign3A_306 = arith.constant 0 : i32
        %sign3A_307 = arith.cmpi sgt, %while3A_127, %sign3A_306 : i32
        %sign3A_308 = arith.extui %sign3A_307 : i1 to i32
        %sign3A_309 = arith.constant 0 : i32
        %sign3A_310 = arith.cmpi slt, %while3A_127, %sign3A_309 : i32
        %sign3A_311 = arith.extui %sign3A_310 : i1 to i32
        %sign3A_312 = arith.subi %sign3A_308, %sign3A_311 : i32
        %sign3A_313 = arith.constant 0 : i32
        %sign3A_314 = arith.cmpi sgt, %jit3A_304, %sign3A_313 : i32
        %sign3A_315 = arith.extui %sign3A_314 : i1 to i32
        %sign3A_316 = arith.constant 0 : i32
        %sign3A_317 = arith.cmpi slt, %jit3A_304, %sign3A_316 : i32
        %sign3A_318 = arith.extui %sign3A_317 : i1 to i32
        %sign3A_319 = arith.subi %sign3A_315, %sign3A_318 : i32
        %ne3A_320 = arith.cmpi ne, %sign3A_312, %sign3A_319 : i32
        %rem3A_321 = arith.remsi %while3A_127, %jit3A_304 : i32
        %ne3A_322 = arith.constant 0 : i32
        %ne3A_323 = arith.cmpi ne, %rem3A_321, %ne3A_322 : i32
        %and3A_324 = arith.andi %ne3A_320, %ne3A_323 : i1
        %sub3A_325 = arith.constant 1 : i32
        %sub3A_326 = arith.subi %div3A_305, %sub3A_325 : i32
        %select_n3A_327 = arith.select %and3A_324, %sub3A_326, %div3A_305 : i32
        %mul3A_328 = arith.constant 16 : i32
        %mul3A_329 = arith.muli %select_n3A_327, %mul3A_328 : i32
        %get3A_330 = arith.index_cast %mul3A_329 : i32 to index
        %get3A_331 = tpu.vector_load %arg8[%get3A_330] {strides = array<i32>} : memref<528xi32, #tpu.memory_space<vmem>>, vector<16xi32>,
        %sub3A_332 = arith.subi %while3A_127, %mul3A_329 : i32
        %iota3A_333 = tpu.iota {dimensions = array<i32: 0>} : vector<16xi32>
        %broadcast_in_dim3A_334 = vector.broadcast %sub3A_332 : i32 to vector<16xi32>
        %eq3A_335 = arith.cmpi eq, %iota3A_333, %broadcast_in_dim3A_334 : vector<16xi32>
        %jit3A_336 = arith.constant -1 : i32
        %broadcast_in_dim3A_337 = vector.broadcast %jit3A_336 : i32 to vector<16xi32>
        %select_n3A_338 = arith.select %eq3A_335, %get3A_331, %broadcast_in_dim3A_337 : vector<16xi1>, vector<16xi32>
        %reduce_max3A_339 = arith.constant true
        %reduce_max3A_340 = vector.broadcast %reduce_max3A_339 : i1 to vector<16xi1>
        %reduce_max3A_341 = arith.constant -2147483648 : i32
        %reduce_max3A_342 = vector.broadcast %reduce_max3A_341 : i32 to vector<16xi32>
        %reduce_max3A_343 = arith.xori %select_n3A_338, %reduce_max3A_342 : vector<16xi32>
        %reduce_max3A_344 = tpu.scan <max>, %reduce_max3A_343 masked %reduce_max3A_340 : vector<16xi32>, vector<16xi1> -> vector<16xi32>
        %reduce_max3A_345 = arith.xori %reduce_max3A_344, %reduce_max3A_342 : vector<16xi32>
        %reduce_max3A_346 = vector.extract %reduce_max3A_345[15] : i32 from vector<16xi32>
        %add3A_347 = arith.constant 1 : i32
        %add3A_348 = arith.addi %while3A_127, %add3A_347 : i32
        %lt3A_349 = arith.cmpi slt, %add3A_348, %scan3A_9 : i32
        %add3A_350 = arith.constant 1 : i32
        %add3A_351 = arith.addi %while3A_127, %add3A_350 : i32
        %jit3A_352 = arith.constant 16 : i32
        %div3A_353 = arith.divsi %add3A_351, %jit3A_352 : i32
        %sign3A_354 = arith.constant 0 : i32
        %sign3A_355 = arith.cmpi sgt, %add3A_351, %sign3A_354 : i32
        %sign3A_356 = arith.extui %sign3A_355 : i1 to i32
        %sign3A_357 = arith.constant 0 : i32
        %sign3A_358 = arith.cmpi slt, %add3A_351, %sign3A_357 : i32
        %sign3A_359 = arith.extui %sign3A_358 : i1 to i32
        %sign3A_360 = arith.subi %sign3A_356, %sign3A_359 : i32
        %sign3A_361 = arith.constant 0 : i32
        %sign3A_362 = arith.cmpi sgt, %jit3A_352, %sign3A_361 : i32
        %sign3A_363 = arith.extui %sign3A_362 : i1 to i32
        %sign3A_364 = arith.constant 0 : i32
        %sign3A_365 = arith.cmpi slt, %jit3A_352, %sign3A_364 : i32
        %sign3A_366 = arith.extui %sign3A_365 : i1 to i32
        %sign3A_367 = arith.subi %sign3A_363, %sign3A_366 : i32
        %ne3A_368 = arith.cmpi ne, %sign3A_360, %sign3A_367 : i32
        %rem3A_369 = arith.remsi %add3A_351, %jit3A_352 : i32
        %ne3A_370 = arith.constant 0 : i32
        %ne3A_371 = arith.cmpi ne, %rem3A_369, %ne3A_370 : i32
        %and3A_372 = arith.andi %ne3A_368, %ne3A_371 : i1
        %sub3A_373 = arith.constant 1 : i32
        %sub3A_374 = arith.subi %div3A_353, %sub3A_373 : i32
        %select_n3A_375 = arith.select %and3A_372, %sub3A_374, %div3A_353 : i32
        %mul3A_376 = arith.constant 16 : i32
        %mul3A_377 = arith.muli %select_n3A_375, %mul3A_376 : i32
        %get3A_378 = arith.index_cast %mul3A_377 : i32 to index
        %get3A_379 = tpu.vector_load %arg8[%get3A_378] {strides = array<i32>} : memref<528xi32, #tpu.memory_space<vmem>>, vector<16xi32>,
        %sub3A_380 = arith.subi %add3A_351, %mul3A_377 : i32
        %iota3A_381 = tpu.iota {dimensions = array<i32: 0>} : vector<16xi32>
        %broadcast_in_dim3A_382 = vector.broadcast %sub3A_380 : i32 to vector<16xi32>
        %eq3A_383 = arith.cmpi eq, %iota3A_381, %broadcast_in_dim3A_382 : vector<16xi32>
        %jit3A_384 = arith.constant -1 : i32
        %broadcast_in_dim3A_385 = vector.broadcast %jit3A_384 : i32 to vector<16xi32>
        %select_n3A_386 = arith.select %eq3A_383, %get3A_379, %broadcast_in_dim3A_385 : vector<16xi1>, vector<16xi32>
        %reduce_max3A_387 = arith.constant true
        %reduce_max3A_388 = vector.broadcast %reduce_max3A_387 : i1 to vector<16xi1>
        %reduce_max3A_389 = arith.constant -2147483648 : i32
        %reduce_max3A_390 = vector.broadcast %reduce_max3A_389 : i32 to vector<16xi32>
        %reduce_max3A_391 = arith.xori %select_n3A_386, %reduce_max3A_390 : vector<16xi32>
        %reduce_max3A_392 = tpu.scan <max>, %reduce_max3A_391 masked %reduce_max3A_388 : vector<16xi32>, vector<16xi1> -> vector<16xi32>
        %reduce_max3A_393 = arith.xori %reduce_max3A_392, %reduce_max3A_390 : vector<16xi32>
        %reduce_max3A_394 = vector.extract %reduce_max3A_393[15] : i32 from vector<16xi32>
        %jit3A_395 = arith.constant 512 : i32
        %select_n3A_396 = arith.select %lt3A_349, %reduce_max3A_394, %jit3A_395 : i32
        %while3A_397 = arith.constant 0 : i32
        %while3A_398 = arith.subi %select_n3A_396, %reduce_max3A_346 : i32
        %while3A_399 = arith.addi %reduce_max3A_346, %while3A_398 : i32
        %while3A_400 = arith.constant 1 : i32
        %while3A_401 = arith.divsi %while3A_398, %while3A_400 : i32
        %while3A_402 = arith.muli %while3A_401, %while3A_400 : i32
        %while3A_403 = arith.addi %reduce_max3A_346, %while3A_402 : i32
        %while3A_404 = arith.constant 1 : i32
        %while3A_405 = scf.for %while3A_414 = %reduce_max3A_346 to %while3A_403 step %while3A_404 iter_args(%while3A_415 = %while3A_397) -> (i32)  : i32 {
          %jit3A_416 = arith.constant 16 : i32
          %div3A_417 = arith.divsi %while3A_414, %jit3A_416 : i32
          %sign3A_418 = arith.constant 0 : i32
          %sign3A_419 = arith.cmpi sgt, %while3A_414, %sign3A_418 : i32
          %sign3A_420 = arith.extui %sign3A_419 : i1 to i32
          %sign3A_421 = arith.constant 0 : i32
          %sign3A_422 = arith.cmpi slt, %while3A_414, %sign3A_421 : i32
          %sign3A_423 = arith.extui %sign3A_422 : i1 to i32
          %sign3A_424 = arith.subi %sign3A_420, %sign3A_423 : i32
          %sign3A_425 = arith.constant 0 : i32
          %sign3A_426 = arith.cmpi sgt, %jit3A_416, %sign3A_425 : i32
          %sign3A_427 = arith.extui %sign3A_426 : i1 to i32
          %sign3A_428 = arith.constant 0 : i32
          %sign3A_429 = arith.cmpi slt, %jit3A_416, %sign3A_428 : i32
          %sign3A_430 = arith.extui %sign3A_429 : i1 to i32
          %sign3A_431 = arith.subi %sign3A_427, %sign3A_430 : i32
          %ne3A_432 = arith.cmpi ne, %sign3A_424, %sign3A_431 : i32
          %rem3A_433 = arith.remsi %while3A_414, %jit3A_416 : i32
          %ne3A_434 = arith.constant 0 : i32
          %ne3A_435 = arith.cmpi ne, %rem3A_433, %ne3A_434 : i32
          %and3A_436 = arith.andi %ne3A_432, %ne3A_435 : i1
          %sub3A_437 = arith.constant 1 : i32
          %sub3A_438 = arith.subi %div3A_417, %sub3A_437 : i32
          %select_n3A_439 = arith.select %and3A_436, %sub3A_438, %div3A_417 : i32
          %mul3A_440 = arith.constant 16 : i32
          %mul3A_441 = arith.muli %select_n3A_439, %mul3A_440 : i32
          %get3A_442 = arith.index_cast %mul3A_441 : i32 to index
          %get3A_443 = tpu.vector_load %arg6[%get3A_442] {strides = array<i32>} : memref<512xi32, #tpu.memory_space<vmem>>, vector<16xi32>,
          %sub3A_444 = arith.subi %while3A_414, %mul3A_441 : i32
          %iota3A_445 = tpu.iota {dimensions = array<i32: 0>} : vector<16xi32>
          %broadcast_in_dim3A_446 = vector.broadcast %sub3A_444 : i32 to vector<16xi32>
          %eq3A_447 = arith.cmpi eq, %iota3A_445, %broadcast_in_dim3A_446 : vector<16xi32>
          %jit3A_448 = arith.constant -1 : i32
          %broadcast_in_dim3A_449 = vector.broadcast %jit3A_448 : i32 to vector<16xi32>
          %select_n3A_450 = arith.select %eq3A_447, %get3A_443, %broadcast_in_dim3A_449 : vector<16xi1>, vector<16xi32>
          %reduce_max3A_451 = arith.constant true
          %reduce_max3A_452 = vector.broadcast %reduce_max3A_451 : i1 to vector<16xi1>
          %reduce_max3A_453 = arith.constant -2147483648 : i32
          %reduce_max3A_454 = vector.broadcast %reduce_max3A_453 : i32 to vector<16xi32>
          %reduce_max3A_455 = arith.xori %select_n3A_450, %reduce_max3A_454 : vector<16xi32>
          %reduce_max3A_456 = tpu.scan <max>, %reduce_max3A_455 masked %reduce_max3A_452 : vector<16xi32>, vector<16xi1> -> vector<16xi32>
          %reduce_max3A_457 = arith.xori %reduce_max3A_456, %reduce_max3A_454 : vector<16xi32>
          %reduce_max3A_458 = vector.extract %reduce_max3A_457[15] : i32 from vector<16xi32>
          %and3A_459 = arith.constant 127 : i32
          %and3A_460 = arith.andi %reduce_max3A_458, %and3A_459 : i32
          %broadcast_in_dim3A_461 = vector.broadcast %and3A_460 : i32 to vector<16xi32>
          %add3A_462 = arith.constant 0 : i32
          %add3A_463 = vector.broadcast %add3A_462 : i32 to vector<16xi32>
          %add3A_464 = arith.addi %add3A_463, %iota3A : vector<16xi32>
          %gather3A = tpu.vector_load_idx %arg10[%add3A_464, %broadcast_in_dim3A_461] : memref<64x128xf32, #tpu.memory_space<vmem>>[vector<16xi32>, vector<16xi32>], vector<16xf32>,
          %swap3A = arith.index_cast %while3A_414 : i32 to index
          %swap3A_465 = arith.constant 0 : index
          %swap3A_466 = tpu.vector_load %arg16[%swap3A, %swap3A_465] {strides = array<i32>} : memref<512x128xf32, #tpu.memory_space<vmem>>, vector<16xf32>,
          tpu.vector_store %arg16[%swap3A, %swap3A_465], %gather3A {strides = array<i32>} : memref<512x128xf32, #tpu.memory_space<vmem>>, vector<16xf32>,
          %add3A_467 = arith.constant 16 : i32
          %add3A_468 = vector.broadcast %add3A_467 : i32 to vector<16xi32>
          %add3A_469 = arith.addi %add3A_468, %iota3A : vector<16xi32>
          %gather3A_470 = tpu.vector_load_idx %arg10[%add3A_469, %broadcast_in_dim3A_461] : memref<64x128xf32, #tpu.memory_space<vmem>>[vector<16xi32>, vector<16xi32>], vector<16xf32>,
          %swap3A_471 = arith.index_cast %while3A_414 : i32 to index
          %swap3A_472 = arith.constant 16 : index
          %swap3A_473 = tpu.vector_load %arg16[%swap3A_471, %swap3A_472] {strides = array<i32>} : memref<512x128xf32, #tpu.memory_space<vmem>>, vector<16xf32>,
          tpu.vector_store %arg16[%swap3A_471, %swap3A_472], %gather3A_470 {strides = array<i32>} : memref<512x128xf32, #tpu.memory_space<vmem>>, vector<16xf32>,
          %add3A_474 = arith.constant 32 : i32
          %add3A_475 = vector.broadcast %add3A_474 : i32 to vector<16xi32>
          %add3A_476 = arith.addi %add3A_475, %iota3A : vector<16xi32>
          %gather3A_477 = tpu.vector_load_idx %arg10[%add3A_476, %broadcast_in_dim3A_461] : memref<64x128xf32, #tpu.memory_space<vmem>>[vector<16xi32>, vector<16xi32>], vector<16xf32>,
          %swap3A_478 = arith.index_cast %while3A_414 : i32 to index
          %swap3A_479 = arith.constant 32 : index
          %swap3A_480 = tpu.vector_load %arg16[%swap3A_478, %swap3A_479] {strides = array<i32>} : memref<512x128xf32, #tpu.memory_space<vmem>>, vector<16xf32>,
          tpu.vector_store %arg16[%swap3A_478, %swap3A_479], %gather3A_477 {strides = array<i32>} : memref<512x128xf32, #tpu.memory_space<vmem>>, vector<16xf32>,
          %add3A_481 = arith.constant 48 : i32
          %add3A_482 = vector.broadcast %add3A_481 : i32 to vector<16xi32>
          %add3A_483 = arith.addi %add3A_482, %iota3A : vector<16xi32>
          %gather3A_484 = tpu.vector_load_idx %arg10[%add3A_483, %broadcast_in_dim3A_461] : memref<64x128xf32, #tpu.memory_space<vmem>>[vector<16xi32>, vector<16xi32>], vector<16xf32>,
          %swap3A_485 = arith.index_cast %while3A_414 : i32 to index
          %swap3A_486 = arith.constant 48 : index
          %swap3A_487 = tpu.vector_load %arg16[%swap3A_485, %swap3A_486] {strides = array<i32>} : memref<512x128xf32, #tpu.memory_space<vmem>>, vector<16xf32>,
          tpu.vector_store %arg16[%swap3A_485, %swap3A_486], %gather3A_484 {strides = array<i32>} : memref<512x128xf32, #tpu.memory_space<vmem>>, vector<16xf32>,
          %while3A_488 = arith.constant 0 : i32
          scf.yield %while3A_488 : i32
        }
        %while3A_406 = arith.constant 1 : i32
        %while3A_407 = scf.for %while3A_414 = %while3A_403 to %while3A_399 step %while3A_406 iter_args(%while3A_415 = %while3A_405) -> (i32)  : i32 {
          %jit3A_416 = arith.constant 16 : i32
          %div3A_417 = arith.divsi %while3A_414, %jit3A_416 : i32
          %sign3A_418 = arith.constant 0 : i32
          %sign3A_419 = arith.cmpi sgt, %while3A_414, %sign3A_418 : i32
          %sign3A_420 = arith.extui %sign3A_419 : i1 to i32
          %sign3A_421 = arith.constant 0 : i32
          %sign3A_422 = arith.cmpi slt, %while3A_414, %sign3A_421 : i32
          %sign3A_423 = arith.extui %sign3A_422 : i1 to i32
          %sign3A_424 = arith.subi %sign3A_420, %sign3A_423 : i32
          %sign3A_425 = arith.constant 0 : i32
          %sign3A_426 = arith.cmpi sgt, %jit3A_416, %sign3A_425 : i32
          %sign3A_427 = arith.extui %sign3A_426 : i1 to i32
          %sign3A_428 = arith.constant 0 : i32
          %sign3A_429 = arith.cmpi slt, %jit3A_416, %sign3A_428 : i32
          %sign3A_430 = arith.extui %sign3A_429 : i1 to i32
          %sign3A_431 = arith.subi %sign3A_427, %sign3A_430 : i32
          %ne3A_432 = arith.cmpi ne, %sign3A_424, %sign3A_431 : i32
          %rem3A_433 = arith.remsi %while3A_414, %jit3A_416 : i32
          %ne3A_434 = arith.constant 0 : i32
          %ne3A_435 = arith.cmpi ne, %rem3A_433, %ne3A_434 : i32
          %and3A_436 = arith.andi %ne3A_432, %ne3A_435 : i1
          %sub3A_437 = arith.constant 1 : i32
          %sub3A_438 = arith.subi %div3A_417, %sub3A_437 : i32
          %select_n3A_439 = arith.select %and3A_436, %sub3A_438, %div3A_417 : i32
          %mul3A_440 = arith.constant 16 : i32
          %mul3A_441 = arith.muli %select_n3A_439, %mul3A_440 : i32
          %get3A_442 = arith.index_cast %mul3A_441 : i32 to index
          %get3A_443 = tpu.vector_load %arg6[%get3A_442] {strides = array<i32>} : memref<512xi32, #tpu.memory_space<vmem>>, vector<16xi32>,
          %sub3A_444 = arith.subi %while3A_414, %mul3A_441 : i32
          %iota3A_445 = tpu.iota {dimensions = array<i32: 0>} : vector<16xi32>
          %broadcast_in_dim3A_446 = vector.broadcast %sub3A_444 : i32 to vector<16xi32>
          %eq3A_447 = arith.cmpi eq, %iota3A_445, %broadcast_in_dim3A_446 : vector<16xi32>
          %jit3A_448 = arith.constant -1 : i32
          %broadcast_in_dim3A_449 = vector.broadcast %jit3A_448 : i32 to vector<16xi32>
          %select_n3A_450 = arith.select %eq3A_447, %get3A_443, %broadcast_in_dim3A_449 : vector<16xi1>, vector<16xi32>
          %reduce_max3A_451 = arith.constant true
          %reduce_max3A_452 = vector.broadcast %reduce_max3A_451 : i1 to vector<16xi1>
          %reduce_max3A_453 = arith.constant -2147483648 : i32
          %reduce_max3A_454 = vector.broadcast %reduce_max3A_453 : i32 to vector<16xi32>
          %reduce_max3A_455 = arith.xori %select_n3A_450, %reduce_max3A_454 : vector<16xi32>
          %reduce_max3A_456 = tpu.scan <max>, %reduce_max3A_455 masked %reduce_max3A_452 : vector<16xi32>, vector<16xi1> -> vector<16xi32>
          %reduce_max3A_457 = arith.xori %reduce_max3A_456, %reduce_max3A_454 : vector<16xi32>
          %reduce_max3A_458 = vector.extract %reduce_max3A_457[15] : i32 from vector<16xi32>
          %and3A_459 = arith.constant 127 : i32
          %and3A_460 = arith.andi %reduce_max3A_458, %and3A_459 : i32
          %broadcast_in_dim3A_461 = vector.broadcast %and3A_460 : i32 to vector<16xi32>
          %add3A_462 = arith.constant 0 : i32
          %add3A_463 = vector.broadcast %add3A_462 : i32 to vector<16xi32>
          %add3A_464 = arith.addi %add3A_463, %iota3A : vector<16xi32>
          %gather3A = tpu.vector_load_idx %arg10[%add3A_464, %broadcast_in_dim3A_461] : memref<64x128xf32, #tpu.memory_space<vmem>>[vector<16xi32>, vector<16xi32>], vector<16xf32>,
          %swap3A = arith.index_cast %while3A_414 : i32 to index
          %swap3A_465 = arith.constant 0 : index
          %swap3A_466 = tpu.vector_load %arg16[%swap3A, %swap3A_465] {strides = array<i32>} : memref<512x128xf32, #tpu.memory_space<vmem>>, vector<16xf32>,
          tpu.vector_store %arg16[%swap3A, %swap3A_465], %gather3A {strides = array<i32>} : memref<512x128xf32, #tpu.memory_space<vmem>>, vector<16xf32>,
          %add3A_467 = arith.constant 16 : i32
          %add3A_468 = vector.broadcast %add3A_467 : i32 to vector<16xi32>
          %add3A_469 = arith.addi %add3A_468, %iota3A : vector<16xi32>
          %gather3A_470 = tpu.vector_load_idx %arg10[%add3A_469, %broadcast_in_dim3A_461] : memref<64x128xf32, #tpu.memory_space<vmem>>[vector<16xi32>, vector<16xi32>], vector<16xf32>,
          %swap3A_471 = arith.index_cast %while3A_414 : i32 to index
          %swap3A_472 = arith.constant 16 : index
          %swap3A_473 = tpu.vector_load %arg16[%swap3A_471, %swap3A_472] {strides = array<i32>} : memref<512x128xf32, #tpu.memory_space<vmem>>, vector<16xf32>,
          tpu.vector_store %arg16[%swap3A_471, %swap3A_472], %gather3A_470 {strides = array<i32>} : memref<512x128xf32, #tpu.memory_space<vmem>>, vector<16xf32>,
          %add3A_474 = arith.constant 32 : i32
          %add3A_475 = vector.broadcast %add3A_474 : i32 to vector<16xi32>
          %add3A_476 = arith.addi %add3A_475, %iota3A : vector<16xi32>
          %gather3A_477 = tpu.vector_load_idx %arg10[%add3A_476, %broadcast_in_dim3A_461] : memref<64x128xf32, #tpu.memory_space<vmem>>[vector<16xi32>, vector<16xi32>], vector<16xf32>,
          %swap3A_478 = arith.index_cast %while3A_414 : i32 to index
          %swap3A_479 = arith.constant 32 : index
          %swap3A_480 = tpu.vector_load %arg16[%swap3A_478, %swap3A_479] {strides = array<i32>} : memref<512x128xf32, #tpu.memory_space<vmem>>, vector<16xf32>,
          tpu.vector_store %arg16[%swap3A_478, %swap3A_479], %gather3A_477 {strides = array<i32>} : memref<512x128xf32, #tpu.memory_space<vmem>>, vector<16xf32>,
          %add3A_481 = arith.constant 48 : i32
          %add3A_482 = vector.broadcast %add3A_481 : i32 to vector<16xi32>
          %add3A_483 = arith.addi %add3A_482, %iota3A : vector<16xi32>
          %gather3A_484 = tpu.vector_load_idx %arg10[%add3A_483, %broadcast_in_dim3A_461] : memref<64x128xf32, #tpu.memory_space<vmem>>[vector<16xi32>, vector<16xi32>], vector<16xf32>,
          %swap3A_485 = arith.index_cast %while3A_414 : i32 to index
          %swap3A_486 = arith.constant 48 : index
          %swap3A_487 = tpu.vector_load %arg16[%swap3A_485, %swap3A_486] {strides = array<i32>} : memref<512x128xf32, #tpu.memory_space<vmem>>, vector<16xf32>,
          tpu.vector_store %arg16[%swap3A_485, %swap3A_486], %gather3A_484 {strides = array<i32>} : memref<512x128xf32, #tpu.memory_space<vmem>>, vector<16xf32>,
          %while3A_488 = arith.constant 0 : i32
          scf.yield %while3A_488 : i32
        }
        %add3A_408 = arith.constant 6 : i32
        %add3A_409 = arith.addi %while3A_127, %add3A_408 : i32
        %lt3A_410 = arith.cmpi slt, %add3A_409, %scan3A_9 : i32
        %convert_element_type3A_411 = arith.extui %lt3A_410 : i1 to i32
        %cond3A_412 = arith.constant 0 : i32
        %cond3A_413 = arith.cmpi ne, %convert_element_type3A_411, %cond3A_412 : i32
        scf.if %cond3A_413 {
          %jit3A_414 = arith.constant 16 : i32
          %div3A_415 = arith.divsi %add3A_409, %jit3A_414 : i32
          %sign3A_416 = arith.constant 0 : i32
          %sign3A_417 = arith.cmpi sgt, %add3A_409, %sign3A_416 : i32
          %sign3A_418 = arith.extui %sign3A_417 : i1 to i32
          %sign3A_419 = arith.constant 0 : i32
          %sign3A_420 = arith.cmpi slt, %add3A_409, %sign3A_419 : i32
          %sign3A_421 = arith.extui %sign3A_420 : i1 to i32
          %sign3A_422 = arith.subi %sign3A_418, %sign3A_421 : i32
          %sign3A_423 = arith.constant 0 : i32
          %sign3A_424 = arith.cmpi sgt, %jit3A_414, %sign3A_423 : i32
          %sign3A_425 = arith.extui %sign3A_424 : i1 to i32
          %sign3A_426 = arith.constant 0 : i32
          %sign3A_427 = arith.cmpi slt, %jit3A_414, %sign3A_426 : i32
          %sign3A_428 = arith.extui %sign3A_427 : i1 to i32
          %sign3A_429 = arith.subi %sign3A_425, %sign3A_428 : i32
          %ne3A_430 = arith.cmpi ne, %sign3A_422, %sign3A_429 : i32
          %rem3A_431 = arith.remsi %add3A_409, %jit3A_414 : i32
          %ne3A_432 = arith.constant 0 : i32
          %ne3A_433 = arith.cmpi ne, %rem3A_431, %ne3A_432 : i32
          %and3A_434 = arith.andi %ne3A_430, %ne3A_433 : i1
          %sub3A_435 = arith.constant 1 : i32
          %sub3A_436 = arith.subi %div3A_415, %sub3A_435 : i32
          %select_n3A_437 = arith.select %and3A_434, %sub3A_436, %div3A_415 : i32
          %mul3A_438 = arith.constant 16 : i32
          %mul3A_439 = arith.muli %select_n3A_437, %mul3A_438 : i32
          %get3A_440 = arith.index_cast %mul3A_439 : i32 to index
          %get3A_441 = tpu.vector_load %arg9[%get3A_440] {strides = array<i32>} : memref<528xi32, #tpu.memory_space<vmem>>, vector<16xi32>,
          %sub3A_442 = arith.subi %add3A_409, %mul3A_439 : i32
          %iota3A_443 = tpu.iota {dimensions = array<i32: 0>} : vector<16xi32>
          %broadcast_in_dim3A_444 = vector.broadcast %sub3A_442 : i32 to vector<16xi32>
          %eq3A_445 = arith.cmpi eq, %iota3A_443, %broadcast_in_dim3A_444 : vector<16xi32>
          %jit3A_446 = arith.constant -1 : i32
          %broadcast_in_dim3A_447 = vector.broadcast %jit3A_446 : i32 to vector<16xi32>
          %select_n3A_448 = arith.select %eq3A_445, %get3A_441, %broadcast_in_dim3A_447 : vector<16xi1>, vector<16xi32>
          %reduce_max3A_449 = arith.constant true
          %reduce_max3A_450 = vector.broadcast %reduce_max3A_449 : i1 to vector<16xi1>
          %reduce_max3A_451 = arith.constant -2147483648 : i32
          %reduce_max3A_452 = vector.broadcast %reduce_max3A_451 : i32 to vector<16xi32>
          %reduce_max3A_453 = arith.xori %select_n3A_448, %reduce_max3A_452 : vector<16xi32>
          %reduce_max3A_454 = tpu.scan <max>, %reduce_max3A_453 masked %reduce_max3A_450 : vector<16xi32>, vector<16xi1> -> vector<16xi32>
          %reduce_max3A_455 = arith.xori %reduce_max3A_454, %reduce_max3A_452 : vector<16xi32>
          %reduce_max3A_456 = vector.extract %reduce_max3A_455[15] : i32 from vector<16xi32>
          %mul3A_457 = arith.constant 128 : i32
          %mul3A_458 = arith.muli %reduce_max3A_456, %mul3A_457 : i32
          %multiple_of3A_459 = tpu.assume_multiple %mul3A_458, 128 : i32
          %dma_start3A_460 = arith.constant 0 : i32
          %dma_start3A_461 = tpu.memref_slice %arg2[%dma_start3A_460, %multiple_of3A_459] : memref<64x1000000xf32, #tpu.memory_space<hbm>> -> memref<64x128xf32, #tpu.memory_space<hbm>>
          %dma_start3A_462 = arith.constant 0 : i32
          %dma_start3A_463 = tpu.memref_slice %arg2[%dma_start3A_462, %multiple_of3A_459] : memref<64x1000000xf32, #tpu.memory_space<hbm>> -> memref<64x128xf32, #tpu.memory_space<hbm>>
          tpu.enqueue_dma source(%dma_start3A_463 : memref<64x128xf32, #tpu.memory_space<hbm>>) target(%arg10 : memref<64x128xf32, #tpu.memory_space<vmem>>) target_semaphore(%arg17 : memref<!tpu.dma_semaphore, #tpu.memory_space<semaphore_mem>>)
        } else {
        }
      } else {
      }
      %jit3A_145 = arith.constant 6 : i32
      %eq3A_146 = arith.constant 0 : i32
      %eq3A_147 = arith.cmpi eq, %jit3A_145, %eq3A_146 : i32
      %jit3A_148 = arith.constant 1 : i32
      %select_n3A_149 = arith.select %eq3A_147, %jit3A_148, %jit3A_145 : i32
      %rem3A_150 = arith.remsi %while3A_127, %select_n3A_149 : i32
      %ne3A_151 = arith.constant 0 : i32
      %ne3A_152 = arith.cmpi ne, %rem3A_150, %ne3A_151 : i32
      %lt3A_153 = arith.constant 0 : i32
      %lt3A_154 = arith.cmpi slt, %rem3A_150, %lt3A_153 : i32
      %lt3A_155 = arith.constant 0 : i32
      %lt3A_156 = arith.cmpi slt, %select_n3A_149, %lt3A_155 : i32
      %ne3A_157 = arith.xori %lt3A_154, %lt3A_156 : i1
      %and3A_158 = arith.andi %ne3A_157, %ne3A_152 : i1
      %add3A_159 = arith.addi %rem3A_150, %select_n3A_149 : i32
      %select_n3A_160 = arith.select %and3A_158, %add3A_159, %rem3A_150 : i32
      %eq3A_161 = arith.constant 1 : i32
      %eq3A_162 = arith.cmpi eq, %select_n3A_160, %eq3A_161 : i32
      %lt3A_163 = arith.cmpi slt, %while3A_127, %scan3A_9 : i32
      %and3A_164 = arith.andi %eq3A_162, %lt3A_163 : i1
      %convert_element_type3A_165 = arith.extui %and3A_164 : i1 to i32
      %cond3A_166 = arith.constant 0 : i32
      %cond3A_167 = arith.cmpi ne, %convert_element_type3A_165, %cond3A_166 : i32
      scf.if %cond3A_167 {
        %jit3A_261 = arith.constant 16 : i32
        %div3A = arith.divsi %while3A_127, %jit3A_261 : i32
        %sign3A = arith.constant 0 : i32
        %sign3A_262 = arith.cmpi sgt, %while3A_127, %sign3A : i32
        %sign3A_263 = arith.extui %sign3A_262 : i1 to i32
        %sign3A_264 = arith.constant 0 : i32
        %sign3A_265 = arith.cmpi slt, %while3A_127, %sign3A_264 : i32
        %sign3A_266 = arith.extui %sign3A_265 : i1 to i32
        %sign3A_267 = arith.subi %sign3A_263, %sign3A_266 : i32
        %sign3A_268 = arith.constant 0 : i32
        %sign3A_269 = arith.cmpi sgt, %jit3A_261, %sign3A_268 : i32
        %sign3A_270 = arith.extui %sign3A_269 : i1 to i32
        %sign3A_271 = arith.constant 0 : i32
        %sign3A_272 = arith.cmpi slt, %jit3A_261, %sign3A_271 : i32
        %sign3A_273 = arith.extui %sign3A_272 : i1 to i32
        %sign3A_274 = arith.subi %sign3A_270, %sign3A_273 : i32
        %ne3A_275 = arith.cmpi ne, %sign3A_267, %sign3A_274 : i32
        %rem3A_276 = arith.remsi %while3A_127, %jit3A_261 : i32
        %ne3A_277 = arith.constant 0 : i32
        %ne3A_278 = arith.cmpi ne, %rem3A_276, %ne3A_277 : i32
        %and3A_279 = arith.andi %ne3A_275, %ne3A_278 : i1
        %sub3A = arith.constant 1 : i32
        %sub3A_280 = arith.subi %div3A, %sub3A : i32
        %select_n3A_281 = arith.select %and3A_279, %sub3A_280, %div3A : i32
        %mul3A_282 = arith.constant 16 : i32
        %mul3A_283 = arith.muli %select_n3A_281, %mul3A_282 : i32
        %get3A = arith.index_cast %mul3A_283 : i32 to index
        %get3A_284 = tpu.vector_load %arg9[%get3A] {strides = array<i32>} : memref<528xi32, #tpu.memory_space<vmem>>, vector<16xi32>,
        %sub3A_285 = arith.subi %while3A_127, %mul3A_283 : i32
        %iota3A_286 = tpu.iota {dimensions = array<i32: 0>} : vector<16xi32>
        %broadcast_in_dim3A = vector.broadcast %sub3A_285 : i32 to vector<16xi32>
        %eq3A_287 = arith.cmpi eq, %iota3A_286, %broadcast_in_dim3A : vector<16xi32>
        %jit3A_288 = arith.constant -1 : i32
        %broadcast_in_dim3A_289 = vector.broadcast %jit3A_288 : i32 to vector<16xi32>
        %select_n3A_290 = arith.select %eq3A_287, %get3A_284, %broadcast_in_dim3A_289 : vector<16xi1>, vector<16xi32>
        %reduce_max3A = arith.constant true
        %reduce_max3A_291 = vector.broadcast %reduce_max3A : i1 to vector<16xi1>
        %reduce_max3A_292 = arith.constant -2147483648 : i32
        %reduce_max3A_293 = vector.broadcast %reduce_max3A_292 : i32 to vector<16xi32>
        %reduce_max3A_294 = arith.xori %select_n3A_290, %reduce_max3A_293 : vector<16xi32>
        %reduce_max3A_295 = tpu.scan <max>, %reduce_max3A_294 masked %reduce_max3A_291 : vector<16xi32>, vector<16xi1> -> vector<16xi32>
        %reduce_max3A_296 = arith.xori %reduce_max3A_295, %reduce_max3A_293 : vector<16xi32>
        %reduce_max3A_297 = vector.extract %reduce_max3A_296[15] : i32 from vector<16xi32>
        %mul3A_298 = arith.constant 128 : i32
        %mul3A_299 = arith.muli %reduce_max3A_297, %mul3A_298 : i32
        %multiple_of3A = tpu.assume_multiple %mul3A_299, 128 : i32
        %dma_wait3A_300 = arith.constant 0 : i32
        %dma_wait3A_301 = tpu.memref_slice %arg2[%dma_wait3A_300, %multiple_of3A] : memref<64x1000000xf32, #tpu.memory_space<hbm>> -> memref<64x128xf32, #tpu.memory_space<hbm>>
        %dma_wait3A_302 = arith.constant 0 : i32
        %dma_wait3A_303 = tpu.memref_slice %arg2[%dma_wait3A_302, %multiple_of3A] : memref<64x1000000xf32, #tpu.memory_space<hbm>> -> memref<64x128xf32, #tpu.memory_space<hbm>>
        tpu.wait_dma2 semaphore(%arg18 : memref<!tpu.dma_semaphore, #tpu.memory_space<semaphore_mem>>) src(%dma_wait3A_303 : memref<64x128xf32, #tpu.memory_space<hbm>>) dst(%arg11 : memref<64x128xf32, #tpu.memory_space<vmem>>)
        %jit3A_304 = arith.constant 16 : i32
        %div3A_305 = arith.divsi %while3A_127, %jit3A_304 : i32
        %sign3A_306 = arith.constant 0 : i32
        %sign3A_307 = arith.cmpi sgt, %while3A_127, %sign3A_306 : i32
        %sign3A_308 = arith.extui %sign3A_307 : i1 to i32
        %sign3A_309 = arith.constant 0 : i32
        %sign3A_310 = arith.cmpi slt, %while3A_127, %sign3A_309 : i32
        %sign3A_311 = arith.extui %sign3A_310 : i1 to i32
        %sign3A_312 = arith.subi %sign3A_308, %sign3A_311 : i32
        %sign3A_313 = arith.constant 0 : i32
        %sign3A_314 = arith.cmpi sgt, %jit3A_304, %sign3A_313 : i32
        %sign3A_315 = arith.extui %sign3A_314 : i1 to i32
        %sign3A_316 = arith.constant 0 : i32
        %sign3A_317 = arith.cmpi slt, %jit3A_304, %sign3A_316 : i32
        %sign3A_318 = arith.extui %sign3A_317 : i1 to i32
        %sign3A_319 = arith.subi %sign3A_315, %sign3A_318 : i32
        %ne3A_320 = arith.cmpi ne, %sign3A_312, %sign3A_319 : i32
        %rem3A_321 = arith.remsi %while3A_127, %jit3A_304 : i32
        %ne3A_322 = arith.constant 0 : i32
        %ne3A_323 = arith.cmpi ne, %rem3A_321, %ne3A_322 : i32
        %and3A_324 = arith.andi %ne3A_320, %ne3A_323 : i1
        %sub3A_325 = arith.constant 1 : i32
        %sub3A_326 = arith.subi %div3A_305, %sub3A_325 : i32
        %select_n3A_327 = arith.select %and3A_324, %sub3A_326, %div3A_305 : i32
        %mul3A_328 = arith.constant 16 : i32
        %mul3A_329 = arith.muli %select_n3A_327, %mul3A_328 : i32
        %get3A_330 = arith.index_cast %mul3A_329 : i32 to index
        %get3A_331 = tpu.vector_load %arg8[%get3A_330] {strides = array<i32>} : memref<528xi32, #tpu.memory_space<vmem>>, vector<16xi32>,
        %sub3A_332 = arith.subi %while3A_127, %mul3A_329 : i32
        %iota3A_333 = tpu.iota {dimensions = array<i32: 0>} : vector<16xi32>
        %broadcast_in_dim3A_334 = vector.broadcast %sub3A_332 : i32 to vector<16xi32>
        %eq3A_335 = arith.cmpi eq, %iota3A_333, %broadcast_in_dim3A_334 : vector<16xi32>
        %jit3A_336 = arith.constant -1 : i32
        %broadcast_in_dim3A_337 = vector.broadcast %jit3A_336 : i32 to vector<16xi32>
        %select_n3A_338 = arith.select %eq3A_335, %get3A_331, %broadcast_in_dim3A_337 : vector<16xi1>, vector<16xi32>
        %reduce_max3A_339 = arith.constant true
        %reduce_max3A_340 = vector.broadcast %reduce_max3A_339 : i1 to vector<16xi1>
        %reduce_max3A_341 = arith.constant -2147483648 : i32
        %reduce_max3A_342 = vector.broadcast %reduce_max3A_341 : i32 to vector<16xi32>
        %reduce_max3A_343 = arith.xori %select_n3A_338, %reduce_max3A_342 : vector<16xi32>
        %reduce_max3A_344 = tpu.scan <max>, %reduce_max3A_343 masked %reduce_max3A_340 : vector<16xi32>, vector<16xi1> -> vector<16xi32>
        %reduce_max3A_345 = arith.xori %reduce_max3A_344, %reduce_max3A_342 : vector<16xi32>
        %reduce_max3A_346 = vector.extract %reduce_max3A_345[15] : i32 from vector<16xi32>
        %add3A_347 = arith.constant 1 : i32
        %add3A_348 = arith.addi %while3A_127, %add3A_347 : i32
        %lt3A_349 = arith.cmpi slt, %add3A_348, %scan3A_9 : i32
        %add3A_350 = arith.constant 1 : i32
        %add3A_351 = arith.addi %while3A_127, %add3A_350 : i32
        %jit3A_352 = arith.constant 16 : i32
        %div3A_353 = arith.divsi %add3A_351, %jit3A_352 : i32
        %sign3A_354 = arith.constant 0 : i32
        %sign3A_355 = arith.cmpi sgt, %add3A_351, %sign3A_354 : i32
        %sign3A_356 = arith.extui %sign3A_355 : i1 to i32
        %sign3A_357 = arith.constant 0 : i32
        %sign3A_358 = arith.cmpi slt, %add3A_351, %sign3A_357 : i32
        %sign3A_359 = arith.extui %sign3A_358 : i1 to i32
        %sign3A_360 = arith.subi %sign3A_356, %sign3A_359 : i32
        %sign3A_361 = arith.constant 0 : i32
        %sign3A_362 = arith.cmpi sgt, %jit3A_352, %sign3A_361 : i32
        %sign3A_363 = arith.extui %sign3A_362 : i1 to i32
        %sign3A_364 = arith.constant 0 : i32
        %sign3A_365 = arith.cmpi slt, %jit3A_352, %sign3A_364 : i32
        %sign3A_366 = arith.extui %sign3A_365 : i1 to i32
        %sign3A_367 = arith.subi %sign3A_363, %sign3A_366 : i32
        %ne3A_368 = arith.cmpi ne, %sign3A_360, %sign3A_367 : i32
        %rem3A_369 = arith.remsi %add3A_351, %jit3A_352 : i32
        %ne3A_370 = arith.constant 0 : i32
        %ne3A_371 = arith.cmpi ne, %rem3A_369, %ne3A_370 : i32
        %and3A_372 = arith.andi %ne3A_368, %ne3A_371 : i1
        %sub3A_373 = arith.constant 1 : i32
        %sub3A_374 = arith.subi %div3A_353, %sub3A_373 : i32
        %select_n3A_375 = arith.select %and3A_372, %sub3A_374, %div3A_353 : i32
        %mul3A_376 = arith.constant 16 : i32
        %mul3A_377 = arith.muli %select_n3A_375, %mul3A_376 : i32
        %get3A_378 = arith.index_cast %mul3A_377 : i32 to index
        %get3A_379 = tpu.vector_load %arg8[%get3A_378] {strides = array<i32>} : memref<528xi32, #tpu.memory_space<vmem>>, vector<16xi32>,
        %sub3A_380 = arith.subi %add3A_351, %mul3A_377 : i32
        %iota3A_381 = tpu.iota {dimensions = array<i32: 0>} : vector<16xi32>
        %broadcast_in_dim3A_382 = vector.broadcast %sub3A_380 : i32 to vector<16xi32>
        %eq3A_383 = arith.cmpi eq, %iota3A_381, %broadcast_in_dim3A_382 : vector<16xi32>
        %jit3A_384 = arith.constant -1 : i32
        %broadcast_in_dim3A_385 = vector.broadcast %jit3A_384 : i32 to vector<16xi32>
        %select_n3A_386 = arith.select %eq3A_383, %get3A_379, %broadcast_in_dim3A_385 : vector<16xi1>, vector<16xi32>
        %reduce_max3A_387 = arith.constant true
        %reduce_max3A_388 = vector.broadcast %reduce_max3A_387 : i1 to vector<16xi1>
        %reduce_max3A_389 = arith.constant -2147483648 : i32
        %reduce_max3A_390 = vector.broadcast %reduce_max3A_389 : i32 to vector<16xi32>
        %reduce_max3A_391 = arith.xori %select_n3A_386, %reduce_max3A_390 : vector<16xi32>
        %reduce_max3A_392 = tpu.scan <max>, %reduce_max3A_391 masked %reduce_max3A_388 : vector<16xi32>, vector<16xi1> -> vector<16xi32>
        %reduce_max3A_393 = arith.xori %reduce_max3A_392, %reduce_max3A_390 : vector<16xi32>
        %reduce_max3A_394 = vector.extract %reduce_max3A_393[15] : i32 from vector<16xi32>
        %jit3A_395 = arith.constant 512 : i32
        %select_n3A_396 = arith.select %lt3A_349, %reduce_max3A_394, %jit3A_395 : i32
        %while3A_397 = arith.constant 0 : i32
        %while3A_398 = arith.subi %select_n3A_396, %reduce_max3A_346 : i32
        %while3A_399 = arith.addi %reduce_max3A_346, %while3A_398 : i32
        %while3A_400 = arith.constant 1 : i32
        %while3A_401 = arith.divsi %while3A_398, %while3A_400 : i32
        %while3A_402 = arith.muli %while3A_401, %while3A_400 : i32
        %while3A_403 = arith.addi %reduce_max3A_346, %while3A_402 : i32
        %while3A_404 = arith.constant 1 : i32
        %while3A_405 = scf.for %while3A_414 = %reduce_max3A_346 to %while3A_403 step %while3A_404 iter_args(%while3A_415 = %while3A_397) -> (i32)  : i32 {
          %jit3A_416 = arith.constant 16 : i32
          %div3A_417 = arith.divsi %while3A_414, %jit3A_416 : i32
          %sign3A_418 = arith.constant 0 : i32
          %sign3A_419 = arith.cmpi sgt, %while3A_414, %sign3A_418 : i32
          %sign3A_420 = arith.extui %sign3A_419 : i1 to i32
          %sign3A_421 = arith.constant 0 : i32
          %sign3A_422 = arith.cmpi slt, %while3A_414, %sign3A_421 : i32
          %sign3A_423 = arith.extui %sign3A_422 : i1 to i32
          %sign3A_424 = arith.subi %sign3A_420, %sign3A_423 : i32
          %sign3A_425 = arith.constant 0 : i32
          %sign3A_426 = arith.cmpi sgt, %jit3A_416, %sign3A_425 : i32
          %sign3A_427 = arith.extui %sign3A_426 : i1 to i32
          %sign3A_428 = arith.constant 0 : i32
          %sign3A_429 = arith.cmpi slt, %jit3A_416, %sign3A_428 : i32
          %sign3A_430 = arith.extui %sign3A_429 : i1 to i32
          %sign3A_431 = arith.subi %sign3A_427, %sign3A_430 : i32
          %ne3A_432 = arith.cmpi ne, %sign3A_424, %sign3A_431 : i32
          %rem3A_433 = arith.remsi %while3A_414, %jit3A_416 : i32
          %ne3A_434 = arith.constant 0 : i32
          %ne3A_435 = arith.cmpi ne, %rem3A_433, %ne3A_434 : i32
          %and3A_436 = arith.andi %ne3A_432, %ne3A_435 : i1
          %sub3A_437 = arith.constant 1 : i32
          %sub3A_438 = arith.subi %div3A_417, %sub3A_437 : i32
          %select_n3A_439 = arith.select %and3A_436, %sub3A_438, %div3A_417 : i32
          %mul3A_440 = arith.constant 16 : i32
          %mul3A_441 = arith.muli %select_n3A_439, %mul3A_440 : i32
          %get3A_442 = arith.index_cast %mul3A_441 : i32 to index
          %get3A_443 = tpu.vector_load %arg6[%get3A_442] {strides = array<i32>} : memref<512xi32, #tpu.memory_space<vmem>>, vector<16xi32>,
          %sub3A_444 = arith.subi %while3A_414, %mul3A_441 : i32
          %iota3A_445 = tpu.iota {dimensions = array<i32: 0>} : vector<16xi32>
          %broadcast_in_dim3A_446 = vector.broadcast %sub3A_444 : i32 to vector<16xi32>
          %eq3A_447 = arith.cmpi eq, %iota3A_445, %broadcast_in_dim3A_446 : vector<16xi32>
          %jit3A_448 = arith.constant -1 : i32
          %broadcast_in_dim3A_449 = vector.broadcast %jit3A_448 : i32 to vector<16xi32>
          %select_n3A_450 = arith.select %eq3A_447, %get3A_443, %broadcast_in_dim3A_449 : vector<16xi1>, vector<16xi32>
          %reduce_max3A_451 = arith.constant true
          %reduce_max3A_452 = vector.broadcast %reduce_max3A_451 : i1 to vector<16xi1>
          %reduce_max3A_453 = arith.constant -2147483648 : i32
          %reduce_max3A_454 = vector.broadcast %reduce_max3A_453 : i32 to vector<16xi32>
          %reduce_max3A_455 = arith.xori %select_n3A_450, %reduce_max3A_454 : vector<16xi32>
          %reduce_max3A_456 = tpu.scan <max>, %reduce_max3A_455 masked %reduce_max3A_452 : vector<16xi32>, vector<16xi1> -> vector<16xi32>
          %reduce_max3A_457 = arith.xori %reduce_max3A_456, %reduce_max3A_454 : vector<16xi32>
          %reduce_max3A_458 = vector.extract %reduce_max3A_457[15] : i32 from vector<16xi32>
          %and3A_459 = arith.constant 127 : i32
          %and3A_460 = arith.andi %reduce_max3A_458, %and3A_459 : i32
          %broadcast_in_dim3A_461 = vector.broadcast %and3A_460 : i32 to vector<16xi32>
          %add3A_462 = arith.constant 0 : i32
          %add3A_463 = vector.broadcast %add3A_462 : i32 to vector<16xi32>
          %add3A_464 = arith.addi %add3A_463, %iota3A : vector<16xi32>
          %gather3A = tpu.vector_load_idx %arg11[%add3A_464, %broadcast_in_dim3A_461] : memref<64x128xf32, #tpu.memory_space<vmem>>[vector<16xi32>, vector<16xi32>], vector<16xf32>,
          %swap3A = arith.index_cast %while3A_414 : i32 to index
          %swap3A_465 = arith.constant 0 : index
          %swap3A_466 = tpu.vector_load %arg16[%swap3A, %swap3A_465] {strides = array<i32>} : memref<512x128xf32, #tpu.memory_space<vmem>>, vector<16xf32>,
          tpu.vector_store %arg16[%swap3A, %swap3A_465], %gather3A {strides = array<i32>} : memref<512x128xf32, #tpu.memory_space<vmem>>, vector<16xf32>,
          %add3A_467 = arith.constant 16 : i32
          %add3A_468 = vector.broadcast %add3A_467 : i32 to vector<16xi32>
          %add3A_469 = arith.addi %add3A_468, %iota3A : vector<16xi32>
          %gather3A_470 = tpu.vector_load_idx %arg11[%add3A_469, %broadcast_in_dim3A_461] : memref<64x128xf32, #tpu.memory_space<vmem>>[vector<16xi32>, vector<16xi32>], vector<16xf32>,
          %swap3A_471 = arith.index_cast %while3A_414 : i32 to index
          %swap3A_472 = arith.constant 16 : index
          %swap3A_473 = tpu.vector_load %arg16[%swap3A_471, %swap3A_472] {strides = array<i32>} : memref<512x128xf32, #tpu.memory_space<vmem>>, vector<16xf32>,
          tpu.vector_store %arg16[%swap3A_471, %swap3A_472], %gather3A_470 {strides = array<i32>} : memref<512x128xf32, #tpu.memory_space<vmem>>, vector<16xf32>,
          %add3A_474 = arith.constant 32 : i32
          %add3A_475 = vector.broadcast %add3A_474 : i32 to vector<16xi32>
          %add3A_476 = arith.addi %add3A_475, %iota3A : vector<16xi32>
          %gather3A_477 = tpu.vector_load_idx %arg11[%add3A_476, %broadcast_in_dim3A_461] : memref<64x128xf32, #tpu.memory_space<vmem>>[vector<16xi32>, vector<16xi32>], vector<16xf32>,
          %swap3A_478 = arith.index_cast %while3A_414 : i32 to index
          %swap3A_479 = arith.constant 32 : index
          %swap3A_480 = tpu.vector_load %arg16[%swap3A_478, %swap3A_479] {strides = array<i32>} : memref<512x128xf32, #tpu.memory_space<vmem>>, vector<16xf32>,
          tpu.vector_store %arg16[%swap3A_478, %swap3A_479], %gather3A_477 {strides = array<i32>} : memref<512x128xf32, #tpu.memory_space<vmem>>, vector<16xf32>,
          %add3A_481 = arith.constant 48 : i32
          %add3A_482 = vector.broadcast %add3A_481 : i32 to vector<16xi32>
          %add3A_483 = arith.addi %add3A_482, %iota3A : vector<16xi32>
          %gather3A_484 = tpu.vector_load_idx %arg11[%add3A_483, %broadcast_in_dim3A_461] : memref<64x128xf32, #tpu.memory_space<vmem>>[vector<16xi32>, vector<16xi32>], vector<16xf32>,
          %swap3A_485 = arith.index_cast %while3A_414 : i32 to index
          %swap3A_486 = arith.constant 48 : index
          %swap3A_487 = tpu.vector_load %arg16[%swap3A_485, %swap3A_486] {strides = array<i32>} : memref<512x128xf32, #tpu.memory_space<vmem>>, vector<16xf32>,
          tpu.vector_store %arg16[%swap3A_485, %swap3A_486], %gather3A_484 {strides = array<i32>} : memref<512x128xf32, #tpu.memory_space<vmem>>, vector<16xf32>,
          %while3A_488 = arith.constant 0 : i32
          scf.yield %while3A_488 : i32
        }
        %while3A_406 = arith.constant 1 : i32
        %while3A_407 = scf.for %while3A_414 = %while3A_403 to %while3A_399 step %while3A_406 iter_args(%while3A_415 = %while3A_405) -> (i32)  : i32 {
          %jit3A_416 = arith.constant 16 : i32
          %div3A_417 = arith.divsi %while3A_414, %jit3A_416 : i32
          %sign3A_418 = arith.constant 0 : i32
          %sign3A_419 = arith.cmpi sgt, %while3A_414, %sign3A_418 : i32
          %sign3A_420 = arith.extui %sign3A_419 : i1 to i32
          %sign3A_421 = arith.constant 0 : i32
          %sign3A_422 = arith.cmpi slt, %while3A_414, %sign3A_421 : i32
          %sign3A_423 = arith.extui %sign3A_422 : i1 to i32
          %sign3A_424 = arith.subi %sign3A_420, %sign3A_423 : i32
          %sign3A_425 = arith.constant 0 : i32
          %sign3A_426 = arith.cmpi sgt, %jit3A_416, %sign3A_425 : i32
          %sign3A_427 = arith.extui %sign3A_426 : i1 to i32
          %sign3A_428 = arith.constant 0 : i32
          %sign3A_429 = arith.cmpi slt, %jit3A_416, %sign3A_428 : i32
          %sign3A_430 = arith.extui %sign3A_429 : i1 to i32
          %sign3A_431 = arith.subi %sign3A_427, %sign3A_430 : i32
          %ne3A_432 = arith.cmpi ne, %sign3A_424, %sign3A_431 : i32
          %rem3A_433 = arith.remsi %while3A_414, %jit3A_416 : i32
          %ne3A_434 = arith.constant 0 : i32
          %ne3A_435 = arith.cmpi ne, %rem3A_433, %ne3A_434 : i32
          %and3A_436 = arith.andi %ne3A_432, %ne3A_435 : i1
          %sub3A_437 = arith.constant 1 : i32
          %sub3A_438 = arith.subi %div3A_417, %sub3A_437 : i32
          %select_n3A_439 = arith.select %and3A_436, %sub3A_438, %div3A_417 : i32
          %mul3A_440 = arith.constant 16 : i32
          %mul3A_441 = arith.muli %select_n3A_439, %mul3A_440 : i32
          %get3A_442 = arith.index_cast %mul3A_441 : i32 to index
          %get3A_443 = tpu.vector_load %arg6[%get3A_442] {strides = array<i32>} : memref<512xi32, #tpu.memory_space<vmem>>, vector<16xi32>,
          %sub3A_444 = arith.subi %while3A_414, %mul3A_441 : i32
          %iota3A_445 = tpu.iota {dimensions = array<i32: 0>} : vector<16xi32>
          %broadcast_in_dim3A_446 = vector.broadcast %sub3A_444 : i32 to vector<16xi32>
          %eq3A_447 = arith.cmpi eq, %iota3A_445, %broadcast_in_dim3A_446 : vector<16xi32>
          %jit3A_448 = arith.constant -1 : i32
          %broadcast_in_dim3A_449 = vector.broadcast %jit3A_448 : i32 to vector<16xi32>
          %select_n3A_450 = arith.select %eq3A_447, %get3A_443, %broadcast_in_dim3A_449 : vector<16xi1>, vector<16xi32>
          %reduce_max3A_451 = arith.constant true
          %reduce_max3A_452 = vector.broadcast %reduce_max3A_451 : i1 to vector<16xi1>
          %reduce_max3A_453 = arith.constant -2147483648 : i32
          %reduce_max3A_454 = vector.broadcast %reduce_max3A_453 : i32 to vector<16xi32>
          %reduce_max3A_455 = arith.xori %select_n3A_450, %reduce_max3A_454 : vector<16xi32>
          %reduce_max3A_456 = tpu.scan <max>, %reduce_max3A_455 masked %reduce_max3A_452 : vector<16xi32>, vector<16xi1> -> vector<16xi32>
          %reduce_max3A_457 = arith.xori %reduce_max3A_456, %reduce_max3A_454 : vector<16xi32>
          %reduce_max3A_458 = vector.extract %reduce_max3A_457[15] : i32 from vector<16xi32>
          %and3A_459 = arith.constant 127 : i32
          %and3A_460 = arith.andi %reduce_max3A_458, %and3A_459 : i32
          %broadcast_in_dim3A_461 = vector.broadcast %and3A_460 : i32 to vector<16xi32>
          %add3A_462 = arith.constant 0 : i32
          %add3A_463 = vector.broadcast %add3A_462 : i32 to vector<16xi32>
          %add3A_464 = arith.addi %add3A_463, %iota3A : vector<16xi32>
          %gather3A = tpu.vector_load_idx %arg11[%add3A_464, %broadcast_in_dim3A_461] : memref<64x128xf32, #tpu.memory_space<vmem>>[vector<16xi32>, vector<16xi32>], vector<16xf32>,
          %swap3A = arith.index_cast %while3A_414 : i32 to index
          %swap3A_465 = arith.constant 0 : index
          %swap3A_466 = tpu.vector_load %arg16[%swap3A, %swap3A_465] {strides = array<i32>} : memref<512x128xf32, #tpu.memory_space<vmem>>, vector<16xf32>,
          tpu.vector_store %arg16[%swap3A, %swap3A_465], %gather3A {strides = array<i32>} : memref<512x128xf32, #tpu.memory_space<vmem>>, vector<16xf32>,
          %add3A_467 = arith.constant 16 : i32
          %add3A_468 = vector.broadcast %add3A_467 : i32 to vector<16xi32>
          %add3A_469 = arith.addi %add3A_468, %iota3A : vector<16xi32>
          %gather3A_470 = tpu.vector_load_idx %arg11[%add3A_469, %broadcast_in_dim3A_461] : memref<64x128xf32, #tpu.memory_space<vmem>>[vector<16xi32>, vector<16xi32>], vector<16xf32>,
          %swap3A_471 = arith.index_cast %while3A_414 : i32 to index
          %swap3A_472 = arith.constant 16 : index
          %swap3A_473 = tpu.vector_load %arg16[%swap3A_471, %swap3A_472] {strides = array<i32>} : memref<512x128xf32, #tpu.memory_space<vmem>>, vector<16xf32>,
          tpu.vector_store %arg16[%swap3A_471, %swap3A_472], %gather3A_470 {strides = array<i32>} : memref<512x128xf32, #tpu.memory_space<vmem>>, vector<16xf32>,
          %add3A_474 = arith.constant 32 : i32
          %add3A_475 = vector.broadcast %add3A_474 : i32 to vector<16xi32>
          %add3A_476 = arith.addi %add3A_475, %iota3A : vector<16xi32>
          %gather3A_477 = tpu.vector_load_idx %arg11[%add3A_476, %broadcast_in_dim3A_461] : memref<64x128xf32, #tpu.memory_space<vmem>>[vector<16xi32>, vector<16xi32>], vector<16xf32>,
          %swap3A_478 = arith.index_cast %while3A_414 : i32 to index
          %swap3A_479 = arith.constant 32 : index
          %swap3A_480 = tpu.vector_load %arg16[%swap3A_478, %swap3A_479] {strides = array<i32>} : memref<512x128xf32, #tpu.memory_space<vmem>>, vector<16xf32>,
          tpu.vector_store %arg16[%swap3A_478, %swap3A_479], %gather3A_477 {strides = array<i32>} : memref<512x128xf32, #tpu.memory_space<vmem>>, vector<16xf32>,
          %add3A_481 = arith.constant 48 : i32
          %add3A_482 = vector.broadcast %add3A_481 : i32 to vector<16xi32>
          %add3A_483 = arith.addi %add3A_482, %iota3A : vector<16xi32>
          %gather3A_484 = tpu.vector_load_idx %arg11[%add3A_483, %broadcast_in_dim3A_461] : memref<64x128xf32, #tpu.memory_space<vmem>>[vector<16xi32>, vector<16xi32>], vector<16xf32>,
          %swap3A_485 = arith.index_cast %while3A_414 : i32 to index
          %swap3A_486 = arith.constant 48 : index
          %swap3A_487 = tpu.vector_load %arg16[%swap3A_485, %swap3A_486] {strides = array<i32>} : memref<512x128xf32, #tpu.memory_space<vmem>>, vector<16xf32>,
          tpu.vector_store %arg16[%swap3A_485, %swap3A_486], %gather3A_484 {strides = array<i32>} : memref<512x128xf32, #tpu.memory_space<vmem>>, vector<16xf32>,
          %while3A_488 = arith.constant 0 : i32
          scf.yield %while3A_488 : i32
        }
        %add3A_408 = arith.constant 6 : i32
        %add3A_409 = arith.addi %while3A_127, %add3A_408 : i32
        %lt3A_410 = arith.cmpi slt, %add3A_409, %scan3A_9 : i32
        %convert_element_type3A_411 = arith.extui %lt3A_410 : i1 to i32
        %cond3A_412 = arith.constant 0 : i32
        %cond3A_413 = arith.cmpi ne, %convert_element_type3A_411, %cond3A_412 : i32
        scf.if %cond3A_413 {
          %jit3A_414 = arith.constant 16 : i32
          %div3A_415 = arith.divsi %add3A_409, %jit3A_414 : i32
          %sign3A_416 = arith.constant 0 : i32
          %sign3A_417 = arith.cmpi sgt, %add3A_409, %sign3A_416 : i32
          %sign3A_418 = arith.extui %sign3A_417 : i1 to i32
          %sign3A_419 = arith.constant 0 : i32
          %sign3A_420 = arith.cmpi slt, %add3A_409, %sign3A_419 : i32
          %sign3A_421 = arith.extui %sign3A_420 : i1 to i32
          %sign3A_422 = arith.subi %sign3A_418, %sign3A_421 : i32
          %sign3A_423 = arith.constant 0 : i32
          %sign3A_424 = arith.cmpi sgt, %jit3A_414, %sign3A_423 : i32
          %sign3A_425 = arith.extui %sign3A_424 : i1 to i32
          %sign3A_426 = arith.constant 0 : i32
          %sign3A_427 = arith.cmpi slt, %jit3A_414, %sign3A_426 : i32
          %sign3A_428 = arith.extui %sign3A_427 : i1 to i32
          %sign3A_429 = arith.subi %sign3A_425, %sign3A_428 : i32
          %ne3A_430 = arith.cmpi ne, %sign3A_422, %sign3A_429 : i32
          %rem3A_431 = arith.remsi %add3A_409, %jit3A_414 : i32
          %ne3A_432 = arith.constant 0 : i32
          %ne3A_433 = arith.cmpi ne, %rem3A_431, %ne3A_432 : i32
          %and3A_434 = arith.andi %ne3A_430, %ne3A_433 : i1
          %sub3A_435 = arith.constant 1 : i32
          %sub3A_436 = arith.subi %div3A_415, %sub3A_435 : i32
          %select_n3A_437 = arith.select %and3A_434, %sub3A_436, %div3A_415 : i32
          %mul3A_438 = arith.constant 16 : i32
          %mul3A_439 = arith.muli %select_n3A_437, %mul3A_438 : i32
          %get3A_440 = arith.index_cast %mul3A_439 : i32 to index
          %get3A_441 = tpu.vector_load %arg9[%get3A_440] {strides = array<i32>} : memref<528xi32, #tpu.memory_space<vmem>>, vector<16xi32>,
          %sub3A_442 = arith.subi %add3A_409, %mul3A_439 : i32
          %iota3A_443 = tpu.iota {dimensions = array<i32: 0>} : vector<16xi32>
          %broadcast_in_dim3A_444 = vector.broadcast %sub3A_442 : i32 to vector<16xi32>
          %eq3A_445 = arith.cmpi eq, %iota3A_443, %broadcast_in_dim3A_444 : vector<16xi32>
          %jit3A_446 = arith.constant -1 : i32
          %broadcast_in_dim3A_447 = vector.broadcast %jit3A_446 : i32 to vector<16xi32>
          %select_n3A_448 = arith.select %eq3A_445, %get3A_441, %broadcast_in_dim3A_447 : vector<16xi1>, vector<16xi32>
          %reduce_max3A_449 = arith.constant true
          %reduce_max3A_450 = vector.broadcast %reduce_max3A_449 : i1 to vector<16xi1>
          %reduce_max3A_451 = arith.constant -2147483648 : i32
          %reduce_max3A_452 = vector.broadcast %reduce_max3A_451 : i32 to vector<16xi32>
          %reduce_max3A_453 = arith.xori %select_n3A_448, %reduce_max3A_452 : vector<16xi32>
          %reduce_max3A_454 = tpu.scan <max>, %reduce_max3A_453 masked %reduce_max3A_450 : vector<16xi32>, vector<16xi1> -> vector<16xi32>
          %reduce_max3A_455 = arith.xori %reduce_max3A_454, %reduce_max3A_452 : vector<16xi32>
          %reduce_max3A_456 = vector.extract %reduce_max3A_455[15] : i32 from vector<16xi32>
          %mul3A_457 = arith.constant 128 : i32
          %mul3A_458 = arith.muli %reduce_max3A_456, %mul3A_457 : i32
          %multiple_of3A_459 = tpu.assume_multiple %mul3A_458, 128 : i32
          %dma_start3A_460 = arith.constant 0 : i32
          %dma_start3A_461 = tpu.memref_slice %arg2[%dma_start3A_460, %multiple_of3A_459] : memref<64x1000000xf32, #tpu.memory_space<hbm>> -> memref<64x128xf32, #tpu.memory_space<hbm>>
          %dma_start3A_462 = arith.constant 0 : i32
          %dma_start3A_463 = tpu.memref_slice %arg2[%dma_start3A_462, %multiple_of3A_459] : memref<64x1000000xf32, #tpu.memory_space<hbm>> -> memref<64x128xf32, #tpu.memory_space<hbm>>
          tpu.enqueue_dma source(%dma_start3A_463 : memref<64x128xf32, #tpu.memory_space<hbm>>) target(%arg11 : memref<64x128xf32, #tpu.memory_space<vmem>>) target_semaphore(%arg18 : memref<!tpu.dma_semaphore, #tpu.memory_space<semaphore_mem>>)
        } else {
        }
      } else {
      }
      %jit3A_168 = arith.constant 6 : i32
      %eq3A_169 = arith.constant 0 : i32
      %eq3A_170 = arith.cmpi eq, %jit3A_168, %eq3A_169 : i32
      %jit3A_171 = arith.constant 1 : i32
      %select_n3A_172 = arith.select %eq3A_170, %jit3A_171, %jit3A_168 : i32
      %rem3A_173 = arith.remsi %while3A_127, %select_n3A_172 : i32
      %ne3A_174 = arith.constant 0 : i32
      %ne3A_175 = arith.cmpi ne, %rem3A_173, %ne3A_174 : i32
      %lt3A_176 = arith.constant 0 : i32
      %lt3A_177 = arith.cmpi slt, %rem3A_173, %lt3A_176 : i32
      %lt3A_178 = arith.constant 0 : i32
      %lt3A_179 = arith.cmpi slt, %select_n3A_172, %lt3A_178 : i32
      %ne3A_180 = arith.xori %lt3A_177, %lt3A_179 : i1
      %and3A_181 = arith.andi %ne3A_180, %ne3A_175 : i1
      %add3A_182 = arith.addi %rem3A_173, %select_n3A_172 : i32
      %select_n3A_183 = arith.select %and3A_181, %add3A_182, %rem3A_173 : i32
      %eq3A_184 = arith.constant 2 : i32
      %eq3A_185 = arith.cmpi eq, %select_n3A_183, %eq3A_184 : i32
      %lt3A_186 = arith.cmpi slt, %while3A_127, %scan3A_9 : i32
      %and3A_187 = arith.andi %eq3A_185, %lt3A_186 : i1
      %convert_element_type3A_188 = arith.extui %and3A_187 : i1 to i32
      %cond3A_189 = arith.constant 0 : i32
      %cond3A_190 = arith.cmpi ne, %convert_element_type3A_188, %cond3A_189 : i32
      scf.if %cond3A_190 {
        %jit3A_261 = arith.constant 16 : i32
        %div3A = arith.divsi %while3A_127, %jit3A_261 : i32
        %sign3A = arith.constant 0 : i32
        %sign3A_262 = arith.cmpi sgt, %while3A_127, %sign3A : i32
        %sign3A_263 = arith.extui %sign3A_262 : i1 to i32
        %sign3A_264 = arith.constant 0 : i32
        %sign3A_265 = arith.cmpi slt, %while3A_127, %sign3A_264 : i32
        %sign3A_266 = arith.extui %sign3A_265 : i1 to i32
        %sign3A_267 = arith.subi %sign3A_263, %sign3A_266 : i32
        %sign3A_268 = arith.constant 0 : i32
        %sign3A_269 = arith.cmpi sgt, %jit3A_261, %sign3A_268 : i32
        %sign3A_270 = arith.extui %sign3A_269 : i1 to i32
        %sign3A_271 = arith.constant 0 : i32
        %sign3A_272 = arith.cmpi slt, %jit3A_261, %sign3A_271 : i32
        %sign3A_273 = arith.extui %sign3A_272 : i1 to i32
        %sign3A_274 = arith.subi %sign3A_270, %sign3A_273 : i32
        %ne3A_275 = arith.cmpi ne, %sign3A_267, %sign3A_274 : i32
        %rem3A_276 = arith.remsi %while3A_127, %jit3A_261 : i32
        %ne3A_277 = arith.constant 0 : i32
        %ne3A_278 = arith.cmpi ne, %rem3A_276, %ne3A_277 : i32
        %and3A_279 = arith.andi %ne3A_275, %ne3A_278 : i1
        %sub3A = arith.constant 1 : i32
        %sub3A_280 = arith.subi %div3A, %sub3A : i32
        %select_n3A_281 = arith.select %and3A_279, %sub3A_280, %div3A : i32
        %mul3A_282 = arith.constant 16 : i32
        %mul3A_283 = arith.muli %select_n3A_281, %mul3A_282 : i32
        %get3A = arith.index_cast %mul3A_283 : i32 to index
        %get3A_284 = tpu.vector_load %arg9[%get3A] {strides = array<i32>} : memref<528xi32, #tpu.memory_space<vmem>>, vector<16xi32>,
        %sub3A_285 = arith.subi %while3A_127, %mul3A_283 : i32
        %iota3A_286 = tpu.iota {dimensions = array<i32: 0>} : vector<16xi32>
        %broadcast_in_dim3A = vector.broadcast %sub3A_285 : i32 to vector<16xi32>
        %eq3A_287 = arith.cmpi eq, %iota3A_286, %broadcast_in_dim3A : vector<16xi32>
        %jit3A_288 = arith.constant -1 : i32
        %broadcast_in_dim3A_289 = vector.broadcast %jit3A_288 : i32 to vector<16xi32>
        %select_n3A_290 = arith.select %eq3A_287, %get3A_284, %broadcast_in_dim3A_289 : vector<16xi1>, vector<16xi32>
        %reduce_max3A = arith.constant true
        %reduce_max3A_291 = vector.broadcast %reduce_max3A : i1 to vector<16xi1>
        %reduce_max3A_292 = arith.constant -2147483648 : i32
        %reduce_max3A_293 = vector.broadcast %reduce_max3A_292 : i32 to vector<16xi32>
        %reduce_max3A_294 = arith.xori %select_n3A_290, %reduce_max3A_293 : vector<16xi32>
        %reduce_max3A_295 = tpu.scan <max>, %reduce_max3A_294 masked %reduce_max3A_291 : vector<16xi32>, vector<16xi1> -> vector<16xi32>
        %reduce_max3A_296 = arith.xori %reduce_max3A_295, %reduce_max3A_293 : vector<16xi32>
        %reduce_max3A_297 = vector.extract %reduce_max3A_296[15] : i32 from vector<16xi32>
        %mul3A_298 = arith.constant 128 : i32
        %mul3A_299 = arith.muli %reduce_max3A_297, %mul3A_298 : i32
        %multiple_of3A = tpu.assume_multiple %mul3A_299, 128 : i32
        %dma_wait3A_300 = arith.constant 0 : i32
        %dma_wait3A_301 = tpu.memref_slice %arg2[%dma_wait3A_300, %multiple_of3A] : memref<64x1000000xf32, #tpu.memory_space<hbm>> -> memref<64x128xf32, #tpu.memory_space<hbm>>
        %dma_wait3A_302 = arith.constant 0 : i32
        %dma_wait3A_303 = tpu.memref_slice %arg2[%dma_wait3A_302, %multiple_of3A] : memref<64x1000000xf32, #tpu.memory_space<hbm>> -> memref<64x128xf32, #tpu.memory_space<hbm>>
        tpu.wait_dma2 semaphore(%arg19 : memref<!tpu.dma_semaphore, #tpu.memory_space<semaphore_mem>>) src(%dma_wait3A_303 : memref<64x128xf32, #tpu.memory_space<hbm>>) dst(%arg12 : memref<64x128xf32, #tpu.memory_space<vmem>>)
        %jit3A_304 = arith.constant 16 : i32
        %div3A_305 = arith.divsi %while3A_127, %jit3A_304 : i32
        %sign3A_306 = arith.constant 0 : i32
        %sign3A_307 = arith.cmpi sgt, %while3A_127, %sign3A_306 : i32
        %sign3A_308 = arith.extui %sign3A_307 : i1 to i32
        %sign3A_309 = arith.constant 0 : i32
        %sign3A_310 = arith.cmpi slt, %while3A_127, %sign3A_309 : i32
        %sign3A_311 = arith.extui %sign3A_310 : i1 to i32
        %sign3A_312 = arith.subi %sign3A_308, %sign3A_311 : i32
        %sign3A_313 = arith.constant 0 : i32
        %sign3A_314 = arith.cmpi sgt, %jit3A_304, %sign3A_313 : i32
        %sign3A_315 = arith.extui %sign3A_314 : i1 to i32
        %sign3A_316 = arith.constant 0 : i32
        %sign3A_317 = arith.cmpi slt, %jit3A_304, %sign3A_316 : i32
        %sign3A_318 = arith.extui %sign3A_317 : i1 to i32
        %sign3A_319 = arith.subi %sign3A_315, %sign3A_318 : i32
        %ne3A_320 = arith.cmpi ne, %sign3A_312, %sign3A_319 : i32
        %rem3A_321 = arith.remsi %while3A_127, %jit3A_304 : i32
        %ne3A_322 = arith.constant 0 : i32
        %ne3A_323 = arith.cmpi ne, %rem3A_321, %ne3A_322 : i32
        %and3A_324 = arith.andi %ne3A_320, %ne3A_323 : i1
        %sub3A_325 = arith.constant 1 : i32
        %sub3A_326 = arith.subi %div3A_305, %sub3A_325 : i32
        %select_n3A_327 = arith.select %and3A_324, %sub3A_326, %div3A_305 : i32
        %mul3A_328 = arith.constant 16 : i32
        %mul3A_329 = arith.muli %select_n3A_327, %mul3A_328 : i32
        %get3A_330 = arith.index_cast %mul3A_329 : i32 to index
        %get3A_331 = tpu.vector_load %arg8[%get3A_330] {strides = array<i32>} : memref<528xi32, #tpu.memory_space<vmem>>, vector<16xi32>,
        %sub3A_332 = arith.subi %while3A_127, %mul3A_329 : i32
        %iota3A_333 = tpu.iota {dimensions = array<i32: 0>} : vector<16xi32>
        %broadcast_in_dim3A_334 = vector.broadcast %sub3A_332 : i32 to vector<16xi32>
        %eq3A_335 = arith.cmpi eq, %iota3A_333, %broadcast_in_dim3A_334 : vector<16xi32>
        %jit3A_336 = arith.constant -1 : i32
        %broadcast_in_dim3A_337 = vector.broadcast %jit3A_336 : i32 to vector<16xi32>
        %select_n3A_338 = arith.select %eq3A_335, %get3A_331, %broadcast_in_dim3A_337 : vector<16xi1>, vector<16xi32>
        %reduce_max3A_339 = arith.constant true
        %reduce_max3A_340 = vector.broadcast %reduce_max3A_339 : i1 to vector<16xi1>
        %reduce_max3A_341 = arith.constant -2147483648 : i32
        %reduce_max3A_342 = vector.broadcast %reduce_max3A_341 : i32 to vector<16xi32>
        %reduce_max3A_343 = arith.xori %select_n3A_338, %reduce_max3A_342 : vector<16xi32>
        %reduce_max3A_344 = tpu.scan <max>, %reduce_max3A_343 masked %reduce_max3A_340 : vector<16xi32>, vector<16xi1> -> vector<16xi32>
        %reduce_max3A_345 = arith.xori %reduce_max3A_344, %reduce_max3A_342 : vector<16xi32>
        %reduce_max3A_346 = vector.extract %reduce_max3A_345[15] : i32 from vector<16xi32>
        %add3A_347 = arith.constant 1 : i32
        %add3A_348 = arith.addi %while3A_127, %add3A_347 : i32
        %lt3A_349 = arith.cmpi slt, %add3A_348, %scan3A_9 : i32
        %add3A_350 = arith.constant 1 : i32
        %add3A_351 = arith.addi %while3A_127, %add3A_350 : i32
        %jit3A_352 = arith.constant 16 : i32
        %div3A_353 = arith.divsi %add3A_351, %jit3A_352 : i32
        %sign3A_354 = arith.constant 0 : i32
        %sign3A_355 = arith.cmpi sgt, %add3A_351, %sign3A_354 : i32
        %sign3A_356 = arith.extui %sign3A_355 : i1 to i32
        %sign3A_357 = arith.constant 0 : i32
        %sign3A_358 = arith.cmpi slt, %add3A_351, %sign3A_357 : i32
        %sign3A_359 = arith.extui %sign3A_358 : i1 to i32
        %sign3A_360 = arith.subi %sign3A_356, %sign3A_359 : i32
        %sign3A_361 = arith.constant 0 : i32
        %sign3A_362 = arith.cmpi sgt, %jit3A_352, %sign3A_361 : i32
        %sign3A_363 = arith.extui %sign3A_362 : i1 to i32
        %sign3A_364 = arith.constant 0 : i32
        %sign3A_365 = arith.cmpi slt, %jit3A_352, %sign3A_364 : i32
        %sign3A_366 = arith.extui %sign3A_365 : i1 to i32
        %sign3A_367 = arith.subi %sign3A_363, %sign3A_366 : i32
        %ne3A_368 = arith.cmpi ne, %sign3A_360, %sign3A_367 : i32
        %rem3A_369 = arith.remsi %add3A_351, %jit3A_352 : i32
        %ne3A_370 = arith.constant 0 : i32
        %ne3A_371 = arith.cmpi ne, %rem3A_369, %ne3A_370 : i32
        %and3A_372 = arith.andi %ne3A_368, %ne3A_371 : i1
        %sub3A_373 = arith.constant 1 : i32
        %sub3A_374 = arith.subi %div3A_353, %sub3A_373 : i32
        %select_n3A_375 = arith.select %and3A_372, %sub3A_374, %div3A_353 : i32
        %mul3A_376 = arith.constant 16 : i32
        %mul3A_377 = arith.muli %select_n3A_375, %mul3A_376 : i32
        %get3A_378 = arith.index_cast %mul3A_377 : i32 to index
        %get3A_379 = tpu.vector_load %arg8[%get3A_378] {strides = array<i32>} : memref<528xi32, #tpu.memory_space<vmem>>, vector<16xi32>,
        %sub3A_380 = arith.subi %add3A_351, %mul3A_377 : i32
        %iota3A_381 = tpu.iota {dimensions = array<i32: 0>} : vector<16xi32>
        %broadcast_in_dim3A_382 = vector.broadcast %sub3A_380 : i32 to vector<16xi32>
        %eq3A_383 = arith.cmpi eq, %iota3A_381, %broadcast_in_dim3A_382 : vector<16xi32>
        %jit3A_384 = arith.constant -1 : i32
        %broadcast_in_dim3A_385 = vector.broadcast %jit3A_384 : i32 to vector<16xi32>
        %select_n3A_386 = arith.select %eq3A_383, %get3A_379, %broadcast_in_dim3A_385 : vector<16xi1>, vector<16xi32>
        %reduce_max3A_387 = arith.constant true
        %reduce_max3A_388 = vector.broadcast %reduce_max3A_387 : i1 to vector<16xi1>
        %reduce_max3A_389 = arith.constant -2147483648 : i32
        %reduce_max3A_390 = vector.broadcast %reduce_max3A_389 : i32 to vector<16xi32>
        %reduce_max3A_391 = arith.xori %select_n3A_386, %reduce_max3A_390 : vector<16xi32>
        %reduce_max3A_392 = tpu.scan <max>, %reduce_max3A_391 masked %reduce_max3A_388 : vector<16xi32>, vector<16xi1> -> vector<16xi32>
        %reduce_max3A_393 = arith.xori %reduce_max3A_392, %reduce_max3A_390 : vector<16xi32>
        %reduce_max3A_394 = vector.extract %reduce_max3A_393[15] : i32 from vector<16xi32>
        %jit3A_395 = arith.constant 512 : i32
        %select_n3A_396 = arith.select %lt3A_349, %reduce_max3A_394, %jit3A_395 : i32
        %while3A_397 = arith.constant 0 : i32
        %while3A_398 = arith.subi %select_n3A_396, %reduce_max3A_346 : i32
        %while3A_399 = arith.addi %reduce_max3A_346, %while3A_398 : i32
        %while3A_400 = arith.constant 1 : i32
        %while3A_401 = arith.divsi %while3A_398, %while3A_400 : i32
        %while3A_402 = arith.muli %while3A_401, %while3A_400 : i32
        %while3A_403 = arith.addi %reduce_max3A_346, %while3A_402 : i32
        %while3A_404 = arith.constant 1 : i32
        %while3A_405 = scf.for %while3A_414 = %reduce_max3A_346 to %while3A_403 step %while3A_404 iter_args(%while3A_415 = %while3A_397) -> (i32)  : i32 {
          %jit3A_416 = arith.constant 16 : i32
          %div3A_417 = arith.divsi %while3A_414, %jit3A_416 : i32
          %sign3A_418 = arith.constant 0 : i32
          %sign3A_419 = arith.cmpi sgt, %while3A_414, %sign3A_418 : i32
          %sign3A_420 = arith.extui %sign3A_419 : i1 to i32
          %sign3A_421 = arith.constant 0 : i32
          %sign3A_422 = arith.cmpi slt, %while3A_414, %sign3A_421 : i32
          %sign3A_423 = arith.extui %sign3A_422 : i1 to i32
          %sign3A_424 = arith.subi %sign3A_420, %sign3A_423 : i32
          %sign3A_425 = arith.constant 0 : i32
          %sign3A_426 = arith.cmpi sgt, %jit3A_416, %sign3A_425 : i32
          %sign3A_427 = arith.extui %sign3A_426 : i1 to i32
          %sign3A_428 = arith.constant 0 : i32
          %sign3A_429 = arith.cmpi slt, %jit3A_416, %sign3A_428 : i32
          %sign3A_430 = arith.extui %sign3A_429 : i1 to i32
          %sign3A_431 = arith.subi %sign3A_427, %sign3A_430 : i32
          %ne3A_432 = arith.cmpi ne, %sign3A_424, %sign3A_431 : i32
          %rem3A_433 = arith.remsi %while3A_414, %jit3A_416 : i32
          %ne3A_434 = arith.constant 0 : i32
          %ne3A_435 = arith.cmpi ne, %rem3A_433, %ne3A_434 : i32
          %and3A_436 = arith.andi %ne3A_432, %ne3A_435 : i1
          %sub3A_437 = arith.constant 1 : i32
          %sub3A_438 = arith.subi %div3A_417, %sub3A_437 : i32
          %select_n3A_439 = arith.select %and3A_436, %sub3A_438, %div3A_417 : i32
          %mul3A_440 = arith.constant 16 : i32
          %mul3A_441 = arith.muli %select_n3A_439, %mul3A_440 : i32
          %get3A_442 = arith.index_cast %mul3A_441 : i32 to index
          %get3A_443 = tpu.vector_load %arg6[%get3A_442] {strides = array<i32>} : memref<512xi32, #tpu.memory_space<vmem>>, vector<16xi32>,
          %sub3A_444 = arith.subi %while3A_414, %mul3A_441 : i32
          %iota3A_445 = tpu.iota {dimensions = array<i32: 0>} : vector<16xi32>
          %broadcast_in_dim3A_446 = vector.broadcast %sub3A_444 : i32 to vector<16xi32>
          %eq3A_447 = arith.cmpi eq, %iota3A_445, %broadcast_in_dim3A_446 : vector<16xi32>
          %jit3A_448 = arith.constant -1 : i32
          %broadcast_in_dim3A_449 = vector.broadcast %jit3A_448 : i32 to vector<16xi32>
          %select_n3A_450 = arith.select %eq3A_447, %get3A_443, %broadcast_in_dim3A_449 : vector<16xi1>, vector<16xi32>
          %reduce_max3A_451 = arith.constant true
          %reduce_max3A_452 = vector.broadcast %reduce_max3A_451 : i1 to vector<16xi1>
          %reduce_max3A_453 = arith.constant -2147483648 : i32
          %reduce_max3A_454 = vector.broadcast %reduce_max3A_453 : i32 to vector<16xi32>
          %reduce_max3A_455 = arith.xori %select_n3A_450, %reduce_max3A_454 : vector<16xi32>
          %reduce_max3A_456 = tpu.scan <max>, %reduce_max3A_455 masked %reduce_max3A_452 : vector<16xi32>, vector<16xi1> -> vector<16xi32>
          %reduce_max3A_457 = arith.xori %reduce_max3A_456, %reduce_max3A_454 : vector<16xi32>
          %reduce_max3A_458 = vector.extract %reduce_max3A_457[15] : i32 from vector<16xi32>
          %and3A_459 = arith.constant 127 : i32
          %and3A_460 = arith.andi %reduce_max3A_458, %and3A_459 : i32
          %broadcast_in_dim3A_461 = vector.broadcast %and3A_460 : i32 to vector<16xi32>
          %add3A_462 = arith.constant 0 : i32
          %add3A_463 = vector.broadcast %add3A_462 : i32 to vector<16xi32>
          %add3A_464 = arith.addi %add3A_463, %iota3A : vector<16xi32>
          %gather3A = tpu.vector_load_idx %arg12[%add3A_464, %broadcast_in_dim3A_461] : memref<64x128xf32, #tpu.memory_space<vmem>>[vector<16xi32>, vector<16xi32>], vector<16xf32>,
          %swap3A = arith.index_cast %while3A_414 : i32 to index
          %swap3A_465 = arith.constant 0 : index
          %swap3A_466 = tpu.vector_load %arg16[%swap3A, %swap3A_465] {strides = array<i32>} : memref<512x128xf32, #tpu.memory_space<vmem>>, vector<16xf32>,
          tpu.vector_store %arg16[%swap3A, %swap3A_465], %gather3A {strides = array<i32>} : memref<512x128xf32, #tpu.memory_space<vmem>>, vector<16xf32>,
          %add3A_467 = arith.constant 16 : i32
          %add3A_468 = vector.broadcast %add3A_467 : i32 to vector<16xi32>
          %add3A_469 = arith.addi %add3A_468, %iota3A : vector<16xi32>
          %gather3A_470 = tpu.vector_load_idx %arg12[%add3A_469, %broadcast_in_dim3A_461] : memref<64x128xf32, #tpu.memory_space<vmem>>[vector<16xi32>, vector<16xi32>], vector<16xf32>,
          %swap3A_471 = arith.index_cast %while3A_414 : i32 to index
          %swap3A_472 = arith.constant 16 : index
          %swap3A_473 = tpu.vector_load %arg16[%swap3A_471, %swap3A_472] {strides = array<i32>} : memref<512x128xf32, #tpu.memory_space<vmem>>, vector<16xf32>,
          tpu.vector_store %arg16[%swap3A_471, %swap3A_472], %gather3A_470 {strides = array<i32>} : memref<512x128xf32, #tpu.memory_space<vmem>>, vector<16xf32>,
          %add3A_474 = arith.constant 32 : i32
          %add3A_475 = vector.broadcast %add3A_474 : i32 to vector<16xi32>
          %add3A_476 = arith.addi %add3A_475, %iota3A : vector<16xi32>
          %gather3A_477 = tpu.vector_load_idx %arg12[%add3A_476, %broadcast_in_dim3A_461] : memref<64x128xf32, #tpu.memory_space<vmem>>[vector<16xi32>, vector<16xi32>], vector<16xf32>,
          %swap3A_478 = arith.index_cast %while3A_414 : i32 to index
          %swap3A_479 = arith.constant 32 : index
          %swap3A_480 = tpu.vector_load %arg16[%swap3A_478, %swap3A_479] {strides = array<i32>} : memref<512x128xf32, #tpu.memory_space<vmem>>, vector<16xf32>,
          tpu.vector_store %arg16[%swap3A_478, %swap3A_479], %gather3A_477 {strides = array<i32>} : memref<512x128xf32, #tpu.memory_space<vmem>>, vector<16xf32>,
          %add3A_481 = arith.constant 48 : i32
          %add3A_482 = vector.broadcast %add3A_481 : i32 to vector<16xi32>
          %add3A_483 = arith.addi %add3A_482, %iota3A : vector<16xi32>
          %gather3A_484 = tpu.vector_load_idx %arg12[%add3A_483, %broadcast_in_dim3A_461] : memref<64x128xf32, #tpu.memory_space<vmem>>[vector<16xi32>, vector<16xi32>], vector<16xf32>,
          %swap3A_485 = arith.index_cast %while3A_414 : i32 to index
          %swap3A_486 = arith.constant 48 : index
          %swap3A_487 = tpu.vector_load %arg16[%swap3A_485, %swap3A_486] {strides = array<i32>} : memref<512x128xf32, #tpu.memory_space<vmem>>, vector<16xf32>,
          tpu.vector_store %arg16[%swap3A_485, %swap3A_486], %gather3A_484 {strides = array<i32>} : memref<512x128xf32, #tpu.memory_space<vmem>>, vector<16xf32>,
          %while3A_488 = arith.constant 0 : i32
          scf.yield %while3A_488 : i32
        }
        %while3A_406 = arith.constant 1 : i32
        %while3A_407 = scf.for %while3A_414 = %while3A_403 to %while3A_399 step %while3A_406 iter_args(%while3A_415 = %while3A_405) -> (i32)  : i32 {
          %jit3A_416 = arith.constant 16 : i32
          %div3A_417 = arith.divsi %while3A_414, %jit3A_416 : i32
          %sign3A_418 = arith.constant 0 : i32
          %sign3A_419 = arith.cmpi sgt, %while3A_414, %sign3A_418 : i32
          %sign3A_420 = arith.extui %sign3A_419 : i1 to i32
          %sign3A_421 = arith.constant 0 : i32
          %sign3A_422 = arith.cmpi slt, %while3A_414, %sign3A_421 : i32
          %sign3A_423 = arith.extui %sign3A_422 : i1 to i32
          %sign3A_424 = arith.subi %sign3A_420, %sign3A_423 : i32
          %sign3A_425 = arith.constant 0 : i32
          %sign3A_426 = arith.cmpi sgt, %jit3A_416, %sign3A_425 : i32
          %sign3A_427 = arith.extui %sign3A_426 : i1 to i32
          %sign3A_428 = arith.constant 0 : i32
          %sign3A_429 = arith.cmpi slt, %jit3A_416, %sign3A_428 : i32
          %sign3A_430 = arith.extui %sign3A_429 : i1 to i32
          %sign3A_431 = arith.subi %sign3A_427, %sign3A_430 : i32
          %ne3A_432 = arith.cmpi ne, %sign3A_424, %sign3A_431 : i32
          %rem3A_433 = arith.remsi %while3A_414, %jit3A_416 : i32
          %ne3A_434 = arith.constant 0 : i32
          %ne3A_435 = arith.cmpi ne, %rem3A_433, %ne3A_434 : i32
          %and3A_436 = arith.andi %ne3A_432, %ne3A_435 : i1
          %sub3A_437 = arith.constant 1 : i32
          %sub3A_438 = arith.subi %div3A_417, %sub3A_437 : i32
          %select_n3A_439 = arith.select %and3A_436, %sub3A_438, %div3A_417 : i32
          %mul3A_440 = arith.constant 16 : i32
          %mul3A_441 = arith.muli %select_n3A_439, %mul3A_440 : i32
          %get3A_442 = arith.index_cast %mul3A_441 : i32 to index
          %get3A_443 = tpu.vector_load %arg6[%get3A_442] {strides = array<i32>} : memref<512xi32, #tpu.memory_space<vmem>>, vector<16xi32>,
          %sub3A_444 = arith.subi %while3A_414, %mul3A_441 : i32
          %iota3A_445 = tpu.iota {dimensions = array<i32: 0>} : vector<16xi32>
          %broadcast_in_dim3A_446 = vector.broadcast %sub3A_444 : i32 to vector<16xi32>
          %eq3A_447 = arith.cmpi eq, %iota3A_445, %broadcast_in_dim3A_446 : vector<16xi32>
          %jit3A_448 = arith.constant -1 : i32
          %broadcast_in_dim3A_449 = vector.broadcast %jit3A_448 : i32 to vector<16xi32>
          %select_n3A_450 = arith.select %eq3A_447, %get3A_443, %broadcast_in_dim3A_449 : vector<16xi1>, vector<16xi32>
          %reduce_max3A_451 = arith.constant true
          %reduce_max3A_452 = vector.broadcast %reduce_max3A_451 : i1 to vector<16xi1>
          %reduce_max3A_453 = arith.constant -2147483648 : i32
          %reduce_max3A_454 = vector.broadcast %reduce_max3A_453 : i32 to vector<16xi32>
          %reduce_max3A_455 = arith.xori %select_n3A_450, %reduce_max3A_454 : vector<16xi32>
          %reduce_max3A_456 = tpu.scan <max>, %reduce_max3A_455 masked %reduce_max3A_452 : vector<16xi32>, vector<16xi1> -> vector<16xi32>
          %reduce_max3A_457 = arith.xori %reduce_max3A_456, %reduce_max3A_454 : vector<16xi32>
          %reduce_max3A_458 = vector.extract %reduce_max3A_457[15] : i32 from vector<16xi32>
          %and3A_459 = arith.constant 127 : i32
          %and3A_460 = arith.andi %reduce_max3A_458, %and3A_459 : i32
          %broadcast_in_dim3A_461 = vector.broadcast %and3A_460 : i32 to vector<16xi32>
          %add3A_462 = arith.constant 0 : i32
          %add3A_463 = vector.broadcast %add3A_462 : i32 to vector<16xi32>
          %add3A_464 = arith.addi %add3A_463, %iota3A : vector<16xi32>
          %gather3A = tpu.vector_load_idx %arg12[%add3A_464, %broadcast_in_dim3A_461] : memref<64x128xf32, #tpu.memory_space<vmem>>[vector<16xi32>, vector<16xi32>], vector<16xf32>,
          %swap3A = arith.index_cast %while3A_414 : i32 to index
          %swap3A_465 = arith.constant 0 : index
          %swap3A_466 = tpu.vector_load %arg16[%swap3A, %swap3A_465] {strides = array<i32>} : memref<512x128xf32, #tpu.memory_space<vmem>>, vector<16xf32>,
          tpu.vector_store %arg16[%swap3A, %swap3A_465], %gather3A {strides = array<i32>} : memref<512x128xf32, #tpu.memory_space<vmem>>, vector<16xf32>,
          %add3A_467 = arith.constant 16 : i32
          %add3A_468 = vector.broadcast %add3A_467 : i32 to vector<16xi32>
          %add3A_469 = arith.addi %add3A_468, %iota3A : vector<16xi32>
          %gather3A_470 = tpu.vector_load_idx %arg12[%add3A_469, %broadcast_in_dim3A_461] : memref<64x128xf32, #tpu.memory_space<vmem>>[vector<16xi32>, vector<16xi32>], vector<16xf32>,
          %swap3A_471 = arith.index_cast %while3A_414 : i32 to index
          %swap3A_472 = arith.constant 16 : index
          %swap3A_473 = tpu.vector_load %arg16[%swap3A_471, %swap3A_472] {strides = array<i32>} : memref<512x128xf32, #tpu.memory_space<vmem>>, vector<16xf32>,
          tpu.vector_store %arg16[%swap3A_471, %swap3A_472], %gather3A_470 {strides = array<i32>} : memref<512x128xf32, #tpu.memory_space<vmem>>, vector<16xf32>,
          %add3A_474 = arith.constant 32 : i32
          %add3A_475 = vector.broadcast %add3A_474 : i32 to vector<16xi32>
          %add3A_476 = arith.addi %add3A_475, %iota3A : vector<16xi32>
          %gather3A_477 = tpu.vector_load_idx %arg12[%add3A_476, %broadcast_in_dim3A_461] : memref<64x128xf32, #tpu.memory_space<vmem>>[vector<16xi32>, vector<16xi32>], vector<16xf32>,
          %swap3A_478 = arith.index_cast %while3A_414 : i32 to index
          %swap3A_479 = arith.constant 32 : index
          %swap3A_480 = tpu.vector_load %arg16[%swap3A_478, %swap3A_479] {strides = array<i32>} : memref<512x128xf32, #tpu.memory_space<vmem>>, vector<16xf32>,
          tpu.vector_store %arg16[%swap3A_478, %swap3A_479], %gather3A_477 {strides = array<i32>} : memref<512x128xf32, #tpu.memory_space<vmem>>, vector<16xf32>,
          %add3A_481 = arith.constant 48 : i32
          %add3A_482 = vector.broadcast %add3A_481 : i32 to vector<16xi32>
          %add3A_483 = arith.addi %add3A_482, %iota3A : vector<16xi32>
          %gather3A_484 = tpu.vector_load_idx %arg12[%add3A_483, %broadcast_in_dim3A_461] : memref<64x128xf32, #tpu.memory_space<vmem>>[vector<16xi32>, vector<16xi32>], vector<16xf32>,
          %swap3A_485 = arith.index_cast %while3A_414 : i32 to index
          %swap3A_486 = arith.constant 48 : index
          %swap3A_487 = tpu.vector_load %arg16[%swap3A_485, %swap3A_486] {strides = array<i32>} : memref<512x128xf32, #tpu.memory_space<vmem>>, vector<16xf32>,
          tpu.vector_store %arg16[%swap3A_485, %swap3A_486], %gather3A_484 {strides = array<i32>} : memref<512x128xf32, #tpu.memory_space<vmem>>, vector<16xf32>,
          %while3A_488 = arith.constant 0 : i32
          scf.yield %while3A_488 : i32
        }
        %add3A_408 = arith.constant 6 : i32
        %add3A_409 = arith.addi %while3A_127, %add3A_408 : i32
        %lt3A_410 = arith.cmpi slt, %add3A_409, %scan3A_9 : i32
        %convert_element_type3A_411 = arith.extui %lt3A_410 : i1 to i32
        %cond3A_412 = arith.constant 0 : i32
        %cond3A_413 = arith.cmpi ne, %convert_element_type3A_411, %cond3A_412 : i32
        scf.if %cond3A_413 {
          %jit3A_414 = arith.constant 16 : i32
          %div3A_415 = arith.divsi %add3A_409, %jit3A_414 : i32
          %sign3A_416 = arith.constant 0 : i32
          %sign3A_417 = arith.cmpi sgt, %add3A_409, %sign3A_416 : i32
          %sign3A_418 = arith.extui %sign3A_417 : i1 to i32
          %sign3A_419 = arith.constant 0 : i32
          %sign3A_420 = arith.cmpi slt, %add3A_409, %sign3A_419 : i32
          %sign3A_421 = arith.extui %sign3A_420 : i1 to i32
          %sign3A_422 = arith.subi %sign3A_418, %sign3A_421 : i32
          %sign3A_423 = arith.constant 0 : i32
          %sign3A_424 = arith.cmpi sgt, %jit3A_414, %sign3A_423 : i32
          %sign3A_425 = arith.extui %sign3A_424 : i1 to i32
          %sign3A_426 = arith.constant 0 : i32
          %sign3A_427 = arith.cmpi slt, %jit3A_414, %sign3A_426 : i32
          %sign3A_428 = arith.extui %sign3A_427 : i1 to i32
          %sign3A_429 = arith.subi %sign3A_425, %sign3A_428 : i32
          %ne3A_430 = arith.cmpi ne, %sign3A_422, %sign3A_429 : i32
          %rem3A_431 = arith.remsi %add3A_409, %jit3A_414 : i32
          %ne3A_432 = arith.constant 0 : i32
          %ne3A_433 = arith.cmpi ne, %rem3A_431, %ne3A_432 : i32
          %and3A_434 = arith.andi %ne3A_430, %ne3A_433 : i1
          %sub3A_435 = arith.constant 1 : i32
          %sub3A_436 = arith.subi %div3A_415, %sub3A_435 : i32
          %select_n3A_437 = arith.select %and3A_434, %sub3A_436, %div3A_415 : i32
          %mul3A_438 = arith.constant 16 : i32
          %mul3A_439 = arith.muli %select_n3A_437, %mul3A_438 : i32
          %get3A_440 = arith.index_cast %mul3A_439 : i32 to index
          %get3A_441 = tpu.vector_load %arg9[%get3A_440] {strides = array<i32>} : memref<528xi32, #tpu.memory_space<vmem>>, vector<16xi32>,
          %sub3A_442 = arith.subi %add3A_409, %mul3A_439 : i32
          %iota3A_443 = tpu.iota {dimensions = array<i32: 0>} : vector<16xi32>
          %broadcast_in_dim3A_444 = vector.broadcast %sub3A_442 : i32 to vector<16xi32>
          %eq3A_445 = arith.cmpi eq, %iota3A_443, %broadcast_in_dim3A_444 : vector<16xi32>
          %jit3A_446 = arith.constant -1 : i32
          %broadcast_in_dim3A_447 = vector.broadcast %jit3A_446 : i32 to vector<16xi32>
          %select_n3A_448 = arith.select %eq3A_445, %get3A_441, %broadcast_in_dim3A_447 : vector<16xi1>, vector<16xi32>
          %reduce_max3A_449 = arith.constant true
          %reduce_max3A_450 = vector.broadcast %reduce_max3A_449 : i1 to vector<16xi1>
          %reduce_max3A_451 = arith.constant -2147483648 : i32
          %reduce_max3A_452 = vector.broadcast %reduce_max3A_451 : i32 to vector<16xi32>
          %reduce_max3A_453 = arith.xori %select_n3A_448, %reduce_max3A_452 : vector<16xi32>
          %reduce_max3A_454 = tpu.scan <max>, %reduce_max3A_453 masked %reduce_max3A_450 : vector<16xi32>, vector<16xi1> -> vector<16xi32>
          %reduce_max3A_455 = arith.xori %reduce_max3A_454, %reduce_max3A_452 : vector<16xi32>
          %reduce_max3A_456 = vector.extract %reduce_max3A_455[15] : i32 from vector<16xi32>
          %mul3A_457 = arith.constant 128 : i32
          %mul3A_458 = arith.muli %reduce_max3A_456, %mul3A_457 : i32
          %multiple_of3A_459 = tpu.assume_multiple %mul3A_458, 128 : i32
          %dma_start3A_460 = arith.constant 0 : i32
          %dma_start3A_461 = tpu.memref_slice %arg2[%dma_start3A_460, %multiple_of3A_459] : memref<64x1000000xf32, #tpu.memory_space<hbm>> -> memref<64x128xf32, #tpu.memory_space<hbm>>
          %dma_start3A_462 = arith.constant 0 : i32
          %dma_start3A_463 = tpu.memref_slice %arg2[%dma_start3A_462, %multiple_of3A_459] : memref<64x1000000xf32, #tpu.memory_space<hbm>> -> memref<64x128xf32, #tpu.memory_space<hbm>>
          tpu.enqueue_dma source(%dma_start3A_463 : memref<64x128xf32, #tpu.memory_space<hbm>>) target(%arg12 : memref<64x128xf32, #tpu.memory_space<vmem>>) target_semaphore(%arg19 : memref<!tpu.dma_semaphore, #tpu.memory_space<semaphore_mem>>)
        } else {
        }
      } else {
      }
      %jit3A_191 = arith.constant 6 : i32
      %eq3A_192 = arith.constant 0 : i32
      %eq3A_193 = arith.cmpi eq, %jit3A_191, %eq3A_192 : i32
      %jit3A_194 = arith.constant 1 : i32
      %select_n3A_195 = arith.select %eq3A_193, %jit3A_194, %jit3A_191 : i32
      %rem3A_196 = arith.remsi %while3A_127, %select_n3A_195 : i32
      %ne3A_197 = arith.constant 0 : i32
      %ne3A_198 = arith.cmpi ne, %rem3A_196, %ne3A_197 : i32
      %lt3A_199 = arith.constant 0 : i32
      %lt3A_200 = arith.cmpi slt, %rem3A_196, %lt3A_199 : i32
      %lt3A_201 = arith.constant 0 : i32
      %lt3A_202 = arith.cmpi slt, %select_n3A_195, %lt3A_201 : i32
      %ne3A_203 = arith.xori %lt3A_200, %lt3A_202 : i1
      %and3A_204 = arith.andi %ne3A_203, %ne3A_198 : i1
      %add3A_205 = arith.addi %rem3A_196, %select_n3A_195 : i32
      %select_n3A_206 = arith.select %and3A_204, %add3A_205, %rem3A_196 : i32
      %eq3A_207 = arith.constant 3 : i32
      %eq3A_208 = arith.cmpi eq, %select_n3A_206, %eq3A_207 : i32
      %lt3A_209 = arith.cmpi slt, %while3A_127, %scan3A_9 : i32
      %and3A_210 = arith.andi %eq3A_208, %lt3A_209 : i1
      %convert_element_type3A_211 = arith.extui %and3A_210 : i1 to i32
      %cond3A_212 = arith.constant 0 : i32
      %cond3A_213 = arith.cmpi ne, %convert_element_type3A_211, %cond3A_212 : i32
      scf.if %cond3A_213 {
        %jit3A_261 = arith.constant 16 : i32
        %div3A = arith.divsi %while3A_127, %jit3A_261 : i32
        %sign3A = arith.constant 0 : i32
        %sign3A_262 = arith.cmpi sgt, %while3A_127, %sign3A : i32
        %sign3A_263 = arith.extui %sign3A_262 : i1 to i32
        %sign3A_264 = arith.constant 0 : i32
        %sign3A_265 = arith.cmpi slt, %while3A_127, %sign3A_264 : i32
        %sign3A_266 = arith.extui %sign3A_265 : i1 to i32
        %sign3A_267 = arith.subi %sign3A_263, %sign3A_266 : i32
        %sign3A_268 = arith.constant 0 : i32
        %sign3A_269 = arith.cmpi sgt, %jit3A_261, %sign3A_268 : i32
        %sign3A_270 = arith.extui %sign3A_269 : i1 to i32
        %sign3A_271 = arith.constant 0 : i32
        %sign3A_272 = arith.cmpi slt, %jit3A_261, %sign3A_271 : i32
        %sign3A_273 = arith.extui %sign3A_272 : i1 to i32
        %sign3A_274 = arith.subi %sign3A_270, %sign3A_273 : i32
        %ne3A_275 = arith.cmpi ne, %sign3A_267, %sign3A_274 : i32
        %rem3A_276 = arith.remsi %while3A_127, %jit3A_261 : i32
        %ne3A_277 = arith.constant 0 : i32
        %ne3A_278 = arith.cmpi ne, %rem3A_276, %ne3A_277 : i32
        %and3A_279 = arith.andi %ne3A_275, %ne3A_278 : i1
        %sub3A = arith.constant 1 : i32
        %sub3A_280 = arith.subi %div3A, %sub3A : i32
        %select_n3A_281 = arith.select %and3A_279, %sub3A_280, %div3A : i32
        %mul3A_282 = arith.constant 16 : i32
        %mul3A_283 = arith.muli %select_n3A_281, %mul3A_282 : i32
        %get3A = arith.index_cast %mul3A_283 : i32 to index
        %get3A_284 = tpu.vector_load %arg9[%get3A] {strides = array<i32>} : memref<528xi32, #tpu.memory_space<vmem>>, vector<16xi32>,
        %sub3A_285 = arith.subi %while3A_127, %mul3A_283 : i32
        %iota3A_286 = tpu.iota {dimensions = array<i32: 0>} : vector<16xi32>
        %broadcast_in_dim3A = vector.broadcast %sub3A_285 : i32 to vector<16xi32>
        %eq3A_287 = arith.cmpi eq, %iota3A_286, %broadcast_in_dim3A : vector<16xi32>
        %jit3A_288 = arith.constant -1 : i32
        %broadcast_in_dim3A_289 = vector.broadcast %jit3A_288 : i32 to vector<16xi32>
        %select_n3A_290 = arith.select %eq3A_287, %get3A_284, %broadcast_in_dim3A_289 : vector<16xi1>, vector<16xi32>
        %reduce_max3A = arith.constant true
        %reduce_max3A_291 = vector.broadcast %reduce_max3A : i1 to vector<16xi1>
        %reduce_max3A_292 = arith.constant -2147483648 : i32
        %reduce_max3A_293 = vector.broadcast %reduce_max3A_292 : i32 to vector<16xi32>
        %reduce_max3A_294 = arith.xori %select_n3A_290, %reduce_max3A_293 : vector<16xi32>
        %reduce_max3A_295 = tpu.scan <max>, %reduce_max3A_294 masked %reduce_max3A_291 : vector<16xi32>, vector<16xi1> -> vector<16xi32>
        %reduce_max3A_296 = arith.xori %reduce_max3A_295, %reduce_max3A_293 : vector<16xi32>
        %reduce_max3A_297 = vector.extract %reduce_max3A_296[15] : i32 from vector<16xi32>
        %mul3A_298 = arith.constant 128 : i32
        %mul3A_299 = arith.muli %reduce_max3A_297, %mul3A_298 : i32
        %multiple_of3A = tpu.assume_multiple %mul3A_299, 128 : i32
        %dma_wait3A_300 = arith.constant 0 : i32
        %dma_wait3A_301 = tpu.memref_slice %arg2[%dma_wait3A_300, %multiple_of3A] : memref<64x1000000xf32, #tpu.memory_space<hbm>> -> memref<64x128xf32, #tpu.memory_space<hbm>>
        %dma_wait3A_302 = arith.constant 0 : i32
        %dma_wait3A_303 = tpu.memref_slice %arg2[%dma_wait3A_302, %multiple_of3A] : memref<64x1000000xf32, #tpu.memory_space<hbm>> -> memref<64x128xf32, #tpu.memory_space<hbm>>
        tpu.wait_dma2 semaphore(%arg20 : memref<!tpu.dma_semaphore, #tpu.memory_space<semaphore_mem>>) src(%dma_wait3A_303 : memref<64x128xf32, #tpu.memory_space<hbm>>) dst(%arg13 : memref<64x128xf32, #tpu.memory_space<vmem>>)
        %jit3A_304 = arith.constant 16 : i32
        %div3A_305 = arith.divsi %while3A_127, %jit3A_304 : i32
        %sign3A_306 = arith.constant 0 : i32
        %sign3A_307 = arith.cmpi sgt, %while3A_127, %sign3A_306 : i32
        %sign3A_308 = arith.extui %sign3A_307 : i1 to i32
        %sign3A_309 = arith.constant 0 : i32
        %sign3A_310 = arith.cmpi slt, %while3A_127, %sign3A_309 : i32
        %sign3A_311 = arith.extui %sign3A_310 : i1 to i32
        %sign3A_312 = arith.subi %sign3A_308, %sign3A_311 : i32
        %sign3A_313 = arith.constant 0 : i32
        %sign3A_314 = arith.cmpi sgt, %jit3A_304, %sign3A_313 : i32
        %sign3A_315 = arith.extui %sign3A_314 : i1 to i32
        %sign3A_316 = arith.constant 0 : i32
        %sign3A_317 = arith.cmpi slt, %jit3A_304, %sign3A_316 : i32
        %sign3A_318 = arith.extui %sign3A_317 : i1 to i32
        %sign3A_319 = arith.subi %sign3A_315, %sign3A_318 : i32
        %ne3A_320 = arith.cmpi ne, %sign3A_312, %sign3A_319 : i32
        %rem3A_321 = arith.remsi %while3A_127, %jit3A_304 : i32
        %ne3A_322 = arith.constant 0 : i32
        %ne3A_323 = arith.cmpi ne, %rem3A_321, %ne3A_322 : i32
        %and3A_324 = arith.andi %ne3A_320, %ne3A_323 : i1
        %sub3A_325 = arith.constant 1 : i32
        %sub3A_326 = arith.subi %div3A_305, %sub3A_325 : i32
        %select_n3A_327 = arith.select %and3A_324, %sub3A_326, %div3A_305 : i32
        %mul3A_328 = arith.constant 16 : i32
        %mul3A_329 = arith.muli %select_n3A_327, %mul3A_328 : i32
        %get3A_330 = arith.index_cast %mul3A_329 : i32 to index
        %get3A_331 = tpu.vector_load %arg8[%get3A_330] {strides = array<i32>} : memref<528xi32, #tpu.memory_space<vmem>>, vector<16xi32>,
        %sub3A_332 = arith.subi %while3A_127, %mul3A_329 : i32
        %iota3A_333 = tpu.iota {dimensions = array<i32: 0>} : vector<16xi32>
        %broadcast_in_dim3A_334 = vector.broadcast %sub3A_332 : i32 to vector<16xi32>
        %eq3A_335 = arith.cmpi eq, %iota3A_333, %broadcast_in_dim3A_334 : vector<16xi32>
        %jit3A_336 = arith.constant -1 : i32
        %broadcast_in_dim3A_337 = vector.broadcast %jit3A_336 : i32 to vector<16xi32>
        %select_n3A_338 = arith.select %eq3A_335, %get3A_331, %broadcast_in_dim3A_337 : vector<16xi1>, vector<16xi32>
        %reduce_max3A_339 = arith.constant true
        %reduce_max3A_340 = vector.broadcast %reduce_max3A_339 : i1 to vector<16xi1>
        %reduce_max3A_341 = arith.constant -2147483648 : i32
        %reduce_max3A_342 = vector.broadcast %reduce_max3A_341 : i32 to vector<16xi32>
        %reduce_max3A_343 = arith.xori %select_n3A_338, %reduce_max3A_342 : vector<16xi32>
        %reduce_max3A_344 = tpu.scan <max>, %reduce_max3A_343 masked %reduce_max3A_340 : vector<16xi32>, vector<16xi1> -> vector<16xi32>
        %reduce_max3A_345 = arith.xori %reduce_max3A_344, %reduce_max3A_342 : vector<16xi32>
        %reduce_max3A_346 = vector.extract %reduce_max3A_345[15] : i32 from vector<16xi32>
        %add3A_347 = arith.constant 1 : i32
        %add3A_348 = arith.addi %while3A_127, %add3A_347 : i32
        %lt3A_349 = arith.cmpi slt, %add3A_348, %scan3A_9 : i32
        %add3A_350 = arith.constant 1 : i32
        %add3A_351 = arith.addi %while3A_127, %add3A_350 : i32
        %jit3A_352 = arith.constant 16 : i32
        %div3A_353 = arith.divsi %add3A_351, %jit3A_352 : i32
        %sign3A_354 = arith.constant 0 : i32
        %sign3A_355 = arith.cmpi sgt, %add3A_351, %sign3A_354 : i32
        %sign3A_356 = arith.extui %sign3A_355 : i1 to i32
        %sign3A_357 = arith.constant 0 : i32
        %sign3A_358 = arith.cmpi slt, %add3A_351, %sign3A_357 : i32
        %sign3A_359 = arith.extui %sign3A_358 : i1 to i32
        %sign3A_360 = arith.subi %sign3A_356, %sign3A_359 : i32
        %sign3A_361 = arith.constant 0 : i32
        %sign3A_362 = arith.cmpi sgt, %jit3A_352, %sign3A_361 : i32
        %sign3A_363 = arith.extui %sign3A_362 : i1 to i32
        %sign3A_364 = arith.constant 0 : i32
        %sign3A_365 = arith.cmpi slt, %jit3A_352, %sign3A_364 : i32
        %sign3A_366 = arith.extui %sign3A_365 : i1 to i32
        %sign3A_367 = arith.subi %sign3A_363, %sign3A_366 : i32
        %ne3A_368 = arith.cmpi ne, %sign3A_360, %sign3A_367 : i32
        %rem3A_369 = arith.remsi %add3A_351, %jit3A_352 : i32
        %ne3A_370 = arith.constant 0 : i32
        %ne3A_371 = arith.cmpi ne, %rem3A_369, %ne3A_370 : i32
        %and3A_372 = arith.andi %ne3A_368, %ne3A_371 : i1
        %sub3A_373 = arith.constant 1 : i32
        %sub3A_374 = arith.subi %div3A_353, %sub3A_373 : i32
        %select_n3A_375 = arith.select %and3A_372, %sub3A_374, %div3A_353 : i32
        %mul3A_376 = arith.constant 16 : i32
        %mul3A_377 = arith.muli %select_n3A_375, %mul3A_376 : i32
        %get3A_378 = arith.index_cast %mul3A_377 : i32 to index
        %get3A_379 = tpu.vector_load %arg8[%get3A_378] {strides = array<i32>} : memref<528xi32, #tpu.memory_space<vmem>>, vector<16xi32>,
        %sub3A_380 = arith.subi %add3A_351, %mul3A_377 : i32
        %iota3A_381 = tpu.iota {dimensions = array<i32: 0>} : vector<16xi32>
        %broadcast_in_dim3A_382 = vector.broadcast %sub3A_380 : i32 to vector<16xi32>
        %eq3A_383 = arith.cmpi eq, %iota3A_381, %broadcast_in_dim3A_382 : vector<16xi32>
        %jit3A_384 = arith.constant -1 : i32
        %broadcast_in_dim3A_385 = vector.broadcast %jit3A_384 : i32 to vector<16xi32>
        %select_n3A_386 = arith.select %eq3A_383, %get3A_379, %broadcast_in_dim3A_385 : vector<16xi1>, vector<16xi32>
        %reduce_max3A_387 = arith.constant true
        %reduce_max3A_388 = vector.broadcast %reduce_max3A_387 : i1 to vector<16xi1>
        %reduce_max3A_389 = arith.constant -2147483648 : i32
        %reduce_max3A_390 = vector.broadcast %reduce_max3A_389 : i32 to vector<16xi32>
        %reduce_max3A_391 = arith.xori %select_n3A_386, %reduce_max3A_390 : vector<16xi32>
        %reduce_max3A_392 = tpu.scan <max>, %reduce_max3A_391 masked %reduce_max3A_388 : vector<16xi32>, vector<16xi1> -> vector<16xi32>
        %reduce_max3A_393 = arith.xori %reduce_max3A_392, %reduce_max3A_390 : vector<16xi32>
        %reduce_max3A_394 = vector.extract %reduce_max3A_393[15] : i32 from vector<16xi32>
        %jit3A_395 = arith.constant 512 : i32
        %select_n3A_396 = arith.select %lt3A_349, %reduce_max3A_394, %jit3A_395 : i32
        %while3A_397 = arith.constant 0 : i32
        %while3A_398 = arith.subi %select_n3A_396, %reduce_max3A_346 : i32
        %while3A_399 = arith.addi %reduce_max3A_346, %while3A_398 : i32
        %while3A_400 = arith.constant 1 : i32
        %while3A_401 = arith.divsi %while3A_398, %while3A_400 : i32
        %while3A_402 = arith.muli %while3A_401, %while3A_400 : i32
        %while3A_403 = arith.addi %reduce_max3A_346, %while3A_402 : i32
        %while3A_404 = arith.constant 1 : i32
        %while3A_405 = scf.for %while3A_414 = %reduce_max3A_346 to %while3A_403 step %while3A_404 iter_args(%while3A_415 = %while3A_397) -> (i32)  : i32 {
          %jit3A_416 = arith.constant 16 : i32
          %div3A_417 = arith.divsi %while3A_414, %jit3A_416 : i32
          %sign3A_418 = arith.constant 0 : i32
          %sign3A_419 = arith.cmpi sgt, %while3A_414, %sign3A_418 : i32
          %sign3A_420 = arith.extui %sign3A_419 : i1 to i32
          %sign3A_421 = arith.constant 0 : i32
          %sign3A_422 = arith.cmpi slt, %while3A_414, %sign3A_421 : i32
          %sign3A_423 = arith.extui %sign3A_422 : i1 to i32
          %sign3A_424 = arith.subi %sign3A_420, %sign3A_423 : i32
          %sign3A_425 = arith.constant 0 : i32
          %sign3A_426 = arith.cmpi sgt, %jit3A_416, %sign3A_425 : i32
          %sign3A_427 = arith.extui %sign3A_426 : i1 to i32
          %sign3A_428 = arith.constant 0 : i32
          %sign3A_429 = arith.cmpi slt, %jit3A_416, %sign3A_428 : i32
          %sign3A_430 = arith.extui %sign3A_429 : i1 to i32
          %sign3A_431 = arith.subi %sign3A_427, %sign3A_430 : i32
          %ne3A_432 = arith.cmpi ne, %sign3A_424, %sign3A_431 : i32
          %rem3A_433 = arith.remsi %while3A_414, %jit3A_416 : i32
          %ne3A_434 = arith.constant 0 : i32
          %ne3A_435 = arith.cmpi ne, %rem3A_433, %ne3A_434 : i32
          %and3A_436 = arith.andi %ne3A_432, %ne3A_435 : i1
          %sub3A_437 = arith.constant 1 : i32
          %sub3A_438 = arith.subi %div3A_417, %sub3A_437 : i32
          %select_n3A_439 = arith.select %and3A_436, %sub3A_438, %div3A_417 : i32
          %mul3A_440 = arith.constant 16 : i32
          %mul3A_441 = arith.muli %select_n3A_439, %mul3A_440 : i32
          %get3A_442 = arith.index_cast %mul3A_441 : i32 to index
          %get3A_443 = tpu.vector_load %arg6[%get3A_442] {strides = array<i32>} : memref<512xi32, #tpu.memory_space<vmem>>, vector<16xi32>,
          %sub3A_444 = arith.subi %while3A_414, %mul3A_441 : i32
          %iota3A_445 = tpu.iota {dimensions = array<i32: 0>} : vector<16xi32>
          %broadcast_in_dim3A_446 = vector.broadcast %sub3A_444 : i32 to vector<16xi32>
          %eq3A_447 = arith.cmpi eq, %iota3A_445, %broadcast_in_dim3A_446 : vector<16xi32>
          %jit3A_448 = arith.constant -1 : i32
          %broadcast_in_dim3A_449 = vector.broadcast %jit3A_448 : i32 to vector<16xi32>
          %select_n3A_450 = arith.select %eq3A_447, %get3A_443, %broadcast_in_dim3A_449 : vector<16xi1>, vector<16xi32>
          %reduce_max3A_451 = arith.constant true
          %reduce_max3A_452 = vector.broadcast %reduce_max3A_451 : i1 to vector<16xi1>
          %reduce_max3A_453 = arith.constant -2147483648 : i32
          %reduce_max3A_454 = vector.broadcast %reduce_max3A_453 : i32 to vector<16xi32>
          %reduce_max3A_455 = arith.xori %select_n3A_450, %reduce_max3A_454 : vector<16xi32>
          %reduce_max3A_456 = tpu.scan <max>, %reduce_max3A_455 masked %reduce_max3A_452 : vector<16xi32>, vector<16xi1> -> vector<16xi32>
          %reduce_max3A_457 = arith.xori %reduce_max3A_456, %reduce_max3A_454 : vector<16xi32>
          %reduce_max3A_458 = vector.extract %reduce_max3A_457[15] : i32 from vector<16xi32>
          %and3A_459 = arith.constant 127 : i32
          %and3A_460 = arith.andi %reduce_max3A_458, %and3A_459 : i32
          %broadcast_in_dim3A_461 = vector.broadcast %and3A_460 : i32 to vector<16xi32>
          %add3A_462 = arith.constant 0 : i32
          %add3A_463 = vector.broadcast %add3A_462 : i32 to vector<16xi32>
          %add3A_464 = arith.addi %add3A_463, %iota3A : vector<16xi32>
          %gather3A = tpu.vector_load_idx %arg13[%add3A_464, %broadcast_in_dim3A_461] : memref<64x128xf32, #tpu.memory_space<vmem>>[vector<16xi32>, vector<16xi32>], vector<16xf32>,
          %swap3A = arith.index_cast %while3A_414 : i32 to index
          %swap3A_465 = arith.constant 0 : index
          %swap3A_466 = tpu.vector_load %arg16[%swap3A, %swap3A_465] {strides = array<i32>} : memref<512x128xf32, #tpu.memory_space<vmem>>, vector<16xf32>,
          tpu.vector_store %arg16[%swap3A, %swap3A_465], %gather3A {strides = array<i32>} : memref<512x128xf32, #tpu.memory_space<vmem>>, vector<16xf32>,
          %add3A_467 = arith.constant 16 : i32
          %add3A_468 = vector.broadcast %add3A_467 : i32 to vector<16xi32>
          %add3A_469 = arith.addi %add3A_468, %iota3A : vector<16xi32>
          %gather3A_470 = tpu.vector_load_idx %arg13[%add3A_469, %broadcast_in_dim3A_461] : memref<64x128xf32, #tpu.memory_space<vmem>>[vector<16xi32>, vector<16xi32>], vector<16xf32>,
          %swap3A_471 = arith.index_cast %while3A_414 : i32 to index
          %swap3A_472 = arith.constant 16 : index
          %swap3A_473 = tpu.vector_load %arg16[%swap3A_471, %swap3A_472] {strides = array<i32>} : memref<512x128xf32, #tpu.memory_space<vmem>>, vector<16xf32>,
          tpu.vector_store %arg16[%swap3A_471, %swap3A_472], %gather3A_470 {strides = array<i32>} : memref<512x128xf32, #tpu.memory_space<vmem>>, vector<16xf32>,
          %add3A_474 = arith.constant 32 : i32
          %add3A_475 = vector.broadcast %add3A_474 : i32 to vector<16xi32>
          %add3A_476 = arith.addi %add3A_475, %iota3A : vector<16xi32>
          %gather3A_477 = tpu.vector_load_idx %arg13[%add3A_476, %broadcast_in_dim3A_461] : memref<64x128xf32, #tpu.memory_space<vmem>>[vector<16xi32>, vector<16xi32>], vector<16xf32>,
          %swap3A_478 = arith.index_cast %while3A_414 : i32 to index
          %swap3A_479 = arith.constant 32 : index
          %swap3A_480 = tpu.vector_load %arg16[%swap3A_478, %swap3A_479] {strides = array<i32>} : memref<512x128xf32, #tpu.memory_space<vmem>>, vector<16xf32>,
          tpu.vector_store %arg16[%swap3A_478, %swap3A_479], %gather3A_477 {strides = array<i32>} : memref<512x128xf32, #tpu.memory_space<vmem>>, vector<16xf32>,
          %add3A_481 = arith.constant 48 : i32
          %add3A_482 = vector.broadcast %add3A_481 : i32 to vector<16xi32>
          %add3A_483 = arith.addi %add3A_482, %iota3A : vector<16xi32>
          %gather3A_484 = tpu.vector_load_idx %arg13[%add3A_483, %broadcast_in_dim3A_461] : memref<64x128xf32, #tpu.memory_space<vmem>>[vector<16xi32>, vector<16xi32>], vector<16xf32>,
          %swap3A_485 = arith.index_cast %while3A_414 : i32 to index
          %swap3A_486 = arith.constant 48 : index
          %swap3A_487 = tpu.vector_load %arg16[%swap3A_485, %swap3A_486] {strides = array<i32>} : memref<512x128xf32, #tpu.memory_space<vmem>>, vector<16xf32>,
          tpu.vector_store %arg16[%swap3A_485, %swap3A_486], %gather3A_484 {strides = array<i32>} : memref<512x128xf32, #tpu.memory_space<vmem>>, vector<16xf32>,
          %while3A_488 = arith.constant 0 : i32
          scf.yield %while3A_488 : i32
        }
        %while3A_406 = arith.constant 1 : i32
        %while3A_407 = scf.for %while3A_414 = %while3A_403 to %while3A_399 step %while3A_406 iter_args(%while3A_415 = %while3A_405) -> (i32)  : i32 {
          %jit3A_416 = arith.constant 16 : i32
          %div3A_417 = arith.divsi %while3A_414, %jit3A_416 : i32
          %sign3A_418 = arith.constant 0 : i32
          %sign3A_419 = arith.cmpi sgt, %while3A_414, %sign3A_418 : i32
          %sign3A_420 = arith.extui %sign3A_419 : i1 to i32
          %sign3A_421 = arith.constant 0 : i32
          %sign3A_422 = arith.cmpi slt, %while3A_414, %sign3A_421 : i32
          %sign3A_423 = arith.extui %sign3A_422 : i1 to i32
          %sign3A_424 = arith.subi %sign3A_420, %sign3A_423 : i32
          %sign3A_425 = arith.constant 0 : i32
          %sign3A_426 = arith.cmpi sgt, %jit3A_416, %sign3A_425 : i32
          %sign3A_427 = arith.extui %sign3A_426 : i1 to i32
          %sign3A_428 = arith.constant 0 : i32
          %sign3A_429 = arith.cmpi slt, %jit3A_416, %sign3A_428 : i32
          %sign3A_430 = arith.extui %sign3A_429 : i1 to i32
          %sign3A_431 = arith.subi %sign3A_427, %sign3A_430 : i32
          %ne3A_432 = arith.cmpi ne, %sign3A_424, %sign3A_431 : i32
          %rem3A_433 = arith.remsi %while3A_414, %jit3A_416 : i32
          %ne3A_434 = arith.constant 0 : i32
          %ne3A_435 = arith.cmpi ne, %rem3A_433, %ne3A_434 : i32
          %and3A_436 = arith.andi %ne3A_432, %ne3A_435 : i1
          %sub3A_437 = arith.constant 1 : i32
          %sub3A_438 = arith.subi %div3A_417, %sub3A_437 : i32
          %select_n3A_439 = arith.select %and3A_436, %sub3A_438, %div3A_417 : i32
          %mul3A_440 = arith.constant 16 : i32
          %mul3A_441 = arith.muli %select_n3A_439, %mul3A_440 : i32
          %get3A_442 = arith.index_cast %mul3A_441 : i32 to index
          %get3A_443 = tpu.vector_load %arg6[%get3A_442] {strides = array<i32>} : memref<512xi32, #tpu.memory_space<vmem>>, vector<16xi32>,
          %sub3A_444 = arith.subi %while3A_414, %mul3A_441 : i32
          %iota3A_445 = tpu.iota {dimensions = array<i32: 0>} : vector<16xi32>
          %broadcast_in_dim3A_446 = vector.broadcast %sub3A_444 : i32 to vector<16xi32>
          %eq3A_447 = arith.cmpi eq, %iota3A_445, %broadcast_in_dim3A_446 : vector<16xi32>
          %jit3A_448 = arith.constant -1 : i32
          %broadcast_in_dim3A_449 = vector.broadcast %jit3A_448 : i32 to vector<16xi32>
          %select_n3A_450 = arith.select %eq3A_447, %get3A_443, %broadcast_in_dim3A_449 : vector<16xi1>, vector<16xi32>
          %reduce_max3A_451 = arith.constant true
          %reduce_max3A_452 = vector.broadcast %reduce_max3A_451 : i1 to vector<16xi1>
          %reduce_max3A_453 = arith.constant -2147483648 : i32
          %reduce_max3A_454 = vector.broadcast %reduce_max3A_453 : i32 to vector<16xi32>
          %reduce_max3A_455 = arith.xori %select_n3A_450, %reduce_max3A_454 : vector<16xi32>
          %reduce_max3A_456 = tpu.scan <max>, %reduce_max3A_455 masked %reduce_max3A_452 : vector<16xi32>, vector<16xi1> -> vector<16xi32>
          %reduce_max3A_457 = arith.xori %reduce_max3A_456, %reduce_max3A_454 : vector<16xi32>
          %reduce_max3A_458 = vector.extract %reduce_max3A_457[15] : i32 from vector<16xi32>
          %and3A_459 = arith.constant 127 : i32
          %and3A_460 = arith.andi %reduce_max3A_458, %and3A_459 : i32
          %broadcast_in_dim3A_461 = vector.broadcast %and3A_460 : i32 to vector<16xi32>
          %add3A_462 = arith.constant 0 : i32
          %add3A_463 = vector.broadcast %add3A_462 : i32 to vector<16xi32>
          %add3A_464 = arith.addi %add3A_463, %iota3A : vector<16xi32>
          %gather3A = tpu.vector_load_idx %arg13[%add3A_464, %broadcast_in_dim3A_461] : memref<64x128xf32, #tpu.memory_space<vmem>>[vector<16xi32>, vector<16xi32>], vector<16xf32>,
          %swap3A = arith.index_cast %while3A_414 : i32 to index
          %swap3A_465 = arith.constant 0 : index
          %swap3A_466 = tpu.vector_load %arg16[%swap3A, %swap3A_465] {strides = array<i32>} : memref<512x128xf32, #tpu.memory_space<vmem>>, vector<16xf32>,
          tpu.vector_store %arg16[%swap3A, %swap3A_465], %gather3A {strides = array<i32>} : memref<512x128xf32, #tpu.memory_space<vmem>>, vector<16xf32>,
          %add3A_467 = arith.constant 16 : i32
          %add3A_468 = vector.broadcast %add3A_467 : i32 to vector<16xi32>
          %add3A_469 = arith.addi %add3A_468, %iota3A : vector<16xi32>
          %gather3A_470 = tpu.vector_load_idx %arg13[%add3A_469, %broadcast_in_dim3A_461] : memref<64x128xf32, #tpu.memory_space<vmem>>[vector<16xi32>, vector<16xi32>], vector<16xf32>,
          %swap3A_471 = arith.index_cast %while3A_414 : i32 to index
          %swap3A_472 = arith.constant 16 : index
          %swap3A_473 = tpu.vector_load %arg16[%swap3A_471, %swap3A_472] {strides = array<i32>} : memref<512x128xf32, #tpu.memory_space<vmem>>, vector<16xf32>,
          tpu.vector_store %arg16[%swap3A_471, %swap3A_472], %gather3A_470 {strides = array<i32>} : memref<512x128xf32, #tpu.memory_space<vmem>>, vector<16xf32>,
          %add3A_474 = arith.constant 32 : i32
          %add3A_475 = vector.broadcast %add3A_474 : i32 to vector<16xi32>
          %add3A_476 = arith.addi %add3A_475, %iota3A : vector<16xi32>
          %gather3A_477 = tpu.vector_load_idx %arg13[%add3A_476, %broadcast_in_dim3A_461] : memref<64x128xf32, #tpu.memory_space<vmem>>[vector<16xi32>, vector<16xi32>], vector<16xf32>,
          %swap3A_478 = arith.index_cast %while3A_414 : i32 to index
          %swap3A_479 = arith.constant 32 : index
          %swap3A_480 = tpu.vector_load %arg16[%swap3A_478, %swap3A_479] {strides = array<i32>} : memref<512x128xf32, #tpu.memory_space<vmem>>, vector<16xf32>,
          tpu.vector_store %arg16[%swap3A_478, %swap3A_479], %gather3A_477 {strides = array<i32>} : memref<512x128xf32, #tpu.memory_space<vmem>>, vector<16xf32>,
          %add3A_481 = arith.constant 48 : i32
          %add3A_482 = vector.broadcast %add3A_481 : i32 to vector<16xi32>
          %add3A_483 = arith.addi %add3A_482, %iota3A : vector<16xi32>
          %gather3A_484 = tpu.vector_load_idx %arg13[%add3A_483, %broadcast_in_dim3A_461] : memref<64x128xf32, #tpu.memory_space<vmem>>[vector<16xi32>, vector<16xi32>], vector<16xf32>,
          %swap3A_485 = arith.index_cast %while3A_414 : i32 to index
          %swap3A_486 = arith.constant 48 : index
          %swap3A_487 = tpu.vector_load %arg16[%swap3A_485, %swap3A_486] {strides = array<i32>} : memref<512x128xf32, #tpu.memory_space<vmem>>, vector<16xf32>,
          tpu.vector_store %arg16[%swap3A_485, %swap3A_486], %gather3A_484 {strides = array<i32>} : memref<512x128xf32, #tpu.memory_space<vmem>>, vector<16xf32>,
          %while3A_488 = arith.constant 0 : i32
          scf.yield %while3A_488 : i32
        }
        %add3A_408 = arith.constant 6 : i32
        %add3A_409 = arith.addi %while3A_127, %add3A_408 : i32
        %lt3A_410 = arith.cmpi slt, %add3A_409, %scan3A_9 : i32
        %convert_element_type3A_411 = arith.extui %lt3A_410 : i1 to i32
        %cond3A_412 = arith.constant 0 : i32
        %cond3A_413 = arith.cmpi ne, %convert_element_type3A_411, %cond3A_412 : i32
        scf.if %cond3A_413 {
          %jit3A_414 = arith.constant 16 : i32
          %div3A_415 = arith.divsi %add3A_409, %jit3A_414 : i32
          %sign3A_416 = arith.constant 0 : i32
          %sign3A_417 = arith.cmpi sgt, %add3A_409, %sign3A_416 : i32
          %sign3A_418 = arith.extui %sign3A_417 : i1 to i32
          %sign3A_419 = arith.constant 0 : i32
          %sign3A_420 = arith.cmpi slt, %add3A_409, %sign3A_419 : i32
          %sign3A_421 = arith.extui %sign3A_420 : i1 to i32
          %sign3A_422 = arith.subi %sign3A_418, %sign3A_421 : i32
          %sign3A_423 = arith.constant 0 : i32
          %sign3A_424 = arith.cmpi sgt, %jit3A_414, %sign3A_423 : i32
          %sign3A_425 = arith.extui %sign3A_424 : i1 to i32
          %sign3A_426 = arith.constant 0 : i32
          %sign3A_427 = arith.cmpi slt, %jit3A_414, %sign3A_426 : i32
          %sign3A_428 = arith.extui %sign3A_427 : i1 to i32
          %sign3A_429 = arith.subi %sign3A_425, %sign3A_428 : i32
          %ne3A_430 = arith.cmpi ne, %sign3A_422, %sign3A_429 : i32
          %rem3A_431 = arith.remsi %add3A_409, %jit3A_414 : i32
          %ne3A_432 = arith.constant 0 : i32
          %ne3A_433 = arith.cmpi ne, %rem3A_431, %ne3A_432 : i32
          %and3A_434 = arith.andi %ne3A_430, %ne3A_433 : i1
          %sub3A_435 = arith.constant 1 : i32
          %sub3A_436 = arith.subi %div3A_415, %sub3A_435 : i32
          %select_n3A_437 = arith.select %and3A_434, %sub3A_436, %div3A_415 : i32
          %mul3A_438 = arith.constant 16 : i32
          %mul3A_439 = arith.muli %select_n3A_437, %mul3A_438 : i32
          %get3A_440 = arith.index_cast %mul3A_439 : i32 to index
          %get3A_441 = tpu.vector_load %arg9[%get3A_440] {strides = array<i32>} : memref<528xi32, #tpu.memory_space<vmem>>, vector<16xi32>,
          %sub3A_442 = arith.subi %add3A_409, %mul3A_439 : i32
          %iota3A_443 = tpu.iota {dimensions = array<i32: 0>} : vector<16xi32>
          %broadcast_in_dim3A_444 = vector.broadcast %sub3A_442 : i32 to vector<16xi32>
          %eq3A_445 = arith.cmpi eq, %iota3A_443, %broadcast_in_dim3A_444 : vector<16xi32>
          %jit3A_446 = arith.constant -1 : i32
          %broadcast_in_dim3A_447 = vector.broadcast %jit3A_446 : i32 to vector<16xi32>
          %select_n3A_448 = arith.select %eq3A_445, %get3A_441, %broadcast_in_dim3A_447 : vector<16xi1>, vector<16xi32>
          %reduce_max3A_449 = arith.constant true
          %reduce_max3A_450 = vector.broadcast %reduce_max3A_449 : i1 to vector<16xi1>
          %reduce_max3A_451 = arith.constant -2147483648 : i32
          %reduce_max3A_452 = vector.broadcast %reduce_max3A_451 : i32 to vector<16xi32>
          %reduce_max3A_453 = arith.xori %select_n3A_448, %reduce_max3A_452 : vector<16xi32>
          %reduce_max3A_454 = tpu.scan <max>, %reduce_max3A_453 masked %reduce_max3A_450 : vector<16xi32>, vector<16xi1> -> vector<16xi32>
          %reduce_max3A_455 = arith.xori %reduce_max3A_454, %reduce_max3A_452 : vector<16xi32>
          %reduce_max3A_456 = vector.extract %reduce_max3A_455[15] : i32 from vector<16xi32>
          %mul3A_457 = arith.constant 128 : i32
          %mul3A_458 = arith.muli %reduce_max3A_456, %mul3A_457 : i32
          %multiple_of3A_459 = tpu.assume_multiple %mul3A_458, 128 : i32
          %dma_start3A_460 = arith.constant 0 : i32
          %dma_start3A_461 = tpu.memref_slice %arg2[%dma_start3A_460, %multiple_of3A_459] : memref<64x1000000xf32, #tpu.memory_space<hbm>> -> memref<64x128xf32, #tpu.memory_space<hbm>>
          %dma_start3A_462 = arith.constant 0 : i32
          %dma_start3A_463 = tpu.memref_slice %arg2[%dma_start3A_462, %multiple_of3A_459] : memref<64x1000000xf32, #tpu.memory_space<hbm>> -> memref<64x128xf32, #tpu.memory_space<hbm>>
          tpu.enqueue_dma source(%dma_start3A_463 : memref<64x128xf32, #tpu.memory_space<hbm>>) target(%arg13 : memref<64x128xf32, #tpu.memory_space<vmem>>) target_semaphore(%arg20 : memref<!tpu.dma_semaphore, #tpu.memory_space<semaphore_mem>>)
        } else {
        }
      } else {
      }
      %jit3A_214 = arith.constant 6 : i32
      %eq3A_215 = arith.constant 0 : i32
      %eq3A_216 = arith.cmpi eq, %jit3A_214, %eq3A_215 : i32
      %jit3A_217 = arith.constant 1 : i32
      %select_n3A_218 = arith.select %eq3A_216, %jit3A_217, %jit3A_214 : i32
      %rem3A_219 = arith.remsi %while3A_127, %select_n3A_218 : i32
      %ne3A_220 = arith.constant 0 : i32
      %ne3A_221 = arith.cmpi ne, %rem3A_219, %ne3A_220 : i32
      %lt3A_222 = arith.constant 0 : i32
      %lt3A_223 = arith.cmpi slt, %rem3A_219, %lt3A_222 : i32
      %lt3A_224 = arith.constant 0 : i32
      %lt3A_225 = arith.cmpi slt, %select_n3A_218, %lt3A_224 : i32
      %ne3A_226 = arith.xori %lt3A_223, %lt3A_225 : i1
      %and3A_227 = arith.andi %ne3A_226, %ne3A_221 : i1
      %add3A_228 = arith.addi %rem3A_219, %select_n3A_218 : i32
      %select_n3A_229 = arith.select %and3A_227, %add3A_228, %rem3A_219 : i32
      %eq3A_230 = arith.constant 4 : i32
      %eq3A_231 = arith.cmpi eq, %select_n3A_229, %eq3A_230 : i32
      %lt3A_232 = arith.cmpi slt, %while3A_127, %scan3A_9 : i32
      %and3A_233 = arith.andi %eq3A_231, %lt3A_232 : i1
      %convert_element_type3A_234 = arith.extui %and3A_233 : i1 to i32
      %cond3A_235 = arith.constant 0 : i32
      %cond3A_236 = arith.cmpi ne, %convert_element_type3A_234, %cond3A_235 : i32
      scf.if %cond3A_236 {
        %jit3A_261 = arith.constant 16 : i32
        %div3A = arith.divsi %while3A_127, %jit3A_261 : i32
        %sign3A = arith.constant 0 : i32
        %sign3A_262 = arith.cmpi sgt, %while3A_127, %sign3A : i32
        %sign3A_263 = arith.extui %sign3A_262 : i1 to i32
        %sign3A_264 = arith.constant 0 : i32
        %sign3A_265 = arith.cmpi slt, %while3A_127, %sign3A_264 : i32
        %sign3A_266 = arith.extui %sign3A_265 : i1 to i32
        %sign3A_267 = arith.subi %sign3A_263, %sign3A_266 : i32
        %sign3A_268 = arith.constant 0 : i32
        %sign3A_269 = arith.cmpi sgt, %jit3A_261, %sign3A_268 : i32
        %sign3A_270 = arith.extui %sign3A_269 : i1 to i32
        %sign3A_271 = arith.constant 0 : i32
        %sign3A_272 = arith.cmpi slt, %jit3A_261, %sign3A_271 : i32
        %sign3A_273 = arith.extui %sign3A_272 : i1 to i32
        %sign3A_274 = arith.subi %sign3A_270, %sign3A_273 : i32
        %ne3A_275 = arith.cmpi ne, %sign3A_267, %sign3A_274 : i32
        %rem3A_276 = arith.remsi %while3A_127, %jit3A_261 : i32
        %ne3A_277 = arith.constant 0 : i32
        %ne3A_278 = arith.cmpi ne, %rem3A_276, %ne3A_277 : i32
        %and3A_279 = arith.andi %ne3A_275, %ne3A_278 : i1
        %sub3A = arith.constant 1 : i32
        %sub3A_280 = arith.subi %div3A, %sub3A : i32
        %select_n3A_281 = arith.select %and3A_279, %sub3A_280, %div3A : i32
        %mul3A_282 = arith.constant 16 : i32
        %mul3A_283 = arith.muli %select_n3A_281, %mul3A_282 : i32
        %get3A = arith.index_cast %mul3A_283 : i32 to index
        %get3A_284 = tpu.vector_load %arg9[%get3A] {strides = array<i32>} : memref<528xi32, #tpu.memory_space<vmem>>, vector<16xi32>,
        %sub3A_285 = arith.subi %while3A_127, %mul3A_283 : i32
        %iota3A_286 = tpu.iota {dimensions = array<i32: 0>} : vector<16xi32>
        %broadcast_in_dim3A = vector.broadcast %sub3A_285 : i32 to vector<16xi32>
        %eq3A_287 = arith.cmpi eq, %iota3A_286, %broadcast_in_dim3A : vector<16xi32>
        %jit3A_288 = arith.constant -1 : i32
        %broadcast_in_dim3A_289 = vector.broadcast %jit3A_288 : i32 to vector<16xi32>
        %select_n3A_290 = arith.select %eq3A_287, %get3A_284, %broadcast_in_dim3A_289 : vector<16xi1>, vector<16xi32>
        %reduce_max3A = arith.constant true
        %reduce_max3A_291 = vector.broadcast %reduce_max3A : i1 to vector<16xi1>
        %reduce_max3A_292 = arith.constant -2147483648 : i32
        %reduce_max3A_293 = vector.broadcast %reduce_max3A_292 : i32 to vector<16xi32>
        %reduce_max3A_294 = arith.xori %select_n3A_290, %reduce_max3A_293 : vector<16xi32>
        %reduce_max3A_295 = tpu.scan <max>, %reduce_max3A_294 masked %reduce_max3A_291 : vector<16xi32>, vector<16xi1> -> vector<16xi32>
        %reduce_max3A_296 = arith.xori %reduce_max3A_295, %reduce_max3A_293 : vector<16xi32>
        %reduce_max3A_297 = vector.extract %reduce_max3A_296[15] : i32 from vector<16xi32>
        %mul3A_298 = arith.constant 128 : i32
        %mul3A_299 = arith.muli %reduce_max3A_297, %mul3A_298 : i32
        %multiple_of3A = tpu.assume_multiple %mul3A_299, 128 : i32
        %dma_wait3A_300 = arith.constant 0 : i32
        %dma_wait3A_301 = tpu.memref_slice %arg2[%dma_wait3A_300, %multiple_of3A] : memref<64x1000000xf32, #tpu.memory_space<hbm>> -> memref<64x128xf32, #tpu.memory_space<hbm>>
        %dma_wait3A_302 = arith.constant 0 : i32
        %dma_wait3A_303 = tpu.memref_slice %arg2[%dma_wait3A_302, %multiple_of3A] : memref<64x1000000xf32, #tpu.memory_space<hbm>> -> memref<64x128xf32, #tpu.memory_space<hbm>>
        tpu.wait_dma2 semaphore(%arg21 : memref<!tpu.dma_semaphore, #tpu.memory_space<semaphore_mem>>) src(%dma_wait3A_303 : memref<64x128xf32, #tpu.memory_space<hbm>>) dst(%arg14 : memref<64x128xf32, #tpu.memory_space<vmem>>)
        %jit3A_304 = arith.constant 16 : i32
        %div3A_305 = arith.divsi %while3A_127, %jit3A_304 : i32
        %sign3A_306 = arith.constant 0 : i32
        %sign3A_307 = arith.cmpi sgt, %while3A_127, %sign3A_306 : i32
        %sign3A_308 = arith.extui %sign3A_307 : i1 to i32
        %sign3A_309 = arith.constant 0 : i32
        %sign3A_310 = arith.cmpi slt, %while3A_127, %sign3A_309 : i32
        %sign3A_311 = arith.extui %sign3A_310 : i1 to i32
        %sign3A_312 = arith.subi %sign3A_308, %sign3A_311 : i32
        %sign3A_313 = arith.constant 0 : i32
        %sign3A_314 = arith.cmpi sgt, %jit3A_304, %sign3A_313 : i32
        %sign3A_315 = arith.extui %sign3A_314 : i1 to i32
        %sign3A_316 = arith.constant 0 : i32
        %sign3A_317 = arith.cmpi slt, %jit3A_304, %sign3A_316 : i32
        %sign3A_318 = arith.extui %sign3A_317 : i1 to i32
        %sign3A_319 = arith.subi %sign3A_315, %sign3A_318 : i32
        %ne3A_320 = arith.cmpi ne, %sign3A_312, %sign3A_319 : i32
        %rem3A_321 = arith.remsi %while3A_127, %jit3A_304 : i32
        %ne3A_322 = arith.constant 0 : i32
        %ne3A_323 = arith.cmpi ne, %rem3A_321, %ne3A_322 : i32
        %and3A_324 = arith.andi %ne3A_320, %ne3A_323 : i1
        %sub3A_325 = arith.constant 1 : i32
        %sub3A_326 = arith.subi %div3A_305, %sub3A_325 : i32
        %select_n3A_327 = arith.select %and3A_324, %sub3A_326, %div3A_305 : i32
        %mul3A_328 = arith.constant 16 : i32
        %mul3A_329 = arith.muli %select_n3A_327, %mul3A_328 : i32
        %get3A_330 = arith.index_cast %mul3A_329 : i32 to index
        %get3A_331 = tpu.vector_load %arg8[%get3A_330] {strides = array<i32>} : memref<528xi32, #tpu.memory_space<vmem>>, vector<16xi32>,
        %sub3A_332 = arith.subi %while3A_127, %mul3A_329 : i32
        %iota3A_333 = tpu.iota {dimensions = array<i32: 0>} : vector<16xi32>
        %broadcast_in_dim3A_334 = vector.broadcast %sub3A_332 : i32 to vector<16xi32>
        %eq3A_335 = arith.cmpi eq, %iota3A_333, %broadcast_in_dim3A_334 : vector<16xi32>
        %jit3A_336 = arith.constant -1 : i32
        %broadcast_in_dim3A_337 = vector.broadcast %jit3A_336 : i32 to vector<16xi32>
        %select_n3A_338 = arith.select %eq3A_335, %get3A_331, %broadcast_in_dim3A_337 : vector<16xi1>, vector<16xi32>
        %reduce_max3A_339 = arith.constant true
        %reduce_max3A_340 = vector.broadcast %reduce_max3A_339 : i1 to vector<16xi1>
        %reduce_max3A_341 = arith.constant -2147483648 : i32
        %reduce_max3A_342 = vector.broadcast %reduce_max3A_341 : i32 to vector<16xi32>
        %reduce_max3A_343 = arith.xori %select_n3A_338, %reduce_max3A_342 : vector<16xi32>
        %reduce_max3A_344 = tpu.scan <max>, %reduce_max3A_343 masked %reduce_max3A_340 : vector<16xi32>, vector<16xi1> -> vector<16xi32>
        %reduce_max3A_345 = arith.xori %reduce_max3A_344, %reduce_max3A_342 : vector<16xi32>
        %reduce_max3A_346 = vector.extract %reduce_max3A_345[15] : i32 from vector<16xi32>
        %add3A_347 = arith.constant 1 : i32
        %add3A_348 = arith.addi %while3A_127, %add3A_347 : i32
        %lt3A_349 = arith.cmpi slt, %add3A_348, %scan3A_9 : i32
        %add3A_350 = arith.constant 1 : i32
        %add3A_351 = arith.addi %while3A_127, %add3A_350 : i32
        %jit3A_352 = arith.constant 16 : i32
        %div3A_353 = arith.divsi %add3A_351, %jit3A_352 : i32
        %sign3A_354 = arith.constant 0 : i32
        %sign3A_355 = arith.cmpi sgt, %add3A_351, %sign3A_354 : i32
        %sign3A_356 = arith.extui %sign3A_355 : i1 to i32
        %sign3A_357 = arith.constant 0 : i32
        %sign3A_358 = arith.cmpi slt, %add3A_351, %sign3A_357 : i32
        %sign3A_359 = arith.extui %sign3A_358 : i1 to i32
        %sign3A_360 = arith.subi %sign3A_356, %sign3A_359 : i32
        %sign3A_361 = arith.constant 0 : i32
        %sign3A_362 = arith.cmpi sgt, %jit3A_352, %sign3A_361 : i32
        %sign3A_363 = arith.extui %sign3A_362 : i1 to i32
        %sign3A_364 = arith.constant 0 : i32
        %sign3A_365 = arith.cmpi slt, %jit3A_352, %sign3A_364 : i32
        %sign3A_366 = arith.extui %sign3A_365 : i1 to i32
        %sign3A_367 = arith.subi %sign3A_363, %sign3A_366 : i32
        %ne3A_368 = arith.cmpi ne, %sign3A_360, %sign3A_367 : i32
        %rem3A_369 = arith.remsi %add3A_351, %jit3A_352 : i32
        %ne3A_370 = arith.constant 0 : i32
        %ne3A_371 = arith.cmpi ne, %rem3A_369, %ne3A_370 : i32
        %and3A_372 = arith.andi %ne3A_368, %ne3A_371 : i1
        %sub3A_373 = arith.constant 1 : i32
        %sub3A_374 = arith.subi %div3A_353, %sub3A_373 : i32
        %select_n3A_375 = arith.select %and3A_372, %sub3A_374, %div3A_353 : i32
        %mul3A_376 = arith.constant 16 : i32
        %mul3A_377 = arith.muli %select_n3A_375, %mul3A_376 : i32
        %get3A_378 = arith.index_cast %mul3A_377 : i32 to index
        %get3A_379 = tpu.vector_load %arg8[%get3A_378] {strides = array<i32>} : memref<528xi32, #tpu.memory_space<vmem>>, vector<16xi32>,
        %sub3A_380 = arith.subi %add3A_351, %mul3A_377 : i32
        %iota3A_381 = tpu.iota {dimensions = array<i32: 0>} : vector<16xi32>
        %broadcast_in_dim3A_382 = vector.broadcast %sub3A_380 : i32 to vector<16xi32>
        %eq3A_383 = arith.cmpi eq, %iota3A_381, %broadcast_in_dim3A_382 : vector<16xi32>
        %jit3A_384 = arith.constant -1 : i32
        %broadcast_in_dim3A_385 = vector.broadcast %jit3A_384 : i32 to vector<16xi32>
        %select_n3A_386 = arith.select %eq3A_383, %get3A_379, %broadcast_in_dim3A_385 : vector<16xi1>, vector<16xi32>
        %reduce_max3A_387 = arith.constant true
        %reduce_max3A_388 = vector.broadcast %reduce_max3A_387 : i1 to vector<16xi1>
        %reduce_max3A_389 = arith.constant -2147483648 : i32
        %reduce_max3A_390 = vector.broadcast %reduce_max3A_389 : i32 to vector<16xi32>
        %reduce_max3A_391 = arith.xori %select_n3A_386, %reduce_max3A_390 : vector<16xi32>
        %reduce_max3A_392 = tpu.scan <max>, %reduce_max3A_391 masked %reduce_max3A_388 : vector<16xi32>, vector<16xi1> -> vector<16xi32>
        %reduce_max3A_393 = arith.xori %reduce_max3A_392, %reduce_max3A_390 : vector<16xi32>
        %reduce_max3A_394 = vector.extract %reduce_max3A_393[15] : i32 from vector<16xi32>
        %jit3A_395 = arith.constant 512 : i32
        %select_n3A_396 = arith.select %lt3A_349, %reduce_max3A_394, %jit3A_395 : i32
        %while3A_397 = arith.constant 0 : i32
        %while3A_398 = arith.subi %select_n3A_396, %reduce_max3A_346 : i32
        %while3A_399 = arith.addi %reduce_max3A_346, %while3A_398 : i32
        %while3A_400 = arith.constant 1 : i32
        %while3A_401 = arith.divsi %while3A_398, %while3A_400 : i32
        %while3A_402 = arith.muli %while3A_401, %while3A_400 : i32
        %while3A_403 = arith.addi %reduce_max3A_346, %while3A_402 : i32
        %while3A_404 = arith.constant 1 : i32
        %while3A_405 = scf.for %while3A_414 = %reduce_max3A_346 to %while3A_403 step %while3A_404 iter_args(%while3A_415 = %while3A_397) -> (i32)  : i32 {
          %jit3A_416 = arith.constant 16 : i32
          %div3A_417 = arith.divsi %while3A_414, %jit3A_416 : i32
          %sign3A_418 = arith.constant 0 : i32
          %sign3A_419 = arith.cmpi sgt, %while3A_414, %sign3A_418 : i32
          %sign3A_420 = arith.extui %sign3A_419 : i1 to i32
          %sign3A_421 = arith.constant 0 : i32
          %sign3A_422 = arith.cmpi slt, %while3A_414, %sign3A_421 : i32
          %sign3A_423 = arith.extui %sign3A_422 : i1 to i32
          %sign3A_424 = arith.subi %sign3A_420, %sign3A_423 : i32
          %sign3A_425 = arith.constant 0 : i32
          %sign3A_426 = arith.cmpi sgt, %jit3A_416, %sign3A_425 : i32
          %sign3A_427 = arith.extui %sign3A_426 : i1 to i32
          %sign3A_428 = arith.constant 0 : i32
          %sign3A_429 = arith.cmpi slt, %jit3A_416, %sign3A_428 : i32
          %sign3A_430 = arith.extui %sign3A_429 : i1 to i32
          %sign3A_431 = arith.subi %sign3A_427, %sign3A_430 : i32
          %ne3A_432 = arith.cmpi ne, %sign3A_424, %sign3A_431 : i32
          %rem3A_433 = arith.remsi %while3A_414, %jit3A_416 : i32
          %ne3A_434 = arith.constant 0 : i32
          %ne3A_435 = arith.cmpi ne, %rem3A_433, %ne3A_434 : i32
          %and3A_436 = arith.andi %ne3A_432, %ne3A_435 : i1
          %sub3A_437 = arith.constant 1 : i32
          %sub3A_438 = arith.subi %div3A_417, %sub3A_437 : i32
          %select_n3A_439 = arith.select %and3A_436, %sub3A_438, %div3A_417 : i32
          %mul3A_440 = arith.constant 16 : i32
          %mul3A_441 = arith.muli %select_n3A_439, %mul3A_440 : i32
          %get3A_442 = arith.index_cast %mul3A_441 : i32 to index
          %get3A_443 = tpu.vector_load %arg6[%get3A_442] {strides = array<i32>} : memref<512xi32, #tpu.memory_space<vmem>>, vector<16xi32>,
          %sub3A_444 = arith.subi %while3A_414, %mul3A_441 : i32
          %iota3A_445 = tpu.iota {dimensions = array<i32: 0>} : vector<16xi32>
          %broadcast_in_dim3A_446 = vector.broadcast %sub3A_444 : i32 to vector<16xi32>
          %eq3A_447 = arith.cmpi eq, %iota3A_445, %broadcast_in_dim3A_446 : vector<16xi32>
          %jit3A_448 = arith.constant -1 : i32
          %broadcast_in_dim3A_449 = vector.broadcast %jit3A_448 : i32 to vector<16xi32>
          %select_n3A_450 = arith.select %eq3A_447, %get3A_443, %broadcast_in_dim3A_449 : vector<16xi1>, vector<16xi32>
          %reduce_max3A_451 = arith.constant true
          %reduce_max3A_452 = vector.broadcast %reduce_max3A_451 : i1 to vector<16xi1>
          %reduce_max3A_453 = arith.constant -2147483648 : i32
          %reduce_max3A_454 = vector.broadcast %reduce_max3A_453 : i32 to vector<16xi32>
          %reduce_max3A_455 = arith.xori %select_n3A_450, %reduce_max3A_454 : vector<16xi32>
          %reduce_max3A_456 = tpu.scan <max>, %reduce_max3A_455 masked %reduce_max3A_452 : vector<16xi32>, vector<16xi1> -> vector<16xi32>
          %reduce_max3A_457 = arith.xori %reduce_max3A_456, %reduce_max3A_454 : vector<16xi32>
          %reduce_max3A_458 = vector.extract %reduce_max3A_457[15] : i32 from vector<16xi32>
          %and3A_459 = arith.constant 127 : i32
          %and3A_460 = arith.andi %reduce_max3A_458, %and3A_459 : i32
          %broadcast_in_dim3A_461 = vector.broadcast %and3A_460 : i32 to vector<16xi32>
          %add3A_462 = arith.constant 0 : i32
          %add3A_463 = vector.broadcast %add3A_462 : i32 to vector<16xi32>
          %add3A_464 = arith.addi %add3A_463, %iota3A : vector<16xi32>
          %gather3A = tpu.vector_load_idx %arg14[%add3A_464, %broadcast_in_dim3A_461] : memref<64x128xf32, #tpu.memory_space<vmem>>[vector<16xi32>, vector<16xi32>], vector<16xf32>,
          %swap3A = arith.index_cast %while3A_414 : i32 to index
          %swap3A_465 = arith.constant 0 : index
          %swap3A_466 = tpu.vector_load %arg16[%swap3A, %swap3A_465] {strides = array<i32>} : memref<512x128xf32, #tpu.memory_space<vmem>>, vector<16xf32>,
          tpu.vector_store %arg16[%swap3A, %swap3A_465], %gather3A {strides = array<i32>} : memref<512x128xf32, #tpu.memory_space<vmem>>, vector<16xf32>,
          %add3A_467 = arith.constant 16 : i32
          %add3A_468 = vector.broadcast %add3A_467 : i32 to vector<16xi32>
          %add3A_469 = arith.addi %add3A_468, %iota3A : vector<16xi32>
          %gather3A_470 = tpu.vector_load_idx %arg14[%add3A_469, %broadcast_in_dim3A_461] : memref<64x128xf32, #tpu.memory_space<vmem>>[vector<16xi32>, vector<16xi32>], vector<16xf32>,
          %swap3A_471 = arith.index_cast %while3A_414 : i32 to index
          %swap3A_472 = arith.constant 16 : index
          %swap3A_473 = tpu.vector_load %arg16[%swap3A_471, %swap3A_472] {strides = array<i32>} : memref<512x128xf32, #tpu.memory_space<vmem>>, vector<16xf32>,
          tpu.vector_store %arg16[%swap3A_471, %swap3A_472], %gather3A_470 {strides = array<i32>} : memref<512x128xf32, #tpu.memory_space<vmem>>, vector<16xf32>,
          %add3A_474 = arith.constant 32 : i32
          %add3A_475 = vector.broadcast %add3A_474 : i32 to vector<16xi32>
          %add3A_476 = arith.addi %add3A_475, %iota3A : vector<16xi32>
          %gather3A_477 = tpu.vector_load_idx %arg14[%add3A_476, %broadcast_in_dim3A_461] : memref<64x128xf32, #tpu.memory_space<vmem>>[vector<16xi32>, vector<16xi32>], vector<16xf32>,
          %swap3A_478 = arith.index_cast %while3A_414 : i32 to index
          %swap3A_479 = arith.constant 32 : index
          %swap3A_480 = tpu.vector_load %arg16[%swap3A_478, %swap3A_479] {strides = array<i32>} : memref<512x128xf32, #tpu.memory_space<vmem>>, vector<16xf32>,
          tpu.vector_store %arg16[%swap3A_478, %swap3A_479], %gather3A_477 {strides = array<i32>} : memref<512x128xf32, #tpu.memory_space<vmem>>, vector<16xf32>,
          %add3A_481 = arith.constant 48 : i32
          %add3A_482 = vector.broadcast %add3A_481 : i32 to vector<16xi32>
          %add3A_483 = arith.addi %add3A_482, %iota3A : vector<16xi32>
          %gather3A_484 = tpu.vector_load_idx %arg14[%add3A_483, %broadcast_in_dim3A_461] : memref<64x128xf32, #tpu.memory_space<vmem>>[vector<16xi32>, vector<16xi32>], vector<16xf32>,
          %swap3A_485 = arith.index_cast %while3A_414 : i32 to index
          %swap3A_486 = arith.constant 48 : index
          %swap3A_487 = tpu.vector_load %arg16[%swap3A_485, %swap3A_486] {strides = array<i32>} : memref<512x128xf32, #tpu.memory_space<vmem>>, vector<16xf32>,
          tpu.vector_store %arg16[%swap3A_485, %swap3A_486], %gather3A_484 {strides = array<i32>} : memref<512x128xf32, #tpu.memory_space<vmem>>, vector<16xf32>,
          %while3A_488 = arith.constant 0 : i32
          scf.yield %while3A_488 : i32
        }
        %while3A_406 = arith.constant 1 : i32
        %while3A_407 = scf.for %while3A_414 = %while3A_403 to %while3A_399 step %while3A_406 iter_args(%while3A_415 = %while3A_405) -> (i32)  : i32 {
          %jit3A_416 = arith.constant 16 : i32
          %div3A_417 = arith.divsi %while3A_414, %jit3A_416 : i32
          %sign3A_418 = arith.constant 0 : i32
          %sign3A_419 = arith.cmpi sgt, %while3A_414, %sign3A_418 : i32
          %sign3A_420 = arith.extui %sign3A_419 : i1 to i32
          %sign3A_421 = arith.constant 0 : i32
          %sign3A_422 = arith.cmpi slt, %while3A_414, %sign3A_421 : i32
          %sign3A_423 = arith.extui %sign3A_422 : i1 to i32
          %sign3A_424 = arith.subi %sign3A_420, %sign3A_423 : i32
          %sign3A_425 = arith.constant 0 : i32
          %sign3A_426 = arith.cmpi sgt, %jit3A_416, %sign3A_425 : i32
          %sign3A_427 = arith.extui %sign3A_426 : i1 to i32
          %sign3A_428 = arith.constant 0 : i32
          %sign3A_429 = arith.cmpi slt, %jit3A_416, %sign3A_428 : i32
          %sign3A_430 = arith.extui %sign3A_429 : i1 to i32
          %sign3A_431 = arith.subi %sign3A_427, %sign3A_430 : i32
          %ne3A_432 = arith.cmpi ne, %sign3A_424, %sign3A_431 : i32
          %rem3A_433 = arith.remsi %while3A_414, %jit3A_416 : i32
          %ne3A_434 = arith.constant 0 : i32
          %ne3A_435 = arith.cmpi ne, %rem3A_433, %ne3A_434 : i32
          %and3A_436 = arith.andi %ne3A_432, %ne3A_435 : i1
          %sub3A_437 = arith.constant 1 : i32
          %sub3A_438 = arith.subi %div3A_417, %sub3A_437 : i32
          %select_n3A_439 = arith.select %and3A_436, %sub3A_438, %div3A_417 : i32
          %mul3A_440 = arith.constant 16 : i32
          %mul3A_441 = arith.muli %select_n3A_439, %mul3A_440 : i32
          %get3A_442 = arith.index_cast %mul3A_441 : i32 to index
          %get3A_443 = tpu.vector_load %arg6[%get3A_442] {strides = array<i32>} : memref<512xi32, #tpu.memory_space<vmem>>, vector<16xi32>,
          %sub3A_444 = arith.subi %while3A_414, %mul3A_441 : i32
          %iota3A_445 = tpu.iota {dimensions = array<i32: 0>} : vector<16xi32>
          %broadcast_in_dim3A_446 = vector.broadcast %sub3A_444 : i32 to vector<16xi32>
          %eq3A_447 = arith.cmpi eq, %iota3A_445, %broadcast_in_dim3A_446 : vector<16xi32>
          %jit3A_448 = arith.constant -1 : i32
          %broadcast_in_dim3A_449 = vector.broadcast %jit3A_448 : i32 to vector<16xi32>
          %select_n3A_450 = arith.select %eq3A_447, %get3A_443, %broadcast_in_dim3A_449 : vector<16xi1>, vector<16xi32>
          %reduce_max3A_451 = arith.constant true
          %reduce_max3A_452 = vector.broadcast %reduce_max3A_451 : i1 to vector<16xi1>
          %reduce_max3A_453 = arith.constant -2147483648 : i32
          %reduce_max3A_454 = vector.broadcast %reduce_max3A_453 : i32 to vector<16xi32>
          %reduce_max3A_455 = arith.xori %select_n3A_450, %reduce_max3A_454 : vector<16xi32>
          %reduce_max3A_456 = tpu.scan <max>, %reduce_max3A_455 masked %reduce_max3A_452 : vector<16xi32>, vector<16xi1> -> vector<16xi32>
          %reduce_max3A_457 = arith.xori %reduce_max3A_456, %reduce_max3A_454 : vector<16xi32>
          %reduce_max3A_458 = vector.extract %reduce_max3A_457[15] : i32 from vector<16xi32>
          %and3A_459 = arith.constant 127 : i32
          %and3A_460 = arith.andi %reduce_max3A_458, %and3A_459 : i32
          %broadcast_in_dim3A_461 = vector.broadcast %and3A_460 : i32 to vector<16xi32>
          %add3A_462 = arith.constant 0 : i32
          %add3A_463 = vector.broadcast %add3A_462 : i32 to vector<16xi32>
          %add3A_464 = arith.addi %add3A_463, %iota3A : vector<16xi32>
          %gather3A = tpu.vector_load_idx %arg14[%add3A_464, %broadcast_in_dim3A_461] : memref<64x128xf32, #tpu.memory_space<vmem>>[vector<16xi32>, vector<16xi32>], vector<16xf32>,
          %swap3A = arith.index_cast %while3A_414 : i32 to index
          %swap3A_465 = arith.constant 0 : index
          %swap3A_466 = tpu.vector_load %arg16[%swap3A, %swap3A_465] {strides = array<i32>} : memref<512x128xf32, #tpu.memory_space<vmem>>, vector<16xf32>,
          tpu.vector_store %arg16[%swap3A, %swap3A_465], %gather3A {strides = array<i32>} : memref<512x128xf32, #tpu.memory_space<vmem>>, vector<16xf32>,
          %add3A_467 = arith.constant 16 : i32
          %add3A_468 = vector.broadcast %add3A_467 : i32 to vector<16xi32>
          %add3A_469 = arith.addi %add3A_468, %iota3A : vector<16xi32>
          %gather3A_470 = tpu.vector_load_idx %arg14[%add3A_469, %broadcast_in_dim3A_461] : memref<64x128xf32, #tpu.memory_space<vmem>>[vector<16xi32>, vector<16xi32>], vector<16xf32>,
          %swap3A_471 = arith.index_cast %while3A_414 : i32 to index
          %swap3A_472 = arith.constant 16 : index
          %swap3A_473 = tpu.vector_load %arg16[%swap3A_471, %swap3A_472] {strides = array<i32>} : memref<512x128xf32, #tpu.memory_space<vmem>>, vector<16xf32>,
          tpu.vector_store %arg16[%swap3A_471, %swap3A_472], %gather3A_470 {strides = array<i32>} : memref<512x128xf32, #tpu.memory_space<vmem>>, vector<16xf32>,
          %add3A_474 = arith.constant 32 : i32
          %add3A_475 = vector.broadcast %add3A_474 : i32 to vector<16xi32>
          %add3A_476 = arith.addi %add3A_475, %iota3A : vector<16xi32>
          %gather3A_477 = tpu.vector_load_idx %arg14[%add3A_476, %broadcast_in_dim3A_461] : memref<64x128xf32, #tpu.memory_space<vmem>>[vector<16xi32>, vector<16xi32>], vector<16xf32>,
          %swap3A_478 = arith.index_cast %while3A_414 : i32 to index
          %swap3A_479 = arith.constant 32 : index
          %swap3A_480 = tpu.vector_load %arg16[%swap3A_478, %swap3A_479] {strides = array<i32>} : memref<512x128xf32, #tpu.memory_space<vmem>>, vector<16xf32>,
          tpu.vector_store %arg16[%swap3A_478, %swap3A_479], %gather3A_477 {strides = array<i32>} : memref<512x128xf32, #tpu.memory_space<vmem>>, vector<16xf32>,
          %add3A_481 = arith.constant 48 : i32
          %add3A_482 = vector.broadcast %add3A_481 : i32 to vector<16xi32>
          %add3A_483 = arith.addi %add3A_482, %iota3A : vector<16xi32>
          %gather3A_484 = tpu.vector_load_idx %arg14[%add3A_483, %broadcast_in_dim3A_461] : memref<64x128xf32, #tpu.memory_space<vmem>>[vector<16xi32>, vector<16xi32>], vector<16xf32>,
          %swap3A_485 = arith.index_cast %while3A_414 : i32 to index
          %swap3A_486 = arith.constant 48 : index
          %swap3A_487 = tpu.vector_load %arg16[%swap3A_485, %swap3A_486] {strides = array<i32>} : memref<512x128xf32, #tpu.memory_space<vmem>>, vector<16xf32>,
          tpu.vector_store %arg16[%swap3A_485, %swap3A_486], %gather3A_484 {strides = array<i32>} : memref<512x128xf32, #tpu.memory_space<vmem>>, vector<16xf32>,
          %while3A_488 = arith.constant 0 : i32
          scf.yield %while3A_488 : i32
        }
        %add3A_408 = arith.constant 6 : i32
        %add3A_409 = arith.addi %while3A_127, %add3A_408 : i32
        %lt3A_410 = arith.cmpi slt, %add3A_409, %scan3A_9 : i32
        %convert_element_type3A_411 = arith.extui %lt3A_410 : i1 to i32
        %cond3A_412 = arith.constant 0 : i32
        %cond3A_413 = arith.cmpi ne, %convert_element_type3A_411, %cond3A_412 : i32
        scf.if %cond3A_413 {
          %jit3A_414 = arith.constant 16 : i32
          %div3A_415 = arith.divsi %add3A_409, %jit3A_414 : i32
          %sign3A_416 = arith.constant 0 : i32
          %sign3A_417 = arith.cmpi sgt, %add3A_409, %sign3A_416 : i32
          %sign3A_418 = arith.extui %sign3A_417 : i1 to i32
          %sign3A_419 = arith.constant 0 : i32
          %sign3A_420 = arith.cmpi slt, %add3A_409, %sign3A_419 : i32
          %sign3A_421 = arith.extui %sign3A_420 : i1 to i32
          %sign3A_422 = arith.subi %sign3A_418, %sign3A_421 : i32
          %sign3A_423 = arith.constant 0 : i32
          %sign3A_424 = arith.cmpi sgt, %jit3A_414, %sign3A_423 : i32
          %sign3A_425 = arith.extui %sign3A_424 : i1 to i32
          %sign3A_426 = arith.constant 0 : i32
          %sign3A_427 = arith.cmpi slt, %jit3A_414, %sign3A_426 : i32
          %sign3A_428 = arith.extui %sign3A_427 : i1 to i32
          %sign3A_429 = arith.subi %sign3A_425, %sign3A_428 : i32
          %ne3A_430 = arith.cmpi ne, %sign3A_422, %sign3A_429 : i32
          %rem3A_431 = arith.remsi %add3A_409, %jit3A_414 : i32
          %ne3A_432 = arith.constant 0 : i32
          %ne3A_433 = arith.cmpi ne, %rem3A_431, %ne3A_432 : i32
          %and3A_434 = arith.andi %ne3A_430, %ne3A_433 : i1
          %sub3A_435 = arith.constant 1 : i32
          %sub3A_436 = arith.subi %div3A_415, %sub3A_435 : i32
          %select_n3A_437 = arith.select %and3A_434, %sub3A_436, %div3A_415 : i32
          %mul3A_438 = arith.constant 16 : i32
          %mul3A_439 = arith.muli %select_n3A_437, %mul3A_438 : i32
          %get3A_440 = arith.index_cast %mul3A_439 : i32 to index
          %get3A_441 = tpu.vector_load %arg9[%get3A_440] {strides = array<i32>} : memref<528xi32, #tpu.memory_space<vmem>>, vector<16xi32>,
          %sub3A_442 = arith.subi %add3A_409, %mul3A_439 : i32
          %iota3A_443 = tpu.iota {dimensions = array<i32: 0>} : vector<16xi32>
          %broadcast_in_dim3A_444 = vector.broadcast %sub3A_442 : i32 to vector<16xi32>
          %eq3A_445 = arith.cmpi eq, %iota3A_443, %broadcast_in_dim3A_444 : vector<16xi32>
          %jit3A_446 = arith.constant -1 : i32
          %broadcast_in_dim3A_447 = vector.broadcast %jit3A_446 : i32 to vector<16xi32>
          %select_n3A_448 = arith.select %eq3A_445, %get3A_441, %broadcast_in_dim3A_447 : vector<16xi1>, vector<16xi32>
          %reduce_max3A_449 = arith.constant true
          %reduce_max3A_450 = vector.broadcast %reduce_max3A_449 : i1 to vector<16xi1>
          %reduce_max3A_451 = arith.constant -2147483648 : i32
          %reduce_max3A_452 = vector.broadcast %reduce_max3A_451 : i32 to vector<16xi32>
          %reduce_max3A_453 = arith.xori %select_n3A_448, %reduce_max3A_452 : vector<16xi32>
          %reduce_max3A_454 = tpu.scan <max>, %reduce_max3A_453 masked %reduce_max3A_450 : vector<16xi32>, vector<16xi1> -> vector<16xi32>
          %reduce_max3A_455 = arith.xori %reduce_max3A_454, %reduce_max3A_452 : vector<16xi32>
          %reduce_max3A_456 = vector.extract %reduce_max3A_455[15] : i32 from vector<16xi32>
          %mul3A_457 = arith.constant 128 : i32
          %mul3A_458 = arith.muli %reduce_max3A_456, %mul3A_457 : i32
          %multiple_of3A_459 = tpu.assume_multiple %mul3A_458, 128 : i32
          %dma_start3A_460 = arith.constant 0 : i32
          %dma_start3A_461 = tpu.memref_slice %arg2[%dma_start3A_460, %multiple_of3A_459] : memref<64x1000000xf32, #tpu.memory_space<hbm>> -> memref<64x128xf32, #tpu.memory_space<hbm>>
          %dma_start3A_462 = arith.constant 0 : i32
          %dma_start3A_463 = tpu.memref_slice %arg2[%dma_start3A_462, %multiple_of3A_459] : memref<64x1000000xf32, #tpu.memory_space<hbm>> -> memref<64x128xf32, #tpu.memory_space<hbm>>
          tpu.enqueue_dma source(%dma_start3A_463 : memref<64x128xf32, #tpu.memory_space<hbm>>) target(%arg14 : memref<64x128xf32, #tpu.memory_space<vmem>>) target_semaphore(%arg21 : memref<!tpu.dma_semaphore, #tpu.memory_space<semaphore_mem>>)
        } else {
        }
      } else {
      }
      %jit3A_237 = arith.constant 6 : i32
      %eq3A_238 = arith.constant 0 : i32
      %eq3A_239 = arith.cmpi eq, %jit3A_237, %eq3A_238 : i32
      %jit3A_240 = arith.constant 1 : i32
      %select_n3A_241 = arith.select %eq3A_239, %jit3A_240, %jit3A_237 : i32
      %rem3A_242 = arith.remsi %while3A_127, %select_n3A_241 : i32
      %ne3A_243 = arith.constant 0 : i32
      %ne3A_244 = arith.cmpi ne, %rem3A_242, %ne3A_243 : i32
      %lt3A_245 = arith.constant 0 : i32
      %lt3A_246 = arith.cmpi slt, %rem3A_242, %lt3A_245 : i32
      %lt3A_247 = arith.constant 0 : i32
      %lt3A_248 = arith.cmpi slt, %select_n3A_241, %lt3A_247 : i32
      %ne3A_249 = arith.xori %lt3A_246, %lt3A_248 : i1
      %and3A_250 = arith.andi %ne3A_249, %ne3A_244 : i1
      %add3A_251 = arith.addi %rem3A_242, %select_n3A_241 : i32
      %select_n3A_252 = arith.select %and3A_250, %add3A_251, %rem3A_242 : i32
      %eq3A_253 = arith.constant 5 : i32
      %eq3A_254 = arith.cmpi eq, %select_n3A_252, %eq3A_253 : i32
      %lt3A_255 = arith.cmpi slt, %while3A_127, %scan3A_9 : i32
      %and3A_256 = arith.andi %eq3A_254, %lt3A_255 : i1
      %convert_element_type3A_257 = arith.extui %and3A_256 : i1 to i32
      %cond3A_258 = arith.constant 0 : i32
      %cond3A_259 = arith.cmpi ne, %convert_element_type3A_257, %cond3A_258 : i32
      scf.if %cond3A_259 {
        %jit3A_261 = arith.constant 16 : i32
        %div3A = arith.divsi %while3A_127, %jit3A_261 : i32
        %sign3A = arith.constant 0 : i32
        %sign3A_262 = arith.cmpi sgt, %while3A_127, %sign3A : i32
        %sign3A_263 = arith.extui %sign3A_262 : i1 to i32
        %sign3A_264 = arith.constant 0 : i32
        %sign3A_265 = arith.cmpi slt, %while3A_127, %sign3A_264 : i32
        %sign3A_266 = arith.extui %sign3A_265 : i1 to i32
        %sign3A_267 = arith.subi %sign3A_263, %sign3A_266 : i32
        %sign3A_268 = arith.constant 0 : i32
        %sign3A_269 = arith.cmpi sgt, %jit3A_261, %sign3A_268 : i32
        %sign3A_270 = arith.extui %sign3A_269 : i1 to i32
        %sign3A_271 = arith.constant 0 : i32
        %sign3A_272 = arith.cmpi slt, %jit3A_261, %sign3A_271 : i32
        %sign3A_273 = arith.extui %sign3A_272 : i1 to i32
        %sign3A_274 = arith.subi %sign3A_270, %sign3A_273 : i32
        %ne3A_275 = arith.cmpi ne, %sign3A_267, %sign3A_274 : i32
        %rem3A_276 = arith.remsi %while3A_127, %jit3A_261 : i32
        %ne3A_277 = arith.constant 0 : i32
        %ne3A_278 = arith.cmpi ne, %rem3A_276, %ne3A_277 : i32
        %and3A_279 = arith.andi %ne3A_275, %ne3A_278 : i1
        %sub3A = arith.constant 1 : i32
        %sub3A_280 = arith.subi %div3A, %sub3A : i32
        %select_n3A_281 = arith.select %and3A_279, %sub3A_280, %div3A : i32
        %mul3A_282 = arith.constant 16 : i32
        %mul3A_283 = arith.muli %select_n3A_281, %mul3A_282 : i32
        %get3A = arith.index_cast %mul3A_283 : i32 to index
        %get3A_284 = tpu.vector_load %arg9[%get3A] {strides = array<i32>} : memref<528xi32, #tpu.memory_space<vmem>>, vector<16xi32>,
        %sub3A_285 = arith.subi %while3A_127, %mul3A_283 : i32
        %iota3A_286 = tpu.iota {dimensions = array<i32: 0>} : vector<16xi32>
        %broadcast_in_dim3A = vector.broadcast %sub3A_285 : i32 to vector<16xi32>
        %eq3A_287 = arith.cmpi eq, %iota3A_286, %broadcast_in_dim3A : vector<16xi32>
        %jit3A_288 = arith.constant -1 : i32
        %broadcast_in_dim3A_289 = vector.broadcast %jit3A_288 : i32 to vector<16xi32>
        %select_n3A_290 = arith.select %eq3A_287, %get3A_284, %broadcast_in_dim3A_289 : vector<16xi1>, vector<16xi32>
        %reduce_max3A = arith.constant true
        %reduce_max3A_291 = vector.broadcast %reduce_max3A : i1 to vector<16xi1>
        %reduce_max3A_292 = arith.constant -2147483648 : i32
        %reduce_max3A_293 = vector.broadcast %reduce_max3A_292 : i32 to vector<16xi32>
        %reduce_max3A_294 = arith.xori %select_n3A_290, %reduce_max3A_293 : vector<16xi32>
        %reduce_max3A_295 = tpu.scan <max>, %reduce_max3A_294 masked %reduce_max3A_291 : vector<16xi32>, vector<16xi1> -> vector<16xi32>
        %reduce_max3A_296 = arith.xori %reduce_max3A_295, %reduce_max3A_293 : vector<16xi32>
        %reduce_max3A_297 = vector.extract %reduce_max3A_296[15] : i32 from vector<16xi32>
        %mul3A_298 = arith.constant 128 : i32
        %mul3A_299 = arith.muli %reduce_max3A_297, %mul3A_298 : i32
        %multiple_of3A = tpu.assume_multiple %mul3A_299, 128 : i32
        %dma_wait3A_300 = arith.constant 0 : i32
        %dma_wait3A_301 = tpu.memref_slice %arg2[%dma_wait3A_300, %multiple_of3A] : memref<64x1000000xf32, #tpu.memory_space<hbm>> -> memref<64x128xf32, #tpu.memory_space<hbm>>
        %dma_wait3A_302 = arith.constant 0 : i32
        %dma_wait3A_303 = tpu.memref_slice %arg2[%dma_wait3A_302, %multiple_of3A] : memref<64x1000000xf32, #tpu.memory_space<hbm>> -> memref<64x128xf32, #tpu.memory_space<hbm>>
        tpu.wait_dma2 semaphore(%arg22 : memref<!tpu.dma_semaphore, #tpu.memory_space<semaphore_mem>>) src(%dma_wait3A_303 : memref<64x128xf32, #tpu.memory_space<hbm>>) dst(%arg15 : memref<64x128xf32, #tpu.memory_space<vmem>>)
        %jit3A_304 = arith.constant 16 : i32
        %div3A_305 = arith.divsi %while3A_127, %jit3A_304 : i32
        %sign3A_306 = arith.constant 0 : i32
        %sign3A_307 = arith.cmpi sgt, %while3A_127, %sign3A_306 : i32
        %sign3A_308 = arith.extui %sign3A_307 : i1 to i32
        %sign3A_309 = arith.constant 0 : i32
        %sign3A_310 = arith.cmpi slt, %while3A_127, %sign3A_309 : i32
        %sign3A_311 = arith.extui %sign3A_310 : i1 to i32
        %sign3A_312 = arith.subi %sign3A_308, %sign3A_311 : i32
        %sign3A_313 = arith.constant 0 : i32
        %sign3A_314 = arith.cmpi sgt, %jit3A_304, %sign3A_313 : i32
        %sign3A_315 = arith.extui %sign3A_314 : i1 to i32
        %sign3A_316 = arith.constant 0 : i32
        %sign3A_317 = arith.cmpi slt, %jit3A_304, %sign3A_316 : i32
        %sign3A_318 = arith.extui %sign3A_317 : i1 to i32
        %sign3A_319 = arith.subi %sign3A_315, %sign3A_318 : i32
        %ne3A_320 = arith.cmpi ne, %sign3A_312, %sign3A_319 : i32
        %rem3A_321 = arith.remsi %while3A_127, %jit3A_304 : i32
        %ne3A_322 = arith.constant 0 : i32
        %ne3A_323 = arith.cmpi ne, %rem3A_321, %ne3A_322 : i32
        %and3A_324 = arith.andi %ne3A_320, %ne3A_323 : i1
        %sub3A_325 = arith.constant 1 : i32
        %sub3A_326 = arith.subi %div3A_305, %sub3A_325 : i32
        %select_n3A_327 = arith.select %and3A_324, %sub3A_326, %div3A_305 : i32
        %mul3A_328 = arith.constant 16 : i32
        %mul3A_329 = arith.muli %select_n3A_327, %mul3A_328 : i32
        %get3A_330 = arith.index_cast %mul3A_329 : i32 to index
        %get3A_331 = tpu.vector_load %arg8[%get3A_330] {strides = array<i32>} : memref<528xi32, #tpu.memory_space<vmem>>, vector<16xi32>,
        %sub3A_332 = arith.subi %while3A_127, %mul3A_329 : i32
        %iota3A_333 = tpu.iota {dimensions = array<i32: 0>} : vector<16xi32>
        %broadcast_in_dim3A_334 = vector.broadcast %sub3A_332 : i32 to vector<16xi32>
        %eq3A_335 = arith.cmpi eq, %iota3A_333, %broadcast_in_dim3A_334 : vector<16xi32>
        %jit3A_336 = arith.constant -1 : i32
        %broadcast_in_dim3A_337 = vector.broadcast %jit3A_336 : i32 to vector<16xi32>
        %select_n3A_338 = arith.select %eq3A_335, %get3A_331, %broadcast_in_dim3A_337 : vector<16xi1>, vector<16xi32>
        %reduce_max3A_339 = arith.constant true
        %reduce_max3A_340 = vector.broadcast %reduce_max3A_339 : i1 to vector<16xi1>
        %reduce_max3A_341 = arith.constant -2147483648 : i32
        %reduce_max3A_342 = vector.broadcast %reduce_max3A_341 : i32 to vector<16xi32>
        %reduce_max3A_343 = arith.xori %select_n3A_338, %reduce_max3A_342 : vector<16xi32>
        %reduce_max3A_344 = tpu.scan <max>, %reduce_max3A_343 masked %reduce_max3A_340 : vector<16xi32>, vector<16xi1> -> vector<16xi32>
        %reduce_max3A_345 = arith.xori %reduce_max3A_344, %reduce_max3A_342 : vector<16xi32>
        %reduce_max3A_346 = vector.extract %reduce_max3A_345[15] : i32 from vector<16xi32>
        %add3A_347 = arith.constant 1 : i32
        %add3A_348 = arith.addi %while3A_127, %add3A_347 : i32
        %lt3A_349 = arith.cmpi slt, %add3A_348, %scan3A_9 : i32
        %add3A_350 = arith.constant 1 : i32
        %add3A_351 = arith.addi %while3A_127, %add3A_350 : i32
        %jit3A_352 = arith.constant 16 : i32
        %div3A_353 = arith.divsi %add3A_351, %jit3A_352 : i32
        %sign3A_354 = arith.constant 0 : i32
        %sign3A_355 = arith.cmpi sgt, %add3A_351, %sign3A_354 : i32
        %sign3A_356 = arith.extui %sign3A_355 : i1 to i32
        %sign3A_357 = arith.constant 0 : i32
        %sign3A_358 = arith.cmpi slt, %add3A_351, %sign3A_357 : i32
        %sign3A_359 = arith.extui %sign3A_358 : i1 to i32
        %sign3A_360 = arith.subi %sign3A_356, %sign3A_359 : i32
        %sign3A_361 = arith.constant 0 : i32
        %sign3A_362 = arith.cmpi sgt, %jit3A_352, %sign3A_361 : i32
        %sign3A_363 = arith.extui %sign3A_362 : i1 to i32
        %sign3A_364 = arith.constant 0 : i32
        %sign3A_365 = arith.cmpi slt, %jit3A_352, %sign3A_364 : i32
        %sign3A_366 = arith.extui %sign3A_365 : i1 to i32
        %sign3A_367 = arith.subi %sign3A_363, %sign3A_366 : i32
        %ne3A_368 = arith.cmpi ne, %sign3A_360, %sign3A_367 : i32
        %rem3A_369 = arith.remsi %add3A_351, %jit3A_352 : i32
        %ne3A_370 = arith.constant 0 : i32
        %ne3A_371 = arith.cmpi ne, %rem3A_369, %ne3A_370 : i32
        %and3A_372 = arith.andi %ne3A_368, %ne3A_371 : i1
        %sub3A_373 = arith.constant 1 : i32
        %sub3A_374 = arith.subi %div3A_353, %sub3A_373 : i32
        %select_n3A_375 = arith.select %and3A_372, %sub3A_374, %div3A_353 : i32
        %mul3A_376 = arith.constant 16 : i32
        %mul3A_377 = arith.muli %select_n3A_375, %mul3A_376 : i32
        %get3A_378 = arith.index_cast %mul3A_377 : i32 to index
        %get3A_379 = tpu.vector_load %arg8[%get3A_378] {strides = array<i32>} : memref<528xi32, #tpu.memory_space<vmem>>, vector<16xi32>,
        %sub3A_380 = arith.subi %add3A_351, %mul3A_377 : i32
        %iota3A_381 = tpu.iota {dimensions = array<i32: 0>} : vector<16xi32>
        %broadcast_in_dim3A_382 = vector.broadcast %sub3A_380 : i32 to vector<16xi32>
        %eq3A_383 = arith.cmpi eq, %iota3A_381, %broadcast_in_dim3A_382 : vector<16xi32>
        %jit3A_384 = arith.constant -1 : i32
        %broadcast_in_dim3A_385 = vector.broadcast %jit3A_384 : i32 to vector<16xi32>
        %select_n3A_386 = arith.select %eq3A_383, %get3A_379, %broadcast_in_dim3A_385 : vector<16xi1>, vector<16xi32>
        %reduce_max3A_387 = arith.constant true
        %reduce_max3A_388 = vector.broadcast %reduce_max3A_387 : i1 to vector<16xi1>
        %reduce_max3A_389 = arith.constant -2147483648 : i32
        %reduce_max3A_390 = vector.broadcast %reduce_max3A_389 : i32 to vector<16xi32>
        %reduce_max3A_391 = arith.xori %select_n3A_386, %reduce_max3A_390 : vector<16xi32>
        %reduce_max3A_392 = tpu.scan <max>, %reduce_max3A_391 masked %reduce_max3A_388 : vector<16xi32>, vector<16xi1> -> vector<16xi32>
        %reduce_max3A_393 = arith.xori %reduce_max3A_392, %reduce_max3A_390 : vector<16xi32>
        %reduce_max3A_394 = vector.extract %reduce_max3A_393[15] : i32 from vector<16xi32>
        %jit3A_395 = arith.constant 512 : i32
        %select_n3A_396 = arith.select %lt3A_349, %reduce_max3A_394, %jit3A_395 : i32
        %while3A_397 = arith.constant 0 : i32
        %while3A_398 = arith.subi %select_n3A_396, %reduce_max3A_346 : i32
        %while3A_399 = arith.addi %reduce_max3A_346, %while3A_398 : i32
        %while3A_400 = arith.constant 1 : i32
        %while3A_401 = arith.divsi %while3A_398, %while3A_400 : i32
        %while3A_402 = arith.muli %while3A_401, %while3A_400 : i32
        %while3A_403 = arith.addi %reduce_max3A_346, %while3A_402 : i32
        %while3A_404 = arith.constant 1 : i32
        %while3A_405 = scf.for %while3A_414 = %reduce_max3A_346 to %while3A_403 step %while3A_404 iter_args(%while3A_415 = %while3A_397) -> (i32)  : i32 {
          %jit3A_416 = arith.constant 16 : i32
          %div3A_417 = arith.divsi %while3A_414, %jit3A_416 : i32
          %sign3A_418 = arith.constant 0 : i32
          %sign3A_419 = arith.cmpi sgt, %while3A_414, %sign3A_418 : i32
          %sign3A_420 = arith.extui %sign3A_419 : i1 to i32
          %sign3A_421 = arith.constant 0 : i32
          %sign3A_422 = arith.cmpi slt, %while3A_414, %sign3A_421 : i32
          %sign3A_423 = arith.extui %sign3A_422 : i1 to i32
          %sign3A_424 = arith.subi %sign3A_420, %sign3A_423 : i32
          %sign3A_425 = arith.constant 0 : i32
          %sign3A_426 = arith.cmpi sgt, %jit3A_416, %sign3A_425 : i32
          %sign3A_427 = arith.extui %sign3A_426 : i1 to i32
          %sign3A_428 = arith.constant 0 : i32
          %sign3A_429 = arith.cmpi slt, %jit3A_416, %sign3A_428 : i32
          %sign3A_430 = arith.extui %sign3A_429 : i1 to i32
          %sign3A_431 = arith.subi %sign3A_427, %sign3A_430 : i32
          %ne3A_432 = arith.cmpi ne, %sign3A_424, %sign3A_431 : i32
          %rem3A_433 = arith.remsi %while3A_414, %jit3A_416 : i32
          %ne3A_434 = arith.constant 0 : i32
          %ne3A_435 = arith.cmpi ne, %rem3A_433, %ne3A_434 : i32
          %and3A_436 = arith.andi %ne3A_432, %ne3A_435 : i1
          %sub3A_437 = arith.constant 1 : i32
          %sub3A_438 = arith.subi %div3A_417, %sub3A_437 : i32
          %select_n3A_439 = arith.select %and3A_436, %sub3A_438, %div3A_417 : i32
          %mul3A_440 = arith.constant 16 : i32
          %mul3A_441 = arith.muli %select_n3A_439, %mul3A_440 : i32
          %get3A_442 = arith.index_cast %mul3A_441 : i32 to index
          %get3A_443 = tpu.vector_load %arg6[%get3A_442] {strides = array<i32>} : memref<512xi32, #tpu.memory_space<vmem>>, vector<16xi32>,
          %sub3A_444 = arith.subi %while3A_414, %mul3A_441 : i32
          %iota3A_445 = tpu.iota {dimensions = array<i32: 0>} : vector<16xi32>
          %broadcast_in_dim3A_446 = vector.broadcast %sub3A_444 : i32 to vector<16xi32>
          %eq3A_447 = arith.cmpi eq, %iota3A_445, %broadcast_in_dim3A_446 : vector<16xi32>
          %jit3A_448 = arith.constant -1 : i32
          %broadcast_in_dim3A_449 = vector.broadcast %jit3A_448 : i32 to vector<16xi32>
          %select_n3A_450 = arith.select %eq3A_447, %get3A_443, %broadcast_in_dim3A_449 : vector<16xi1>, vector<16xi32>
          %reduce_max3A_451 = arith.constant true
          %reduce_max3A_452 = vector.broadcast %reduce_max3A_451 : i1 to vector<16xi1>
          %reduce_max3A_453 = arith.constant -2147483648 : i32
          %reduce_max3A_454 = vector.broadcast %reduce_max3A_453 : i32 to vector<16xi32>
          %reduce_max3A_455 = arith.xori %select_n3A_450, %reduce_max3A_454 : vector<16xi32>
          %reduce_max3A_456 = tpu.scan <max>, %reduce_max3A_455 masked %reduce_max3A_452 : vector<16xi32>, vector<16xi1> -> vector<16xi32>
          %reduce_max3A_457 = arith.xori %reduce_max3A_456, %reduce_max3A_454 : vector<16xi32>
          %reduce_max3A_458 = vector.extract %reduce_max3A_457[15] : i32 from vector<16xi32>
          %and3A_459 = arith.constant 127 : i32
          %and3A_460 = arith.andi %reduce_max3A_458, %and3A_459 : i32
          %broadcast_in_dim3A_461 = vector.broadcast %and3A_460 : i32 to vector<16xi32>
          %add3A_462 = arith.constant 0 : i32
          %add3A_463 = vector.broadcast %add3A_462 : i32 to vector<16xi32>
          %add3A_464 = arith.addi %add3A_463, %iota3A : vector<16xi32>
          %gather3A = tpu.vector_load_idx %arg15[%add3A_464, %broadcast_in_dim3A_461] : memref<64x128xf32, #tpu.memory_space<vmem>>[vector<16xi32>, vector<16xi32>], vector<16xf32>,
          %swap3A = arith.index_cast %while3A_414 : i32 to index
          %swap3A_465 = arith.constant 0 : index
          %swap3A_466 = tpu.vector_load %arg16[%swap3A, %swap3A_465] {strides = array<i32>} : memref<512x128xf32, #tpu.memory_space<vmem>>, vector<16xf32>,
          tpu.vector_store %arg16[%swap3A, %swap3A_465], %gather3A {strides = array<i32>} : memref<512x128xf32, #tpu.memory_space<vmem>>, vector<16xf32>,
          %add3A_467 = arith.constant 16 : i32
          %add3A_468 = vector.broadcast %add3A_467 : i32 to vector<16xi32>
          %add3A_469 = arith.addi %add3A_468, %iota3A : vector<16xi32>
          %gather3A_470 = tpu.vector_load_idx %arg15[%add3A_469, %broadcast_in_dim3A_461] : memref<64x128xf32, #tpu.memory_space<vmem>>[vector<16xi32>, vector<16xi32>], vector<16xf32>,
          %swap3A_471 = arith.index_cast %while3A_414 : i32 to index
          %swap3A_472 = arith.constant 16 : index
          %swap3A_473 = tpu.vector_load %arg16[%swap3A_471, %swap3A_472] {strides = array<i32>} : memref<512x128xf32, #tpu.memory_space<vmem>>, vector<16xf32>,
          tpu.vector_store %arg16[%swap3A_471, %swap3A_472], %gather3A_470 {strides = array<i32>} : memref<512x128xf32, #tpu.memory_space<vmem>>, vector<16xf32>,
          %add3A_474 = arith.constant 32 : i32
          %add3A_475 = vector.broadcast %add3A_474 : i32 to vector<16xi32>
          %add3A_476 = arith.addi %add3A_475, %iota3A : vector<16xi32>
          %gather3A_477 = tpu.vector_load_idx %arg15[%add3A_476, %broadcast_in_dim3A_461] : memref<64x128xf32, #tpu.memory_space<vmem>>[vector<16xi32>, vector<16xi32>], vector<16xf32>,
          %swap3A_478 = arith.index_cast %while3A_414 : i32 to index
          %swap3A_479 = arith.constant 32 : index
          %swap3A_480 = tpu.vector_load %arg16[%swap3A_478, %swap3A_479] {strides = array<i32>} : memref<512x128xf32, #tpu.memory_space<vmem>>, vector<16xf32>,
          tpu.vector_store %arg16[%swap3A_478, %swap3A_479], %gather3A_477 {strides = array<i32>} : memref<512x128xf32, #tpu.memory_space<vmem>>, vector<16xf32>,
          %add3A_481 = arith.constant 48 : i32
          %add3A_482 = vector.broadcast %add3A_481 : i32 to vector<16xi32>
          %add3A_483 = arith.addi %add3A_482, %iota3A : vector<16xi32>
          %gather3A_484 = tpu.vector_load_idx %arg15[%add3A_483, %broadcast_in_dim3A_461] : memref<64x128xf32, #tpu.memory_space<vmem>>[vector<16xi32>, vector<16xi32>], vector<16xf32>,
          %swap3A_485 = arith.index_cast %while3A_414 : i32 to index
          %swap3A_486 = arith.constant 48 : index
          %swap3A_487 = tpu.vector_load %arg16[%swap3A_485, %swap3A_486] {strides = array<i32>} : memref<512x128xf32, #tpu.memory_space<vmem>>, vector<16xf32>,
          tpu.vector_store %arg16[%swap3A_485, %swap3A_486], %gather3A_484 {strides = array<i32>} : memref<512x128xf32, #tpu.memory_space<vmem>>, vector<16xf32>,
          %while3A_488 = arith.constant 0 : i32
          scf.yield %while3A_488 : i32
        }
        %while3A_406 = arith.constant 1 : i32
        %while3A_407 = scf.for %while3A_414 = %while3A_403 to %while3A_399 step %while3A_406 iter_args(%while3A_415 = %while3A_405) -> (i32)  : i32 {
          %jit3A_416 = arith.constant 16 : i32
          %div3A_417 = arith.divsi %while3A_414, %jit3A_416 : i32
          %sign3A_418 = arith.constant 0 : i32
          %sign3A_419 = arith.cmpi sgt, %while3A_414, %sign3A_418 : i32
          %sign3A_420 = arith.extui %sign3A_419 : i1 to i32
          %sign3A_421 = arith.constant 0 : i32
          %sign3A_422 = arith.cmpi slt, %while3A_414, %sign3A_421 : i32
          %sign3A_423 = arith.extui %sign3A_422 : i1 to i32
          %sign3A_424 = arith.subi %sign3A_420, %sign3A_423 : i32
          %sign3A_425 = arith.constant 0 : i32
          %sign3A_426 = arith.cmpi sgt, %jit3A_416, %sign3A_425 : i32
          %sign3A_427 = arith.extui %sign3A_426 : i1 to i32
          %sign3A_428 = arith.constant 0 : i32
          %sign3A_429 = arith.cmpi slt, %jit3A_416, %sign3A_428 : i32
          %sign3A_430 = arith.extui %sign3A_429 : i1 to i32
          %sign3A_431 = arith.subi %sign3A_427, %sign3A_430 : i32
          %ne3A_432 = arith.cmpi ne, %sign3A_424, %sign3A_431 : i32
          %rem3A_433 = arith.remsi %while3A_414, %jit3A_416 : i32
          %ne3A_434 = arith.constant 0 : i32
          %ne3A_435 = arith.cmpi ne, %rem3A_433, %ne3A_434 : i32
          %and3A_436 = arith.andi %ne3A_432, %ne3A_435 : i1
          %sub3A_437 = arith.constant 1 : i32
          %sub3A_438 = arith.subi %div3A_417, %sub3A_437 : i32
          %select_n3A_439 = arith.select %and3A_436, %sub3A_438, %div3A_417 : i32
          %mul3A_440 = arith.constant 16 : i32
          %mul3A_441 = arith.muli %select_n3A_439, %mul3A_440 : i32
          %get3A_442 = arith.index_cast %mul3A_441 : i32 to index
          %get3A_443 = tpu.vector_load %arg6[%get3A_442] {strides = array<i32>} : memref<512xi32, #tpu.memory_space<vmem>>, vector<16xi32>,
          %sub3A_444 = arith.subi %while3A_414, %mul3A_441 : i32
          %iota3A_445 = tpu.iota {dimensions = array<i32: 0>} : vector<16xi32>
          %broadcast_in_dim3A_446 = vector.broadcast %sub3A_444 : i32 to vector<16xi32>
          %eq3A_447 = arith.cmpi eq, %iota3A_445, %broadcast_in_dim3A_446 : vector<16xi32>
          %jit3A_448 = arith.constant -1 : i32
          %broadcast_in_dim3A_449 = vector.broadcast %jit3A_448 : i32 to vector<16xi32>
          %select_n3A_450 = arith.select %eq3A_447, %get3A_443, %broadcast_in_dim3A_449 : vector<16xi1>, vector<16xi32>
          %reduce_max3A_451 = arith.constant true
          %reduce_max3A_452 = vector.broadcast %reduce_max3A_451 : i1 to vector<16xi1>
          %reduce_max3A_453 = arith.constant -2147483648 : i32
          %reduce_max3A_454 = vector.broadcast %reduce_max3A_453 : i32 to vector<16xi32>
          %reduce_max3A_455 = arith.xori %select_n3A_450, %reduce_max3A_454 : vector<16xi32>
          %reduce_max3A_456 = tpu.scan <max>, %reduce_max3A_455 masked %reduce_max3A_452 : vector<16xi32>, vector<16xi1> -> vector<16xi32>
          %reduce_max3A_457 = arith.xori %reduce_max3A_456, %reduce_max3A_454 : vector<16xi32>
          %reduce_max3A_458 = vector.extract %reduce_max3A_457[15] : i32 from vector<16xi32>
          %and3A_459 = arith.constant 127 : i32
          %and3A_460 = arith.andi %reduce_max3A_458, %and3A_459 : i32
          %broadcast_in_dim3A_461 = vector.broadcast %and3A_460 : i32 to vector<16xi32>
          %add3A_462 = arith.constant 0 : i32
          %add3A_463 = vector.broadcast %add3A_462 : i32 to vector<16xi32>
          %add3A_464 = arith.addi %add3A_463, %iota3A : vector<16xi32>
          %gather3A = tpu.vector_load_idx %arg15[%add3A_464, %broadcast_in_dim3A_461] : memref<64x128xf32, #tpu.memory_space<vmem>>[vector<16xi32>, vector<16xi32>], vector<16xf32>,
          %swap3A = arith.index_cast %while3A_414 : i32 to index
          %swap3A_465 = arith.constant 0 : index
          %swap3A_466 = tpu.vector_load %arg16[%swap3A, %swap3A_465] {strides = array<i32>} : memref<512x128xf32, #tpu.memory_space<vmem>>, vector<16xf32>,
          tpu.vector_store %arg16[%swap3A, %swap3A_465], %gather3A {strides = array<i32>} : memref<512x128xf32, #tpu.memory_space<vmem>>, vector<16xf32>,
          %add3A_467 = arith.constant 16 : i32
          %add3A_468 = vector.broadcast %add3A_467 : i32 to vector<16xi32>
          %add3A_469 = arith.addi %add3A_468, %iota3A : vector<16xi32>
          %gather3A_470 = tpu.vector_load_idx %arg15[%add3A_469, %broadcast_in_dim3A_461] : memref<64x128xf32, #tpu.memory_space<vmem>>[vector<16xi32>, vector<16xi32>], vector<16xf32>,
          %swap3A_471 = arith.index_cast %while3A_414 : i32 to index
          %swap3A_472 = arith.constant 16 : index
          %swap3A_473 = tpu.vector_load %arg16[%swap3A_471, %swap3A_472] {strides = array<i32>} : memref<512x128xf32, #tpu.memory_space<vmem>>, vector<16xf32>,
          tpu.vector_store %arg16[%swap3A_471, %swap3A_472], %gather3A_470 {strides = array<i32>} : memref<512x128xf32, #tpu.memory_space<vmem>>, vector<16xf32>,
          %add3A_474 = arith.constant 32 : i32
          %add3A_475 = vector.broadcast %add3A_474 : i32 to vector<16xi32>
          %add3A_476 = arith.addi %add3A_475, %iota3A : vector<16xi32>
          %gather3A_477 = tpu.vector_load_idx %arg15[%add3A_476, %broadcast_in_dim3A_461] : memref<64x128xf32, #tpu.memory_space<vmem>>[vector<16xi32>, vector<16xi32>], vector<16xf32>,
          %swap3A_478 = arith.index_cast %while3A_414 : i32 to index
          %swap3A_479 = arith.constant 32 : index
          %swap3A_480 = tpu.vector_load %arg16[%swap3A_478, %swap3A_479] {strides = array<i32>} : memref<512x128xf32, #tpu.memory_space<vmem>>, vector<16xf32>,
          tpu.vector_store %arg16[%swap3A_478, %swap3A_479], %gather3A_477 {strides = array<i32>} : memref<512x128xf32, #tpu.memory_space<vmem>>, vector<16xf32>,
          %add3A_481 = arith.constant 48 : i32
          %add3A_482 = vector.broadcast %add3A_481 : i32 to vector<16xi32>
          %add3A_483 = arith.addi %add3A_482, %iota3A : vector<16xi32>
          %gather3A_484 = tpu.vector_load_idx %arg15[%add3A_483, %broadcast_in_dim3A_461] : memref<64x128xf32, #tpu.memory_space<vmem>>[vector<16xi32>, vector<16xi32>], vector<16xf32>,
          %swap3A_485 = arith.index_cast %while3A_414 : i32 to index
          %swap3A_486 = arith.constant 48 : index
          %swap3A_487 = tpu.vector_load %arg16[%swap3A_485, %swap3A_486] {strides = array<i32>} : memref<512x128xf32, #tpu.memory_space<vmem>>, vector<16xf32>,
          tpu.vector_store %arg16[%swap3A_485, %swap3A_486], %gather3A_484 {strides = array<i32>} : memref<512x128xf32, #tpu.memory_space<vmem>>, vector<16xf32>,
          %while3A_488 = arith.constant 0 : i32
          scf.yield %while3A_488 : i32
        }
        %add3A_408 = arith.constant 6 : i32
        %add3A_409 = arith.addi %while3A_127, %add3A_408 : i32
        %lt3A_410 = arith.cmpi slt, %add3A_409, %scan3A_9 : i32
        %convert_element_type3A_411 = arith.extui %lt3A_410 : i1 to i32
        %cond3A_412 = arith.constant 0 : i32
        %cond3A_413 = arith.cmpi ne, %convert_element_type3A_411, %cond3A_412 : i32
        scf.if %cond3A_413 {
          %jit3A_414 = arith.constant 16 : i32
          %div3A_415 = arith.divsi %add3A_409, %jit3A_414 : i32
          %sign3A_416 = arith.constant 0 : i32
          %sign3A_417 = arith.cmpi sgt, %add3A_409, %sign3A_416 : i32
          %sign3A_418 = arith.extui %sign3A_417 : i1 to i32
          %sign3A_419 = arith.constant 0 : i32
          %sign3A_420 = arith.cmpi slt, %add3A_409, %sign3A_419 : i32
          %sign3A_421 = arith.extui %sign3A_420 : i1 to i32
          %sign3A_422 = arith.subi %sign3A_418, %sign3A_421 : i32
          %sign3A_423 = arith.constant 0 : i32
          %sign3A_424 = arith.cmpi sgt, %jit3A_414, %sign3A_423 : i32
          %sign3A_425 = arith.extui %sign3A_424 : i1 to i32
          %sign3A_426 = arith.constant 0 : i32
          %sign3A_427 = arith.cmpi slt, %jit3A_414, %sign3A_426 : i32
          %sign3A_428 = arith.extui %sign3A_427 : i1 to i32
          %sign3A_429 = arith.subi %sign3A_425, %sign3A_428 : i32
          %ne3A_430 = arith.cmpi ne, %sign3A_422, %sign3A_429 : i32
          %rem3A_431 = arith.remsi %add3A_409, %jit3A_414 : i32
          %ne3A_432 = arith.constant 0 : i32
          %ne3A_433 = arith.cmpi ne, %rem3A_431, %ne3A_432 : i32
          %and3A_434 = arith.andi %ne3A_430, %ne3A_433 : i1
          %sub3A_435 = arith.constant 1 : i32
          %sub3A_436 = arith.subi %div3A_415, %sub3A_435 : i32
          %select_n3A_437 = arith.select %and3A_434, %sub3A_436, %div3A_415 : i32
          %mul3A_438 = arith.constant 16 : i32
          %mul3A_439 = arith.muli %select_n3A_437, %mul3A_438 : i32
          %get3A_440 = arith.index_cast %mul3A_439 : i32 to index
          %get3A_441 = tpu.vector_load %arg9[%get3A_440] {strides = array<i32>} : memref<528xi32, #tpu.memory_space<vmem>>, vector<16xi32>,
          %sub3A_442 = arith.subi %add3A_409, %mul3A_439 : i32
          %iota3A_443 = tpu.iota {dimensions = array<i32: 0>} : vector<16xi32>
          %broadcast_in_dim3A_444 = vector.broadcast %sub3A_442 : i32 to vector<16xi32>
          %eq3A_445 = arith.cmpi eq, %iota3A_443, %broadcast_in_dim3A_444 : vector<16xi32>
          %jit3A_446 = arith.constant -1 : i32
          %broadcast_in_dim3A_447 = vector.broadcast %jit3A_446 : i32 to vector<16xi32>
          %select_n3A_448 = arith.select %eq3A_445, %get3A_441, %broadcast_in_dim3A_447 : vector<16xi1>, vector<16xi32>
          %reduce_max3A_449 = arith.constant true
          %reduce_max3A_450 = vector.broadcast %reduce_max3A_449 : i1 to vector<16xi1>
          %reduce_max3A_451 = arith.constant -2147483648 : i32
          %reduce_max3A_452 = vector.broadcast %reduce_max3A_451 : i32 to vector<16xi32>
          %reduce_max3A_453 = arith.xori %select_n3A_448, %reduce_max3A_452 : vector<16xi32>
          %reduce_max3A_454 = tpu.scan <max>, %reduce_max3A_453 masked %reduce_max3A_450 : vector<16xi32>, vector<16xi1> -> vector<16xi32>
          %reduce_max3A_455 = arith.xori %reduce_max3A_454, %reduce_max3A_452 : vector<16xi32>
          %reduce_max3A_456 = vector.extract %reduce_max3A_455[15] : i32 from vector<16xi32>
          %mul3A_457 = arith.constant 128 : i32
          %mul3A_458 = arith.muli %reduce_max3A_456, %mul3A_457 : i32
          %multiple_of3A_459 = tpu.assume_multiple %mul3A_458, 128 : i32
          %dma_start3A_460 = arith.constant 0 : i32
          %dma_start3A_461 = tpu.memref_slice %arg2[%dma_start3A_460, %multiple_of3A_459] : memref<64x1000000xf32, #tpu.memory_space<hbm>> -> memref<64x128xf32, #tpu.memory_space<hbm>>
          %dma_start3A_462 = arith.constant 0 : i32
          %dma_start3A_463 = tpu.memref_slice %arg2[%dma_start3A_462, %multiple_of3A_459] : memref<64x1000000xf32, #tpu.memory_space<hbm>> -> memref<64x128xf32, #tpu.memory_space<hbm>>
          tpu.enqueue_dma source(%dma_start3A_463 : memref<64x128xf32, #tpu.memory_space<hbm>>) target(%arg15 : memref<64x128xf32, #tpu.memory_space<vmem>>) target_semaphore(%arg22 : memref<!tpu.dma_semaphore, #tpu.memory_space<semaphore_mem>>)
        } else {
        }
      } else {
      }
      %while3A_260 = arith.constant 0 : i32
      scf.yield %while3A_260 : i32
    }
    %dma_start3A = arith.constant 0 : i32
    %dma_start3A_49 = arith.constant 0 : i32
    %dma_start3A_50 = arith.constant 0 : i32
    %dma_start3A_51 = tpu.memref_slice %arg16[%dma_start3A_49, %dma_start3A_50] : memref<512x128xf32, #tpu.memory_space<vmem>> -> memref<128x128xf32, #tpu.memory_space<vmem>>
    %dma_start3A_52 = arith.constant 0 : i32
    %dma_start3A_53 = tpu.memref_slice %arg7[%dma_start3A, %dma_start3A_52] : memref<4x128xi32, #tpu.memory_space<vmem>> -> memref<1x128xi32, #tpu.memory_space<vmem>>
    %dma_start3A_54 = tpu.memref_squeeze %dma_start3A_53 : memref<1x128xi32, #tpu.memory_space<vmem>> -> memref<128xi32, #tpu.memory_space<vmem>>
    %dma_start3A_55 = arith.constant 0 : i32
    %dma_start3A_56 = arith.constant 0 : i32
    %dma_start3A_57 = tpu.memref_slice %arg5[%dma_start3A_55, %dma_start3A_56] : memref<16384x128xf32, #tpu.memory_space<hbm>> -> memref<16384x128xf32, #tpu.memory_space<hbm>>
    tpu.enqueue_indirect_dma source(%dma_start3A_51 : memref<128x128xf32, #tpu.memory_space<vmem>>) target(%dma_start3A_57 : memref<16384x128xf32, #tpu.memory_space<hbm>>) offsets(%dma_start3A_54 : memref<128xi32, #tpu.memory_space<vmem>>) semaphore(%arg23 : memref<!tpu.dma_semaphore, #tpu.memory_space<semaphore_mem>>)
    %dma_start3A_58 = arith.constant 1 : i32
    %dma_start3A_59 = arith.constant 128 : i32
    %dma_start3A_60 = arith.constant 0 : i32
    %dma_start3A_61 = tpu.memref_slice %arg16[%dma_start3A_59, %dma_start3A_60] : memref<512x128xf32, #tpu.memory_space<vmem>> -> memref<128x128xf32, #tpu.memory_space<vmem>>
    %dma_start3A_62 = arith.constant 0 : i32
    %dma_start3A_63 = tpu.memref_slice %arg7[%dma_start3A_58, %dma_start3A_62] : memref<4x128xi32, #tpu.memory_space<vmem>> -> memref<1x128xi32, #tpu.memory_space<vmem>>
    %dma_start3A_64 = tpu.memref_squeeze %dma_start3A_63 : memref<1x128xi32, #tpu.memory_space<vmem>> -> memref<128xi32, #tpu.memory_space<vmem>>
    %dma_start3A_65 = arith.constant 0 : i32
    %dma_start3A_66 = arith.constant 0 : i32
    %dma_start3A_67 = tpu.memref_slice %arg5[%dma_start3A_65, %dma_start3A_66] : memref<16384x128xf32, #tpu.memory_space<hbm>> -> memref<16384x128xf32, #tpu.memory_space<hbm>>
    tpu.enqueue_indirect_dma source(%dma_start3A_61 : memref<128x128xf32, #tpu.memory_space<vmem>>) target(%dma_start3A_67 : memref<16384x128xf32, #tpu.memory_space<hbm>>) offsets(%dma_start3A_64 : memref<128xi32, #tpu.memory_space<vmem>>) semaphore(%arg23 : memref<!tpu.dma_semaphore, #tpu.memory_space<semaphore_mem>>)
    %dma_start3A_68 = arith.constant 2 : i32
    %dma_start3A_69 = arith.constant 256 : i32
    %dma_start3A_70 = arith.constant 0 : i32
    %dma_start3A_71 = tpu.memref_slice %arg16[%dma_start3A_69, %dma_start3A_70] : memref<512x128xf32, #tpu.memory_space<vmem>> -> memref<128x128xf32, #tpu.memory_space<vmem>>
    %dma_start3A_72 = arith.constant 0 : i32
    %dma_start3A_73 = tpu.memref_slice %arg7[%dma_start3A_68, %dma_start3A_72] : memref<4x128xi32, #tpu.memory_space<vmem>> -> memref<1x128xi32, #tpu.memory_space<vmem>>
    %dma_start3A_74 = tpu.memref_squeeze %dma_start3A_73 : memref<1x128xi32, #tpu.memory_space<vmem>> -> memref<128xi32, #tpu.memory_space<vmem>>
    %dma_start3A_75 = arith.constant 0 : i32
    %dma_start3A_76 = arith.constant 0 : i32
    %dma_start3A_77 = tpu.memref_slice %arg5[%dma_start3A_75, %dma_start3A_76] : memref<16384x128xf32, #tpu.memory_space<hbm>> -> memref<16384x128xf32, #tpu.memory_space<hbm>>
    tpu.enqueue_indirect_dma source(%dma_start3A_71 : memref<128x128xf32, #tpu.memory_space<vmem>>) target(%dma_start3A_77 : memref<16384x128xf32, #tpu.memory_space<hbm>>) offsets(%dma_start3A_74 : memref<128xi32, #tpu.memory_space<vmem>>) semaphore(%arg23 : memref<!tpu.dma_semaphore, #tpu.memory_space<semaphore_mem>>)
    %dma_start3A_78 = arith.constant 3 : i32
    %dma_start3A_79 = arith.constant 384 : i32
    %dma_start3A_80 = arith.constant 0 : i32
    %dma_start3A_81 = tpu.memref_slice %arg16[%dma_start3A_79, %dma_start3A_80] : memref<512x128xf32, #tpu.memory_space<vmem>> -> memref<128x128xf32, #tpu.memory_space<vmem>>
    %dma_start3A_82 = arith.constant 0 : i32
    %dma_start3A_83 = tpu.memref_slice %arg7[%dma_start3A_78, %dma_start3A_82] : memref<4x128xi32, #tpu.memory_space<vmem>> -> memref<1x128xi32, #tpu.memory_space<vmem>>
    %dma_start3A_84 = tpu.memref_squeeze %dma_start3A_83 : memref<1x128xi32, #tpu.memory_space<vmem>> -> memref<128xi32, #tpu.memory_space<vmem>>
    %dma_start3A_85 = arith.constant 0 : i32
    %dma_start3A_86 = arith.constant 0 : i32
    %dma_start3A_87 = tpu.memref_slice %arg5[%dma_start3A_85, %dma_start3A_86] : memref<16384x128xf32, #tpu.memory_space<hbm>> -> memref<16384x128xf32, #tpu.memory_space<hbm>>
    tpu.enqueue_indirect_dma source(%dma_start3A_81 : memref<128x128xf32, #tpu.memory_space<vmem>>) target(%dma_start3A_87 : memref<16384x128xf32, #tpu.memory_space<hbm>>) offsets(%dma_start3A_84 : memref<128xi32, #tpu.memory_space<vmem>>) semaphore(%arg23 : memref<!tpu.dma_semaphore, #tpu.memory_space<semaphore_mem>>)
    %dma_wait3A = arith.constant 0 : i32
    %dma_wait3A_88 = arith.constant 0 : i32
    %dma_wait3A_89 = arith.constant 0 : i32
    %dma_wait3A_90 = tpu.memref_slice %arg16[%dma_wait3A_88, %dma_wait3A_89] : memref<512x128xf32, #tpu.memory_space<vmem>> -> memref<128x128xf32, #tpu.memory_space<vmem>>
    %dma_wait3A_91 = arith.constant 0 : i32
    %dma_wait3A_92 = tpu.memref_slice %arg7[%dma_wait3A, %dma_wait3A_91] : memref<4x128xi32, #tpu.memory_space<vmem>> -> memref<1x128xi32, #tpu.memory_space<vmem>>
    %dma_wait3A_93 = tpu.memref_squeeze %dma_wait3A_92 : memref<1x128xi32, #tpu.memory_space<vmem>> -> memref<128xi32, #tpu.memory_space<vmem>>
    %dma_wait3A_94 = arith.constant 0 : i32
    %dma_wait3A_95 = arith.constant 0 : i32
    %dma_wait3A_96 = tpu.memref_slice %arg5[%dma_wait3A_94, %dma_wait3A_95] : memref<16384x128xf32, #tpu.memory_space<hbm>> -> memref<16384x128xf32, #tpu.memory_space<hbm>>
    tpu.wait_indirect_dma semaphore(%arg23 : memref<!tpu.dma_semaphore, #tpu.memory_space<semaphore_mem>>) src(%dma_wait3A_90 : memref<128x128xf32, #tpu.memory_space<vmem>>) dst(%dma_wait3A_96 : memref<16384x128xf32, #tpu.memory_space<hbm>>)
    %dma_wait3A_97 = arith.constant 1 : i32
    %dma_wait3A_98 = arith.constant 128 : i32
    %dma_wait3A_99 = arith.constant 0 : i32
    %dma_wait3A_100 = tpu.memref_slice %arg16[%dma_wait3A_98, %dma_wait3A_99] : memref<512x128xf32, #tpu.memory_space<vmem>> -> memref<128x128xf32, #tpu.memory_space<vmem>>
    %dma_wait3A_101 = arith.constant 0 : i32
    %dma_wait3A_102 = tpu.memref_slice %arg7[%dma_wait3A_97, %dma_wait3A_101] : memref<4x128xi32, #tpu.memory_space<vmem>> -> memref<1x128xi32, #tpu.memory_space<vmem>>
    %dma_wait3A_103 = tpu.memref_squeeze %dma_wait3A_102 : memref<1x128xi32, #tpu.memory_space<vmem>> -> memref<128xi32, #tpu.memory_space<vmem>>
    %dma_wait3A_104 = arith.constant 0 : i32
    %dma_wait3A_105 = arith.constant 0 : i32
    %dma_wait3A_106 = tpu.memref_slice %arg5[%dma_wait3A_104, %dma_wait3A_105] : memref<16384x128xf32, #tpu.memory_space<hbm>> -> memref<16384x128xf32, #tpu.memory_space<hbm>>
    tpu.wait_indirect_dma semaphore(%arg23 : memref<!tpu.dma_semaphore, #tpu.memory_space<semaphore_mem>>) src(%dma_wait3A_100 : memref<128x128xf32, #tpu.memory_space<vmem>>) dst(%dma_wait3A_106 : memref<16384x128xf32, #tpu.memory_space<hbm>>)
    %dma_wait3A_107 = arith.constant 2 : i32
    %dma_wait3A_108 = arith.constant 256 : i32
    %dma_wait3A_109 = arith.constant 0 : i32
    %dma_wait3A_110 = tpu.memref_slice %arg16[%dma_wait3A_108, %dma_wait3A_109] : memref<512x128xf32, #tpu.memory_space<vmem>> -> memref<128x128xf32, #tpu.memory_space<vmem>>
    %dma_wait3A_111 = arith.constant 0 : i32
    %dma_wait3A_112 = tpu.memref_slice %arg7[%dma_wait3A_107, %dma_wait3A_111] : memref<4x128xi32, #tpu.memory_space<vmem>> -> memref<1x128xi32, #tpu.memory_space<vmem>>
    %dma_wait3A_113 = tpu.memref_squeeze %dma_wait3A_112 : memref<1x128xi32, #tpu.memory_space<vmem>> -> memref<128xi32, #tpu.memory_space<vmem>>
    %dma_wait3A_114 = arith.constant 0 : i32
    %dma_wait3A_115 = arith.constant 0 : i32
    %dma_wait3A_116 = tpu.memref_slice %arg5[%dma_wait3A_114, %dma_wait3A_115] : memref<16384x128xf32, #tpu.memory_space<hbm>> -> memref<16384x128xf32, #tpu.memory_space<hbm>>
    tpu.wait_indirect_dma semaphore(%arg23 : memref<!tpu.dma_semaphore, #tpu.memory_space<semaphore_mem>>) src(%dma_wait3A_110 : memref<128x128xf32, #tpu.memory_space<vmem>>) dst(%dma_wait3A_116 : memref<16384x128xf32, #tpu.memory_space<hbm>>)
    %dma_wait3A_117 = arith.constant 3 : i32
    %dma_wait3A_118 = arith.constant 384 : i32
    %dma_wait3A_119 = arith.constant 0 : i32
    %dma_wait3A_120 = tpu.memref_slice %arg16[%dma_wait3A_118, %dma_wait3A_119] : memref<512x128xf32, #tpu.memory_space<vmem>> -> memref<128x128xf32, #tpu.memory_space<vmem>>
    %dma_wait3A_121 = arith.constant 0 : i32
    %dma_wait3A_122 = tpu.memref_slice %arg7[%dma_wait3A_117, %dma_wait3A_121] : memref<4x128xi32, #tpu.memory_space<vmem>> -> memref<1x128xi32, #tpu.memory_space<vmem>>
    %dma_wait3A_123 = tpu.memref_squeeze %dma_wait3A_122 : memref<1x128xi32, #tpu.memory_space<vmem>> -> memref<128xi32, #tpu.memory_space<vmem>>
    %dma_wait3A_124 = arith.constant 0 : i32
    %dma_wait3A_125 = arith.constant 0 : i32
    %dma_wait3A_126 = tpu.memref_slice %arg5[%dma_wait3A_124, %dma_wait3A_125] : memref<16384x128xf32, #tpu.memory_space<hbm>> -> memref<16384x128xf32, #tpu.memory_space<hbm>>
    tpu.wait_indirect_dma semaphore(%arg23 : memref<!tpu.dma_semaphore, #tpu.memory_space<semaphore_mem>>) src(%dma_wait3A_120 : memref<128x128xf32, #tpu.memory_space<vmem>>) dst(%dma_wait3A_126 : memref<16384x128xf32, #tpu.memory_space<hbm>>)
    return
  }
}

</mosaic_0001>

<sc_bundles>
// kernel: kernel.3.cloned.1.call-start
scs
__scs_entry_jumppad:
0x0: {  	(pc) =	sbr.rel $0x88, $3  }
0x1: {  	(tag) =	ssettag $0x0;
	lr =	simm.s32 $0x1  }
0x2: {  	[smem:$0x3F9F] =	sst lr;
	_ =	strace $0xD0000000  }
0x3: {  	_ = 	snop  }
0x4: {  	_ = 	snop  }
0x5: {  	_ = 	snop  }
0x6: {  	_ = 	snop  }
0x7: {  	_ = 	snop  }
__scs_overlays_trampoline_lowered:
0x8: {  	[smem:$0x3FAE] =	sst s0  }
0x9: {  	[smem:$0x3FAF] =	sst s1  }
0xa: {  	[smem:$0x3FB0] =	sst s2  }
0xb: {  	[smem:$0x3FB1] =	sst s3  }
0xc: {  	[smem:$0x3FB2] =	sst s4  }
0xd: {  	[smem:$0x3FB3] =	sst s5  }
0xe: {  	[smem:$0x3FB4] =	sst s6  }
0xf: {  	[smem:$0x3FB5] =	sst s7  }
0x10: {  	[smem:$0x3FB6] =	sst s8  }
0x11: {  	[smem:$0x3FB7] =	sst s9;
	s0 =	simm.s32 @!p0 $0x0  }
0x12: {  	s1 =	sld [smem:$0x3F9D];
	s0 =	simm.s32 @p0 $0x1  }
0x13: {  	[smem:$0x3FB8] =	sst s0;
	s0 =	simm.s32 @!p1 $0x0  }
0x14: {  	s2 =	sld [smem:$0x3F9C];
	s0 =	simm.s32 @p1 $0x1  }
0x15: {  	[smem:$0x3FB9] =	sst s0;
	s0 =	simm.s32 @!p2 $0x0  }
0x16: {  	s3 =	sld [smem:$0x3FDB];
	s0 =	simm.s32 @p2 $0x1  }
0x17: {  	s4 =	simm.s32 $0x1BF5;
	[smem:$0x3FBB] =	sst s0  }
0x18: {  	s0 =	sld [smem:$0x3F9E];
	_ =	swait.ge [sflag:s4], $0x0  }
0x19: {  	s7 =	sld [smem:$0x3F9F]  }
0x1a: {  	s8 =	sadd.s32 $0xFFFFE003, lr  }
0x1b: {  	s9 =	sadd.s32 $0xFFFFFEF7, lr;
	s5 =	simm.s32 $0xFFFFFFFF;
	p2 =	slt.u32 s8, $0xFFFFF086  }
0x1c: {  	p1 =	slt.u32 s9, $0xF7A;
	s5 =	simm.s32 @!p2 $0x0  }
0x1d: {  	s5 =	simm.s32 @p1 $0x1;
	p0 =	seq.s32 s7, s2  }
0x1e: {  	s7 =	smul.u32 @!p0 $0xF7A, s2;
	p2 =	seq.s32 @!p0 s5, $0x0  }
0x1f: {  	s9 =	smul.u32 $0xF7A, s1;
	s8 =	simm.s32 @!p0 $0x1BF5;
	p2 =	por !p2, p0  }
0x20: {  	[sflag:s8] =	ssyncset.s32 @!p0 $0xFFFFF086;
	s6 =	sadd.s32 @!p0 s3, s7;
	s7 =	simm.s32 @!p0 $0x108  }
0x21: {  	s3 =	sadd.s32 s3, s9;
	s6 =	sadd.s32 @!p0 $0x88, s6;
	s7 =	simm.s32 @p2 $0x1082  }
0x22: {  	[simem:s7], [sflag:s8] =	dma.local @!p0 [hbm:s6], $0xF7A  }
0x23: {  	s9 =	sor.u32 $0xD0000000, s2;
	s6 =	simm.s32 $0x108;
	_ =	swait.ge @!p0 [sflag:s8], $0x0  }
0x24: {  	s3 =	sadd.s32 $0x88, s3;
	s6 =	simm.s32 @!p1 $0x1082;
	[sflag:s4] =	ssyncset.s32 $0xFFFFF086  }
0x25: {  	[simem:s6], [sflag:s4] =	dma.local [hbm:s3], $0xF7A  }
0x26: {  	[smem:$0x3F9F] =	sst s1;
	(tag) =	ssettag s2;
	_ =	strace s9  }
0x27: {  	s1 =	sld [smem:$0x3FAF]  }
0x28: {  	s2 =	sld [smem:$0x3FB0]  }
0x29: {  	s4 =	sld [smem:$0x3FB2]  }
0x2a: {  	p0 =	seq.s32 s5, $0x0;
	s5 =	sld [smem:$0x3FB3]  }
0x2b: {  	s6 =	sld [smem:$0x3FB4]  }
0x2c: {  	s7 =	sld [smem:$0x3FB5]  }
0x2d: {  	s3 =	simm.s32 $0x108;
	s8 =	sld [smem:$0x3FB6]  }
0x2e: {  	s3 =	simm.s32 @!p0 $0x1082;
	s9 =	sld [smem:$0x3FB7]  }
0x2f: {  	lr =	sadd.s32 s0, s3;
	s0 =	sld [smem:$0x3FAE]  }
0x30: {  	s3 =	sld [smem:$0x3FB1]  }
0x31: {  	[smem:$0x3FBA] =	sst s10  }
0x32: {  	s10 =	sld [smem:$0x3FB8];
	_ =	sdelay $0x3  }
0x33: {  	p0 =	seq.s32 s10, $0x1;
	s10 =	sld [smem:$0x3FBA];
	_ =	sdelay $0x3  }
0x34: {  	[smem:$0x3FBA] =	sst s10  }
0x35: {  	s10 =	sld [smem:$0x3FB9];
	_ =	sdelay $0x3  }
0x36: {  	p1 =	seq.s32 s10, $0x1;
	s10 =	sld [smem:$0x3FBA];
	_ =	sdelay $0x3  }
0x37: {  	[smem:$0x3FBA] =	sst s10  }
0x38: {  	s10 =	sld [smem:$0x3FBB]  }
0x39: {  	_ = 	snop;
	(pc) =	sbr.ind lr, $3  }
0x3a: {  	_ = 	snop  }
0x3b: {  	_ = 	snop  }
0x3c: {  	p2 =	seq.s32 s10, $0x1;
	s10 =	sld [smem:$0x3FBA]  }
0x3d: {  	_ =	shalt  }
0x3e: {  	_ =	shalt  }
0x3f: {  	_ =	shalt  }
0x40: {  	_ =	shalt  }
0x41: {  	_ =	shalt  }
0x42: {  	_ =	shalt  }
0x43: {  	_ =	shalt  }
0x44: {  	_ =	shalt  }
0x45: {  	_ =	shalt  }
0x46: {  	_ =	shalt  }
0x47: {  	_ =	shalt  }
0x48: {  	_ =	shalt  }
0x49: {  	_ =	shalt  }
0x4a: {  	_ =	shalt  }
0x4b: {  	_ =	shalt  }
0x4c: {  	_ =	shalt  }
0x4d: {  	_ =	shalt  }
0x4e: {  	_ =	shalt  }
0x4f: {  	_ =	shalt  }
0x50: {  	_ =	shalt  }
0x51: {  	_ =	shalt  }
0x52: {  	_ =	shalt  }
0x53: {  	_ =	shalt  }
0x54: {  	_ =	shalt  }
0x55: {  	_ =	shalt  }
0x56: {  	_ =	shalt  }
0x57: {  	_ =	shalt  }
0x58: {  	_ =	shalt  }
0x59: {  	_ =	shalt  }
0x5a: {  	_ =	shalt  }
0x5b: {  	_ =	shalt  }
0x5c: {  	_ =	shalt  }
0x5d: {  	_ =	shalt  }
0x5e: {  	_ =	shalt  }
0x5f: {  	_ =	shalt  }
0x60: {  	_ =	shalt  }
0x61: {  	_ =	shalt  }
0x62: {  	_ =	shalt  }
0x63: {  	_ =	shalt  }
0x64: {  	_ =	shalt  }
0x65: {  	_ =	shalt  }
0x66: {  	_ =	shalt  }
0x67: {  	_ =	shalt  }
0x68: {  	_ =	shalt  }
0x69: {  	_ =	shalt  }
0x6a: {  	_ =	shalt  }
0x6b: {  	_ =	shalt  }
0x6c: {  	_ =	shalt  }
0x6d: {  	_ =	shalt  }
0x6e: {  	_ =	shalt  }
0x6f: {  	_ =	shalt  }
0x70: {  	_ =	shalt  }
0x71: {  	_ =	shalt  }
0x72: {  	_ =	shalt  }
0x73: {  	_ =	shalt  }
0x74: {  	_ =	shalt  }
0x75: {  	_ =	shalt  }
0x76: {  	_ =	shalt  }
0x77: {  	_ =	shalt  }
0x78: {  	_ =	shalt  }
0x79: {  	_ =	shalt  }
0x7a: {  	_ =	shalt  }
0x7b: {  	_ =	shalt  }
0x7c: {  	_ =	shalt  }
0x7d: {  	_ =	shalt  }
0x7e: {  	_ =	shalt  }
0x7f: {  	_ =	shalt  }
0x80: {  	_ =	shalt  }
0x81: {  	_ =	shalt  }
0x82: {  	_ =	shalt  }
0x83: {  	_ =	shalt  }
0x84: {  	_ =	shalt  }
0x85: {  	_ =	shalt  }
0x86: {  	_ =	shalt  }
0x87: {  	_ =	shalt  }
.Lfunc_end0:
.L_simem_size_0:
called_computation_lowered:
.L_overlay_start_0:
0x88: {  	s2 =	sld [smem:$0x3FD9]  }
0x89: {  	s3 =	sld [smem:$0x3FFE];
	_ =	sdelay $0x1  }
0x8a: {  	s1 =	srdreg.scid  }
0x8b: {  	s0 =	sand.u32 $0x1, s1  }
0x8c: {  	s17 =	sshll.u32 s0, $0xA;
	s2 =	sadd.s32 s3, s2  }
0x8d: {  	s2 =	sadd.s32 s2, s17  }
0x8e: {  	[smem:$0x3FC6] =	sst s2  }
0x8f: {  	_ = 	snop  }
0x90: {  	s2 =	sld [smem:$0x3FC8]  }
0x91: {  	s18 =	sld [smem:$0x3FD0];
	(tm) =	ssettm $0x1  }
0x92: {  	s4 =	sld [smem:$0x3FFB];
	_ =	sdelay $0x3  }
0x93: {  	_ =	strace s4  }
0x94: {  	s4 =	sld [smem:$0x3FFC];
	_ =	sdelay $0x3  }
0x95: {  	_ =	strace s4  }
0x96: {  	s4 =	sld [smem:$0x3FFD];
	_ =	sdelay $0x3  }
0x97: {  	_ =	strace s4  }
0x98: {  	_ =	strace $0x8FFFFFFF  }
0x99: {  	s19 =	sld [smem:$0x3FDB];
	_ =	sdelay $0x1  }
0x9a: {  	s5 =	simm.s32 $_scs_section_size  }
0x9b: {  	s6 =	simm.s32 $_size__tile_overlayer_lowered;
	s7 =	simm.s32 $_tile_overlayer_lowered  }
0x9c: {  	s22 =	simm.s32 $0x1BFF;
	s21 =	sshll.u32 s7, $0x1;
	s4 =	sadd.s32 s5, s19  }
0x9d: {  	s8 =	simm.s32 $0x0;
	s20 =	sshll.u32 s6, $0x1;
	s6 =	sadd.s32 s21, s4  }
0x9e: {  	[timem:s8], [sflag:s22] =	dma.local [hbm:s6], s20  }
0x9f: {  	_ =	swait.ge [sflag:s22], s20  }
0xa0: {  	s5 =	ssub.s32 $0x0, s20;
	[sflag:s22] =	ssyncset.done $0x0  }
0xa1: {  	[sflag:s22] =	ssyncadd.s32 s5;
	_ =	sdelay $0x1  }
0xa2: {  	s23 =	simm.s32 $0x1B8B  }
0xa3: {  	_ =	swait.ge [sflag:s23], $0x1  }
0xa4: {  	[sflag:s23] =	ssyncset.done $0x0  }
0xa5: {  	s25 =	simm.s32 $0x1B8E;
	s24 =	sld [smem:$0x3FFE];
	[sflag:s23] =	ssyncadd.s32 $0xFFFFFFFF  }
0xa6: {  	s26 =	simm.s32 $execute0_lowered;
	[smem:$0x3FD2] =	sst s25  }
0xa7: {  	s6 =	sshll.u32 s26, $0x1;
	_ =	strace $0x80000046;
	[dreg:$0x1] =	wrdreg $0xFFFFFFFF  }
0xa8: {  	s28 =	simm.s32 $_size_execute0_lowered;
	s4 =	sadd.s32 s4, s6;
	[dreg:$0x0] =	wrdreg $0x0  }
0xa9: {  	s6 =	sshll.u32 s28, $0x1;
	[dreg:$0x2] =	wrdreg s4  }
0xaa: {  	[dreg:$0x3] =	wrdreg s6  }
0xab: {  	[dreg:$0x4] =	wrdreg $0xC0  }
0xac: {  	_ =	task [dreg:s8], $0x5FFFF  }
0xad: {  	[dreg:$0x1] =	wrdreg $0xFFFFFFFF  }
0xae: {  	[dreg:$0x0] =	wrdreg $0x60  }
0xaf: {  	[dreg:$0x2] =	wrdreg s2  }
0xb0: {  	[dreg:$0x3] =	wrdreg s18  }
0xb1: {  	[dreg:$0x4] =	wrdreg s24  }
0xb2: {  	[dreg:$0x5] =	wrdreg $0x9  }
0xb3: {  	_ =	task.clear_ibuf [dreg:s8], $0x6FFFF;
	_ =	strace $0x90000046  }
0xb4: {  	s29 =	simm.s32 $0x9;
	_ =	strace $0x80000048  }
0xb5: {  	_ =	swait.ge [sflag:s29], $0x1  }
0xb6: {  	[sflag:s29] =	ssyncadd.s32 $0xFFFFFFFF  }
0xb7: {  	_ =	strace $0x90000048  }
0xb8: {  	_ =	sfence  }
0xb9: {  	s30 =	sld [smem:$0x0];
	_ =	sdelay $0x2  }
0xba: {  	s31 =	sshll.u32 s1, $0xD;
	s1 =	sshrl.u32 s1, $0x2  }
0xbb: {  	s3 =	sand.u32 $0x4000, s31;
	s1 =	sadd.s32 s1, s30  }
0xbc: {  	s0 =	sor.u32 s3, s0;
	s1 =	sshll.u32 s1, $0x11  }
0xbd: {  	s0 =	sor.u32 s1, s0  }
0xbe: {  	s0 =	sadd.s32 $0x8F2B, s0  }
0xbf: {  	[sflag:s0] =	ssyncadd.remote.s32 $0x1  }
0xc0: {  	_ =	sfence.sel $0xFFFF  }
0xc1: {  	[dreg:$0x0] =	wrdreg $0xFFFFFFFF;
	(pc) =	sbr.abs _section_cstart, $3  }
0xc2: {  	[dreg:$0x1] =	wrdreg $0xFFFFFFFF  }
0xc3: {  	_ =	task.clear_ibuf [dreg:s8], $0x2FFFF;
	_ =	strace $0x9FFFFFFF  }
0xc4: {  	(tm) =	ssettm $0x7FFFFFFF  }
0xc5: {  	_ =	shalt  }
tec
execute0_lowered:
.L_overlay_start_1:
0x0: {  	(tag) =	ssettag $0x1  }
0x1: {  	s1 =	rddreg [dreg:$0x0]  }
0x2: {  	s0 =	rddreg [dreg:$0x1]  }
0x3: {  	s3 =	rddreg [dreg:$0x2];
	s2 =	simm.s32 $0x0;
	s4 =	srdreg.scid  }
0x4: {  	s30 =	stileid.u32;
	s13 =	simm.s32 $0x900;
	s14 =	simm.s32 $0x4900  }
0x5: {  	s15 =	simm.s32 $0x1;
	s16 =	simm.s32 $0x2;
	s17 =	simm.s32 $0x2900  }
0x6: {  	s18 =	simm.s32 $0x3;
	s19 =	simm.s32 $0x4;
	s20 =	simm.s32 $0x6900  }
0x7: {  	s21 =	simm.s32 $0x5;
	s22 =	simm.s32 $0x8900;
	s23 =	simm.s32 $0x6  }
0x8: {  	v0 =	vimm.s32 $0xEDCBA987;
	v1 =	vimm.s32 $0x6543210F;
	s24 =	simm.s32 $0xA900;
	s25 =	simm.s32 $0x80;
	s12 =	simm.s32 $0x7  }
0x9: {  	s11 =	simm.s32 $0x0;
	[smem:$0x7FF] =	sst s2;
	s5 =	sand.u32 $0x1, s4;
	v0 =	vunpack.c.l.s4.s8 v0;
	v1 =	vunpack.c.l.s4.s8 v1  }
.Ltmp0:
0xa: {  	s4 =	sadd.s32 $0x800, s3;
	s8 =	sshll.u32 s30, $0x7;
	(pc) =	sbr.rel .LBB2_1-.Ltmp0, $4  }
0xb: {  	s2 =	simm.s32 $0x200;
	s6 =	ssub.s32 $0x2, s5;
	s5 =	sshll.u32 s5, $0x6;
	v2 =	vunpack.c.0.s8.s32 v0;
	v3 =	vunpack.c.0.s8.s32 v1;
	v0 =	vlaneseq.u32  }
0xc: {  	_ =	strace $0x80000047;
	s7 =	sshrl.u32 s6, $0x1;
	s31 =	sor.u32 s5, s8;
	v1 =	vmul.u32 $0x80, v0  }
0xd: {  	vm0 =	vmmov $0x1;
	vm1 =	vcmask $0x70C;
	s3 =	sadd.s32 s3, s5;
	s7 =	ssub.s32 s6, s7;
	s5 =	sadd.s32 s0, s31;
	v2 =	vcombine.low v3, v2  }
0xe: {  	s6 =	sadd.s32 s8, s3;
	s8 =	simm.s32 $0x8;
	s7 =	smax.u32 s7, $0x1;
	v3 =	vor.u32 $0x800, v1;
	v4 =	vor.u32 $0x1000, v1;
	v5 =	vor.u32 $0x1800, v1  }
.LBB2_67:
0xf: {  	s2 =	simm.s32 $0x200;
	s0 =	simm.s32 $0xC900  }
0x10: {  	[hbm4b:s4+s25] =	stream.indirect.scatter [tilespmem:s0], [sflag:$0x7], $0x80, s2, s25, $0xb8;
	[tilespmem:$0x1C900] =	vst v63  }
0x11: {  	s26 =	simm.s32 $0x280;
	s3 =	simm.s32 $0x10900  }
0x12: {  	[hbm4b:s4+s25] =	stream.indirect.scatter [tilespmem:s3], [sflag:$0x7], $0x80, s26, s25, $0xb8;
	[tilespmem:$0x1C900] =	vst v63  }
0x13: {  	s28 =	simm.s32 $0x300;
	s29 =	simm.s32 $0x14900  }
0x14: {  	[hbm4b:s4+s25] =	stream.indirect.scatter [tilespmem:s29], [sflag:$0x7], $0x80, s28, s25, $0xb8;
	[tilespmem:$0x1C900] =	vst v63  }
0x15: {  	s30 =	simm.s32 $0x380;
	s31 =	simm.s32 $0x18900  }
0x16: {  	[hbm4b:s4+s25] =	stream.indirect.scatter [tilespmem:s31], [sflag:$0x7], $0x80, s30, s25, $0xb8;
	[tilespmem:$0x1C900] =	vst v63  }
0x17: {  	_ =	swait.ge [sflag:s12], $0x4000  }
0x18: {  	[sflag:s12] =	ssyncset.done $0x0  }
0x19: {  	[sflag:s12] =	ssyncadd.s32 $0xFFFFC000  }
0x1a: {  	_ =	swait.ge [sflag:s12], $0x4000  }
0x1b: {  	[sflag:s12] =	ssyncset.done $0x0  }
0x1c: {  	s11 =	sadd.s32 $0x1, s11;
	[sflag:s12] =	ssyncadd.s32 $0xFFFFC000  }
0x1d: {  	p0 =	sne.s32 s11, s7;
	_ =	swait.ge [sflag:s12], $0x4000  }
.Ltmp1:
0x1e: {  	[sflag:s12] =	ssyncset.done $0x0;
	(pc) =	sbr.rel @!p0 .LBB2_68-.Ltmp1, $4  }
0x1f: {  	[sflag:s12] =	ssyncadd.s32 $0xFFFFC000  }
0x20: {  	_ =	swait.ge [sflag:s12], $0x4000  }
0x21: {  	[sflag:s12] =	ssyncset.done $0x0  }
0x22: {  	[sflag:s12] =	ssyncadd.s32 $0xFFFFC000  }
.LBB2_1:
0x23: {  	s0 =	simm.s32 $0x0  }
0x24: {  	[tilespmem:s0], [sflag:$0x8] =	stream.linear.gather [hbm4b:s5+s0], $0x200, $0x38;
	[tilespmem:$0x1C900] =	vst v63  }
0x25: {  	_ =	swait.ge [sflag:s8], $0x200  }
0x26: {  	[sflag:s8] =	ssyncset.done $0x0  }
0x27: {  	[sflag:s8] =	ssyncadd.s32 $0xFFFFFE00  }
0x28: {  	[tilespmem:s2], [sflag:$0x8] =	stream.linear.gather [hbm4b:s6+s0], $0x200, $0x38;
	[tilespmem:$0x1C900] =	vst v63  }
0x29: {  	_ =	swait.ge [sflag:s8], $0x200  }
0x2a: {  	[sflag:s8] =	ssyncset.done $0x0  }
0x2b: {  	[sflag:s8] =	ssyncadd.s32 $0xFFFFFE00  }
0x2c: {  	v6 =	vld [tilespmem:$0x0];
	_ =	sdelay $0x4  }
0x2d: {  	v6 =	vshrl.u32 v6, $0x7  }
0x2e: {  	v7 =	vperm.xlane v6, v2;
	_ =	sdelay $0x1  }
0x2f: {  	vm2 =	vne.s32 v6, v7  }
0x30: {  	vm2 =	vmor vm2, vm0  }
0x31: {  	v7 =	vmpcnt.ones.xlane vm2;
	_ =	sdelay $0x1  }
0x32: {  	v7 =	vxor.u32 $0x80000000, v7  }
0x33: {  	(xrf0) =	vmax.scan.msk.u32 $0xffff, v7;
	_ =	sdelay $0x4  }
0x34: {  	s29 =	simm.s32 $0x400  }
0x35: {  	s30 =	simm.s32 $0x680;
	[tilespmem:s29+$0x0] =	vst.msk vm2, v0;
	v7, _, _ =	vpop (xrf0)  }
0x36: {  	s31 =	simm.s32 $0x10;
	[tilespmem:s30+$0x0] =	vst.msk vm2, v6;
	(v2sf) =	vpush v7, $0xF  }
0x37: {  	v6 =	vld [tilespmem:s31+$0xFFFFFFFF]  }
0x38: {  	v7 =	vld [tilespmem:s31+$0x0];
	_ =	sdelay $0x4  }
0x39: {  	v6 =	vshrl.u32 v6, $0x7;
	v7 =	vshrl.u32 v7, $0x7  }
0x3a: {  	vm2 =	vne.s32 v7, v6  }
0x3b: {  	v6 =	vmpcnt.ones.xlane vm2;
	_ =	sdelay $0x1  }
0x3c: {  	v6 =	vxor.u32 $0x80000000, v6  }
0x3d: {  	(xrf0) =	vmax.scan.msk.u32 $0xffff, v6;
	_ =	sdelay $0x2  }
0x3e: {  	s3 =	spop (v2sf)  }
0x3f: {  	v6 =	vor.u32 s31, v0;
	s3 =	sxor.u32 $0x80000000, s3  }
0x40: {  	[tilespmem:s3+$0x400] =	vst.msk vm2, v6  }
0x41: {  	[tilespmem:s3+$0x680] =	vst.msk vm2, v7;
	v7, _, _ =	vpop (xrf0)  }
0x42: {  	s0 =	simm.s32 $0x20;
	(v2sf) =	vpush v7, $0xF  }
0x43: {  	v6 =	vld [tilespmem:s0+$0xFFFFFFFF]  }
0x44: {  	s10 =	simm.s32 $0x30;
	s26 =	simm.s32 $0x20;
	v7 =	vld [tilespmem:s0+$0x0]  }
.LBB2_2:
0x45: {  	p0 =	sne.s32 s10, $0x1F0;
	_ =	sdelay $0x3  }
0x46: {  	v6 =	vshrl.u32 v6, $0x7;
	v7 =	vshrl.u32 v7, $0x7  }
0x47: {  	vm2 =	vne.s32 v7, v6  }
0x48: {  	v6 =	vmpcnt.ones.xlane vm2;
	_ =	sdelay $0x1  }
0x49: {  	v6 =	vxor.u32 $0x80000000, v6  }
0x4a: {  	(xrf0) =	vmax.scan.msk.u32 $0xffff, v6;
	_ =	sdelay $0x2  }
0x4b: {  	s9 =	spop (v2sf)  }
0x4c: {  	s3 =	sadd.s32 s9, s3  }
.Ltmp2:
0x4d: {  	v8 =	vor.u32 s0, v0;
	s0 =	smov.u32 s10;
	s3 =	sadd.s32 $0x80000000, s3;
	(pc) =	sbr.rel @p0 .LBB2_2-.Ltmp2, $4  }
0x4e: {  	[tilespmem:s3+$0x400] =	vst.msk vm2, v8;
	v6, _, _ =	vpop (xrf0)  }
0x4f: {  	s26 =	sadd.s32 $0x10, s26;
	[tilespmem:s3+$0x680] =	vst.msk vm2, v7;
	(v2sf) =	vpush v6, $0xF  }
0x50: {  	v6 =	vld [tilespmem:s26+$0xFFFFFFFF]  }
0x51: {  	s10 =	sadd.s32 $0x10, s10;
	v7 =	vld [tilespmem:s26+$0x0]  }
0x52: {  	_ =	sdelay $0x3  }
0x53: {  	v6 =	vshrl.u32 v6, $0x7;
	v7 =	vshrl.u32 v7, $0x7  }
0x54: {  	vm2 =	vne.s32 v7, v6  }
0x55: {  	v6 =	vmpcnt.ones.xlane vm2;
	_ =	sdelay $0x1  }
0x56: {  	v6 =	vxor.u32 $0x80000000, v6  }
0x57: {  	(xrf0) =	vmax.scan.msk.u32 $0xffff, v6;
	_ =	sdelay $0x5  }
0x58: {  	v6, _, _ =	vpop (xrf0)  }
0x59: {  	(v2sf) =	vpush v6, $0xF;
	_ =	sdelay $0xc  }
0x5a: {  	s9 =	spop (v2sf)  }
0x5b: {  	s3 =	sadd.s32 s9, s3  }
0x5c: {  	s3 =	sadd.s32 $0x80000000, s3;
	s31 =	spop (v2sf)  }
0x5d: {  	s9 =	sadd.s32 s31, s3  }
0x5e: {  	s26 =	sadd.s32 $0x80000000, s9  }
0x5f: {  	p0 =	slt.s32 s26, $0x1  }
.Ltmp3:
0x60: {  	_ = 	snop;
	(pc) =	sbr.rel @p0 .LBB2_67-.Ltmp3, $4  }
0x61: {  	_ = 	snop  }
0x62: {  	v6 =	vor.u32 s0, v0  }
0x63: {  	[tilespmem:s3+$0x400] =	vst.msk vm2, v6  }
0x64: {  	[tilespmem:s3+$0x680] =	vst.msk vm2, v7  }
0x65: {  	v6 =	vld [tilespmem:$0x680];
	_ =	sdelay $0x4  }
0x66: {  	v6 =	vnsel vm0, $0xFFFFFFFF, v6  }
0x67: {  	v6 =	vxor.u32 $0x80000000, v6  }
0x68: {  	(xrf0) =	vmax.scan.msk.u32 $0xffff, v6;
	_ =	sdelay $0x5  }
0x69: {  	v6, _, _ =	vpop (xrf0)  }
0x6a: {  	(v2sf) =	vpush v6, $0xF;
	_ =	sdelay $0xe  }
0x6b: {  	s0 =	spop (v2sf)  }
0x6c: {  	s0 =	sshll.u32 s0, $0x7  }
0x6d: {  	s2 =	simm.s32 $0x400;
	s0 =	sand.u32 $0x1FFFFF80, s0  }
0x6e: {  	s3 =	simm.s32 $0x7A1400;
	p0 =	seq.s32 s26, $0x1;
	s0 =	sadd.s32 s1, s0  }
0x6f: {  	[tilespmem:s13], [sflag:$0x1] =	stream.strided.gather [hbm4b:s0+s2], $0x2000, s3, s2, $0x38;
	[tilespmem:$0x1C900] =	vst v63  }
0x70: {  	v6 =	vld @!p0 [tilespmem:$0x680];
	_ =	sdelay $0x3  }
0x71: {  	vm2 =	vcmask @!p0 $0x308  }
0x72: {  	v6 =	vsel @!p0 vm2, $0xFFFFFFFF, v6  }
0x73: {  	v6 =	vxor.u32 @!p0 $0x80000000, v6  }
0x74: {  	(xrf0) =	vmax.scan.msk.u32 @!p0 $0xffff, v6;
	_ =	sdelay $0x5  }
0x75: {  	v6, _, _ =	vpop @!p0 (xrf0)  }
0x76: {  	(v2sf) =	vpush @!p0 v6, $0xF;
	_ =	sdelay $0xe  }
0x77: {  	s0 =	spop @!p0 (v2sf)  }
0x78: {  	s9 =	simm.s32 @!p0 $0x7A1400;
	s0 =	sshll.u32 @!p0 s0, $0x7  }
0x79: {  	s10 =	simm.s32 @!p0 $0x2900;
	s0 =	sand.u32 @!p0 $0x1FFFFF80, s0  }
0x7a: {  	p1 =	slt.u32 @!p0 s26, $0x3;
	s3 =	simm.s32 @!p0 $0x400;
	s0 =	sadd.s32 @!p0 s1, s0  }
0x7b: {  	[tilespmem:s10], [sflag:$0x2] =	stream.strided.gather @!p0 [hbm4b:s0+s3], $0x2000, s9, s3, $0x38;
	[tilespmem:$0x1C900] =	vst v63  }
0x7c: {  	p0 =	por p0, p1  }
.Ltmp4:
0x7d: {  	_ = 	snop;
	(pc) =	sbr.rel @p0 .LBB2_6-.Ltmp4, $1  }
0x7e: {  	_ =	sdelay $0x3  }
0x7f: {  	v6 =	vld [tilespmem:$0x680];
	_ =	sdelay $0x4  }
0x80: {  	v6 =	vsel vm1, $0xFFFFFFFF, v6  }
0x81: {  	v6 =	vxor.u32 $0x80000000, v6  }
0x82: {  	(xrf0) =	vmax.scan.msk.u32 $0xffff, v6;
	_ =	sdelay $0x5  }
0x83: {  	v6, _, _ =	vpop (xrf0)  }
0x84: {  	(v2sf) =	vpush v6, $0xF;
	_ =	sdelay $0xe  }
0x85: {  	s0 =	spop (v2sf)  }
0x86: {  	s0 =	sshll.u32 s0, $0x7  }
0x87: {  	s2 =	simm.s32 $0x400;
	s0 =	sand.u32 $0x1FFFFF80, s0  }
0x88: {  	s3 =	simm.s32 $0x7A1400;
	p0 =	seq.s32 s26, $0x3;
	s0 =	sadd.s32 s1, s0  }
0x89: {  	[tilespmem:s14], [sflag:$0x3] =	stream.strided.gather [hbm4b:s0+s2], $0x2000, s3, s2, $0x38;
	[tilespmem:$0x1C900] =	vst v63  }
0x8a: {  	v6 =	vld @!p0 [tilespmem:$0x680];
	_ =	sdelay $0x3  }
0x8b: {  	vm2 =	vcmask @!p0 $0xB10  }
0x8c: {  	v6 =	vsel @!p0 vm2, $0xFFFFFFFF, v6  }
0x8d: {  	v6 =	vxor.u32 @!p0 $0x80000000, v6  }
0x8e: {  	(xrf0) =	vmax.scan.msk.u32 @!p0 $0xffff, v6;
	_ =	sdelay $0x5  }
0x8f: {  	v6, _, _ =	vpop @!p0 (xrf0)  }
0x90: {  	(v2sf) =	vpush @!p0 v6, $0xF;
	_ =	sdelay $0xe  }
0x91: {  	s0 =	spop @!p0 (v2sf)  }
0x92: {  	s9 =	simm.s32 @!p0 $0x7A1400;
	s0 =	sshll.u32 @!p0 s0, $0x7  }
0x93: {  	s10 =	simm.s32 @!p0 $0x6900;
	p1 =	slt.u32 @!p0 s26, $0x5;
	s0 =	sand.u32 @!p0 $0x1FFFFF80, s0  }
0x94: {  	p2 =	por p1, p0;
	s3 =	simm.s32 @!p0 $0x400;
	s0 =	sadd.s32 @!p0 s1, s0  }
0x95: {  	[tilespmem:s10], [sflag:$0x4] =	stream.strided.gather @!p0 [hbm4b:s0+s3], $0x2000, s9, s3, $0x38;
	[tilespmem:$0x1C900] =	vst v63  }
0x96: {  	v6 =	vld @!p2 [tilespmem:$0x680];
	_ =	sdelay $0x3  }
0x97: {  	vm2 =	vcmask @!p2 $0xF14  }
0x98: {  	v6 =	vsel @!p2 vm2, $0xFFFFFFFF, v6  }
0x99: {  	v6 =	vxor.u32 @!p2 $0x80000000, v6  }
0x9a: {  	(xrf0) =	vmax.scan.msk.u32 @!p2 $0xffff, v6;
	_ =	sdelay $0x5  }
0x9b: {  	v6, _, _ =	vpop @!p2 (xrf0)  }
0x9c: {  	(v2sf) =	vpush @!p2 v6, $0xF;
	_ =	sdelay $0xe  }
0x9d: {  	s0 =	spop @!p2 (v2sf)  }
0x9e: {  	s0 =	sshll.u32 @!p2 s0, $0x7  }
0x9f: {  	s3 =	simm.s32 @!p2 $0x400;
	s0 =	sand.u32 @!p2 $0x1FFFFF80, s0  }
0xa0: {  	s9 =	simm.s32 @!p2 $0x7A1400;
	s10 =	simm.s32 @!p2 $0x8900;
	s0 =	sadd.s32 @!p2 s1, s0  }
0xa1: {  	[tilespmem:s10], [sflag:$0x5] =	stream.strided.gather @!p2 [hbm4b:s0+s3], $0x2000, s9, s3, $0x38;
	[tilespmem:$0x1C900] =	vst v63  }
0xa2: {  	p2 =	seq.s32 @!p2 s26, $0x5  }
0xa3: {  	p1 =	por @!p0 p2, p1  }
0xa4: {  	p0 =	por p1, p0  }
0xa5: {  	v6 =	vld @!p0 [tilespmem:$0x680];
	_ =	sdelay $0x3  }
0xa6: {  	vm2 =	vcmask @!p0 $0x1318  }
0xa7: {  	v6 =	vsel @!p0 vm2, $0xFFFFFFFF, v6  }
0xa8: {  	v6 =	vxor.u32 @!p0 $0x80000000, v6  }
0xa9: {  	(xrf0) =	vmax.scan.msk.u32 @!p0 $0xffff, v6;
	_ =	sdelay $0x5  }
0xaa: {  	v6, _, _ =	vpop @!p0 (xrf0)  }
0xab: {  	(v2sf) =	vpush @!p0 v6, $0xF;
	_ =	sdelay $0xe  }
0xac: {  	s0 =	spop @!p0 (v2sf)  }
0xad: {  	s0 =	sshll.u32 @!p0 s0, $0x7  }
0xae: {  	s3 =	simm.s32 @!p0 $0x400;
	s0 =	sand.u32 @!p0 $0x1FFFFF80, s0  }
0xaf: {  	s9 =	simm.s32 @!p0 $0x7A1400;
	s10 =	simm.s32 @!p0 $0xA900;
	s0 =	sadd.s32 @!p0 s1, s0  }
0xb0: {  	[tilespmem:s10], [sflag:$0x6] =	stream.strided.gather @!p0 [hbm4b:s0+s3], $0x2000, s9, s3, $0x38;
	[tilespmem:$0x1C900] =	vst v63  }
.LBB2_6:
.Ltmp5:
0xb1: {  	(pc) =	sbr.rel .LBB2_7-.Ltmp5, $2  }
0xb2: {  	_ =	sdelay $0x2  }
0xb3: {  	s28 =	simm.s32 $0x0  }
.LBB2_20:
0xb4: {  	s30 =	smov.u32 s3  }
.LBB2_25:
0xb5: {  	s0 =	sshll.u32 s9, $0x4;
	[tilespmem:s30+$0x10] =	vst @p0 v6  }
0xb6: {  	v6 =	vld [tilespmem:s0+$0x0];
	_ =	sdelay $0x2  }
0xb7: {  	s0 =	ssub.s32 s10, s0  }
0xb8: {  	v7 =	vmov s0  }
0xb9: {  	vm2 =	veq.s32 v7, v0;
	v6 =	vxor.u32 $0x80000000, v6  }
0xba: {  	v6 =	vnsel vm2, $0x7FFFFFFF, v6  }
0xbb: {  	(xrf0) =	vmax.scan.msk.u32 $0xffff, v6;
	_ =	sdelay $0x5  }
0xbc: {  	v6, _, _ =	vpop (xrf0)  }
0xbd: {  	(v2sf) =	vpush v6, $0xF;
	_ =	sdelay $0xe  }
0xbe: {  	s31 =	spop (v2sf)  }
0xbf: {  	s0 =	sand.u32 $0x7F, s31  }
0xc0: {  	v6 =	vor.u32 s0, v1;
	_ =	sdelay $0x4  }
0xc1: {  	v6 =	vld.idx.msk [tilespmem:v6+s13+$0x0], $0xffff  }
0xc2: {  	v7 =	vor.u32 s0, v3;
	_ =	sdelay $0x1  }
0xc3: {  	s2 =	sadd.s32 @p0 $0x80, s30  }
0xc4: {  	s3 =	smov.u32 @p0 s2  }
0xc5: {  	[tilespmem:s3+$0xFFFFFFE0] =	vst v6  }
0xc6: {  	v6 =	vld.idx.msk [tilespmem:v7+s13+$0x0], $0xffff  }
0xc7: {  	v7 =	vor.u32 s0, v4;
	_ =	sdelay $0x3  }
0xc8: {  	[tilespmem:s3+$0xFFFFFFF0] =	vst v6  }
0xc9: {  	v6 =	vld.idx.msk [tilespmem:v7+s13+$0x0], $0xffff  }
0xca: {  	v7 =	vor.u32 s0, v5;
	_ =	sdelay $0x3  }
0xcb: {  	[tilespmem:s3+$0x0] =	vst v6  }
0xcc: {  	v6 =	vld.idx.msk [tilespmem:v7+s13+$0x0], $0xffff;
	_ =	sdelay $0x4  }
0xcd: {  	[tilespmem:s3+$0x10] =	vst v6  }
.LBB2_26:
0xce: {  	s0 =	sadd.s32 $0x6, s28  }
0xcf: {  	p0 =	sge.s32 s0, s26  }
0xd0: {  	s2 =	sand.u32 @!p0 $0xF, s0  }
0xd1: {  	p1 =	slt.s32 @!p0 s0, $0x1;
	p2 =	sne.s32 @!p0 s2, $0x0  }
0xd2: {  	s2 =	sshra.s32 @!p0 s0, $0x1F;
	p1 =	por @!p0 !p1, !p2  }
0xd3: {  	s2 =	sshrl.u32 @!p0 s2, $0x1C;
	p1 =	por @!p0 !p1, !p1  }
0xd4: {  	s3 =	simm.s32 @!p0 $0x1;
	s2 =	sadd.s32 @!p0 s2, s0;
	p1 =	por !p1, p0  }
0xd5: {  	s2 =	sshrl.u32 @!p0 s2, $0x4;
	s3 =	simm.s32 @p1 $0x0  }
0xd6: {  	s2 =	ssub.s32 @!p0 s2, s3  }
0xd7: {  	s2 =	sshll.u32 @!p0 s2, $0x4  }
0xd8: {  	v6 =	vld @!p0 [tilespmem:s2+$0x680];
	_ =	sdelay $0x2  }
0xd9: {  	s0 =	ssub.s32 @!p0 s0, s2  }
0xda: {  	v8 =	vlaneseq.u32 @!p0;
	v7 =	vmov @!p0 s0  }
0xdb: {  	vm2 =	veq.s32 @!p0 v7, v8;
	v6 =	vxor.u32 @!p0 $0x80000000, v6  }
0xdc: {  	v6 =	vnsel @!p0 vm2, $0x7FFFFFFF, v6  }
0xdd: {  	(xrf0) =	vmax.scan.msk.u32 @!p0 $0xffff, v6;
	_ =	sdelay $0x5  }
0xde: {  	v6, _, _ =	vpop @!p0 (xrf0)  }
0xdf: {  	(v2sf) =	vpush @!p0 v6, $0xF;
	_ =	sdelay $0xe  }
0xe0: {  	s0 =	spop @!p0 (v2sf)  }
0xe1: {  	s0 =	sshll.u32 @!p0 s0, $0x7  }
0xe2: {  	s9 =	simm.s32 @!p0 $0x900;
	s0 =	sand.u32 @!p0 $0x1FFFFF80, s0  }
0xe3: {  	s3 =	simm.s32 @!p0 $0x7A1400;
	s2 =	simm.s32 @!p0 $0x400;
	s0 =	sadd.s32 @!p0 s1, s0  }
0xe4: {  	[tilespmem:s9], [sflag:$0x1] =	stream.strided.gather @!p0 [hbm4b:s0+s2], $0x2000, s3, s2, $0x38;
	[tilespmem:$0x1C900] =	vst v63  }
.LBB2_66:
0xe5: {  	p0 =	sne.s32 s29, s26  }
.Ltmp6:
0xe6: {  	_ = 	snop;
	(pc) =	sbr.rel @!p0 .LBB2_67-.Ltmp6, $2  }
0xe7: {  	_ =	sdelay $0x2  }
0xe8: {  	s28 =	smov.u32 s29  }
.LBB2_7:
0xe9: {  	s0 =	smulhi.u32 $0xAAAAAAAB, s28;
	_ =	sdelay $0x1  }
0xea: {  	s0 =	sshrl.u32 s0, $0x2  }
0xeb: {  	s0 =	smul.u32 $0x6, s0;
	_ =	sdelay $0x1  }
0xec: {  	s3 =	ssub.s32 s28, s0  }
0xed: {  	p0 =	sgt.s32 s3, $0x2  }
.Ltmp7:
0xee: {  	_ = 	snop;
	(pc) =	sbr.rel @p0 .LBB2_13-.Ltmp7, $1  }
0xef: {  	_ =	sdelay $0x3  }
0xf0: {  	p0 =	seq.s32 s3, $0x0  }
.Ltmp8:
0xf1: {  	_ = 	snop;
	(pc) =	sbr.rel @p0 .LBB2_18-.Ltmp8, $3  }
0xf2: {  	_ =	sdelay $0x1  }
0xf3: {  	s29 =	sadd.s32 $0x1, s28  }
0xf4: {  	s0 =	sand.u32 $0xF, s29  }
0xf5: {  	p0 =	seq.s32 s3, $0x1  }
.Ltmp9:
0xf6: {  	_ = 	snop;
	(pc) =	sbr.rel @!p0 .LBB2_33-.Ltmp9, $1  }
0xf7: {  	_ =	sdelay $0x3  }
0xf8: {  	p0 =	slt.s32 s28, $0xFFFFFFFF;
	p1 =	sne.s32 s0, $0x0  }
0xf9: {  	p0 =	por !p1, !p0  }
0xfa: {  	s0 =	simm.s32 $0xFFFFFFFF;
	p0 =	por !p0, !p0  }
0xfb: {  	_ =	swait.ge [sflag:s16], $0x2000;
	s0 =	simm.s32 @!p0 $0x0  }
0xfc: {  	[sflag:s16] =	ssyncset.done $0x0;
	s0 =	sshll.u32 s0, $0x4  }
0xfd: {  	s2 =	sand.u32 $0xFFFFFFF0, s28;
	[sflag:s16] =	ssyncadd.s32 $0xFFFFE000;
	s0 =	sadd.s32 s0, s29  }
0xfe: {  	v6 =	vld [tilespmem:s2+$0x400];
	s0 =	sand.u32 $0xFFFFFFF0, s0  }
0xff: {  	v7 =	vld [tilespmem:s0+$0x400];
	_ =	sdelay $0x1  }
0x100: {  	s10 =	sand.u32 $0xF, s28  }
0x101: {  	v8 =	vmov s10;
	s0 =	ssub.s32 s29, s0  }
0x102: {  	vm2 =	veq.s32 v8, v0;
	v6 =	vxor.u32 $0x80000000, v6;
	v63 =	vmov s0  }
0x103: {  	v6 =	vnsel vm2, $0x7FFFFFFF, v6;
	vm2 =	veq.s32 v63, v0;
	v7 =	vxor.u32 $0x80000000, v7  }
0x104: {  	(xrf0) =	vmax.scan.msk.u32 $0xffff, v6;
	v6 =	vnsel vm2, $0x7FFFFFFF, v7  }
0x105: {  	(xrf0) =	vmax.scan.msk.u32 $0xffff, v6;
	_ =	sdelay $0x4  }
0x106: {  	v6, _, _ =	vpop (xrf0)  }
0x107: {  	(v2sf) =	vpush v6, $0xF;
	v6, _, _ =	vpop (xrf0)  }
0x108: {  	(v2sf) =	vpush v6, $0xF;
	_ =	sdelay $0xd  }
0x109: {  	s0 =	spop (v2sf)  }
0x10a: {  	s30 =	spop (v2sf)  }
0x10b: {  	p0 =	slt.s32 s29, s26;
	s31 =	sxor.u32 $0x80000000, s30  }
0x10c: {  	s10 =	sxor.u32 $0x80000000, s0;
	s31 =	simm.s32 @!p0 $0x200  }
0x10d: {  	p0 =	sge.s32 s10, s31  }
.Ltmp10:
0x10e: {  	_ = 	snop;
	(pc) =	sbr.rel @p0 .LBB2_32-.Ltmp10, $1  }
0x10f: {  	_ =	sdelay $0x3  }
0x110: {  	s0 =	sshll.u32 s0, $0x9;
	s9 =	sand.u32 $0xF, s10;
	p0 =	slt.s32 s10, $0x1  }
0x111: {  	s2 =	sshra.s32 s0, $0x2;
	p1 =	sne.s32 s9, $0x0;
	s0 =	sadd.s32 $0x1, s10  }
0x112: {  	p0 =	por !p0, !p1;
	p1 =	sne.s32 s31, s0  }
.Ltmp11:
0x113: {  	s3 =	sshra.s32 s10, $0x1F;
	(pc) =	sbr.rel @!p1 .LBB2_12-.Ltmp11, $4  }
0x114: {  	s3 =	sshrl.u32 s3, $0x1C  }
0x115: {  	s9 =	simm.s32 $0x1;
	s3 =	sadd.s32 s3, s10;
	p0 =	por !p0, !p0  }
0x116: {  	s3 =	sshrl.u32 s3, $0x4;
	s9 =	simm.s32 @!p0 $0x0  }
0x117: {  	s30 =	sadd.s32 $0xC920, s2;
	p0 =	por $0x0, $0x0;
	s9 =	ssub.s32 s3, s9  }
0x118: {  	s2 =	sshll.u32 s9, $0x4  }
0x119: {  	v6 =	vld [tilespmem:s2+$0x0];
	_ =	sdelay $0x2  }
0x11a: {  	s2 =	ssub.s32 s10, s2  }
0x11b: {  	v7 =	vmov s2  }
0x11c: {  	vm2 =	veq.s32 v7, v0;
	v6 =	vxor.u32 $0x80000000, v6  }
0x11d: {  	v6 =	vnsel vm2, $0x7FFFFFFF, v6  }
0x11e: {  	(xrf0) =	vmax.scan.msk.u32 $0xffff, v6;
	_ =	sdelay $0x5  }
0x11f: {  	v6, _, _ =	vpop (xrf0)  }
0x120: {  	(v2sf) =	vpush v6, $0xF;
	_ =	sdelay $0xe  }
0x121: {  	s9 =	spop (v2sf)  }
0x122: {  	s2 =	sand.u32 $0x7F, s9  }
0x123: {  	v6 =	vor.u32 s2, v1;
	_ =	sdelay $0x4  }
0x124: {  	v6 =	vld.idx.msk [tilespmem:v6+s17+$0x0], $0xffff  }
0x125: {  	v7 =	vor.u32 s2, v3;
	_ =	sdelay $0x3  }
0x126: {  	[tilespmem:s30+$0xFFFFFFE0] =	vst v6  }
0x127: {  	v6 =	vld.idx.msk [tilespmem:v7+s17+$0x0], $0xffff  }
0x128: {  	v7 =	vor.u32 s2, v4;
	_ =	sdelay $0x3  }
0x129: {  	[tilespmem:s30+$0xFFFFFFF0] =	vst v6  }
0x12a: {  	v6 =	vld.idx.msk [tilespmem:v7+s17+$0x0], $0xffff  }
0x12b: {  	v7 =	vor.u32 s2, v5  }
0x12c: {  	s10 =	sand.u32 $0xF, s0  }
0x12d: {  	p0 =	slt.s32 s0, $0x1;
	p1 =	sne.s32 s10, $0x0;
	s10 =	sadd.s32 $0x1, s0  }
0x12e: {  	p0 =	por !p0, !p1;
	p1 =	sne.s32 s31, s10  }
.Ltmp12:
0x12f: {  	s3 =	sshra.s32 s0, $0x1F;
	[tilespmem:s30+$0x0] =	vst v6;
	(pc) =	sbr.rel @!p1 .LBB2_28-.Ltmp12, $4  }
0x130: {  	s9 =	sshrl.u32 s3, $0x1C;
	v6 =	vld.idx.msk [tilespmem:v7+s17+$0x0], $0xffff  }
0x131: {  	p0 =	por !p0, !p0;
	s3 =	simm.s32 $0x1;
	s2 =	sadd.s32 s9, s0  }
0x132: {  	s3 =	simm.s32 @!p0 $0x0;
	s2 =	sshrl.u32 s2, $0x4  }
0x133: {  	p0 =	por $0x1, $0x1;
	s9 =	ssub.s32 s2, s3;
	s3 =	smov.u32 s30  }
.LBB2_29:
0x134: {  	s2 =	sshll.u32 s9, $0x4  }
0x135: {  	[tilespmem:s3+$0x10] =	vst v6;
	s3 =	sadd.s32 $0x80, s3;
	s9 =	smov.u32 s10;
	s10 =	sadd.s32 $0x1, s10  }
0x136: {  	p1 =	sne.s32 s31, s10;
	v6 =	vld [tilespmem:s2+$0x0];
	s2 =	ssub.s32 s0, s2;
	s0 =	smov.u32 s9  }
0x137: {  	v7 =	vmov s2;
	_ =	sdelay $0x3  }
0x138: {  	vm2 =	veq.s32 v7, v0;
	v6 =	vxor.u32 $0x80000000, v6  }
0x139: {  	v6 =	vnsel vm2, $0x7FFFFFFF, v6  }
0x13a: {  	(xrf0) =	vmax.scan.msk.u32 $0xffff, v6;
	_ =	sdelay $0x5  }
0x13b: {  	v6, _, _ =	vpop (xrf0)  }
0x13c: {  	(v2sf) =	vpush v6, $0xF;
	_ =	sdelay $0xe  }
0x13d: {  	s2 =	spop (v2sf)  }
0x13e: {  	s2 =	sand.u32 $0x7F, s2  }
0x13f: {  	v6 =	vor.u32 s2, v1;
	_ =	sdelay $0x4  }
0x140: {  	v6 =	vld.idx.msk [tilespmem:v6+s17+$0x0], $0xffff;
	_ =	sdelay $0x1  }
0x141: {  	v7 =	vor.u32 s2, v3;
	_ =	sdelay $0x3  }
0x142: {  	[tilespmem:s3+$0xFFFFFFE0] =	vst v6  }
0x143: {  	v6 =	vld.idx.msk [tilespmem:v7+s17+$0x0], $0xffff;
	_ =	sdelay $0x1  }
0x144: {  	v7 =	vor.u32 s2, v4;
	_ =	sdelay $0x3  }
0x145: {  	[tilespmem:s3+$0xFFFFFFF0] =	vst v6  }
0x146: {  	v6 =	vld.idx.msk [tilespmem:v7+s17+$0x0], $0xffff;
	_ =	sdelay $0x1  }
0x147: {  	v7 =	vor.u32 s2, v5;
	_ =	sdelay $0x3  }
0x148: {  	[tilespmem:s3+$0x0] =	vst v6  }
0x149: {  	s9 =	sand.u32 $0xF, s0;
	s2 =	sshra.s32 s0, $0x1F;
	v6 =	vld.idx.msk [tilespmem:v7+s17+$0x0], $0xffff  }
.Ltmp13:
0x14a: {  	p2 =	slt.s32 s0, $0x1;
	p3 =	sne.s32 s9, $0x0;
	(pc) =	sbr.rel @p1 .LBB2_29-.Ltmp13, $4  }
0x14b: {  	p2 =	por !p2, !p3;
	s2 =	sshrl.u32 s2, $0x1C  }
0x14c: {  	s9 =	simm.s32 $0x1;
	p2 =	por !p2, !p2;
	s2 =	sadd.s32 s2, s0  }
0x14d: {  	s9 =	simm.s32 @!p2 $0x0;
	s2 =	sshrl.u32 s2, $0x4  }
0x14e: {  	s9 =	ssub.s32 s2, s9  }
0x14f: {  	s10 =	smov.u32 s0  }
.LBB2_31:
0x150: {  	s0 =	sshll.u32 s9, $0x4;
	[tilespmem:s3+$0x10] =	vst @p0 v6  }
0x151: {  	v6 =	vld [tilespmem:s0+$0x0];
	_ =	sdelay $0x2  }
0x152: {  	s0 =	ssub.s32 s10, s0  }
0x153: {  	v7 =	vmov s0  }
0x154: {  	vm2 =	veq.s32 v7, v0;
	v6 =	vxor.u32 $0x80000000, v6  }
0x155: {  	v6 =	vnsel vm2, $0x7FFFFFFF, v6  }
0x156: {  	(xrf0) =	vmax.scan.msk.u32 $0xffff, v6;
	_ =	sdelay $0x5  }
0x157: {  	v6, _, _ =	vpop (xrf0)  }
0x158: {  	(v2sf) =	vpush v6, $0xF;
	_ =	sdelay $0xe  }
0x159: {  	s31 =	spop (v2sf)  }
0x15a: {  	s0 =	sand.u32 $0x7F, s31  }
0x15b: {  	v6 =	vor.u32 s0, v1;
	_ =	sdelay $0x4  }
0x15c: {  	v6 =	vld.idx.msk [tilespmem:v6+s17+$0x0], $0xffff  }
0x15d: {  	v7 =	vor.u32 s0, v3;
	_ =	sdelay $0x1  }
0x15e: {  	s2 =	sadd.s32 @p0 $0x80, s3  }
0x15f: {  	s30 =	smov.u32 @p0 s2  }
0x160: {  	[tilespmem:s30+$0xFFFFFFE0] =	vst v6  }
0x161: {  	v6 =	vld.idx.msk [tilespmem:v7+s17+$0x0], $0xffff  }
0x162: {  	v7 =	vor.u32 s0, v4;
	_ =	sdelay $0x3  }
0x163: {  	[tilespmem:s30+$0xFFFFFFF0] =	vst v6  }
0x164: {  	v6 =	vld.idx.msk [tilespmem:v7+s17+$0x0], $0xffff  }
0x165: {  	v7 =	vor.u32 s0, v5;
	_ =	sdelay $0x3  }
0x166: {  	[tilespmem:s30+$0x0] =	vst v6  }
0x167: {  	v6 =	vld.idx.msk [tilespmem:v7+s17+$0x0], $0xffff;
	_ =	sdelay $0x4  }
0x168: {  	[tilespmem:s30+$0x10] =	vst v6  }
.LBB2_32:
0x169: {  	s0 =	sadd.s32 $0x6, s28  }
0x16a: {  	p0 =	sge.s32 s0, s26  }
0x16b: {  	s2 =	sand.u32 @!p0 $0xF, s0  }
0x16c: {  	p1 =	slt.s32 @!p0 s0, $0x1;
	p2 =	sne.s32 @!p0 s2, $0x0  }
0x16d: {  	s2 =	sshra.s32 @!p0 s0, $0x1F;
	p1 =	por @!p0 !p1, !p2  }
0x16e: {  	s2 =	sshrl.u32 @!p0 s2, $0x1C;
	p1 =	por @!p0 !p1, !p1  }
0x16f: {  	s3 =	simm.s32 @!p0 $0x1;
	s2 =	sadd.s32 @!p0 s2, s0;
	p1 =	por !p1, p0  }
0x170: {  	s2 =	sshrl.u32 @!p0 s2, $0x4;
	s3 =	simm.s32 @p1 $0x0  }
0x171: {  	s2 =	ssub.s32 @!p0 s2, s3  }
0x172: {  	s2 =	sshll.u32 @!p0 s2, $0x4  }
0x173: {  	v6 =	vld @!p0 [tilespmem:s2+$0x680];
	_ =	sdelay $0x2  }
0x174: {  	s0 =	ssub.s32 @!p0 s0, s2  }
0x175: {  	v8 =	vlaneseq.u32 @!p0;
	v7 =	vmov @!p0 s0  }
0x176: {  	vm2 =	veq.s32 @!p0 v7, v8;
	v6 =	vxor.u32 @!p0 $0x80000000, v6  }
0x177: {  	v6 =	vnsel @!p0 vm2, $0x7FFFFFFF, v6  }
0x178: {  	(xrf0) =	vmax.scan.msk.u32 @!p0 $0xffff, v6;
	_ =	sdelay $0x5  }
0x179: {  	v6, _, _ =	vpop @!p0 (xrf0)  }
0x17a: {  	(v2sf) =	vpush @!p0 v6, $0xF;
	_ =	sdelay $0xe  }
.Ltmp14:
0x17b: {  	s0 =	spop @!p0 (v2sf);
	(pc) =	sbr.rel .LBB2_66-.Ltmp14, $4  }
0x17c: {  	s0 =	sshll.u32 @!p0 s0, $0x7  }
0x17d: {  	s9 =	simm.s32 @!p0 $0x2900;
	s0 =	sand.u32 @!p0 $0x1FFFFF80, s0  }
0x17e: {  	s3 =	simm.s32 @!p0 $0x7A1400;
	s2 =	simm.s32 @!p0 $0x400;
	s0 =	sadd.s32 @!p0 s1, s0  }
0x17f: {  	[tilespmem:s9], [sflag:$0x2] =	stream.strided.gather @!p0 [hbm4b:s0+s2], $0x2000, s3, s2, $0x38;
	[tilespmem:$0x1C900] =	vst v63  }
.LBB2_13:
0x180: {  	p1 =	seq.s32 s3, $0x3  }
.Ltmp15:
0x181: {  	_ = 	snop;
	(pc) =	sbr.rel @p1 .LBB2_42-.Ltmp15, $3  }
0x182: {  	_ =	sdelay $0x1  }
0x183: {  	s29 =	sadd.s32 $0x1, s28  }
0x184: {  	s0 =	sand.u32 $0xFFFFFFF0, s28;
	p0 =	slt.s32 s28, $0xFFFFFFFF;
	s2 =	sand.u32 $0xF, s29  }
0x185: {  	p1 =	seq.s32 s3, $0x4  }
.Ltmp16:
0x186: {  	_ = 	snop;
	(pc) =	sbr.rel @!p1 .LBB2_57-.Ltmp16, $1  }
0x187: {  	_ =	sdelay $0x3  }
0x188: {  	p1 =	sne.s32 s2, $0x0  }
0x189: {  	p0 =	por !p1, !p0  }
0x18a: {  	s2 =	simm.s32 $0xFFFFFFFF;
	p0 =	por !p0, !p0  }
0x18b: {  	_ =	swait.ge [sflag:s21], $0x2000;
	s2 =	simm.s32 @!p0 $0x0  }
0x18c: {  	[sflag:s21] =	ssyncset.done $0x0;
	s2 =	sshll.u32 s2, $0x4  }
0x18d: {  	[sflag:s21] =	ssyncadd.s32 $0xFFFFE000;
	s2 =	sadd.s32 s2, s29  }
0x18e: {  	v6 =	vld [tilespmem:s0+$0x400];
	s9 =	sand.u32 $0xFFFFFFF0, s2  }
0x18f: {  	v7 =	vld [tilespmem:s9+$0x400];
	_ =	sdelay $0x1  }
0x190: {  	s10 =	sand.u32 $0xF, s28  }
0x191: {  	v8 =	vmov s10;
	s0 =	ssub.s32 s29, s9  }
0x192: {  	vm2 =	veq.s32 v8, v0;
	v6 =	vxor.u32 $0x80000000, v6;
	v63 =	vmov s0  }
0x193: {  	v6 =	vnsel vm2, $0x7FFFFFFF, v6;
	vm2 =	veq.s32 v63, v0;
	v7 =	vxor.u32 $0x80000000, v7  }
0x194: {  	(xrf0) =	vmax.scan.msk.u32 $0xffff, v6;
	v6 =	vnsel vm2, $0x7FFFFFFF, v7  }
0x195: {  	(xrf0) =	vmax.scan.msk.u32 $0xffff, v6;
	_ =	sdelay $0x4  }
0x196: {  	v6, _, _ =	vpop (xrf0)  }
0x197: {  	(v2sf) =	vpush v6, $0xF;
	v6, _, _ =	vpop (xrf0)  }
0x198: {  	(v2sf) =	vpush v6, $0xF;
	_ =	sdelay $0xd  }
0x199: {  	s0 =	spop (v2sf)  }
0x19a: {  	s30 =	spop (v2sf)  }
0x19b: {  	p0 =	slt.s32 s29, s26;
	s31 =	sxor.u32 $0x80000000, s30  }
0x19c: {  	s10 =	sxor.u32 $0x80000000, s0;
	s31 =	simm.s32 @!p0 $0x200  }
0x19d: {  	p0 =	sge.s32 s10, s31  }
.Ltmp17:
0x19e: {  	_ = 	snop;
	(pc) =	sbr.rel @p0 .LBB2_56-.Ltmp17, $1  }
0x19f: {  	_ =	sdelay $0x3  }
0x1a0: {  	s0 =	sshll.u32 s0, $0x9;
	s9 =	sand.u32 $0xF, s10;
	p0 =	slt.s32 s10, $0x1  }
0x1a1: {  	s2 =	sshra.s32 s0, $0x2;
	p1 =	sne.s32 s9, $0x0;
	s0 =	sadd.s32 $0x1, s10  }
0x1a2: {  	p0 =	por !p0, !p1;
	p1 =	sne.s32 s31, s0  }
.Ltmp18:
0x1a3: {  	s3 =	sshra.s32 s10, $0x1F;
	(pc) =	sbr.rel @!p1 .LBB2_17-.Ltmp18, $4  }
0x1a4: {  	s3 =	sshrl.u32 s3, $0x1C  }
0x1a5: {  	s9 =	simm.s32 $0x1;
	s3 =	sadd.s32 s3, s10;
	p0 =	por !p0, !p0  }
0x1a6: {  	s3 =	sshrl.u32 s3, $0x4;
	s9 =	simm.s32 @!p0 $0x0  }
0x1a7: {  	s30 =	sadd.s32 $0xC920, s2;
	p0 =	por $0x0, $0x0;
	s9 =	ssub.s32 s3, s9  }
0x1a8: {  	s2 =	sshll.u32 s9, $0x4  }
0x1a9: {  	v6 =	vld [tilespmem:s2+$0x0];
	_ =	sdelay $0x2  }
0x1aa: {  	s2 =	ssub.s32 s10, s2  }
0x1ab: {  	v7 =	vmov s2  }
0x1ac: {  	vm2 =	veq.s32 v7, v0;
	v6 =	vxor.u32 $0x80000000, v6  }
0x1ad: {  	v6 =	vnsel vm2, $0x7FFFFFFF, v6  }
0x1ae: {  	(xrf0) =	vmax.scan.msk.u32 $0xffff, v6;
	_ =	sdelay $0x5  }
0x1af: {  	v6, _, _ =	vpop (xrf0)  }
0x1b0: {  	(v2sf) =	vpush v6, $0xF;
	_ =	sdelay $0xe  }
0x1b1: {  	s9 =	spop (v2sf)  }
0x1b2: {  	s2 =	sand.u32 $0x7F, s9  }
0x1b3: {  	v6 =	vor.u32 s2, v1;
	_ =	sdelay $0x4  }
0x1b4: {  	v6 =	vld.idx.msk [tilespmem:v6+s22+$0x0], $0xffff  }
0x1b5: {  	v7 =	vor.u32 s2, v3;
	_ =	sdelay $0x3  }
0x1b6: {  	[tilespmem:s30+$0xFFFFFFE0] =	vst v6  }
0x1b7: {  	v6 =	vld.idx.msk [tilespmem:v7+s22+$0x0], $0xffff  }
0x1b8: {  	v7 =	vor.u32 s2, v4;
	_ =	sdelay $0x3  }
0x1b9: {  	[tilespmem:s30+$0xFFFFFFF0] =	vst v6  }
0x1ba: {  	v6 =	vld.idx.msk [tilespmem:v7+s22+$0x0], $0xffff  }
0x1bb: {  	v7 =	vor.u32 s2, v5  }
0x1bc: {  	s10 =	sand.u32 $0xF, s0  }
0x1bd: {  	p0 =	slt.s32 s0, $0x1;
	p1 =	sne.s32 s10, $0x0;
	s10 =	sadd.s32 $0x1, s0  }
0x1be: {  	p0 =	por !p0, !p1;
	p1 =	sne.s32 s31, s10  }
.Ltmp19:
0x1bf: {  	s3 =	sshra.s32 s0, $0x1F;
	[tilespmem:s30+$0x0] =	vst v6;
	(pc) =	sbr.rel @!p1 .LBB2_52-.Ltmp19, $4  }
0x1c0: {  	s9 =	sshrl.u32 s3, $0x1C;
	v6 =	vld.idx.msk [tilespmem:v7+s22+$0x0], $0xffff  }
0x1c1: {  	p0 =	por !p0, !p0;
	s3 =	simm.s32 $0x1;
	s2 =	sadd.s32 s9, s0  }
0x1c2: {  	s3 =	simm.s32 @!p0 $0x0;
	s2 =	sshrl.u32 s2, $0x4  }
0x1c3: {  	p0 =	por $0x1, $0x1;
	s9 =	ssub.s32 s2, s3;
	s3 =	smov.u32 s30  }
.LBB2_53:
0x1c4: {  	s2 =	sshll.u32 s9, $0x4  }
0x1c5: {  	[tilespmem:s3+$0x10] =	vst v6;
	s3 =	sadd.s32 $0x80, s3;
	s9 =	smov.u32 s10;
	s10 =	sadd.s32 $0x1, s10  }
0x1c6: {  	p1 =	sne.s32 s31, s10;
	v6 =	vld [tilespmem:s2+$0x0];
	s2 =	ssub.s32 s0, s2;
	s0 =	smov.u32 s9  }
0x1c7: {  	v7 =	vmov s2;
	_ =	sdelay $0x3  }
0x1c8: {  	vm2 =	veq.s32 v7, v0;
	v6 =	vxor.u32 $0x80000000, v6  }
0x1c9: {  	v6 =	vnsel vm2, $0x7FFFFFFF, v6  }
0x1ca: {  	(xrf0) =	vmax.scan.msk.u32 $0xffff, v6;
	_ =	sdelay $0x5  }
0x1cb: {  	v6, _, _ =	vpop (xrf0)  }
0x1cc: {  	(v2sf) =	vpush v6, $0xF;
	_ =	sdelay $0xe  }
0x1cd: {  	s2 =	spop (v2sf)  }
0x1ce: {  	s2 =	sand.u32 $0x7F, s2  }
0x1cf: {  	v6 =	vor.u32 s2, v1;
	_ =	sdelay $0x4  }
0x1d0: {  	v6 =	vld.idx.msk [tilespmem:v6+s22+$0x0], $0xffff;
	_ =	sdelay $0x1  }
0x1d1: {  	v7 =	vor.u32 s2, v3;
	_ =	sdelay $0x3  }
0x1d2: {  	[tilespmem:s3+$0xFFFFFFE0] =	vst v6  }
0x1d3: {  	v6 =	vld.idx.msk [tilespmem:v7+s22+$0x0], $0xffff;
	_ =	sdelay $0x1  }
0x1d4: {  	v7 =	vor.u32 s2, v4;
	_ =	sdelay $0x3  }
0x1d5: {  	[tilespmem:s3+$0xFFFFFFF0] =	vst v6  }
0x1d6: {  	v6 =	vld.idx.msk [tilespmem:v7+s22+$0x0], $0xffff;
	_ =	sdelay $0x1  }
0x1d7: {  	v7 =	vor.u32 s2, v5;
	_ =	sdelay $0x3  }
0x1d8: {  	[tilespmem:s3+$0x0] =	vst v6  }
0x1d9: {  	s9 =	sand.u32 $0xF, s0;
	s2 =	sshra.s32 s0, $0x1F;
	v6 =	vld.idx.msk [tilespmem:v7+s22+$0x0], $0xffff  }
.Ltmp20:
0x1da: {  	p2 =	slt.s32 s0, $0x1;
	p3 =	sne.s32 s9, $0x0;
	(pc) =	sbr.rel @p1 .LBB2_53-.Ltmp20, $4  }
0x1db: {  	p2 =	por !p2, !p3;
	s2 =	sshrl.u32 s2, $0x1C  }
0x1dc: {  	s9 =	simm.s32 $0x1;
	p2 =	por !p2, !p2;
	s2 =	sadd.s32 s2, s0  }
0x1dd: {  	s9 =	simm.s32 @!p2 $0x0;
	s2 =	sshrl.u32 s2, $0x4  }
0x1de: {  	s9 =	ssub.s32 s2, s9  }
0x1df: {  	s10 =	smov.u32 s0  }
.LBB2_55:
0x1e0: {  	s0 =	sshll.u32 s9, $0x4;
	[tilespmem:s3+$0x10] =	vst @p0 v6  }
0x1e1: {  	v6 =	vld [tilespmem:s0+$0x0];
	_ =	sdelay $0x2  }
0x1e2: {  	s0 =	ssub.s32 s10, s0  }
0x1e3: {  	v7 =	vmov s0  }
0x1e4: {  	vm2 =	veq.s32 v7, v0;
	v6 =	vxor.u32 $0x80000000, v6  }
0x1e5: {  	v6 =	vnsel vm2, $0x7FFFFFFF, v6  }
0x1e6: {  	(xrf0) =	vmax.scan.msk.u32 $0xffff, v6;
	_ =	sdelay $0x5  }
0x1e7: {  	v6, _, _ =	vpop (xrf0)  }
0x1e8: {  	(v2sf) =	vpush v6, $0xF;
	_ =	sdelay $0xe  }
0x1e9: {  	s31 =	spop (v2sf)  }
0x1ea: {  	s0 =	sand.u32 $0x7F, s31  }
0x1eb: {  	v6 =	vor.u32 s0, v1;
	_ =	sdelay $0x4  }
0x1ec: {  	v6 =	vld.idx.msk [tilespmem:v6+s22+$0x0], $0xffff  }
0x1ed: {  	v7 =	vor.u32 s0, v3;
	_ =	sdelay $0x1  }
0x1ee: {  	s2 =	sadd.s32 @p0 $0x80, s3  }
0x1ef: {  	s30 =	smov.u32 @p0 s2  }
0x1f0: {  	[tilespmem:s30+$0xFFFFFFE0] =	vst v6  }
0x1f1: {  	v6 =	vld.idx.msk [tilespmem:v7+s22+$0x0], $0xffff  }
0x1f2: {  	v7 =	vor.u32 s0, v4;
	_ =	sdelay $0x3  }
0x1f3: {  	[tilespmem:s30+$0xFFFFFFF0] =	vst v6  }
0x1f4: {  	v6 =	vld.idx.msk [tilespmem:v7+s22+$0x0], $0xffff  }
0x1f5: {  	v7 =	vor.u32 s0, v5;
	_ =	sdelay $0x3  }
0x1f6: {  	[tilespmem:s30+$0x0] =	vst v6  }
0x1f7: {  	v6 =	vld.idx.msk [tilespmem:v7+s22+$0x0], $0xffff;
	_ =	sdelay $0x4  }
0x1f8: {  	[tilespmem:s30+$0x10] =	vst v6  }
.LBB2_56:
0x1f9: {  	s0 =	sadd.s32 $0x6, s28  }
0x1fa: {  	p0 =	sge.s32 s0, s26  }
0x1fb: {  	s2 =	sand.u32 @!p0 $0xF, s0  }
0x1fc: {  	p1 =	slt.s32 @!p0 s0, $0x1;
	p2 =	sne.s32 @!p0 s2, $0x0  }
0x1fd: {  	s2 =	sshra.s32 @!p0 s0, $0x1F;
	p1 =	por @!p0 !p1, !p2  }
0x1fe: {  	s2 =	sshrl.u32 @!p0 s2, $0x1C;
	p1 =	por @!p0 !p1, !p1  }
0x1ff: {  	s3 =	simm.s32 @!p0 $0x1;
	s2 =	sadd.s32 @!p0 s2, s0;
	p1 =	por !p1, p0  }
0x200: {  	s2 =	sshrl.u32 @!p0 s2, $0x4;
	s3 =	simm.s32 @p1 $0x0  }
0x201: {  	s2 =	ssub.s32 @!p0 s2, s3  }
0x202: {  	s2 =	sshll.u32 @!p0 s2, $0x4  }
0x203: {  	v6 =	vld @!p0 [tilespmem:s2+$0x680];
	_ =	sdelay $0x2  }
0x204: {  	s0 =	ssub.s32 @!p0 s0, s2  }
0x205: {  	v8 =	vlaneseq.u32 @!p0;
	v7 =	vmov @!p0 s0  }
0x206: {  	vm2 =	veq.s32 @!p0 v7, v8;
	v6 =	vxor.u32 @!p0 $0x80000000, v6  }
0x207: {  	v6 =	vnsel @!p0 vm2, $0x7FFFFFFF, v6  }
0x208: {  	(xrf0) =	vmax.scan.msk.u32 @!p0 $0xffff, v6;
	_ =	sdelay $0x5  }
0x209: {  	v6, _, _ =	vpop @!p0 (xrf0)  }
0x20a: {  	(v2sf) =	vpush @!p0 v6, $0xF;
	_ =	sdelay $0xe  }
.Ltmp21:
0x20b: {  	s0 =	spop @!p0 (v2sf);
	(pc) =	sbr.rel .LBB2_66-.Ltmp21, $4  }
0x20c: {  	s0 =	sshll.u32 @!p0 s0, $0x7  }
0x20d: {  	s9 =	simm.s32 @!p0 $0x8900;
	s0 =	sand.u32 @!p0 $0x1FFFFF80, s0  }
0x20e: {  	s3 =	simm.s32 @!p0 $0x7A1400;
	s2 =	simm.s32 @!p0 $0x400;
	s0 =	sadd.s32 @!p0 s1, s0  }
0x20f: {  	[tilespmem:s9], [sflag:$0x5] =	stream.strided.gather @!p0 [hbm4b:s0+s2], $0x2000, s3, s2, $0x38;
	[tilespmem:$0x1C900] =	vst v63  }
.LBB2_18:
0x210: {  	p0 =	slt.s32 s28, $0xFFFFFFFF;
	p1 =	sne.s32 s0, $0x0  }
0x211: {  	p0 =	por !p1, !p0  }
0x212: {  	s0 =	simm.s32 $0xFFFFFFFF;
	p0 =	por !p0, !p0  }
0x213: {  	_ =	swait.ge [sflag:s15], $0x2000;
	s0 =	simm.s32 @!p0 $0x0  }
0x214: {  	[sflag:s15] =	ssyncset.done $0x0;
	s0 =	sshll.u32 s0, $0x4  }
0x215: {  	s3 =	sand.u32 $0xFFFFFFF0, s28;
	[sflag:s15] =	ssyncadd.s32 $0xFFFFE000;
	s0 =	sadd.s32 s0, s29  }
0x216: {  	v6 =	vld [tilespmem:s3+$0x400];
	s0 =	sand.u32 $0xFFFFFFF0, s0  }
0x217: {  	v7 =	vld [tilespmem:s0+$0x400];
	_ =	sdelay $0x1  }
0x218: {  	s10 =	sand.u32 $0xF, s28  }
0x219: {  	v8 =	vmov s10;
	s0 =	ssub.s32 s29, s0  }
0x21a: {  	vm2 =	veq.s32 v8, v0;
	v6 =	vxor.u32 $0x80000000, v6;
	v63 =	vmov s0  }
0x21b: {  	v6 =	vnsel vm2, $0x7FFFFFFF, v6;
	vm2 =	veq.s32 v63, v0;
	v7 =	vxor.u32 $0x80000000, v7  }
0x21c: {  	(xrf0) =	vmax.scan.msk.u32 $0xffff, v6;
	v6 =	vnsel vm2, $0x7FFFFFFF, v7  }
0x21d: {  	(xrf0) =	vmax.scan.msk.u32 $0xffff, v6;
	_ =	sdelay $0x4  }
0x21e: {  	v6, _, _ =	vpop (xrf0)  }
0x21f: {  	(v2sf) =	vpush v6, $0xF;
	v6, _, _ =	vpop (xrf0)  }
0x220: {  	(v2sf) =	vpush v6, $0xF;
	_ =	sdelay $0xd  }
0x221: {  	s0 =	spop (v2sf)  }
0x222: {  	s30 =	spop (v2sf)  }
0x223: {  	p0 =	slt.s32 s29, s26;
	s31 =	sxor.u32 $0x80000000, s30  }
0x224: {  	s10 =	sxor.u32 $0x80000000, s0;
	s31 =	simm.s32 @!p0 $0x200  }
0x225: {  	p0 =	sge.s32 s10, s31  }
.Ltmp22:
0x226: {  	_ = 	snop;
	(pc) =	sbr.rel @p0 .LBB2_26-.Ltmp22, $1  }
0x227: {  	_ =	sdelay $0x3  }
0x228: {  	s0 =	sshll.u32 s0, $0x9;
	s30 =	sand.u32 $0xF, s10;
	p0 =	slt.s32 s10, $0x1  }
0x229: {  	s3 =	sshra.s32 s0, $0x2;
	p1 =	sne.s32 s30, $0x0;
	s0 =	sadd.s32 $0x1, s10  }
0x22a: {  	p0 =	por !p0, !p1;
	p1 =	sne.s32 s31, s0  }
.Ltmp23:
0x22b: {  	s9 =	sshra.s32 s10, $0x1F;
	(pc) =	sbr.rel @!p1 .LBB2_20-.Ltmp23, $4  }
0x22c: {  	s9 =	sshrl.u32 s9, $0x1C  }
0x22d: {  	s30 =	simm.s32 $0x1;
	s9 =	sadd.s32 s9, s10;
	p0 =	por !p0, !p0  }
0x22e: {  	s9 =	sshrl.u32 s9, $0x4;
	s30 =	simm.s32 @!p0 $0x0  }
0x22f: {  	s3 =	sadd.s32 $0xC920, s3;
	p0 =	por $0x0, $0x0;
	s9 =	ssub.s32 s9, s30  }
0x230: {  	s9 =	sshll.u32 s9, $0x4  }
0x231: {  	v6 =	vld [tilespmem:s9+$0x0];
	_ =	sdelay $0x2  }
0x232: {  	s9 =	ssub.s32 s10, s9  }
0x233: {  	v7 =	vmov s9  }
0x234: {  	vm2 =	veq.s32 v7, v0;
	v6 =	vxor.u32 $0x80000000, v6  }
0x235: {  	v6 =	vnsel vm2, $0x7FFFFFFF, v6  }
0x236: {  	(xrf0) =	vmax.scan.msk.u32 $0xffff, v6;
	_ =	sdelay $0x5  }
0x237: {  	v6, _, _ =	vpop (xrf0)  }
0x238: {  	(v2sf) =	vpush v6, $0xF;
	_ =	sdelay $0xe  }
0x239: {  	s2 =	spop (v2sf)  }
0x23a: {  	s9 =	sand.u32 $0x7F, s2  }
0x23b: {  	v6 =	vor.u32 s9, v1;
	_ =	sdelay $0x4  }
0x23c: {  	v6 =	vld.idx.msk [tilespmem:v6+s13+$0x0], $0xffff  }
0x23d: {  	v7 =	vor.u32 s9, v3;
	_ =	sdelay $0x3  }
0x23e: {  	[tilespmem:s3+$0xFFFFFFE0] =	vst v6  }
0x23f: {  	v6 =	vld.idx.msk [tilespmem:v7+s13+$0x0], $0xffff  }
0x240: {  	v7 =	vor.u32 s9, v4;
	_ =	sdelay $0x3  }
0x241: {  	[tilespmem:s3+$0xFFFFFFF0] =	vst v6  }
0x242: {  	v6 =	vld.idx.msk [tilespmem:v7+s13+$0x0], $0xffff  }
0x243: {  	v7 =	vor.u32 s9, v5;
	_ =	sdelay $0x1  }
0x244: {  	s10 =	sand.u32 $0xF, s0  }
0x245: {  	p0 =	slt.s32 s0, $0x1;
	p1 =	sne.s32 s10, $0x0;
	s10 =	sadd.s32 $0x1, s0  }
0x246: {  	p0 =	por !p0, !p1;
	p1 =	sne.s32 s31, s10;
	[tilespmem:s3+$0x0] =	vst v6  }
.Ltmp24:
0x247: {  	s30 =	sshra.s32 s0, $0x1F;
	v6 =	vld.idx.msk [tilespmem:v7+s13+$0x0], $0xffff;
	(pc) =	sbr.rel @!p1 .LBB2_22-.Ltmp24, $4  }
0x248: {  	s2 =	sshrl.u32 s30, $0x1C  }
0x249: {  	p0 =	por !p0, !p0;
	s30 =	simm.s32 $0x1;
	s9 =	sadd.s32 s2, s0  }
0x24a: {  	s30 =	simm.s32 @!p0 $0x0;
	s9 =	sshrl.u32 s9, $0x4  }
0x24b: {  	p0 =	por $0x1, $0x1;
	s9 =	ssub.s32 s9, s30;
	s30 =	smov.u32 s3  }
.LBB2_23:
0x24c: {  	s9 =	sshll.u32 s9, $0x4  }
0x24d: {  	[tilespmem:s30+$0x10] =	vst v6;
	s30 =	sadd.s32 $0x80, s30;
	s2 =	smov.u32 s10;
	s10 =	sadd.s32 $0x1, s10  }
0x24e: {  	p1 =	sne.s32 s31, s10;
	v6 =	vld [tilespmem:s9+$0x0];
	s9 =	ssub.s32 s0, s9;
	s0 =	smov.u32 s2  }
0x24f: {  	v7 =	vmov s9;
	_ =	sdelay $0x3  }
0x250: {  	vm2 =	veq.s32 v7, v0;
	v6 =	vxor.u32 $0x80000000, v6  }
0x251: {  	v6 =	vnsel vm2, $0x7FFFFFFF, v6  }
0x252: {  	(xrf0) =	vmax.scan.msk.u32 $0xffff, v6;
	_ =	sdelay $0x5  }
0x253: {  	v6, _, _ =	vpop (xrf0)  }
0x254: {  	(v2sf) =	vpush v6, $0xF;
	_ =	sdelay $0xe  }
0x255: {  	s2 =	spop (v2sf)  }
0x256: {  	s2 =	sand.u32 $0x7F, s2  }
0x257: {  	v6 =	vor.u32 s2, v1;
	_ =	sdelay $0x4  }
0x258: {  	v6 =	vld.idx.msk [tilespmem:v6+s13+$0x0], $0xffff;
	_ =	sdelay $0x1  }
0x259: {  	v7 =	vor.u32 s2, v3;
	_ =	sdelay $0x3  }
0x25a: {  	[tilespmem:s30+$0xFFFFFFE0] =	vst v6  }
0x25b: {  	v6 =	vld.idx.msk [tilespmem:v7+s13+$0x0], $0xffff;
	_ =	sdelay $0x1  }
0x25c: {  	v7 =	vor.u32 s2, v4;
	_ =	sdelay $0x3  }
0x25d: {  	[tilespmem:s30+$0xFFFFFFF0] =	vst v6  }
0x25e: {  	v6 =	vld.idx.msk [tilespmem:v7+s13+$0x0], $0xffff;
	_ =	sdelay $0x1  }
0x25f: {  	v7 =	vor.u32 s2, v5;
	_ =	sdelay $0x3  }
0x260: {  	[tilespmem:s30+$0x0] =	vst v6  }
0x261: {  	s9 =	sand.u32 $0xF, s0;
	s2 =	sshra.s32 s0, $0x1F;
	v6 =	vld.idx.msk [tilespmem:v7+s13+$0x0], $0xffff  }
.Ltmp25:
0x262: {  	p2 =	slt.s32 s0, $0x1;
	p3 =	sne.s32 s9, $0x0;
	(pc) =	sbr.rel @p1 .LBB2_23-.Ltmp25, $4  }
0x263: {  	p2 =	por !p2, !p3;
	s2 =	sshrl.u32 s2, $0x1C  }
0x264: {  	s9 =	simm.s32 $0x1;
	p2 =	por !p2, !p2;
	s2 =	sadd.s32 s2, s0  }
0x265: {  	s9 =	simm.s32 @!p2 $0x0;
	s2 =	sshrl.u32 s2, $0x4  }
0x266: {  	s9 =	ssub.s32 s2, s9  }
.Ltmp26:
0x267: {  	(pc) =	sbr.rel .LBB2_25-.Ltmp26, $2  }
0x268: {  	_ =	sdelay $0x2  }
0x269: {  	s10 =	smov.u32 s0  }
.LBB2_42:
0x26a: {  	p1 =	sne.s32 s2, $0x0  }
0x26b: {  	p0 =	por !p1, !p0  }
0x26c: {  	s2 =	simm.s32 $0xFFFFFFFF;
	p0 =	por !p0, !p0  }
0x26d: {  	_ =	swait.ge [sflag:s19], $0x2000;
	s2 =	simm.s32 @!p0 $0x0  }
0x26e: {  	[sflag:s19] =	ssyncset.done $0x0;
	s2 =	sshll.u32 s2, $0x4  }
0x26f: {  	[sflag:s19] =	ssyncadd.s32 $0xFFFFE000;
	s2 =	sadd.s32 s2, s29  }
0x270: {  	v6 =	vld [tilespmem:s0+$0x400];
	s9 =	sand.u32 $0xFFFFFFF0, s2  }
0x271: {  	v7 =	vld [tilespmem:s9+$0x400];
	_ =	sdelay $0x1  }
0x272: {  	s10 =	sand.u32 $0xF, s28  }
0x273: {  	v8 =	vmov s10;
	s0 =	ssub.s32 s29, s9  }
0x274: {  	vm2 =	veq.s32 v8, v0;
	v6 =	vxor.u32 $0x80000000, v6;
	v63 =	vmov s0  }
0x275: {  	v6 =	vnsel vm2, $0x7FFFFFFF, v6;
	vm2 =	veq.s32 v63, v0;
	v7 =	vxor.u32 $0x80000000, v7  }
0x276: {  	(xrf0) =	vmax.scan.msk.u32 $0xffff, v6;
	v6 =	vnsel vm2, $0x7FFFFFFF, v7  }
0x277: {  	(xrf0) =	vmax.scan.msk.u32 $0xffff, v6;
	_ =	sdelay $0x4  }
0x278: {  	v6, _, _ =	vpop (xrf0)  }
0x279: {  	(v2sf) =	vpush v6, $0xF;
	v6, _, _ =	vpop (xrf0)  }
0x27a: {  	(v2sf) =	vpush v6, $0xF;
	_ =	sdelay $0xd  }
0x27b: {  	s0 =	spop (v2sf)  }
0x27c: {  	s30 =	spop (v2sf)  }
0x27d: {  	p0 =	slt.s32 s29, s26;
	s31 =	sxor.u32 $0x80000000, s30  }
0x27e: {  	s10 =	sxor.u32 $0x80000000, s0;
	s31 =	simm.s32 @!p0 $0x200  }
0x27f: {  	p0 =	sge.s32 s10, s31  }
.Ltmp27:
0x280: {  	_ = 	snop;
	(pc) =	sbr.rel @p0 .LBB2_50-.Ltmp27, $1  }
0x281: {  	_ =	sdelay $0x3  }
0x282: {  	s0 =	sshll.u32 s0, $0x9;
	s9 =	sand.u32 $0xF, s10;
	p0 =	slt.s32 s10, $0x1  }
0x283: {  	s2 =	sshra.s32 s0, $0x2;
	p1 =	sne.s32 s9, $0x0;
	s0 =	sadd.s32 $0x1, s10  }
0x284: {  	p0 =	por !p0, !p1;
	p1 =	sne.s32 s31, s0  }
.Ltmp28:
0x285: {  	s3 =	sshra.s32 s10, $0x1F;
	(pc) =	sbr.rel @!p1 .LBB2_44-.Ltmp28, $4  }
0x286: {  	s3 =	sshrl.u32 s3, $0x1C  }
0x287: {  	s9 =	simm.s32 $0x1;
	s3 =	sadd.s32 s3, s10;
	p0 =	por !p0, !p0  }
0x288: {  	s3 =	sshrl.u32 s3, $0x4;
	s9 =	simm.s32 @!p0 $0x0  }
0x289: {  	s30 =	sadd.s32 $0xC920, s2;
	p0 =	por $0x0, $0x0;
	s9 =	ssub.s32 s3, s9  }
0x28a: {  	s2 =	sshll.u32 s9, $0x4  }
0x28b: {  	v6 =	vld [tilespmem:s2+$0x0];
	_ =	sdelay $0x2  }
0x28c: {  	s2 =	ssub.s32 s10, s2  }
0x28d: {  	v7 =	vmov s2  }
0x28e: {  	vm2 =	veq.s32 v7, v0;
	v6 =	vxor.u32 $0x80000000, v6  }
0x28f: {  	v6 =	vnsel vm2, $0x7FFFFFFF, v6  }
0x290: {  	(xrf0) =	vmax.scan.msk.u32 $0xffff, v6;
	_ =	sdelay $0x5  }
0x291: {  	v6, _, _ =	vpop (xrf0)  }
0x292: {  	(v2sf) =	vpush v6, $0xF;
	_ =	sdelay $0xe  }
0x293: {  	s9 =	spop (v2sf)  }
0x294: {  	s2 =	sand.u32 $0x7F, s9  }
0x295: {  	v6 =	vor.u32 s2, v1;
	_ =	sdelay $0x4  }
0x296: {  	v6 =	vld.idx.msk [tilespmem:v6+s20+$0x0], $0xffff  }
0x297: {  	v7 =	vor.u32 s2, v3;
	_ =	sdelay $0x3  }
0x298: {  	[tilespmem:s30+$0xFFFFFFE0] =	vst v6  }
0x299: {  	v6 =	vld.idx.msk [tilespmem:v7+s20+$0x0], $0xffff  }
0x29a: {  	v7 =	vor.u32 s2, v4;
	_ =	sdelay $0x3  }
0x29b: {  	[tilespmem:s30+$0xFFFFFFF0] =	vst v6  }
0x29c: {  	v6 =	vld.idx.msk [tilespmem:v7+s20+$0x0], $0xffff  }
0x29d: {  	v7 =	vor.u32 s2, v5  }
0x29e: {  	s10 =	sand.u32 $0xF, s0  }
0x29f: {  	p0 =	slt.s32 s0, $0x1;
	p1 =	sne.s32 s10, $0x0;
	s10 =	sadd.s32 $0x1, s0  }
0x2a0: {  	p0 =	por !p0, !p1;
	p1 =	sne.s32 s31, s10  }
.Ltmp29:
0x2a1: {  	s3 =	sshra.s32 s0, $0x1F;
	[tilespmem:s30+$0x0] =	vst v6;
	(pc) =	sbr.rel @!p1 .LBB2_46-.Ltmp29, $4  }
0x2a2: {  	s9 =	sshrl.u32 s3, $0x1C;
	v6 =	vld.idx.msk [tilespmem:v7+s20+$0x0], $0xffff  }
0x2a3: {  	p0 =	por !p0, !p0;
	s3 =	simm.s32 $0x1;
	s2 =	sadd.s32 s9, s0  }
0x2a4: {  	s3 =	simm.s32 @!p0 $0x0;
	s2 =	sshrl.u32 s2, $0x4  }
0x2a5: {  	p0 =	por $0x1, $0x1;
	s9 =	ssub.s32 s2, s3;
	s3 =	smov.u32 s30  }
.LBB2_47:
0x2a6: {  	s2 =	sshll.u32 s9, $0x4  }
0x2a7: {  	[tilespmem:s3+$0x10] =	vst v6;
	s3 =	sadd.s32 $0x80, s3;
	s9 =	smov.u32 s10;
	s10 =	sadd.s32 $0x1, s10  }
0x2a8: {  	p1 =	sne.s32 s31, s10;
	v6 =	vld [tilespmem:s2+$0x0];
	s2 =	ssub.s32 s0, s2;
	s0 =	smov.u32 s9  }
0x2a9: {  	v7 =	vmov s2;
	_ =	sdelay $0x3  }
0x2aa: {  	vm2 =	veq.s32 v7, v0;
	v6 =	vxor.u32 $0x80000000, v6  }
0x2ab: {  	v6 =	vnsel vm2, $0x7FFFFFFF, v6  }
0x2ac: {  	(xrf0) =	vmax.scan.msk.u32 $0xffff, v6;
	_ =	sdelay $0x5  }
0x2ad: {  	v6, _, _ =	vpop (xrf0)  }
0x2ae: {  	(v2sf) =	vpush v6, $0xF;
	_ =	sdelay $0xe  }
0x2af: {  	s2 =	spop (v2sf)  }
0x2b0: {  	s2 =	sand.u32 $0x7F, s2  }
0x2b1: {  	v6 =	vor.u32 s2, v1;
	_ =	sdelay $0x4  }
0x2b2: {  	v6 =	vld.idx.msk [tilespmem:v6+s20+$0x0], $0xffff;
	_ =	sdelay $0x1  }
0x2b3: {  	v7 =	vor.u32 s2, v3;
	_ =	sdelay $0x3  }
0x2b4: {  	[tilespmem:s3+$0xFFFFFFE0] =	vst v6  }
0x2b5: {  	v6 =	vld.idx.msk [tilespmem:v7+s20+$0x0], $0xffff;
	_ =	sdelay $0x1  }
0x2b6: {  	v7 =	vor.u32 s2, v4;
	_ =	sdelay $0x3  }
0x2b7: {  	[tilespmem:s3+$0xFFFFFFF0] =	vst v6  }
0x2b8: {  	v6 =	vld.idx.msk [tilespmem:v7+s20+$0x0], $0xffff;
	_ =	sdelay $0x1  }
0x2b9: {  	v7 =	vor.u32 s2, v5;
	_ =	sdelay $0x3  }
0x2ba: {  	[tilespmem:s3+$0x0] =	vst v6  }
0x2bb: {  	s9 =	sand.u32 $0xF, s0;
	s2 =	sshra.s32 s0, $0x1F;
	v6 =	vld.idx.msk [tilespmem:v7+s20+$0x0], $0xffff  }
.Ltmp30:
0x2bc: {  	p2 =	slt.s32 s0, $0x1;
	p3 =	sne.s32 s9, $0x0;
	(pc) =	sbr.rel @p1 .LBB2_47-.Ltmp30, $4  }
0x2bd: {  	p2 =	por !p2, !p3;
	s2 =	sshrl.u32 s2, $0x1C  }
0x2be: {  	s9 =	simm.s32 $0x1;
	p2 =	por !p2, !p2;
	s2 =	sadd.s32 s2, s0  }
0x2bf: {  	s9 =	simm.s32 @!p2 $0x0;
	s2 =	sshrl.u32 s2, $0x4  }
0x2c0: {  	s9 =	ssub.s32 s2, s9  }
0x2c1: {  	s10 =	smov.u32 s0  }
.LBB2_49:
0x2c2: {  	s0 =	sshll.u32 s9, $0x4;
	[tilespmem:s3+$0x10] =	vst @p0 v6  }
0x2c3: {  	v6 =	vld [tilespmem:s0+$0x0];
	_ =	sdelay $0x2  }
0x2c4: {  	s0 =	ssub.s32 s10, s0  }
0x2c5: {  	v7 =	vmov s0  }
0x2c6: {  	vm2 =	veq.s32 v7, v0;
	v6 =	vxor.u32 $0x80000000, v6  }
0x2c7: {  	v6 =	vnsel vm2, $0x7FFFFFFF, v6  }
0x2c8: {  	(xrf0) =	vmax.scan.msk.u32 $0xffff, v6;
	_ =	sdelay $0x5  }
0x2c9: {  	v6, _, _ =	vpop (xrf0)  }
0x2ca: {  	(v2sf) =	vpush v6, $0xF;
	_ =	sdelay $0xe  }
0x2cb: {  	s31 =	spop (v2sf)  }
0x2cc: {  	s0 =	sand.u32 $0x7F, s31  }
0x2cd: {  	v6 =	vor.u32 s0, v1;
	_ =	sdelay $0x4  }
0x2ce: {  	v6 =	vld.idx.msk [tilespmem:v6+s20+$0x0], $0xffff  }
0x2cf: {  	v7 =	vor.u32 s0, v3;
	_ =	sdelay $0x1  }
0x2d0: {  	s2 =	sadd.s32 @p0 $0x80, s3  }
0x2d1: {  	s30 =	smov.u32 @p0 s2  }
0x2d2: {  	[tilespmem:s30+$0xFFFFFFE0] =	vst v6  }
0x2d3: {  	v6 =	vld.idx.msk [tilespmem:v7+s20+$0x0], $0xffff  }
0x2d4: {  	v7 =	vor.u32 s0, v4;
	_ =	sdelay $0x3  }
0x2d5: {  	[tilespmem:s30+$0xFFFFFFF0] =	vst v6  }
0x2d6: {  	v6 =	vld.idx.msk [tilespmem:v7+s20+$0x0], $0xffff  }
0x2d7: {  	v7 =	vor.u32 s0, v5;
	_ =	sdelay $0x3  }
0x2d8: {  	[tilespmem:s30+$0x0] =	vst v6  }
0x2d9: {  	v6 =	vld.idx.msk [tilespmem:v7+s20+$0x0], $0xffff;
	_ =	sdelay $0x4  }
0x2da: {  	[tilespmem:s30+$0x10] =	vst v6  }
.LBB2_50:
0x2db: {  	s0 =	sadd.s32 $0x6, s28  }
0x2dc: {  	p0 =	sge.s32 s0, s26  }
0x2dd: {  	s2 =	sand.u32 @!p0 $0xF, s0  }
0x2de: {  	p1 =	slt.s32 @!p0 s0, $0x1;
	p2 =	sne.s32 @!p0 s2, $0x0  }
0x2df: {  	s2 =	sshra.s32 @!p0 s0, $0x1F;
	p1 =	por @!p0 !p1, !p2  }
0x2e0: {  	s2 =	sshrl.u32 @!p0 s2, $0x1C;
	p1 =	por @!p0 !p1, !p1  }
0x2e1: {  	s3 =	simm.s32 @!p0 $0x1;
	s2 =	sadd.s32 @!p0 s2, s0;
	p1 =	por !p1, p0  }
0x2e2: {  	s2 =	sshrl.u32 @!p0 s2, $0x4;
	s3 =	simm.s32 @p1 $0x0  }
0x2e3: {  	s2 =	ssub.s32 @!p0 s2, s3  }
0x2e4: {  	s2 =	sshll.u32 @!p0 s2, $0x4  }
0x2e5: {  	v6 =	vld @!p0 [tilespmem:s2+$0x680];
	_ =	sdelay $0x2  }
0x2e6: {  	s0 =	ssub.s32 @!p0 s0, s2  }
0x2e7: {  	v8 =	vlaneseq.u32 @!p0;
	v7 =	vmov @!p0 s0  }
0x2e8: {  	vm2 =	veq.s32 @!p0 v7, v8;
	v6 =	vxor.u32 @!p0 $0x80000000, v6  }
0x2e9: {  	v6 =	vnsel @!p0 vm2, $0x7FFFFFFF, v6  }
0x2ea: {  	(xrf0) =	vmax.scan.msk.u32 @!p0 $0xffff, v6;
	_ =	sdelay $0x5  }
0x2eb: {  	v6, _, _ =	vpop @!p0 (xrf0)  }
0x2ec: {  	(v2sf) =	vpush @!p0 v6, $0xF;
	_ =	sdelay $0xe  }
.Ltmp31:
0x2ed: {  	s0 =	spop @!p0 (v2sf);
	(pc) =	sbr.rel .LBB2_66-.Ltmp31, $4  }
0x2ee: {  	s0 =	sshll.u32 @!p0 s0, $0x7  }
0x2ef: {  	s9 =	simm.s32 @!p0 $0x6900;
	s0 =	sand.u32 @!p0 $0x1FFFFF80, s0  }
0x2f0: {  	s3 =	simm.s32 @!p0 $0x7A1400;
	s2 =	simm.s32 @!p0 $0x400;
	s0 =	sadd.s32 @!p0 s1, s0  }
0x2f1: {  	[tilespmem:s9], [sflag:$0x4] =	stream.strided.gather @!p0 [hbm4b:s0+s2], $0x2000, s3, s2, $0x38;
	[tilespmem:$0x1C900] =	vst v63  }
.LBB2_33:
0x2f2: {  	p0 =	slt.s32 s28, $0xFFFFFFFF;
	p1 =	sne.s32 s0, $0x0  }
0x2f3: {  	p0 =	por !p1, !p0  }
0x2f4: {  	s0 =	simm.s32 $0xFFFFFFFF;
	p0 =	por !p0, !p0  }
0x2f5: {  	_ =	swait.ge [sflag:s18], $0x2000;
	s0 =	simm.s32 @!p0 $0x0  }
0x2f6: {  	[sflag:s18] =	ssyncset.done $0x0;
	s0 =	sshll.u32 s0, $0x4  }
0x2f7: {  	s2 =	sand.u32 $0xFFFFFFF0, s28;
	[sflag:s18] =	ssyncadd.s32 $0xFFFFE000;
	s0 =	sadd.s32 s0, s29  }
0x2f8: {  	v6 =	vld [tilespmem:s2+$0x400];
	s0 =	sand.u32 $0xFFFFFFF0, s0  }
0x2f9: {  	v7 =	vld [tilespmem:s0+$0x400];
	_ =	sdelay $0x1  }
0x2fa: {  	s10 =	sand.u32 $0xF, s28  }
0x2fb: {  	v8 =	vmov s10;
	s0 =	ssub.s32 s29, s0  }
0x2fc: {  	vm2 =	veq.s32 v8, v0;
	v6 =	vxor.u32 $0x80000000, v6;
	v63 =	vmov s0  }
0x2fd: {  	v6 =	vnsel vm2, $0x7FFFFFFF, v6;
	vm2 =	veq.s32 v63, v0;
	v7 =	vxor.u32 $0x80000000, v7  }
0x2fe: {  	(xrf0) =	vmax.scan.msk.u32 $0xffff, v6;
	v6 =	vnsel vm2, $0x7FFFFFFF, v7  }
0x2ff: {  	(xrf0) =	vmax.scan.msk.u32 $0xffff, v6;
	_ =	sdelay $0x4  }
0x300: {  	v6, _, _ =	vpop (xrf0)  }
0x301: {  	(v2sf) =	vpush v6, $0xF;
	v6, _, _ =	vpop (xrf0)  }
0x302: {  	(v2sf) =	vpush v6, $0xF;
	_ =	sdelay $0xd  }
0x303: {  	s0 =	spop (v2sf)  }
0x304: {  	s30 =	spop (v2sf)  }
0x305: {  	p0 =	slt.s32 s29, s26;
	s31 =	sxor.u32 $0x80000000, s30  }
0x306: {  	s10 =	sxor.u32 $0x80000000, s0;
	s31 =	simm.s32 @!p0 $0x200  }
0x307: {  	p0 =	sge.s32 s10, s31  }
.Ltmp32:
0x308: {  	_ = 	snop;
	(pc) =	sbr.rel @p0 .LBB2_41-.Ltmp32, $1  }
0x309: {  	_ =	sdelay $0x3  }
0x30a: {  	s0 =	sshll.u32 s0, $0x9;
	s9 =	sand.u32 $0xF, s10;
	p0 =	slt.s32 s10, $0x1  }
0x30b: {  	s2 =	sshra.s32 s0, $0x2;
	p1 =	sne.s32 s9, $0x0;
	s0 =	sadd.s32 $0x1, s10  }
0x30c: {  	p0 =	por !p0, !p1;
	p1 =	sne.s32 s31, s0  }
.Ltmp33:
0x30d: {  	s3 =	sshra.s32 s10, $0x1F;
	(pc) =	sbr.rel @!p1 .LBB2_35-.Ltmp33, $4  }
0x30e: {  	s3 =	sshrl.u32 s3, $0x1C  }
0x30f: {  	s9 =	simm.s32 $0x1;
	s3 =	sadd.s32 s3, s10;
	p0 =	por !p0, !p0  }
0x310: {  	s3 =	sshrl.u32 s3, $0x4;
	s9 =	simm.s32 @!p0 $0x0  }
0x311: {  	s30 =	sadd.s32 $0xC920, s2;
	p0 =	por $0x0, $0x0;
	s9 =	ssub.s32 s3, s9  }
0x312: {  	s2 =	sshll.u32 s9, $0x4  }
0x313: {  	v6 =	vld [tilespmem:s2+$0x0];
	_ =	sdelay $0x2  }
0x314: {  	s2 =	ssub.s32 s10, s2  }
0x315: {  	v7 =	vmov s2  }
0x316: {  	vm2 =	veq.s32 v7, v0;
	v6 =	vxor.u32 $0x80000000, v6  }
0x317: {  	v6 =	vnsel vm2, $0x7FFFFFFF, v6  }
0x318: {  	(xrf0) =	vmax.scan.msk.u32 $0xffff, v6;
	_ =	sdelay $0x5  }
0x319: {  	v6, _, _ =	vpop (xrf0)  }
0x31a: {  	(v2sf) =	vpush v6, $0xF;
	_ =	sdelay $0xe  }
0x31b: {  	s9 =	spop (v2sf)  }
0x31c: {  	s2 =	sand.u32 $0x7F, s9  }
0x31d: {  	v6 =	vor.u32 s2, v1;
	_ =	sdelay $0x4  }
0x31e: {  	v6 =	vld.idx.msk [tilespmem:v6+s14+$0x0], $0xffff  }
0x31f: {  	v7 =	vor.u32 s2, v3;
	_ =	sdelay $0x3  }
0x320: {  	[tilespmem:s30+$0xFFFFFFE0] =	vst v6  }
0x321: {  	v6 =	vld.idx.msk [tilespmem:v7+s14+$0x0], $0xffff  }
0x322: {  	v7 =	vor.u32 s2, v4;
	_ =	sdelay $0x3  }
0x323: {  	[tilespmem:s30+$0xFFFFFFF0] =	vst v6  }
0x324: {  	v6 =	vld.idx.msk [tilespmem:v7+s14+$0x0], $0xffff  }
0x325: {  	v7 =	vor.u32 s2, v5  }
0x326: {  	s10 =	sand.u32 $0xF, s0  }
0x327: {  	p0 =	slt.s32 s0, $0x1;
	p1 =	sne.s32 s10, $0x0;
	s10 =	sadd.s32 $0x1, s0  }
0x328: {  	p0 =	por !p0, !p1;
	p1 =	sne.s32 s31, s10  }
.Ltmp34:
0x329: {  	s3 =	sshra.s32 s0, $0x1F;
	[tilespmem:s30+$0x0] =	vst v6;
	(pc) =	sbr.rel @!p1 .LBB2_37-.Ltmp34, $4  }
0x32a: {  	s9 =	sshrl.u32 s3, $0x1C;
	v6 =	vld.idx.msk [tilespmem:v7+s14+$0x0], $0xffff  }
0x32b: {  	p0 =	por !p0, !p0;
	s3 =	simm.s32 $0x1;
	s2 =	sadd.s32 s9, s0  }
0x32c: {  	s3 =	simm.s32 @!p0 $0x0;
	s2 =	sshrl.u32 s2, $0x4  }
0x32d: {  	p0 =	por $0x1, $0x1;
	s9 =	ssub.s32 s2, s3;
	s3 =	smov.u32 s30  }
.LBB2_38:
0x32e: {  	s2 =	sshll.u32 s9, $0x4  }
0x32f: {  	[tilespmem:s3+$0x10] =	vst v6;
	s3 =	sadd.s32 $0x80, s3;
	s9 =	smov.u32 s10;
	s10 =	sadd.s32 $0x1, s10  }
0x330: {  	p1 =	sne.s32 s31, s10;
	v6 =	vld [tilespmem:s2+$0x0];
	s2 =	ssub.s32 s0, s2;
	s0 =	smov.u32 s9  }
0x331: {  	v7 =	vmov s2;
	_ =	sdelay $0x3  }
0x332: {  	vm2 =	veq.s32 v7, v0;
	v6 =	vxor.u32 $0x80000000, v6  }
0x333: {  	v6 =	vnsel vm2, $0x7FFFFFFF, v6  }
0x334: {  	(xrf0) =	vmax.scan.msk.u32 $0xffff, v6;
	_ =	sdelay $0x5  }
0x335: {  	v6, _, _ =	vpop (xrf0)  }
0x336: {  	(v2sf) =	vpush v6, $0xF;
	_ =	sdelay $0xe  }
0x337: {  	s2 =	spop (v2sf)  }
0x338: {  	s2 =	sand.u32 $0x7F, s2  }
0x339: {  	v6 =	vor.u32 s2, v1;
	_ =	sdelay $0x4  }
0x33a: {  	v6 =	vld.idx.msk [tilespmem:v6+s14+$0x0], $0xffff;
	_ =	sdelay $0x1  }
0x33b: {  	v7 =	vor.u32 s2, v3;
	_ =	sdelay $0x3  }
0x33c: {  	[tilespmem:s3+$0xFFFFFFE0] =	vst v6  }
0x33d: {  	v6 =	vld.idx.msk [tilespmem:v7+s14+$0x0], $0xffff;
	_ =	sdelay $0x1  }
0x33e: {  	v7 =	vor.u32 s2, v4;
	_ =	sdelay $0x3  }
0x33f: {  	[tilespmem:s3+$0xFFFFFFF0] =	vst v6  }
0x340: {  	v6 =	vld.idx.msk [tilespmem:v7+s14+$0x0], $0xffff;
	_ =	sdelay $0x1  }
0x341: {  	v7 =	vor.u32 s2, v5;
	_ =	sdelay $0x3  }
0x342: {  	[tilespmem:s3+$0x0] =	vst v6  }
0x343: {  	s9 =	sand.u32 $0xF, s0;
	s2 =	sshra.s32 s0, $0x1F;
	v6 =	vld.idx.msk [tilespmem:v7+s14+$0x0], $0xffff  }
.Ltmp35:
0x344: {  	p2 =	slt.s32 s0, $0x1;
	p3 =	sne.s32 s9, $0x0;
	(pc) =	sbr.rel @p1 .LBB2_38-.Ltmp35, $4  }
0x345: {  	p2 =	por !p2, !p3;
	s2 =	sshrl.u32 s2, $0x1C  }
0x346: {  	s9 =	simm.s32 $0x1;
	p2 =	por !p2, !p2;
	s2 =	sadd.s32 s2, s0  }
0x347: {  	s9 =	simm.s32 @!p2 $0x0;
	s2 =	sshrl.u32 s2, $0x4  }
0x348: {  	s9 =	ssub.s32 s2, s9  }
0x349: {  	s10 =	smov.u32 s0  }
.LBB2_40:
0x34a: {  	s0 =	sshll.u32 s9, $0x4;
	[tilespmem:s3+$0x10] =	vst @p0 v6  }
0x34b: {  	v6 =	vld [tilespmem:s0+$0x0];
	_ =	sdelay $0x2  }
0x34c: {  	s0 =	ssub.s32 s10, s0  }
0x34d: {  	v7 =	vmov s0  }
0x34e: {  	vm2 =	veq.s32 v7, v0;
	v6 =	vxor.u32 $0x80000000, v6  }
0x34f: {  	v6 =	vnsel vm2, $0x7FFFFFFF, v6  }
0x350: {  	(xrf0) =	vmax.scan.msk.u32 $0xffff, v6;
	_ =	sdelay $0x5  }
0x351: {  	v6, _, _ =	vpop (xrf0)  }
0x352: {  	(v2sf) =	vpush v6, $0xF;
	_ =	sdelay $0xe  }
0x353: {  	s31 =	spop (v2sf)  }
0x354: {  	s0 =	sand.u32 $0x7F, s31  }
0x355: {  	v6 =	vor.u32 s0, v1;
	_ =	sdelay $0x4  }
0x356: {  	v6 =	vld.idx.msk [tilespmem:v6+s14+$0x0], $0xffff  }
0x357: {  	v7 =	vor.u32 s0, v3;
	_ =	sdelay $0x1  }
0x358: {  	s2 =	sadd.s32 @p0 $0x80, s3  }
0x359: {  	s30 =	smov.u32 @p0 s2  }
0x35a: {  	[tilespmem:s30+$0xFFFFFFE0] =	vst v6  }
0x35b: {  	v6 =	vld.idx.msk [tilespmem:v7+s14+$0x0], $0xffff  }
0x35c: {  	v7 =	vor.u32 s0, v4;
	_ =	sdelay $0x3  }
0x35d: {  	[tilespmem:s30+$0xFFFFFFF0] =	vst v6  }
0x35e: {  	v6 =	vld.idx.msk [tilespmem:v7+s14+$0x0], $0xffff  }
0x35f: {  	v7 =	vor.u32 s0, v5;
	_ =	sdelay $0x3  }
0x360: {  	[tilespmem:s30+$0x0] =	vst v6  }
0x361: {  	v6 =	vld.idx.msk [tilespmem:v7+s14+$0x0], $0xffff;
	_ =	sdelay $0x4  }
0x362: {  	[tilespmem:s30+$0x10] =	vst v6  }
.LBB2_41:
0x363: {  	s0 =	sadd.s32 $0x6, s28  }
0x364: {  	p0 =	sge.s32 s0, s26  }
0x365: {  	s2 =	sand.u32 @!p0 $0xF, s0  }
0x366: {  	p1 =	slt.s32 @!p0 s0, $0x1;
	p2 =	sne.s32 @!p0 s2, $0x0  }
0x367: {  	s2 =	sshra.s32 @!p0 s0, $0x1F;
	p1 =	por @!p0 !p1, !p2  }
0x368: {  	s2 =	sshrl.u32 @!p0 s2, $0x1C;
	p1 =	por @!p0 !p1, !p1  }
0x369: {  	s3 =	simm.s32 @!p0 $0x1;
	s2 =	sadd.s32 @!p0 s2, s0;
	p1 =	por !p1, p0  }
0x36a: {  	s2 =	sshrl.u32 @!p0 s2, $0x4;
	s3 =	simm.s32 @p1 $0x0  }
0x36b: {  	s2 =	ssub.s32 @!p0 s2, s3  }
0x36c: {  	s2 =	sshll.u32 @!p0 s2, $0x4  }
0x36d: {  	v6 =	vld @!p0 [tilespmem:s2+$0x680];
	_ =	sdelay $0x2  }
0x36e: {  	s0 =	ssub.s32 @!p0 s0, s2  }
0x36f: {  	v8 =	vlaneseq.u32 @!p0;
	v7 =	vmov @!p0 s0  }
0x370: {  	vm2 =	veq.s32 @!p0 v7, v8;
	v6 =	vxor.u32 @!p0 $0x80000000, v6  }
0x371: {  	v6 =	vnsel @!p0 vm2, $0x7FFFFFFF, v6  }
0x372: {  	(xrf0) =	vmax.scan.msk.u32 @!p0 $0xffff, v6;
	_ =	sdelay $0x5  }
0x373: {  	v6, _, _ =	vpop @!p0 (xrf0)  }
0x374: {  	(v2sf) =	vpush @!p0 v6, $0xF;
	_ =	sdelay $0xe  }
.Ltmp36:
0x375: {  	s0 =	spop @!p0 (v2sf);
	(pc) =	sbr.rel .LBB2_66-.Ltmp36, $4  }
0x376: {  	s0 =	sshll.u32 @!p0 s0, $0x7  }
0x377: {  	s9 =	simm.s32 @!p0 $0x4900;
	s0 =	sand.u32 @!p0 $0x1FFFFF80, s0  }
0x378: {  	s3 =	simm.s32 @!p0 $0x7A1400;
	s2 =	simm.s32 @!p0 $0x400;
	s0 =	sadd.s32 @!p0 s1, s0  }
0x379: {  	[tilespmem:s9], [sflag:$0x3] =	stream.strided.gather @!p0 [hbm4b:s0+s2], $0x2000, s3, s2, $0x38;
	[tilespmem:$0x1C900] =	vst v63  }
.LBB2_57:
0x37a: {  	p1 =	sne.s32 s2, $0x0  }
0x37b: {  	p0 =	por !p1, !p0  }
0x37c: {  	s2 =	simm.s32 $0xFFFFFFFF;
	p0 =	por !p0, !p0  }
0x37d: {  	_ =	swait.ge [sflag:s23], $0x2000;
	s2 =	simm.s32 @!p0 $0x0  }
0x37e: {  	[sflag:s23] =	ssyncset.done $0x0;
	s2 =	sshll.u32 s2, $0x4  }
0x37f: {  	[sflag:s23] =	ssyncadd.s32 $0xFFFFE000;
	s2 =	sadd.s32 s2, s29  }
0x380: {  	v6 =	vld [tilespmem:s0+$0x400];
	s9 =	sand.u32 $0xFFFFFFF0, s2  }
0x381: {  	v7 =	vld [tilespmem:s9+$0x400];
	_ =	sdelay $0x1  }
0x382: {  	s10 =	sand.u32 $0xF, s28  }
0x383: {  	v8 =	vmov s10;
	s0 =	ssub.s32 s29, s9  }
0x384: {  	vm2 =	veq.s32 v8, v0;
	v6 =	vxor.u32 $0x80000000, v6;
	v63 =	vmov s0  }
0x385: {  	v6 =	vnsel vm2, $0x7FFFFFFF, v6;
	vm2 =	veq.s32 v63, v0;
	v7 =	vxor.u32 $0x80000000, v7  }
0x386: {  	(xrf0) =	vmax.scan.msk.u32 $0xffff, v6;
	v6 =	vnsel vm2, $0x7FFFFFFF, v7  }
0x387: {  	(xrf0) =	vmax.scan.msk.u32 $0xffff, v6;
	_ =	sdelay $0x4  }
0x388: {  	v6, _, _ =	vpop (xrf0)  }
0x389: {  	(v2sf) =	vpush v6, $0xF;
	v6, _, _ =	vpop (xrf0)  }
0x38a: {  	(v2sf) =	vpush v6, $0xF;
	_ =	sdelay $0xd  }
0x38b: {  	s0 =	spop (v2sf)  }
0x38c: {  	s30 =	spop (v2sf)  }
0x38d: {  	p0 =	slt.s32 s29, s26;
	s31 =	sxor.u32 $0x80000000, s30  }
0x38e: {  	s10 =	sxor.u32 $0x80000000, s0;
	s31 =	simm.s32 @!p0 $0x200  }
0x38f: {  	p0 =	sge.s32 s10, s31  }
.Ltmp37:
0x390: {  	_ = 	snop;
	(pc) =	sbr.rel @p0 .LBB2_65-.Ltmp37, $1  }
0x391: {  	_ =	sdelay $0x3  }
0x392: {  	s0 =	sshll.u32 s0, $0x9;
	s9 =	sand.u32 $0xF, s10;
	p0 =	slt.s32 s10, $0x1  }
0x393: {  	s2 =	sshra.s32 s0, $0x2;
	p1 =	sne.s32 s9, $0x0;
	s0 =	sadd.s32 $0x1, s10  }
0x394: {  	p0 =	por !p0, !p1;
	p1 =	sne.s32 s31, s0  }
.Ltmp38:
0x395: {  	s3 =	sshra.s32 s10, $0x1F;
	(pc) =	sbr.rel @!p1 .LBB2_59-.Ltmp38, $4  }
0x396: {  	s3 =	sshrl.u32 s3, $0x1C  }
0x397: {  	s9 =	simm.s32 $0x1;
	s3 =	sadd.s32 s3, s10;
	p0 =	por !p0, !p0  }
0x398: {  	s3 =	sshrl.u32 s3, $0x4;
	s9 =	simm.s32 @!p0 $0x0  }
0x399: {  	s30 =	sadd.s32 $0xC920, s2;
	p0 =	por $0x0, $0x0;
	s9 =	ssub.s32 s3, s9  }
0x39a: {  	s2 =	sshll.u32 s9, $0x4  }
0x39b: {  	v6 =	vld [tilespmem:s2+$0x0];
	_ =	sdelay $0x2  }
0x39c: {  	s2 =	ssub.s32 s10, s2  }
0x39d: {  	v7 =	vmov s2  }
0x39e: {  	vm2 =	veq.s32 v7, v0;
	v6 =	vxor.u32 $0x80000000, v6  }
0x39f: {  	v6 =	vnsel vm2, $0x7FFFFFFF, v6  }
0x3a0: {  	(xrf0) =	vmax.scan.msk.u32 $0xffff, v6;
	_ =	sdelay $0x5  }
0x3a1: {  	v6, _, _ =	vpop (xrf0)  }
0x3a2: {  	(v2sf) =	vpush v6, $0xF;
	_ =	sdelay $0xe  }
0x3a3: {  	s9 =	spop (v2sf)  }
0x3a4: {  	s2 =	sand.u32 $0x7F, s9  }
0x3a5: {  	v6 =	vor.u32 s2, v1;
	_ =	sdelay $0x4  }
0x3a6: {  	v6 =	vld.idx.msk [tilespmem:v6+s24+$0x0], $0xffff  }
0x3a7: {  	v7 =	vor.u32 s2, v3;
	_ =	sdelay $0x3  }
0x3a8: {  	[tilespmem:s30+$0xFFFFFFE0] =	vst v6  }
0x3a9: {  	v6 =	vld.idx.msk [tilespmem:v7+s24+$0x0], $0xffff  }
0x3aa: {  	v7 =	vor.u32 s2, v4;
	_ =	sdelay $0x3  }
0x3ab: {  	[tilespmem:s30+$0xFFFFFFF0] =	vst v6  }
0x3ac: {  	v6 =	vld.idx.msk [tilespmem:v7+s24+$0x0], $0xffff  }
0x3ad: {  	v7 =	vor.u32 s2, v5  }
0x3ae: {  	s10 =	sand.u32 $0xF, s0  }
0x3af: {  	p0 =	slt.s32 s0, $0x1;
	p1 =	sne.s32 s10, $0x0;
	s10 =	sadd.s32 $0x1, s0  }
0x3b0: {  	p0 =	por !p0, !p1;
	p1 =	sne.s32 s31, s10  }
.Ltmp39:
0x3b1: {  	s3 =	sshra.s32 s0, $0x1F;
	[tilespmem:s30+$0x0] =	vst v6;
	(pc) =	sbr.rel @!p1 .LBB2_61-.Ltmp39, $4  }
0x3b2: {  	s9 =	sshrl.u32 s3, $0x1C;
	v6 =	vld.idx.msk [tilespmem:v7+s24+$0x0], $0xffff  }
0x3b3: {  	p0 =	por !p0, !p0;
	s3 =	simm.s32 $0x1;
	s2 =	sadd.s32 s9, s0  }
0x3b4: {  	s3 =	simm.s32 @!p0 $0x0;
	s2 =	sshrl.u32 s2, $0x4  }
0x3b5: {  	p0 =	por $0x1, $0x1;
	s9 =	ssub.s32 s2, s3;
	s3 =	smov.u32 s30  }
.LBB2_62:
0x3b6: {  	s2 =	sshll.u32 s9, $0x4  }
0x3b7: {  	[tilespmem:s3+$0x10] =	vst v6;
	s3 =	sadd.s32 $0x80, s3;
	s9 =	smov.u32 s10;
	s10 =	sadd.s32 $0x1, s10  }
0x3b8: {  	p1 =	sne.s32 s31, s10;
	v6 =	vld [tilespmem:s2+$0x0];
	s2 =	ssub.s32 s0, s2;
	s0 =	smov.u32 s9  }
0x3b9: {  	v7 =	vmov s2;
	_ =	sdelay $0x3  }
0x3ba: {  	vm2 =	veq.s32 v7, v0;
	v6 =	vxor.u32 $0x80000000, v6  }
0x3bb: {  	v6 =	vnsel vm2, $0x7FFFFFFF, v6  }
0x3bc: {  	(xrf0) =	vmax.scan.msk.u32 $0xffff, v6;
	_ =	sdelay $0x5  }
0x3bd: {  	v6, _, _ =	vpop (xrf0)  }
0x3be: {  	(v2sf) =	vpush v6, $0xF;
	_ =	sdelay $0xe  }
0x3bf: {  	s2 =	spop (v2sf)  }
0x3c0: {  	s2 =	sand.u32 $0x7F, s2  }
0x3c1: {  	v6 =	vor.u32 s2, v1;
	_ =	sdelay $0x4  }
0x3c2: {  	v6 =	vld.idx.msk [tilespmem:v6+s24+$0x0], $0xffff;
	_ =	sdelay $0x1  }
0x3c3: {  	v7 =	vor.u32 s2, v3;
	_ =	sdelay $0x3  }
0x3c4: {  	[tilespmem:s3+$0xFFFFFFE0] =	vst v6  }
0x3c5: {  	v6 =	vld.idx.msk [tilespmem:v7+s24+$0x0], $0xffff;
	_ =	sdelay $0x1  }
0x3c6: {  	v7 =	vor.u32 s2, v4;
	_ =	sdelay $0x3  }
0x3c7: {  	[tilespmem:s3+$0xFFFFFFF0] =	vst v6  }
0x3c8: {  	v6 =	vld.idx.msk [tilespmem:v7+s24+$0x0], $0xffff;
	_ =	sdelay $0x1  }
0x3c9: {  	v7 =	vor.u32 s2, v5;
	_ =	sdelay $0x3  }
0x3ca: {  	[tilespmem:s3+$0x0] =	vst v6  }
0x3cb: {  	s9 =	sand.u32 $0xF, s0;
	s2 =	sshra.s32 s0, $0x1F;
	v6 =	vld.idx.msk [tilespmem:v7+s24+$0x0], $0xffff  }
.Ltmp40:
0x3cc: {  	p2 =	slt.s32 s0, $0x1;
	p3 =	sne.s32 s9, $0x0;
	(pc) =	sbr.rel @p1 .LBB2_62-.Ltmp40, $4  }
0x3cd: {  	p2 =	por !p2, !p3;
	s2 =	sshrl.u32 s2, $0x1C  }
0x3ce: {  	s9 =	simm.s32 $0x1;
	p2 =	por !p2, !p2;
	s2 =	sadd.s32 s2, s0  }
0x3cf: {  	s9 =	simm.s32 @!p2 $0x0;
	s2 =	sshrl.u32 s2, $0x4  }
0x3d0: {  	s9 =	ssub.s32 s2, s9  }
0x3d1: {  	s10 =	smov.u32 s0  }
.LBB2_64:
0x3d2: {  	s0 =	sshll.u32 s9, $0x4;
	[tilespmem:s3+$0x10] =	vst @p0 v6  }
0x3d3: {  	v6 =	vld [tilespmem:s0+$0x0];
	_ =	sdelay $0x2  }
0x3d4: {  	s0 =	ssub.s32 s10, s0  }
0x3d5: {  	v7 =	vmov s0  }
0x3d6: {  	vm2 =	veq.s32 v7, v0;
	v6 =	vxor.u32 $0x80000000, v6  }
0x3d7: {  	v6 =	vnsel vm2, $0x7FFFFFFF, v6  }
0x3d8: {  	(xrf0) =	vmax.scan.msk.u32 $0xffff, v6;
	_ =	sdelay $0x5  }
0x3d9: {  	v6, _, _ =	vpop (xrf0)  }
0x3da: {  	(v2sf) =	vpush v6, $0xF;
	_ =	sdelay $0xe  }
0x3db: {  	s31 =	spop (v2sf)  }
0x3dc: {  	s0 =	sand.u32 $0x7F, s31  }
0x3dd: {  	v6 =	vor.u32 s0, v1;
	_ =	sdelay $0x4  }
0x3de: {  	v6 =	vld.idx.msk [tilespmem:v6+s24+$0x0], $0xffff  }
0x3df: {  	v7 =	vor.u32 s0, v3;
	_ =	sdelay $0x1  }
0x3e0: {  	s2 =	sadd.s32 @p0 $0x80, s3  }
0x3e1: {  	s30 =	smov.u32 @p0 s2  }
0x3e2: {  	[tilespmem:s30+$0xFFFFFFE0] =	vst v6  }
0x3e3: {  	v6 =	vld.idx.msk [tilespmem:v7+s24+$0x0], $0xffff  }
0x3e4: {  	v7 =	vor.u32 s0, v4;
	_ =	sdelay $0x3  }
0x3e5: {  	[tilespmem:s30+$0xFFFFFFF0] =	vst v6  }
0x3e6: {  	v6 =	vld.idx.msk [tilespmem:v7+s24+$0x0], $0xffff  }
0x3e7: {  	v7 =	vor.u32 s0, v5;
	_ =	sdelay $0x3  }
0x3e8: {  	[tilespmem:s30+$0x0] =	vst v6  }
0x3e9: {  	v6 =	vld.idx.msk [tilespmem:v7+s24+$0x0], $0xffff;
	_ =	sdelay $0x4  }
0x3ea: {  	[tilespmem:s30+$0x10] =	vst v6  }
.LBB2_65:
0x3eb: {  	s0 =	sadd.s32 $0x6, s28  }
0x3ec: {  	p0 =	sge.s32 s0, s26  }
0x3ed: {  	s2 =	sand.u32 @!p0 $0xF, s0  }
0x3ee: {  	p1 =	slt.s32 @!p0 s0, $0x1;
	p2 =	sne.s32 @!p0 s2, $0x0  }
0x3ef: {  	s2 =	sshra.s32 @!p0 s0, $0x1F;
	p1 =	por @!p0 !p1, !p2  }
0x3f0: {  	s2 =	sshrl.u32 @!p0 s2, $0x1C;
	p1 =	por @!p0 !p1, !p1  }
0x3f1: {  	s3 =	simm.s32 @!p0 $0x1;
	s2 =	sadd.s32 @!p0 s2, s0;
	p1 =	por !p1, p0  }
0x3f2: {  	s2 =	sshrl.u32 @!p0 s2, $0x4;
	s3 =	simm.s32 @p1 $0x0  }
0x3f3: {  	s2 =	ssub.s32 @!p0 s2, s3  }
0x3f4: {  	s2 =	sshll.u32 @!p0 s2, $0x4  }
0x3f5: {  	v6 =	vld @!p0 [tilespmem:s2+$0x680];
	_ =	sdelay $0x2  }
0x3f6: {  	s0 =	ssub.s32 @!p0 s0, s2  }
0x3f7: {  	v8 =	vlaneseq.u32 @!p0;
	v7 =	vmov @!p0 s0  }
0x3f8: {  	vm2 =	veq.s32 @!p0 v7, v8;
	v6 =	vxor.u32 @!p0 $0x80000000, v6  }
0x3f9: {  	v6 =	vnsel @!p0 vm2, $0x7FFFFFFF, v6  }
0x3fa: {  	(xrf0) =	vmax.scan.msk.u32 @!p0 $0xffff, v6;
	_ =	sdelay $0x5  }
0x3fb: {  	v6, _, _ =	vpop @!p0 (xrf0)  }
0x3fc: {  	(v2sf) =	vpush @!p0 v6, $0xF;
	_ =	sdelay $0xe  }
.Ltmp41:
0x3fd: {  	s0 =	spop @!p0 (v2sf);
	(pc) =	sbr.rel .LBB2_66-.Ltmp41, $4  }
0x3fe: {  	s0 =	sshll.u32 @!p0 s0, $0x7  }
0x3ff: {  	s9 =	simm.s32 @!p0 $0xA900;
	s0 =	sand.u32 @!p0 $0x1FFFFF80, s0  }
0x400: {  	s3 =	simm.s32 @!p0 $0x7A1400;
	s2 =	simm.s32 @!p0 $0x400;
	s0 =	sadd.s32 @!p0 s1, s0  }
0x401: {  	[tilespmem:s9], [sflag:$0x6] =	stream.strided.gather @!p0 [hbm4b:s0+s2], $0x2000, s3, s2, $0x38;
	[tilespmem:$0x1C900] =	vst v63  }
.LBB2_44:
.Ltmp42:
0x402: {  	(pc) =	sbr.rel .LBB2_49-.Ltmp42, $2  }
0x403: {  	_ =	sdelay $0x2  }
0x404: {  	s3 =	smov.u32 s30  }
.LBB2_12:
.Ltmp43:
0x405: {  	(pc) =	sbr.rel .LBB2_31-.Ltmp43, $2  }
0x406: {  	_ =	sdelay $0x2  }
0x407: {  	s3 =	smov.u32 s30  }
.LBB2_17:
.Ltmp44:
0x408: {  	(pc) =	sbr.rel .LBB2_55-.Ltmp44, $2  }
0x409: {  	_ =	sdelay $0x2  }
0x40a: {  	s3 =	smov.u32 s30  }
.LBB2_35:
.Ltmp45:
0x40b: {  	(pc) =	sbr.rel .LBB2_40-.Ltmp45, $2  }
0x40c: {  	_ =	sdelay $0x2  }
0x40d: {  	s3 =	smov.u32 s30  }
.LBB2_59:
.Ltmp46:
0x40e: {  	(pc) =	sbr.rel .LBB2_64-.Ltmp46, $2  }
0x40f: {  	_ =	sdelay $0x2  }
0x410: {  	s3 =	smov.u32 s30  }
.LBB2_22:
.Ltmp47:
0x411: {  	(pc) =	sbr.rel .LBB2_25-.Ltmp47, $2  }
0x412: {  	_ =	sdelay $0x2  }
0x413: {  	s30 =	smov.u32 s3;
	s10 =	smov.u32 s0  }
.LBB2_46:
.Ltmp48:
0x414: {  	(pc) =	sbr.rel .LBB2_49-.Ltmp48, $2  }
0x415: {  	_ =	sdelay $0x2  }
0x416: {  	s3 =	smov.u32 s30;
	s10 =	smov.u32 s0  }
.LBB2_28:
.Ltmp49:
0x417: {  	(pc) =	sbr.rel .LBB2_31-.Ltmp49, $2  }
0x418: {  	_ =	sdelay $0x2  }
0x419: {  	s3 =	smov.u32 s30;
	s10 =	smov.u32 s0  }
.LBB2_52:
.Ltmp50:
0x41a: {  	(pc) =	sbr.rel .LBB2_55-.Ltmp50, $2  }
0x41b: {  	_ =	sdelay $0x2  }
0x41c: {  	s3 =	smov.u32 s30;
	s10 =	smov.u32 s0  }
.LBB2_37:
.Ltmp51:
0x41d: {  	(pc) =	sbr.rel .LBB2_40-.Ltmp51, $2  }
0x41e: {  	_ =	sdelay $0x2  }
0x41f: {  	s3 =	smov.u32 s30;
	s10 =	smov.u32 s0  }
.LBB2_61:
.Ltmp52:
0x420: {  	(pc) =	sbr.rel .LBB2_64-.Ltmp52, $2  }
0x421: {  	_ =	sdelay $0x2  }
0x422: {  	s3 =	smov.u32 s30;
	s10 =	smov.u32 s0  }
.LBB2_68:
0x423: {  	_ =	sfence.sel $0x180000  }
0x424: {  	[bflag:$0x0] =	sbarrier.arrive $0xFFFF  }
0x425: {  	_ =	strace $0x90000047  }
0x426: {  	s0 =	stileid.u32;
	[bflag:$0x2] =	sbarrier.arrive $0xFFFF  }
0x427: {  	p0 =	sne.s32 s0, $0x0;
	s0 =	rddreg [dreg:$0x3]  }
0x428: {  	s0 =	sadd.s32 @!p0 $0x100000, s0  }
0x429: {  	[sflag:s0] =	ssyncadd.tile.s32 @!p0 $0x1;
	_ =	shalt  }
.Lfunc_end2:
_tile_overlayer_lowered:
.L_overlay_start_2:
0x42a: {  	(tag) =	ssettag $0x2  }
0x42b: {  	s0 =	rddreg [dreg:$0x0];
	s2 =	stileid.u32  }
0x42c: {  	s1 =	rddreg [dreg:$0x1];
	p0 =	sne.s32 s2, $0x0  }
0x42d: {  	s3 =	rddreg [dreg:$0x2];
	[bflag:$0x3] =	sbarrier.arrive $0xFFFF;
	s2 =	simm.s32 @!p0 $0x1C08  }
0x42e: {  	[timem:s3], [sflag:s2] =	dma.local @!p0 [hbm:s0], s1  }
0x42f: {  	s0 =	simm.s32 @!p0 $0x8  }
0x430: {  	_ =	swait.ge @!p0 [sflag:s0], s1  }
0x431: {  	s1 =	ssub.s32 @!p0 $0x0, s1;
	[sflag:s0] =	ssyncset.done @!p0 $0x0  }
0x432: {  	[sflag:s0] =	ssyncadd.s32 @!p0 s1  }
0x433: {  	[bflag:$0x3] =	sbarrier.arrive $0xFFFF  }
0x434: {  	_ =	shalt  }

</sc_bundles>
